<compile_context>
chip_gen: v7x
topology: tpu7x:2x2x1
jax: 0.10.2.dev20260603
libtpu: 0.0.44.dev20260713+nightly
codegen_flags: <defaults>
</compile_context>

<pallas_src>
import functools

import jax
import jax.numpy as jnp
from jax import lax
from jax.experimental import pallas as pl
from jax.experimental.pallas import tpu as pltpu
from jax.experimental.pallas import tpu_sc as plsc

N = 10000
E = 320000
IN = 128
HID = 1000
HIDP = 1024
OUT = 256
ATT_H = 128

NP = 10240

NC = 2
NS = 16
NW = NC * NS
EPW = E // NW
HB = 64
EB = 2 * HB
NB2 = -(-EPW // EB)
EPAD = NB2 * EB - EPW
RPS = NP // NS
L = 16

DL = 8

RB = 400
GN = N // RB


@functools.cache
def _mesh():
    return plsc.VectorSubcoreMesh(
        core_axis_name="c", subcore_axis_name="s",
        num_cores=NC, num_subcores=NS)



def _agg_phase(table_hbm, eidx_hbm, zeros_hbm, out_hbm, j, acc,
               idx_v, rows1, rows2, sem1, sem2, c, w, r0):
    pltpu.sync_copy(zeros_hbm.at[pl.ds(r0, RPS), :],
                    acc.at[pl.ds(r0, RPS), :])
    plsc.subcore_barrier()

    def body(b, carry):
        pltpu.sync_copy(eidx_hbm.at[w, b], idx_v)
        cp1 = pltpu.async_copy(table_hbm.at[idx_v.at[0]], rows1, sem1)
        cp2 = pltpu.async_copy(table_hbm.at[idx_v.at[1]], rows2, sem2)
        cp1.wait()
        pltpu.sync_copy(rows1, acc.at[idx_v.at[2]], add=True)
        cp2.wait()
        pltpu.sync_copy(rows2, acc.at[idx_v.at[3]], add=True)
        return carry

    lax.fori_loop(0, NB2, body, 0)
    plsc.subcore_barrier()
    pltpu.sync_copy(acc.at[pl.ds(r0, RPS), :],
                    out_hbm.at[j, c, pl.ds(r0, RPS), :])


def _deg_body(e0_hbm, e1_hbm, degp_hbm,
              d0, d1, d2, d3, shared, idx_v, buf, accum):
    c = lax.axis_index("c")
    s = lax.axis_index("s")
    w = c * NS + s
    r0 = s * RPS
    degs = [d0, d1, d2, d3]
    zeros16 = jnp.zeros((L,), jnp.float32)
    ones16 = jnp.ones((L,), jnp.float32)

    def zbody(t, carry):
        for j in range(4):
            degs[j][pl.ds(t * L, L)] = zeros16
        return carry

    lax.fori_loop(0, NP // L, zbody, 0)

    for e_hbm, j0 in ((e0_hbm, 0), (e1_hbm, 2)):
        def body(b, carry, e_hbm=e_hbm, j0=j0):
            pltpu.sync_copy(e_hbm.at[w, b], idx_v)
            for r in range(4):
                dj = degs[j0 + (r // 2)]
                for i in range(HB // L):
                    idx = idx_v[r, pl.ds(i * L, L)]
                    plsc.addupdate_scatter(dj, [idx], ones16)
            return carry

        lax.fori_loop(0, NB2, body, 0)

    for j in range(4):
        pltpu.sync_copy(degs[j], shared.at[j, s])
    plsc.subcore_barrier()

    for j in range(4):
        pltpu.sync_copy(shared.at[j, :, pl.ds(r0, RPS)], buf)

        def abody(t, carry):
            acc = buf[0, pl.ds(t * L, L)]
            for k in range(1, NS):
                acc = acc + buf[k, pl.ds(t * L, L)]
            accum[pl.ds(t * L, L)] = acc
            return carry

        lax.fori_loop(0, RPS // L, abody, 0)
        pltpu.sync_copy(accum, degp_hbm.at[c, j, pl.ds(r0, RPS)])


@functools.cache
def _deg_kernel():
    return pl.kernel(
        _deg_body,
        out_type=jax.ShapeDtypeStruct((NC, 4, NP), jnp.float32),
        mesh=_mesh(),
        scratch_types=[
            pltpu.VMEM((NP,), jnp.float32),
            pltpu.VMEM((NP,), jnp.float32),
            pltpu.VMEM((NP,), jnp.float32),
            pltpu.VMEM((NP,), jnp.float32),
            pltpu.VMEM_SHARED((4, NS, NP), jnp.float32),
            pltpu.VMEM((4, HB), jnp.int32),
            pltpu.VMEM((NS, RPS), jnp.float32),
            pltpu.VMEM((RPS,), jnp.float32),
        ],
        compiler_params=pltpu.CompilerParams(needs_layout_passes=False),
    )


def _agg2_body(t0_hbm, t1_hbm, e0_hbm, e1_hbm, zeros_hbm, out_hbm,
               acc, idx_v, rows1, rows2, sem1, sem2):
    c = lax.axis_index("c")
    s = lax.axis_index("s")
    w = c * NS + s
    r0 = s * RPS
    for j, (t, e) in enumerate(((t0_hbm, e0_hbm), (t1_hbm, e1_hbm))):
        _agg_phase(t, e, zeros_hbm, out_hbm, j, acc,
                   idx_v, rows1, rows2, sem1, sem2, c, w, r0)
        plsc.subcore_barrier()


def _agg4_body(t0_hbm, t1_hbm, t2_hbm, t3_hbm, e0_hbm, e1_hbm, zeros_hbm,
               out_hbm, acc, idx_v, rows1, rows2, sem1, sem2):
    c = lax.axis_index("c")
    s = lax.axis_index("s")
    w = c * NS + s
    r0 = s * RPS
    for j, (t, e) in enumerate(((t0_hbm, e0_hbm), (t1_hbm, e0_hbm),
                                (t2_hbm, e1_hbm), (t3_hbm, e1_hbm))):
        _agg_phase(t, e, zeros_hbm, out_hbm, j, acc,
                   idx_v, rows1, rows2, sem1, sem2, c, w, r0)
        plsc.subcore_barrier()


def _agg_scratch():
    return [
        pltpu.VMEM_SHARED((NP, IN), jnp.float32),
        pltpu.VMEM((4, HB), jnp.int32),
        pltpu.VMEM((HB, IN), jnp.float32),
        pltpu.VMEM((HB, IN), jnp.float32),
        pltpu.SemaphoreType.DMA,
        pltpu.SemaphoreType.DMA,
    ]


@functools.cache
def _agg2_kernel():
    return pl.kernel(
        _agg2_body,
        out_type=jax.ShapeDtypeStruct((2, NC, NP, IN), jnp.float32),
        mesh=_mesh(),
        scratch_types=_agg_scratch(),
    )


@functools.cache
def _agg4_kernel():
    return pl.kernel(
        _agg4_body,
        out_type=jax.ShapeDtypeStruct((4, NC, NP, IN), jnp.float32),
        mesh=_mesh(),
        scratch_types=_agg_scratch(),
    )



def _nrm(x):
    return jnp.where(x > 0, lax.rsqrt(x), 0.0)


def _prep_body(degp_ref, h_ref, xs0_ref, xs1_ref, norms_ref):
    d = degp_ref[0] + degp_ref[1]
    ns0 = _nrm(d[0])
    nd0 = _nrm(d[1])
    ns1 = _nrm(d[2])
    nd1 = _nrm(d[3])
    h = h_ref[...]
    xs0_ref[...] = h * ns0[:, :1]
    xs1_ref[...] = h * ns1[:, :1]
    norms_ref[...] = jnp.stack([ns0, nd0, ns1, nd1], axis=0)


def _branch_body(part_ref, norms_ref, w0_ref, b0_ref, w1_ref,
                 y0_ref, y1_ref, *, m):
    nd = norms_ref[2 * m + 1][:, :1]
    ns = norms_ref[2 * m][:, :1]
    agg = (part_ref[0, 0] + part_ref[0, 1]) * nd
    z = jnp.dot(agg, w0_ref[...], preferred_element_type=jnp.float32)
    z = jnp.maximum(z + b0_ref[...], 0.0)
    y = jnp.dot(z * ns, w1_ref[...], preferred_element_type=jnp.float32)
    y0_ref[...] = y[:, :IN]
    y1_ref[...] = y[:, IN:]


def _att_body(q_ref, norms_ref, b01_ref, b11_ref, wp_ref, bp_ref, wqr_ref,
              e0_ref, e1_ref, sc_ref):
    i = pl.program_id(0)
    nd0 = norms_ref[1][:, :1]
    nd1 = norms_ref[3][:, :1]
    e0 = jnp.concatenate(
        [q_ref[0, 0] + q_ref[0, 1], q_ref[1, 0] + q_ref[1, 1]], axis=1)
    e0 = e0 * nd0 + b01_ref[...]
    e1 = jnp.concatenate(
        [q_ref[2, 0] + q_ref[2, 1], q_ref[3, 0] + q_ref[3, 1]], axis=1)
    e1 = e1 * nd1 + b11_ref[...]
    e0_ref[...] = e0
    e1_ref[...] = e1
    t0 = jnp.tanh(jnp.dot(e0, wp_ref[...],
                          preferred_element_type=jnp.float32) + bp_ref[...])
    t1 = jnp.tanh(jnp.dot(e1, wp_ref[...],
                          preferred_element_type=jnp.float32) + bp_ref[...])
    s0 = jnp.sum(t0 * wqr_ref[...])
    s1 = jnp.sum(t1 * wqr_ref[...])
    srow = jnp.concatenate(
        [jnp.full((1, 128), s0, jnp.float32),
         jnp.full((1, 128), s1, jnp.float32)], axis=0)

    @pl.when(i == 0)
    def _():
        sc_ref[...] = srow

    @pl.when(i > 0)
    def _():
        sc_ref[...] = sc_ref[...] + srow


def _mix_body(e0_ref, e1_ref, sc_ref, out_ref):
    w0 = jnp.max(sc_ref[0]) * (1.0 / N)
    w1 = jnp.max(sc_ref[1]) * (1.0 / N)
    mx = jnp.maximum(w0, w1)
    a = jnp.exp(w0 - mx)
    b = jnp.exp(w1 - mx)
    beta0 = a / (a + b)
    out_ref[...] = beta0 * e0_ref[...] + (1.0 - beta0) * e1_ref[...]


_prep_call = pl.pallas_call(
    _prep_body,
    grid=(GN,),
    in_specs=[
        pl.BlockSpec((NC, 4, RB, DL), lambda i: (0, 0, i, 0)),
        pl.BlockSpec((RB, IN), lambda i: (i, 0)),
    ],
    out_specs=[
        pl.BlockSpec((RB, IN), lambda i: (i, 0)),
        pl.BlockSpec((RB, IN), lambda i: (i, 0)),
        pl.BlockSpec((4, RB, DL), lambda i: (0, i, 0)),
    ],
    out_shape=[
        jax.ShapeDtypeStruct((NP, IN), jnp.float32),
        jax.ShapeDtypeStruct((NP, IN), jnp.float32),
        jax.ShapeDtypeStruct((4, N, DL), jnp.float32),
    ],
)


def _branch_call(m):
    return pl.pallas_call(
        functools.partial(_branch_body, m=m),
        grid=(GN,),
        in_specs=[
            pl.BlockSpec((1, NC, RB, IN), lambda i, m=m: (m, 0, i, 0)),
            pl.BlockSpec((4, RB, DL), lambda i: (0, i, 0)),
            pl.BlockSpec((IN, HIDP), lambda i: (0, 0)),
            pl.BlockSpec((1, HIDP), lambda i: (0, 0)),
            pl.BlockSpec((HIDP, OUT), lambda i: (0, 0)),
        ],
        out_specs=[
            pl.BlockSpec((RB, IN), lambda i: (i, 0)),
            pl.BlockSpec((RB, IN), lambda i: (i, 0)),
        ],
        out_shape=[
            jax.ShapeDtypeStruct((NP, IN), jnp.float32),
            jax.ShapeDtypeStruct((NP, IN), jnp.float32),
        ],
    )


_att_call = pl.pallas_call(
    _att_body,
    grid=(GN,),
    in_specs=[
        pl.BlockSpec((4, NC, RB, IN), lambda i: (0, 0, i, 0)),
        pl.BlockSpec((4, RB, DL), lambda i: (0, i, 0)),
        pl.BlockSpec((1, OUT), lambda i: (0, 0)),
        pl.BlockSpec((1, OUT), lambda i: (0, 0)),
        pl.BlockSpec((OUT, ATT_H), lambda i: (0, 0)),
        pl.BlockSpec((1, ATT_H), lambda i: (0, 0)),
        pl.BlockSpec((1, ATT_H), lambda i: (0, 0)),
    ],
    out_specs=[
        pl.BlockSpec((RB, OUT), lambda i: (i, 0)),
        pl.BlockSpec((RB, OUT), lambda i: (i, 0)),
        pl.BlockSpec((2, 128), lambda i: (0, 0)),
    ],
    out_shape=[
        jax.ShapeDtypeStruct((N, OUT), jnp.float32),
        jax.ShapeDtypeStruct((N, OUT), jnp.float32),
        jax.ShapeDtypeStruct((2, 128), jnp.float32),
    ],
)

_mix_call = pl.pallas_call(
    _mix_body,
    grid=(GN,),
    in_specs=[
        pl.BlockSpec((RB, OUT), lambda i: (i, 0)),
        pl.BlockSpec((RB, OUT), lambda i: (i, 0)),
        pl.BlockSpec((2, 128), lambda i: (0, 0)),
    ],
    out_specs=pl.BlockSpec((RB, OUT), lambda i: (i, 0)),
    out_shape=jax.ShapeDtypeStruct((N, OUT), jnp.float32),
)



def _pack_edges(src, dst):
    s = jnp.pad(src.reshape(NW, EPW), ((0, 0), (0, EPAD)), constant_values=N)
    w = jnp.arange(NW, dtype=jnp.int32)[:, None]
    k = jnp.arange(EPAD, dtype=jnp.int32)[None, :]
    pad_rows = N + (w * EPAD + k) % (NP - N)
    d = jnp.concatenate(
        [dst.reshape(NW, EPW), pad_rows.astype(jnp.int32)], axis=1)
    s = s.reshape(NW, NB2, 2, HB)
    d = d.reshape(NW, NB2, 2, HB)
    return jnp.concatenate([s, d], axis=2)


def kernel(h, edge_index0, edge_index1,
           W00, b00, W01, b01, W10, b10, W11, b11, Wp, bp, Wq):
    f32 = jnp.float32
    e0 = _pack_edges(edge_index0[0], edge_index0[1])
    e1 = _pack_edges(edge_index1[0], edge_index1[1])
    z128 = jnp.zeros((NP, IN), f32)

    degp = _deg_kernel()(e0, e1)
    degp8 = jnp.broadcast_to(degp[..., None], (NC, 4, NP, DL))
    xs0, xs1, norms = _prep_call(degp8, h)

    p = _agg2_kernel()(xs0, xs1, e0, e1, z128)

    W0p0 = jnp.pad(W00, ((0, 0), (0, HIDP - HID)))
    b0p0 = jnp.pad(b00, (0, HIDP - HID)).reshape(1, HIDP)
    W1p0 = jnp.pad(W01, ((0, HIDP - HID), (0, 0)))
    W0p1 = jnp.pad(W10, ((0, 0), (0, HIDP - HID)))
    b0p1 = jnp.pad(b10, (0, HIDP - HID)).reshape(1, HIDP)
    W1p1 = jnp.pad(W11, ((0, HIDP - HID), (0, 0)))

    y00, y01 = _branch_call(0)(p, norms, W0p0, b0p0, W1p0)
    y10, y11 = _branch_call(1)(p, norms, W0p1, b0p1, W1p1)

    q = _agg4_kernel()(y00, y01, y10, y11, e0, e1, z128)

    e0a, e1a, scores = _att_call(
        q, norms,
        b01.reshape(1, OUT), b11.reshape(1, OUT),
        Wp, bp.reshape(1, ATT_H), Wq.reshape(1, ATT_H))
    return _mix_call(e0a, e1a, scores)

# --- scband reference (transcript-rebuilt; emitter-appended) ---
"""Pipeline reference for scband-multi-layer-gcn-57097295233215 (READ-ONLY COPY).

The authoritative reference and input builder live on the scoring server;
editing this copy changes nothing except your own understanding.
"""

import jax, jax.numpy as jnp
import numpy as np

N = 10000
E = 320000
IN = 128
HID = 1000
OUT = 256
ATT_H = 128


def setup_inputs(seed: int = 0) -> dict:
    key = jax.random.key(seed)
    ks = jax.random.split(key, 16)
    inp = {}
    inp['h'] = jax.random.normal(ks[0], (N, IN), dtype=jnp.float32)
    inp['edge_index0'] = jax.random.randint(ks[1], (2, E), 0, N, dtype=jnp.int32)
    inp['edge_index1'] = jax.random.randint(ks[2], (2, E), 0, N, dtype=jnp.int32)
    # GCN branch 0 params
    inp['W00'] = jax.random.normal(ks[3], (IN, HID), dtype=jnp.float32) * (1.0 / np.sqrt(IN))
    inp['b00'] = jnp.zeros((HID,), dtype=jnp.float32)
    inp['W01'] = jax.random.normal(ks[4], (HID, OUT), dtype=jnp.float32) * (1.0 / np.sqrt(HID))
    inp['b01'] = jnp.zeros((OUT,), dtype=jnp.float32)
    # GCN branch 1 params
    inp['W10'] = jax.random.normal(ks[5], (IN, HID), dtype=jnp.float32) * (1.0 / np.sqrt(IN))
    inp['b10'] = jnp.zeros((HID,), dtype=jnp.float32)
    inp['W11'] = jax.random.normal(ks[6], (HID, OUT), dtype=jnp.float32) * (1.0 / np.sqrt(HID))
    inp['b11'] = jnp.zeros((OUT,), dtype=jnp.float32)
    # semantic attention params
    inp['Wp'] = jax.random.normal(ks[7], (OUT, ATT_H), dtype=jnp.float32) * (1.0 / np.sqrt(OUT))
    inp['bp'] = jnp.zeros((ATT_H,), dtype=jnp.float32)
    inp['Wq'] = jax.random.normal(ks[8], (ATT_H, 1), dtype=jnp.float32) * (1.0 / np.sqrt(ATT_H))
    return inp


def gcn_conv(x, src, dst, W, b):
    # DGL GraphConv with norm='both': D_out^{-1/2} on src side, sum-aggregate, D_in^{-1/2} on dst side
    deg_out = jnp.zeros((N,), jnp.float32).at[src].add(1.0)
    deg_in = jnp.zeros((N,), jnp.float32).at[dst].add(1.0)
    ns = jnp.where(deg_out > 0, deg_out ** -0.5, 0.0)
    nd = jnp.where(deg_in > 0, deg_in ** -0.5, 0.0)
    xs = (x * ns[:, None]) @ W
    msg = jnp.take(xs, src, axis=0)
    agg = jnp.zeros((N, W.shape[1]), jnp.float32).at[dst].add(msg)
    return agg * nd[:, None] + b


def gcn_layer(h, src, dst, W0, b0, W1, b1):
    z = jax.nn.relu(gcn_conv(h, src, dst, W0, b0))
    # dropout is identity in eval mode
    return gcn_conv(z, src, dst, W1, b1)


def reference(h, edge_index0, edge_index1, W00, b00, W01, b01, W10, b10, W11, b11, Wp, bp, Wq):
    e0 = gcn_layer(h, edge_index0[0], edge_index0[1], W00, b00, W01, b01)
    e1 = gcn_layer(h, edge_index1[0], edge_index1[1], W10, b10, W11, b11)
    z = jnp.stack([e0, e1], axis=1)  # [N, M, OUT]
    w = jnp.tanh(z @ Wp + bp) @ Wq   # [N, M, 1]
    w = w.mean(axis=0)               # [M, 1]
    beta = jax.nn.softmax(w, axis=0)
    beta = jnp.broadcast_to(beta, (z.shape[0],) + beta.shape)
    return (beta * z).sum(axis=1)    # [N, OUT]

if __name__ == "__main__":
    import jax
    _d = setup_inputs()
    print(jax.jit(kernel)(*tuple(_d.values())))

</pallas_src>

<mosaic_0001>
#map = affine_map<(d0, d1) -> (0, 0)>
#map1 = affine_map<(d0, d1) -> (0, 0, 0, 0)>
module attributes {stable_mosaic.version = 14 : i64} {
  func.func @_agg2_body(%arg0: i32, %arg1: i32, %arg2: memref<10240x128xf32, #tpu.memory_space<hbm>>, %arg3: memref<10240x128xf32, #tpu.memory_space<hbm>>, %arg4: memref<32x79x4x64xi32, #tpu.memory_space<hbm>>, %arg5: memref<32x79x4x64xi32, #tpu.memory_space<hbm>>, %arg6: memref<10240x128xf32, #tpu.memory_space<hbm>>, %arg7: memref<2x2x10240x128xf32, #tpu.memory_space<hbm>>, %arg8: memref<10240x128xf32, #tpu.memory_space<vmem_shared>>, %arg9: memref<4x64xi32, #tpu.memory_space<vmem>>, %arg10: memref<64x128xf32, #tpu.memory_space<vmem>>, %arg11: memref<64x128xf32, #tpu.memory_space<vmem>>, %arg12: memref<!tpu.dma_semaphore, #tpu.memory_space<semaphore_mem>>, %arg13: memref<!tpu.dma_semaphore, #tpu.memory_space<semaphore_mem>>) attributes {dimension_semantics = [#tpu.dimension_semantics<core_parallel>, #tpu.dimension_semantics<subcore_parallel>], iteration_bounds = array<i64: 2, 16>, scalar_prefetch = 0 : i64, scratch_operands = 6 : i64, tpu.core_type = #tpu.core_type<sc_vector_subcore>, window_params = [{transform_indices = #map}, {transform_indices = #map}, {transform_indices = #map1}, {transform_indices = #map1}, {transform_indices = #map}, {transform_indices = #map1}]} {
    %mul3A = arith.constant 16 : i32
    %mul3A_0 = arith.muli %arg0, %mul3A : i32
    %add3A = arith.addi %mul3A_0, %arg1 : i32
    %mul3A_1 = arith.constant 640 : i32
    %mul3A_2 = arith.muli %arg1, %mul3A_1 : i32
    "tpu.region"() ({
      %run_scoped3A_20 = tpu.sem_alloc : memref<!tpu.dma_semaphore, #tpu.memory_space<semaphore_mem>>
      %dma_start3A = arith.constant 0 : i32
      %dma_start3A_21 = tpu.memref_slice %arg8[%mul3A_2, %dma_start3A] : memref<10240x128xf32, #tpu.memory_space<vmem_shared>> -> memref<640x128xf32, #tpu.memory_space<vmem_shared>>
      %dma_start3A_22 = arith.constant 0 : i32
      %dma_start3A_23 = tpu.memref_slice %arg6[%mul3A_2, %dma_start3A_22] : memref<10240x128xf32, #tpu.memory_space<hbm>> -> memref<640x128xf32, #tpu.memory_space<hbm>>
      tpu.enqueue_dma source(%dma_start3A_23 : memref<640x128xf32, #tpu.memory_space<hbm>>) target(%dma_start3A_21 : memref<640x128xf32, #tpu.memory_space<vmem_shared>>) target_semaphore(%run_scoped3A_20 : memref<!tpu.dma_semaphore, #tpu.memory_space<semaphore_mem>>)
      %dma_wait3A = arith.constant 0 : i32
      %dma_wait3A_24 = tpu.memref_slice %arg8[%mul3A_2, %dma_wait3A] : memref<10240x128xf32, #tpu.memory_space<vmem_shared>> -> memref<640x128xf32, #tpu.memory_space<vmem_shared>>
      %dma_wait3A_25 = arith.constant 0 : i32
      %dma_wait3A_26 = tpu.memref_slice %arg6[%mul3A_2, %dma_wait3A_25] : memref<10240x128xf32, #tpu.memory_space<hbm>> -> memref<640x128xf32, #tpu.memory_space<hbm>>
      tpu.wait_dma2 semaphore(%run_scoped3A_20 : memref<!tpu.dma_semaphore, #tpu.memory_space<semaphore_mem>>) src(%dma_wait3A_26 : memref<640x128xf32, #tpu.memory_space<hbm>>) dst(%dma_wait3A_24 : memref<640x128xf32, #tpu.memory_space<vmem_shared>>)
      tpu.yield
    }) : () -> ()
    %barrier3A = arith.constant 0 : index
    tpu.barrier barrier_id(%barrier3A)
    %scan3A = arith.constant 0 : i32
    %scan3A_3 = arith.constant 0 : i32
    %scan3A_4 = arith.constant 79 : i32
    %scan3A_5 = arith.addi %scan3A_3, %scan3A_4 : i32
    %scan3A_6 = arith.constant 1 : i32
    scf.for %scan3A_20 = %scan3A_3 to %scan3A_5 step %scan3A_6  : i32 {
      "tpu.region"() ({
        %run_scoped3A_49 = tpu.sem_alloc : memref<!tpu.dma_semaphore, #tpu.memory_space<semaphore_mem>>
        %dma_start3A_50 = arith.constant 0 : i32
        %dma_start3A_51 = arith.constant 0 : i32
        %dma_start3A_52 = tpu.memref_slice %arg4[%add3A, %scan3A_20, %dma_start3A_50, %dma_start3A_51] : memref<32x79x4x64xi32, #tpu.memory_space<hbm>> -> memref<1x1x4x64xi32, #tpu.memory_space<hbm>>
        %dma_start3A_53 = tpu.memref_squeeze %dma_start3A_52 : memref<1x1x4x64xi32, #tpu.memory_space<hbm>> -> memref<4x64xi32, #tpu.memory_space<hbm>>
        %dma_start3A_54 = arith.constant 0 : i32
        %dma_start3A_55 = arith.constant 0 : i32
        %dma_start3A_56 = tpu.memref_slice %arg4[%add3A, %scan3A_20, %dma_start3A_54, %dma_start3A_55] : memref<32x79x4x64xi32, #tpu.memory_space<hbm>> -> memref<1x1x4x64xi32, #tpu.memory_space<hbm>>
        %dma_start3A_57 = tpu.memref_squeeze %dma_start3A_56 : memref<1x1x4x64xi32, #tpu.memory_space<hbm>> -> memref<4x64xi32, #tpu.memory_space<hbm>>
        tpu.enqueue_dma source(%dma_start3A_57 : memref<4x64xi32, #tpu.memory_space<hbm>>) target(%arg9 : memref<4x64xi32, #tpu.memory_space<vmem>>) target_semaphore(%run_scoped3A_49 : memref<!tpu.dma_semaphore, #tpu.memory_space<semaphore_mem>>)
        %dma_wait3A_58 = arith.constant 0 : i32
        %dma_wait3A_59 = arith.constant 0 : i32
        %dma_wait3A_60 = tpu.memref_slice %arg4[%add3A, %scan3A_20, %dma_wait3A_58, %dma_wait3A_59] : memref<32x79x4x64xi32, #tpu.memory_space<hbm>> -> memref<1x1x4x64xi32, #tpu.memory_space<hbm>>
        %dma_wait3A_61 = tpu.memref_squeeze %dma_wait3A_60 : memref<1x1x4x64xi32, #tpu.memory_space<hbm>> -> memref<4x64xi32, #tpu.memory_space<hbm>>
        %dma_wait3A_62 = arith.constant 0 : i32
        %dma_wait3A_63 = arith.constant 0 : i32
        %dma_wait3A_64 = tpu.memref_slice %arg4[%add3A, %scan3A_20, %dma_wait3A_62, %dma_wait3A_63] : memref<32x79x4x64xi32, #tpu.memory_space<hbm>> -> memref<1x1x4x64xi32, #tpu.memory_space<hbm>>
        %dma_wait3A_65 = tpu.memref_squeeze %dma_wait3A_64 : memref<1x1x4x64xi32, #tpu.memory_space<hbm>> -> memref<4x64xi32, #tpu.memory_space<hbm>>
        tpu.wait_dma2 semaphore(%run_scoped3A_49 : memref<!tpu.dma_semaphore, #tpu.memory_space<semaphore_mem>>) src(%dma_wait3A_65 : memref<4x64xi32, #tpu.memory_space<hbm>>) dst(%arg9 : memref<4x64xi32, #tpu.memory_space<vmem>>)
        tpu.yield
      }) : () -> ()
      %dma_start3A = arith.constant 0 : i32
      %dma_start3A_21 = arith.constant 0 : i32
      %dma_start3A_22 = tpu.memref_slice %arg9[%dma_start3A, %dma_start3A_21] : memref<4x64xi32, #tpu.memory_space<vmem>> -> memref<1x64xi32, #tpu.memory_space<vmem>>
      %dma_start3A_23 = tpu.memref_squeeze %dma_start3A_22 : memref<1x64xi32, #tpu.memory_space<vmem>> -> memref<64xi32, #tpu.memory_space<vmem>>
      %dma_start3A_24 = arith.constant 0 : i32
      %dma_start3A_25 = arith.constant 0 : i32
      %dma_start3A_26 = tpu.memref_slice %arg2[%dma_start3A_24, %dma_start3A_25] : memref<10240x128xf32, #tpu.memory_space<hbm>> -> memref<10240x128xf32, #tpu.memory_space<hbm>>
      tpu.enqueue_indirect_dma source(%dma_start3A_26 : memref<10240x128xf32, #tpu.memory_space<hbm>>) target(%arg10 : memref<64x128xf32, #tpu.memory_space<vmem>>) offsets(%dma_start3A_23 : memref<64xi32, #tpu.memory_space<vmem>>) semaphore(%arg12 : memref<!tpu.dma_semaphore, #tpu.memory_space<semaphore_mem>>)
      %dma_start3A_27 = arith.constant 1 : i32
      %dma_start3A_28 = arith.constant 0 : i32
      %dma_start3A_29 = tpu.memref_slice %arg9[%dma_start3A_27, %dma_start3A_28] : memref<4x64xi32, #tpu.memory_space<vmem>> -> memref<1x64xi32, #tpu.memory_space<vmem>>
      %dma_start3A_30 = tpu.memref_squeeze %dma_start3A_29 : memref<1x64xi32, #tpu.memory_space<vmem>> -> memref<64xi32, #tpu.memory_space<vmem>>
      %dma_start3A_31 = arith.constant 0 : i32
      %dma_start3A_32 = arith.constant 0 : i32
      %dma_start3A_33 = tpu.memref_slice %arg2[%dma_start3A_31, %dma_start3A_32] : memref<10240x128xf32, #tpu.memory_space<hbm>> -> memref<10240x128xf32, #tpu.memory_space<hbm>>
      tpu.enqueue_indirect_dma source(%dma_start3A_33 : memref<10240x128xf32, #tpu.memory_space<hbm>>) target(%arg11 : memref<64x128xf32, #tpu.memory_space<vmem>>) offsets(%dma_start3A_30 : memref<64xi32, #tpu.memory_space<vmem>>) semaphore(%arg13 : memref<!tpu.dma_semaphore, #tpu.memory_space<semaphore_mem>>)
      %dma_wait3A = arith.constant 0 : i32
      %dma_wait3A_34 = arith.constant 0 : i32
      %dma_wait3A_35 = tpu.memref_slice %arg9[%dma_wait3A, %dma_wait3A_34] : memref<4x64xi32, #tpu.memory_space<vmem>> -> memref<1x64xi32, #tpu.memory_space<vmem>>
      %dma_wait3A_36 = tpu.memref_squeeze %dma_wait3A_35 : memref<1x64xi32, #tpu.memory_space<vmem>> -> memref<64xi32, #tpu.memory_space<vmem>>
      %dma_wait3A_37 = arith.constant 0 : i32
      %dma_wait3A_38 = arith.constant 0 : i32
      %dma_wait3A_39 = tpu.memref_slice %arg2[%dma_wait3A_37, %dma_wait3A_38] : memref<10240x128xf32, #tpu.memory_space<hbm>> -> memref<10240x128xf32, #tpu.memory_space<hbm>>
      tpu.wait_indirect_dma semaphore(%arg12 : memref<!tpu.dma_semaphore, #tpu.memory_space<semaphore_mem>>) src(%dma_wait3A_39 : memref<10240x128xf32, #tpu.memory_space<hbm>>) dst(%arg10 : memref<64x128xf32, #tpu.memory_space<vmem>>)
      %run_scoped3A_40 = arith.constant 2 : i32
      "tpu.region"() ({
        %run_scoped3A_49 = tpu.sem_alloc : memref<!tpu.dma_semaphore, #tpu.memory_space<semaphore_mem>>
        %dma_start3A_50 = arith.constant 0 : i32
        %dma_start3A_51 = tpu.memref_slice %arg9[%run_scoped3A_40, %dma_start3A_50] : memref<4x64xi32, #tpu.memory_space<vmem>> -> memref<1x64xi32, #tpu.memory_space<vmem>>
        %dma_start3A_52 = tpu.memref_squeeze %dma_start3A_51 : memref<1x64xi32, #tpu.memory_space<vmem>> -> memref<64xi32, #tpu.memory_space<vmem>>
        %dma_start3A_53 = arith.constant 0 : i32
        %dma_start3A_54 = arith.constant 0 : i32
        %dma_start3A_55 = tpu.memref_slice %arg8[%dma_start3A_53, %dma_start3A_54] : memref<10240x128xf32, #tpu.memory_space<vmem_shared>> -> memref<10240x128xf32, #tpu.memory_space<vmem_shared>>
        tpu.enqueue_indirect_dma source(%arg10 : memref<64x128xf32, #tpu.memory_space<vmem>>) target(%dma_start3A_55 : memref<10240x128xf32, #tpu.memory_space<vmem_shared>>) offsets(%dma_start3A_52 : memref<64xi32, #tpu.memory_space<vmem>>) semaphore(%run_scoped3A_49 : memref<!tpu.dma_semaphore, #tpu.memory_space<semaphore_mem>>) {add = true}
        %dma_wait3A_56 = arith.constant 0 : i32
        %dma_wait3A_57 = tpu.memref_slice %arg9[%run_scoped3A_40, %dma_wait3A_56] : memref<4x64xi32, #tpu.memory_space<vmem>> -> memref<1x64xi32, #tpu.memory_space<vmem>>
        %dma_wait3A_58 = tpu.memref_squeeze %dma_wait3A_57 : memref<1x64xi32, #tpu.memory_space<vmem>> -> memref<64xi32, #tpu.memory_space<vmem>>
        %dma_wait3A_59 = arith.constant 0 : i32
        %dma_wait3A_60 = arith.constant 0 : i32
        %dma_wait3A_61 = tpu.memref_slice %arg8[%dma_wait3A_59, %dma_wait3A_60] : memref<10240x128xf32, #tpu.memory_space<vmem_shared>> -> memref<10240x128xf32, #tpu.memory_space<vmem_shared>>
        tpu.wait_indirect_dma semaphore(%run_scoped3A_49 : memref<!tpu.dma_semaphore, #tpu.memory_space<semaphore_mem>>) src(%arg10 : memref<64x128xf32, #tpu.memory_space<vmem>>) dst(%dma_wait3A_61 : memref<10240x128xf32, #tpu.memory_space<vmem_shared>>)
        tpu.yield
      }) : () -> ()
      %dma_wait3A_41 = arith.constant 1 : i32
      %dma_wait3A_42 = arith.constant 0 : i32
      %dma_wait3A_43 = tpu.memref_slice %arg9[%dma_wait3A_41, %dma_wait3A_42] : memref<4x64xi32, #tpu.memory_space<vmem>> -> memref<1x64xi32, #tpu.memory_space<vmem>>
      %dma_wait3A_44 = tpu.memref_squeeze %dma_wait3A_43 : memref<1x64xi32, #tpu.memory_space<vmem>> -> memref<64xi32, #tpu.memory_space<vmem>>
      %dma_wait3A_45 = arith.constant 0 : i32
      %dma_wait3A_46 = arith.constant 0 : i32
      %dma_wait3A_47 = tpu.memref_slice %arg2[%dma_wait3A_45, %dma_wait3A_46] : memref<10240x128xf32, #tpu.memory_space<hbm>> -> memref<10240x128xf32, #tpu.memory_space<hbm>>
      tpu.wait_indirect_dma semaphore(%arg13 : memref<!tpu.dma_semaphore, #tpu.memory_space<semaphore_mem>>) src(%dma_wait3A_47 : memref<10240x128xf32, #tpu.memory_space<hbm>>) dst(%arg11 : memref<64x128xf32, #tpu.memory_space<vmem>>)
      %run_scoped3A_48 = arith.constant 3 : i32
      "tpu.region"() ({
        %run_scoped3A_49 = tpu.sem_alloc : memref<!tpu.dma_semaphore, #tpu.memory_space<semaphore_mem>>
        %dma_start3A_50 = arith.constant 0 : i32
        %dma_start3A_51 = tpu.memref_slice %arg9[%run_scoped3A_48, %dma_start3A_50] : memref<4x64xi32, #tpu.memory_space<vmem>> -> memref<1x64xi32, #tpu.memory_space<vmem>>
        %dma_start3A_52 = tpu.memref_squeeze %dma_start3A_51 : memref<1x64xi32, #tpu.memory_space<vmem>> -> memref<64xi32, #tpu.memory_space<vmem>>
        %dma_start3A_53 = arith.constant 0 : i32
        %dma_start3A_54 = arith.constant 0 : i32
        %dma_start3A_55 = tpu.memref_slice %arg8[%dma_start3A_53, %dma_start3A_54] : memref<10240x128xf32, #tpu.memory_space<vmem_shared>> -> memref<10240x128xf32, #tpu.memory_space<vmem_shared>>
        tpu.enqueue_indirect_dma source(%arg11 : memref<64x128xf32, #tpu.memory_space<vmem>>) target(%dma_start3A_55 : memref<10240x128xf32, #tpu.memory_space<vmem_shared>>) offsets(%dma_start3A_52 : memref<64xi32, #tpu.memory_space<vmem>>) semaphore(%run_scoped3A_49 : memref<!tpu.dma_semaphore, #tpu.memory_space<semaphore_mem>>) {add = true}
        %dma_wait3A_56 = arith.constant 0 : i32
        %dma_wait3A_57 = tpu.memref_slice %arg9[%run_scoped3A_48, %dma_wait3A_56] : memref<4x64xi32, #tpu.memory_space<vmem>> -> memref<1x64xi32, #tpu.memory_space<vmem>>
        %dma_wait3A_58 = tpu.memref_squeeze %dma_wait3A_57 : memref<1x64xi32, #tpu.memory_space<vmem>> -> memref<64xi32, #tpu.memory_space<vmem>>
        %dma_wait3A_59 = arith.constant 0 : i32
        %dma_wait3A_60 = arith.constant 0 : i32
        %dma_wait3A_61 = tpu.memref_slice %arg8[%dma_wait3A_59, %dma_wait3A_60] : memref<10240x128xf32, #tpu.memory_space<vmem_shared>> -> memref<10240x128xf32, #tpu.memory_space<vmem_shared>>
        tpu.wait_indirect_dma semaphore(%run_scoped3A_49 : memref<!tpu.dma_semaphore, #tpu.memory_space<semaphore_mem>>) src(%arg11 : memref<64x128xf32, #tpu.memory_space<vmem>>) dst(%dma_wait3A_61 : memref<10240x128xf32, #tpu.memory_space<vmem_shared>>)
        tpu.yield
      }) : () -> ()
    }
    %scan3A_7 = arith.constant 79 : i32
    %barrier3A_8 = arith.constant 0 : index
    tpu.barrier barrier_id(%barrier3A_8)
    %run_scoped3A = arith.constant 0 : i32
    "tpu.region"() ({
      %run_scoped3A_20 = tpu.sem_alloc : memref<!tpu.dma_semaphore, #tpu.memory_space<semaphore_mem>>
      %dma_start3A = arith.constant 0 : i32
      %dma_start3A_21 = tpu.memref_slice %arg7[%run_scoped3A, %arg0, %mul3A_2, %dma_start3A] : memref<2x2x10240x128xf32, #tpu.memory_space<hbm>> -> memref<1x1x640x128xf32, #tpu.memory_space<hbm>>
      %dma_start3A_22 = tpu.memref_squeeze %dma_start3A_21 : memref<1x1x640x128xf32, #tpu.memory_space<hbm>> -> memref<640x128xf32, #tpu.memory_space<hbm>>
      %dma_start3A_23 = arith.constant 0 : i32
      %dma_start3A_24 = tpu.memref_slice %arg8[%mul3A_2, %dma_start3A_23] : memref<10240x128xf32, #tpu.memory_space<vmem_shared>> -> memref<640x128xf32, #tpu.memory_space<vmem_shared>>
      tpu.enqueue_dma source(%dma_start3A_24 : memref<640x128xf32, #tpu.memory_space<vmem_shared>>) target(%dma_start3A_22 : memref<640x128xf32, #tpu.memory_space<hbm>>) target_semaphore(%run_scoped3A_20 : memref<!tpu.dma_semaphore, #tpu.memory_space<semaphore_mem>>)
      %dma_wait3A = arith.constant 0 : i32
      %dma_wait3A_25 = tpu.memref_slice %arg7[%run_scoped3A, %arg0, %mul3A_2, %dma_wait3A] : memref<2x2x10240x128xf32, #tpu.memory_space<hbm>> -> memref<1x1x640x128xf32, #tpu.memory_space<hbm>>
      %dma_wait3A_26 = tpu.memref_squeeze %dma_wait3A_25 : memref<1x1x640x128xf32, #tpu.memory_space<hbm>> -> memref<640x128xf32, #tpu.memory_space<hbm>>
      %dma_wait3A_27 = arith.constant 0 : i32
      %dma_wait3A_28 = tpu.memref_slice %arg8[%mul3A_2, %dma_wait3A_27] : memref<10240x128xf32, #tpu.memory_space<vmem_shared>> -> memref<640x128xf32, #tpu.memory_space<vmem_shared>>
      tpu.wait_dma2 semaphore(%run_scoped3A_20 : memref<!tpu.dma_semaphore, #tpu.memory_space<semaphore_mem>>) src(%dma_wait3A_28 : memref<640x128xf32, #tpu.memory_space<vmem_shared>>) dst(%dma_wait3A_26 : memref<640x128xf32, #tpu.memory_space<hbm>>)
      tpu.yield
    }) : () -> ()
    %barrier3A_9 = arith.constant 0 : index
    tpu.barrier barrier_id(%barrier3A_9)
    "tpu.region"() ({
      %run_scoped3A_20 = tpu.sem_alloc : memref<!tpu.dma_semaphore, #tpu.memory_space<semaphore_mem>>
      %dma_start3A = arith.constant 0 : i32
      %dma_start3A_21 = tpu.memref_slice %arg8[%mul3A_2, %dma_start3A] : memref<10240x128xf32, #tpu.memory_space<vmem_shared>> -> memref<640x128xf32, #tpu.memory_space<vmem_shared>>
      %dma_start3A_22 = arith.constant 0 : i32
      %dma_start3A_23 = tpu.memref_slice %arg6[%mul3A_2, %dma_start3A_22] : memref<10240x128xf32, #tpu.memory_space<hbm>> -> memref<640x128xf32, #tpu.memory_space<hbm>>
      tpu.enqueue_dma source(%dma_start3A_23 : memref<640x128xf32, #tpu.memory_space<hbm>>) target(%dma_start3A_21 : memref<640x128xf32, #tpu.memory_space<vmem_shared>>) target_semaphore(%run_scoped3A_20 : memref<!tpu.dma_semaphore, #tpu.memory_space<semaphore_mem>>)
      %dma_wait3A = arith.constant 0 : i32
      %dma_wait3A_24 = tpu.memref_slice %arg8[%mul3A_2, %dma_wait3A] : memref<10240x128xf32, #tpu.memory_space<vmem_shared>> -> memref<640x128xf32, #tpu.memory_space<vmem_shared>>
      %dma_wait3A_25 = arith.constant 0 : i32
      %dma_wait3A_26 = tpu.memref_slice %arg6[%mul3A_2, %dma_wait3A_25] : memref<10240x128xf32, #tpu.memory_space<hbm>> -> memref<640x128xf32, #tpu.memory_space<hbm>>
      tpu.wait_dma2 semaphore(%run_scoped3A_20 : memref<!tpu.dma_semaphore, #tpu.memory_space<semaphore_mem>>) src(%dma_wait3A_26 : memref<640x128xf32, #tpu.memory_space<hbm>>) dst(%dma_wait3A_24 : memref<640x128xf32, #tpu.memory_space<vmem_shared>>)
      tpu.yield
    }) : () -> ()
    %barrier3A_10 = arith.constant 0 : index
    tpu.barrier barrier_id(%barrier3A_10)
    %scan3A_11 = arith.constant 0 : i32
    %scan3A_12 = arith.constant 0 : i32
    %scan3A_13 = arith.constant 79 : i32
    %scan3A_14 = arith.addi %scan3A_12, %scan3A_13 : i32
    %scan3A_15 = arith.constant 1 : i32
    scf.for %scan3A_20 = %scan3A_12 to %scan3A_14 step %scan3A_15  : i32 {
      "tpu.region"() ({
        %run_scoped3A_49 = tpu.sem_alloc : memref<!tpu.dma_semaphore, #tpu.memory_space<semaphore_mem>>
        %dma_start3A_50 = arith.constant 0 : i32
        %dma_start3A_51 = arith.constant 0 : i32
        %dma_start3A_52 = tpu.memref_slice %arg5[%add3A, %scan3A_20, %dma_start3A_50, %dma_start3A_51] : memref<32x79x4x64xi32, #tpu.memory_space<hbm>> -> memref<1x1x4x64xi32, #tpu.memory_space<hbm>>
        %dma_start3A_53 = tpu.memref_squeeze %dma_start3A_52 : memref<1x1x4x64xi32, #tpu.memory_space<hbm>> -> memref<4x64xi32, #tpu.memory_space<hbm>>
        %dma_start3A_54 = arith.constant 0 : i32
        %dma_start3A_55 = arith.constant 0 : i32
        %dma_start3A_56 = tpu.memref_slice %arg5[%add3A, %scan3A_20, %dma_start3A_54, %dma_start3A_55] : memref<32x79x4x64xi32, #tpu.memory_space<hbm>> -> memref<1x1x4x64xi32, #tpu.memory_space<hbm>>
        %dma_start3A_57 = tpu.memref_squeeze %dma_start3A_56 : memref<1x1x4x64xi32, #tpu.memory_space<hbm>> -> memref<4x64xi32, #tpu.memory_space<hbm>>
        tpu.enqueue_dma source(%dma_start3A_57 : memref<4x64xi32, #tpu.memory_space<hbm>>) target(%arg9 : memref<4x64xi32, #tpu.memory_space<vmem>>) target_semaphore(%run_scoped3A_49 : memref<!tpu.dma_semaphore, #tpu.memory_space<semaphore_mem>>)
        %dma_wait3A_58 = arith.constant 0 : i32
        %dma_wait3A_59 = arith.constant 0 : i32
        %dma_wait3A_60 = tpu.memref_slice %arg5[%add3A, %scan3A_20, %dma_wait3A_58, %dma_wait3A_59] : memref<32x79x4x64xi32, #tpu.memory_space<hbm>> -> memref<1x1x4x64xi32, #tpu.memory_space<hbm>>
        %dma_wait3A_61 = tpu.memref_squeeze %dma_wait3A_60 : memref<1x1x4x64xi32, #tpu.memory_space<hbm>> -> memref<4x64xi32, #tpu.memory_space<hbm>>
        %dma_wait3A_62 = arith.constant 0 : i32
        %dma_wait3A_63 = arith.constant 0 : i32
        %dma_wait3A_64 = tpu.memref_slice %arg5[%add3A, %scan3A_20, %dma_wait3A_62, %dma_wait3A_63] : memref<32x79x4x64xi32, #tpu.memory_space<hbm>> -> memref<1x1x4x64xi32, #tpu.memory_space<hbm>>
        %dma_wait3A_65 = tpu.memref_squeeze %dma_wait3A_64 : memref<1x1x4x64xi32, #tpu.memory_space<hbm>> -> memref<4x64xi32, #tpu.memory_space<hbm>>
        tpu.wait_dma2 semaphore(%run_scoped3A_49 : memref<!tpu.dma_semaphore, #tpu.memory_space<semaphore_mem>>) src(%dma_wait3A_65 : memref<4x64xi32, #tpu.memory_space<hbm>>) dst(%arg9 : memref<4x64xi32, #tpu.memory_space<vmem>>)
        tpu.yield
      }) : () -> ()
      %dma_start3A = arith.constant 0 : i32
      %dma_start3A_21 = arith.constant 0 : i32
      %dma_start3A_22 = tpu.memref_slice %arg9[%dma_start3A, %dma_start3A_21] : memref<4x64xi32, #tpu.memory_space<vmem>> -> memref<1x64xi32, #tpu.memory_space<vmem>>
      %dma_start3A_23 = tpu.memref_squeeze %dma_start3A_22 : memref<1x64xi32, #tpu.memory_space<vmem>> -> memref<64xi32, #tpu.memory_space<vmem>>
      %dma_start3A_24 = arith.constant 0 : i32
      %dma_start3A_25 = arith.constant 0 : i32
      %dma_start3A_26 = tpu.memref_slice %arg3[%dma_start3A_24, %dma_start3A_25] : memref<10240x128xf32, #tpu.memory_space<hbm>> -> memref<10240x128xf32, #tpu.memory_space<hbm>>
      tpu.enqueue_indirect_dma source(%dma_start3A_26 : memref<10240x128xf32, #tpu.memory_space<hbm>>) target(%arg10 : memref<64x128xf32, #tpu.memory_space<vmem>>) offsets(%dma_start3A_23 : memref<64xi32, #tpu.memory_space<vmem>>) semaphore(%arg12 : memref<!tpu.dma_semaphore, #tpu.memory_space<semaphore_mem>>)
      %dma_start3A_27 = arith.constant 1 : i32
      %dma_start3A_28 = arith.constant 0 : i32
      %dma_start3A_29 = tpu.memref_slice %arg9[%dma_start3A_27, %dma_start3A_28] : memref<4x64xi32, #tpu.memory_space<vmem>> -> memref<1x64xi32, #tpu.memory_space<vmem>>
      %dma_start3A_30 = tpu.memref_squeeze %dma_start3A_29 : memref<1x64xi32, #tpu.memory_space<vmem>> -> memref<64xi32, #tpu.memory_space<vmem>>
      %dma_start3A_31 = arith.constant 0 : i32
      %dma_start3A_32 = arith.constant 0 : i32
      %dma_start3A_33 = tpu.memref_slice %arg3[%dma_start3A_31, %dma_start3A_32] : memref<10240x128xf32, #tpu.memory_space<hbm>> -> memref<10240x128xf32, #tpu.memory_space<hbm>>
      tpu.enqueue_indirect_dma source(%dma_start3A_33 : memref<10240x128xf32, #tpu.memory_space<hbm>>) target(%arg11 : memref<64x128xf32, #tpu.memory_space<vmem>>) offsets(%dma_start3A_30 : memref<64xi32, #tpu.memory_space<vmem>>) semaphore(%arg13 : memref<!tpu.dma_semaphore, #tpu.memory_space<semaphore_mem>>)
      %dma_wait3A = arith.constant 0 : i32
      %dma_wait3A_34 = arith.constant 0 : i32
      %dma_wait3A_35 = tpu.memref_slice %arg9[%dma_wait3A, %dma_wait3A_34] : memref<4x64xi32, #tpu.memory_space<vmem>> -> memref<1x64xi32, #tpu.memory_space<vmem>>
      %dma_wait3A_36 = tpu.memref_squeeze %dma_wait3A_35 : memref<1x64xi32, #tpu.memory_space<vmem>> -> memref<64xi32, #tpu.memory_space<vmem>>
      %dma_wait3A_37 = arith.constant 0 : i32
      %dma_wait3A_38 = arith.constant 0 : i32
      %dma_wait3A_39 = tpu.memref_slice %arg3[%dma_wait3A_37, %dma_wait3A_38] : memref<10240x128xf32, #tpu.memory_space<hbm>> -> memref<10240x128xf32, #tpu.memory_space<hbm>>
      tpu.wait_indirect_dma semaphore(%arg12 : memref<!tpu.dma_semaphore, #tpu.memory_space<semaphore_mem>>) src(%dma_wait3A_39 : memref<10240x128xf32, #tpu.memory_space<hbm>>) dst(%arg10 : memref<64x128xf32, #tpu.memory_space<vmem>>)
      %run_scoped3A_40 = arith.constant 2 : i32
      "tpu.region"() ({
        %run_scoped3A_49 = tpu.sem_alloc : memref<!tpu.dma_semaphore, #tpu.memory_space<semaphore_mem>>
        %dma_start3A_50 = arith.constant 0 : i32
        %dma_start3A_51 = tpu.memref_slice %arg9[%run_scoped3A_40, %dma_start3A_50] : memref<4x64xi32, #tpu.memory_space<vmem>> -> memref<1x64xi32, #tpu.memory_space<vmem>>
        %dma_start3A_52 = tpu.memref_squeeze %dma_start3A_51 : memref<1x64xi32, #tpu.memory_space<vmem>> -> memref<64xi32, #tpu.memory_space<vmem>>
        %dma_start3A_53 = arith.constant 0 : i32
        %dma_start3A_54 = arith.constant 0 : i32
        %dma_start3A_55 = tpu.memref_slice %arg8[%dma_start3A_53, %dma_start3A_54] : memref<10240x128xf32, #tpu.memory_space<vmem_shared>> -> memref<10240x128xf32, #tpu.memory_space<vmem_shared>>
        tpu.enqueue_indirect_dma source(%arg10 : memref<64x128xf32, #tpu.memory_space<vmem>>) target(%dma_start3A_55 : memref<10240x128xf32, #tpu.memory_space<vmem_shared>>) offsets(%dma_start3A_52 : memref<64xi32, #tpu.memory_space<vmem>>) semaphore(%run_scoped3A_49 : memref<!tpu.dma_semaphore, #tpu.memory_space<semaphore_mem>>) {add = true}
        %dma_wait3A_56 = arith.constant 0 : i32
        %dma_wait3A_57 = tpu.memref_slice %arg9[%run_scoped3A_40, %dma_wait3A_56] : memref<4x64xi32, #tpu.memory_space<vmem>> -> memref<1x64xi32, #tpu.memory_space<vmem>>
        %dma_wait3A_58 = tpu.memref_squeeze %dma_wait3A_57 : memref<1x64xi32, #tpu.memory_space<vmem>> -> memref<64xi32, #tpu.memory_space<vmem>>
        %dma_wait3A_59 = arith.constant 0 : i32
        %dma_wait3A_60 = arith.constant 0 : i32
        %dma_wait3A_61 = tpu.memref_slice %arg8[%dma_wait3A_59, %dma_wait3A_60] : memref<10240x128xf32, #tpu.memory_space<vmem_shared>> -> memref<10240x128xf32, #tpu.memory_space<vmem_shared>>
        tpu.wait_indirect_dma semaphore(%run_scoped3A_49 : memref<!tpu.dma_semaphore, #tpu.memory_space<semaphore_mem>>) src(%arg10 : memref<64x128xf32, #tpu.memory_space<vmem>>) dst(%dma_wait3A_61 : memref<10240x128xf32, #tpu.memory_space<vmem_shared>>)
        tpu.yield
      }) : () -> ()
      %dma_wait3A_41 = arith.constant 1 : i32
      %dma_wait3A_42 = arith.constant 0 : i32
      %dma_wait3A_43 = tpu.memref_slice %arg9[%dma_wait3A_41, %dma_wait3A_42] : memref<4x64xi32, #tpu.memory_space<vmem>> -> memref<1x64xi32, #tpu.memory_space<vmem>>
      %dma_wait3A_44 = tpu.memref_squeeze %dma_wait3A_43 : memref<1x64xi32, #tpu.memory_space<vmem>> -> memref<64xi32, #tpu.memory_space<vmem>>
      %dma_wait3A_45 = arith.constant 0 : i32
      %dma_wait3A_46 = arith.constant 0 : i32
      %dma_wait3A_47 = tpu.memref_slice %arg3[%dma_wait3A_45, %dma_wait3A_46] : memref<10240x128xf32, #tpu.memory_space<hbm>> -> memref<10240x128xf32, #tpu.memory_space<hbm>>
      tpu.wait_indirect_dma semaphore(%arg13 : memref<!tpu.dma_semaphore, #tpu.memory_space<semaphore_mem>>) src(%dma_wait3A_47 : memref<10240x128xf32, #tpu.memory_space<hbm>>) dst(%arg11 : memref<64x128xf32, #tpu.memory_space<vmem>>)
      %run_scoped3A_48 = arith.constant 3 : i32
      "tpu.region"() ({
        %run_scoped3A_49 = tpu.sem_alloc : memref<!tpu.dma_semaphore, #tpu.memory_space<semaphore_mem>>
        %dma_start3A_50 = arith.constant 0 : i32
        %dma_start3A_51 = tpu.memref_slice %arg9[%run_scoped3A_48, %dma_start3A_50] : memref<4x64xi32, #tpu.memory_space<vmem>> -> memref<1x64xi32, #tpu.memory_space<vmem>>
        %dma_start3A_52 = tpu.memref_squeeze %dma_start3A_51 : memref<1x64xi32, #tpu.memory_space<vmem>> -> memref<64xi32, #tpu.memory_space<vmem>>
        %dma_start3A_53 = arith.constant 0 : i32
        %dma_start3A_54 = arith.constant 0 : i32
        %dma_start3A_55 = tpu.memref_slice %arg8[%dma_start3A_53, %dma_start3A_54] : memref<10240x128xf32, #tpu.memory_space<vmem_shared>> -> memref<10240x128xf32, #tpu.memory_space<vmem_shared>>
        tpu.enqueue_indirect_dma source(%arg11 : memref<64x128xf32, #tpu.memory_space<vmem>>) target(%dma_start3A_55 : memref<10240x128xf32, #tpu.memory_space<vmem_shared>>) offsets(%dma_start3A_52 : memref<64xi32, #tpu.memory_space<vmem>>) semaphore(%run_scoped3A_49 : memref<!tpu.dma_semaphore, #tpu.memory_space<semaphore_mem>>) {add = true}
        %dma_wait3A_56 = arith.constant 0 : i32
        %dma_wait3A_57 = tpu.memref_slice %arg9[%run_scoped3A_48, %dma_wait3A_56] : memref<4x64xi32, #tpu.memory_space<vmem>> -> memref<1x64xi32, #tpu.memory_space<vmem>>
        %dma_wait3A_58 = tpu.memref_squeeze %dma_wait3A_57 : memref<1x64xi32, #tpu.memory_space<vmem>> -> memref<64xi32, #tpu.memory_space<vmem>>
        %dma_wait3A_59 = arith.constant 0 : i32
        %dma_wait3A_60 = arith.constant 0 : i32
        %dma_wait3A_61 = tpu.memref_slice %arg8[%dma_wait3A_59, %dma_wait3A_60] : memref<10240x128xf32, #tpu.memory_space<vmem_shared>> -> memref<10240x128xf32, #tpu.memory_space<vmem_shared>>
        tpu.wait_indirect_dma semaphore(%run_scoped3A_49 : memref<!tpu.dma_semaphore, #tpu.memory_space<semaphore_mem>>) src(%arg11 : memref<64x128xf32, #tpu.memory_space<vmem>>) dst(%dma_wait3A_61 : memref<10240x128xf32, #tpu.memory_space<vmem_shared>>)
        tpu.yield
      }) : () -> ()
    }
    %scan3A_16 = arith.constant 79 : i32
    %barrier3A_17 = arith.constant 0 : index
    tpu.barrier barrier_id(%barrier3A_17)
    %run_scoped3A_18 = arith.constant 1 : i32
    "tpu.region"() ({
      %run_scoped3A_20 = tpu.sem_alloc : memref<!tpu.dma_semaphore, #tpu.memory_space<semaphore_mem>>
      %dma_start3A = arith.constant 0 : i32
      %dma_start3A_21 = tpu.memref_slice %arg7[%run_scoped3A_18, %arg0, %mul3A_2, %dma_start3A] : memref<2x2x10240x128xf32, #tpu.memory_space<hbm>> -> memref<1x1x640x128xf32, #tpu.memory_space<hbm>>
      %dma_start3A_22 = tpu.memref_squeeze %dma_start3A_21 : memref<1x1x640x128xf32, #tpu.memory_space<hbm>> -> memref<640x128xf32, #tpu.memory_space<hbm>>
      %dma_start3A_23 = arith.constant 0 : i32
      %dma_start3A_24 = tpu.memref_slice %arg8[%mul3A_2, %dma_start3A_23] : memref<10240x128xf32, #tpu.memory_space<vmem_shared>> -> memref<640x128xf32, #tpu.memory_space<vmem_shared>>
      tpu.enqueue_dma source(%dma_start3A_24 : memref<640x128xf32, #tpu.memory_space<vmem_shared>>) target(%dma_start3A_22 : memref<640x128xf32, #tpu.memory_space<hbm>>) target_semaphore(%run_scoped3A_20 : memref<!tpu.dma_semaphore, #tpu.memory_space<semaphore_mem>>)
      %dma_wait3A = arith.constant 0 : i32
      %dma_wait3A_25 = tpu.memref_slice %arg7[%run_scoped3A_18, %arg0, %mul3A_2, %dma_wait3A] : memref<2x2x10240x128xf32, #tpu.memory_space<hbm>> -> memref<1x1x640x128xf32, #tpu.memory_space<hbm>>
      %dma_wait3A_26 = tpu.memref_squeeze %dma_wait3A_25 : memref<1x1x640x128xf32, #tpu.memory_space<hbm>> -> memref<640x128xf32, #tpu.memory_space<hbm>>
      %dma_wait3A_27 = arith.constant 0 : i32
      %dma_wait3A_28 = tpu.memref_slice %arg8[%mul3A_2, %dma_wait3A_27] : memref<10240x128xf32, #tpu.memory_space<vmem_shared>> -> memref<640x128xf32, #tpu.memory_space<vmem_shared>>
      tpu.wait_dma2 semaphore(%run_scoped3A_20 : memref<!tpu.dma_semaphore, #tpu.memory_space<semaphore_mem>>) src(%dma_wait3A_28 : memref<640x128xf32, #tpu.memory_space<vmem_shared>>) dst(%dma_wait3A_26 : memref<640x128xf32, #tpu.memory_space<hbm>>)
      tpu.yield
    }) : () -> ()
    %barrier3A_19 = arith.constant 0 : index
    tpu.barrier barrier_id(%barrier3A_19)
    return
  }
}

#map = affine_map<(d0, d1) -> (0, 0)>
#map1 = affine_map<(d0, d1) -> (0, 0, 0, 0)>
module attributes {stable_mosaic.version = 14 : i64} {
  func.func @_agg4_body(%arg0: i32, %arg1: i32, %arg2: memref<10240x128xf32, #tpu.memory_space<hbm>>, %arg3: memref<10240x128xf32, #tpu.memory_space<hbm>>, %arg4: memref<10240x128xf32, #tpu.memory_space<hbm>>, %arg5: memref<10240x128xf32, #tpu.memory_space<hbm>>, %arg6: memref<32x79x4x64xi32, #tpu.memory_space<hbm>>, %arg7: memref<32x79x4x64xi32, #tpu.memory_space<hbm>>, %arg8: memref<10240x128xf32, #tpu.memory_space<hbm>>, %arg9: memref<4x2x10240x128xf32, #tpu.memory_space<hbm>>, %arg10: memref<10240x128xf32, #tpu.memory_space<vmem_shared>>, %arg11: memref<4x64xi32, #tpu.memory_space<vmem>>, %arg12: memref<64x128xf32, #tpu.memory_space<vmem>>, %arg13: memref<64x128xf32, #tpu.memory_space<vmem>>, %arg14: memref<!tpu.dma_semaphore, #tpu.memory_space<semaphore_mem>>, %arg15: memref<!tpu.dma_semaphore, #tpu.memory_space<semaphore_mem>>) attributes {dimension_semantics = [#tpu.dimension_semantics<core_parallel>, #tpu.dimension_semantics<subcore_parallel>], iteration_bounds = array<i64: 2, 16>, scalar_prefetch = 0 : i64, scratch_operands = 6 : i64, tpu.core_type = #tpu.core_type<sc_vector_subcore>, window_params = [{transform_indices = #map}, {transform_indices = #map}, {transform_indices = #map}, {transform_indices = #map}, {transform_indices = #map1}, {transform_indices = #map1}, {transform_indices = #map}, {transform_indices = #map1}]} {
    %mul3A = arith.constant 16 : i32
    %mul3A_0 = arith.muli %arg0, %mul3A : i32
    %add3A = arith.addi %mul3A_0, %arg1 : i32
    %mul3A_1 = arith.constant 640 : i32
    %mul3A_2 = arith.muli %arg1, %mul3A_1 : i32
    "tpu.region"() ({
      %run_scoped3A_40 = tpu.sem_alloc : memref<!tpu.dma_semaphore, #tpu.memory_space<semaphore_mem>>
      %dma_start3A = arith.constant 0 : i32
      %dma_start3A_41 = tpu.memref_slice %arg10[%mul3A_2, %dma_start3A] : memref<10240x128xf32, #tpu.memory_space<vmem_shared>> -> memref<640x128xf32, #tpu.memory_space<vmem_shared>>
      %dma_start3A_42 = arith.constant 0 : i32
      %dma_start3A_43 = tpu.memref_slice %arg8[%mul3A_2, %dma_start3A_42] : memref<10240x128xf32, #tpu.memory_space<hbm>> -> memref<640x128xf32, #tpu.memory_space<hbm>>
      tpu.enqueue_dma source(%dma_start3A_43 : memref<640x128xf32, #tpu.memory_space<hbm>>) target(%dma_start3A_41 : memref<640x128xf32, #tpu.memory_space<vmem_shared>>) target_semaphore(%run_scoped3A_40 : memref<!tpu.dma_semaphore, #tpu.memory_space<semaphore_mem>>)
      %dma_wait3A = arith.constant 0 : i32
      %dma_wait3A_44 = tpu.memref_slice %arg10[%mul3A_2, %dma_wait3A] : memref<10240x128xf32, #tpu.memory_space<vmem_shared>> -> memref<640x128xf32, #tpu.memory_space<vmem_shared>>
      %dma_wait3A_45 = arith.constant 0 : i32
      %dma_wait3A_46 = tpu.memref_slice %arg8[%mul3A_2, %dma_wait3A_45] : memref<10240x128xf32, #tpu.memory_space<hbm>> -> memref<640x128xf32, #tpu.memory_space<hbm>>
      tpu.wait_dma2 semaphore(%run_scoped3A_40 : memref<!tpu.dma_semaphore, #tpu.memory_space<semaphore_mem>>) src(%dma_wait3A_46 : memref<640x128xf32, #tpu.memory_space<hbm>>) dst(%dma_wait3A_44 : memref<640x128xf32, #tpu.memory_space<vmem_shared>>)
      tpu.yield
    }) : () -> ()
    %barrier3A = arith.constant 0 : index
    tpu.barrier barrier_id(%barrier3A)
    %scan3A = arith.constant 0 : i32
    %scan3A_3 = arith.constant 0 : i32
    %scan3A_4 = arith.constant 79 : i32
    %scan3A_5 = arith.addi %scan3A_3, %scan3A_4 : i32
    %scan3A_6 = arith.constant 1 : i32
    scf.for %scan3A_40 = %scan3A_3 to %scan3A_5 step %scan3A_6  : i32 {
      "tpu.region"() ({
        %run_scoped3A_69 = tpu.sem_alloc : memref<!tpu.dma_semaphore, #tpu.memory_space<semaphore_mem>>
        %dma_start3A_70 = arith.constant 0 : i32
        %dma_start3A_71 = arith.constant 0 : i32
        %dma_start3A_72 = tpu.memref_slice %arg6[%add3A, %scan3A_40, %dma_start3A_70, %dma_start3A_71] : memref<32x79x4x64xi32, #tpu.memory_space<hbm>> -> memref<1x1x4x64xi32, #tpu.memory_space<hbm>>
        %dma_start3A_73 = tpu.memref_squeeze %dma_start3A_72 : memref<1x1x4x64xi32, #tpu.memory_space<hbm>> -> memref<4x64xi32, #tpu.memory_space<hbm>>
        %dma_start3A_74 = arith.constant 0 : i32
        %dma_start3A_75 = arith.constant 0 : i32
        %dma_start3A_76 = tpu.memref_slice %arg6[%add3A, %scan3A_40, %dma_start3A_74, %dma_start3A_75] : memref<32x79x4x64xi32, #tpu.memory_space<hbm>> -> memref<1x1x4x64xi32, #tpu.memory_space<hbm>>
        %dma_start3A_77 = tpu.memref_squeeze %dma_start3A_76 : memref<1x1x4x64xi32, #tpu.memory_space<hbm>> -> memref<4x64xi32, #tpu.memory_space<hbm>>
        tpu.enqueue_dma source(%dma_start3A_77 : memref<4x64xi32, #tpu.memory_space<hbm>>) target(%arg11 : memref<4x64xi32, #tpu.memory_space<vmem>>) target_semaphore(%run_scoped3A_69 : memref<!tpu.dma_semaphore, #tpu.memory_space<semaphore_mem>>)
        %dma_wait3A_78 = arith.constant 0 : i32
        %dma_wait3A_79 = arith.constant 0 : i32
        %dma_wait3A_80 = tpu.memref_slice %arg6[%add3A, %scan3A_40, %dma_wait3A_78, %dma_wait3A_79] : memref<32x79x4x64xi32, #tpu.memory_space<hbm>> -> memref<1x1x4x64xi32, #tpu.memory_space<hbm>>
        %dma_wait3A_81 = tpu.memref_squeeze %dma_wait3A_80 : memref<1x1x4x64xi32, #tpu.memory_space<hbm>> -> memref<4x64xi32, #tpu.memory_space<hbm>>
        %dma_wait3A_82 = arith.constant 0 : i32
        %dma_wait3A_83 = arith.constant 0 : i32
        %dma_wait3A_84 = tpu.memref_slice %arg6[%add3A, %scan3A_40, %dma_wait3A_82, %dma_wait3A_83] : memref<32x79x4x64xi32, #tpu.memory_space<hbm>> -> memref<1x1x4x64xi32, #tpu.memory_space<hbm>>
        %dma_wait3A_85 = tpu.memref_squeeze %dma_wait3A_84 : memref<1x1x4x64xi32, #tpu.memory_space<hbm>> -> memref<4x64xi32, #tpu.memory_space<hbm>>
        tpu.wait_dma2 semaphore(%run_scoped3A_69 : memref<!tpu.dma_semaphore, #tpu.memory_space<semaphore_mem>>) src(%dma_wait3A_85 : memref<4x64xi32, #tpu.memory_space<hbm>>) dst(%arg11 : memref<4x64xi32, #tpu.memory_space<vmem>>)
        tpu.yield
      }) : () -> ()
      %dma_start3A = arith.constant 0 : i32
      %dma_start3A_41 = arith.constant 0 : i32
      %dma_start3A_42 = tpu.memref_slice %arg11[%dma_start3A, %dma_start3A_41] : memref<4x64xi32, #tpu.memory_space<vmem>> -> memref<1x64xi32, #tpu.memory_space<vmem>>
      %dma_start3A_43 = tpu.memref_squeeze %dma_start3A_42 : memref<1x64xi32, #tpu.memory_space<vmem>> -> memref<64xi32, #tpu.memory_space<vmem>>
      %dma_start3A_44 = arith.constant 0 : i32
      %dma_start3A_45 = arith.constant 0 : i32
      %dma_start3A_46 = tpu.memref_slice %arg2[%dma_start3A_44, %dma_start3A_45] : memref<10240x128xf32, #tpu.memory_space<hbm>> -> memref<10240x128xf32, #tpu.memory_space<hbm>>
      tpu.enqueue_indirect_dma source(%dma_start3A_46 : memref<10240x128xf32, #tpu.memory_space<hbm>>) target(%arg12 : memref<64x128xf32, #tpu.memory_space<vmem>>) offsets(%dma_start3A_43 : memref<64xi32, #tpu.memory_space<vmem>>) semaphore(%arg14 : memref<!tpu.dma_semaphore, #tpu.memory_space<semaphore_mem>>)
      %dma_start3A_47 = arith.constant 1 : i32
      %dma_start3A_48 = arith.constant 0 : i32
      %dma_start3A_49 = tpu.memref_slice %arg11[%dma_start3A_47, %dma_start3A_48] : memref<4x64xi32, #tpu.memory_space<vmem>> -> memref<1x64xi32, #tpu.memory_space<vmem>>
      %dma_start3A_50 = tpu.memref_squeeze %dma_start3A_49 : memref<1x64xi32, #tpu.memory_space<vmem>> -> memref<64xi32, #tpu.memory_space<vmem>>
      %dma_start3A_51 = arith.constant 0 : i32
      %dma_start3A_52 = arith.constant 0 : i32
      %dma_start3A_53 = tpu.memref_slice %arg2[%dma_start3A_51, %dma_start3A_52] : memref<10240x128xf32, #tpu.memory_space<hbm>> -> memref<10240x128xf32, #tpu.memory_space<hbm>>
      tpu.enqueue_indirect_dma source(%dma_start3A_53 : memref<10240x128xf32, #tpu.memory_space<hbm>>) target(%arg13 : memref<64x128xf32, #tpu.memory_space<vmem>>) offsets(%dma_start3A_50 : memref<64xi32, #tpu.memory_space<vmem>>) semaphore(%arg15 : memref<!tpu.dma_semaphore, #tpu.memory_space<semaphore_mem>>)
      %dma_wait3A = arith.constant 0 : i32
      %dma_wait3A_54 = arith.constant 0 : i32
      %dma_wait3A_55 = tpu.memref_slice %arg11[%dma_wait3A, %dma_wait3A_54] : memref<4x64xi32, #tpu.memory_space<vmem>> -> memref<1x64xi32, #tpu.memory_space<vmem>>
      %dma_wait3A_56 = tpu.memref_squeeze %dma_wait3A_55 : memref<1x64xi32, #tpu.memory_space<vmem>> -> memref<64xi32, #tpu.memory_space<vmem>>
      %dma_wait3A_57 = arith.constant 0 : i32
      %dma_wait3A_58 = arith.constant 0 : i32
      %dma_wait3A_59 = tpu.memref_slice %arg2[%dma_wait3A_57, %dma_wait3A_58] : memref<10240x128xf32, #tpu.memory_space<hbm>> -> memref<10240x128xf32, #tpu.memory_space<hbm>>
      tpu.wait_indirect_dma semaphore(%arg14 : memref<!tpu.dma_semaphore, #tpu.memory_space<semaphore_mem>>) src(%dma_wait3A_59 : memref<10240x128xf32, #tpu.memory_space<hbm>>) dst(%arg12 : memref<64x128xf32, #tpu.memory_space<vmem>>)
      %run_scoped3A_60 = arith.constant 2 : i32
      "tpu.region"() ({
        %run_scoped3A_69 = tpu.sem_alloc : memref<!tpu.dma_semaphore, #tpu.memory_space<semaphore_mem>>
        %dma_start3A_70 = arith.constant 0 : i32
        %dma_start3A_71 = tpu.memref_slice %arg11[%run_scoped3A_60, %dma_start3A_70] : memref<4x64xi32, #tpu.memory_space<vmem>> -> memref<1x64xi32, #tpu.memory_space<vmem>>
        %dma_start3A_72 = tpu.memref_squeeze %dma_start3A_71 : memref<1x64xi32, #tpu.memory_space<vmem>> -> memref<64xi32, #tpu.memory_space<vmem>>
        %dma_start3A_73 = arith.constant 0 : i32
        %dma_start3A_74 = arith.constant 0 : i32
        %dma_start3A_75 = tpu.memref_slice %arg10[%dma_start3A_73, %dma_start3A_74] : memref<10240x128xf32, #tpu.memory_space<vmem_shared>> -> memref<10240x128xf32, #tpu.memory_space<vmem_shared>>
        tpu.enqueue_indirect_dma source(%arg12 : memref<64x128xf32, #tpu.memory_space<vmem>>) target(%dma_start3A_75 : memref<10240x128xf32, #tpu.memory_space<vmem_shared>>) offsets(%dma_start3A_72 : memref<64xi32, #tpu.memory_space<vmem>>) semaphore(%run_scoped3A_69 : memref<!tpu.dma_semaphore, #tpu.memory_space<semaphore_mem>>) {add = true}
        %dma_wait3A_76 = arith.constant 0 : i32
        %dma_wait3A_77 = tpu.memref_slice %arg11[%run_scoped3A_60, %dma_wait3A_76] : memref<4x64xi32, #tpu.memory_space<vmem>> -> memref<1x64xi32, #tpu.memory_space<vmem>>
        %dma_wait3A_78 = tpu.memref_squeeze %dma_wait3A_77 : memref<1x64xi32, #tpu.memory_space<vmem>> -> memref<64xi32, #tpu.memory_space<vmem>>
        %dma_wait3A_79 = arith.constant 0 : i32
        %dma_wait3A_80 = arith.constant 0 : i32
        %dma_wait3A_81 = tpu.memref_slice %arg10[%dma_wait3A_79, %dma_wait3A_80] : memref<10240x128xf32, #tpu.memory_space<vmem_shared>> -> memref<10240x128xf32, #tpu.memory_space<vmem_shared>>
        tpu.wait_indirect_dma semaphore(%run_scoped3A_69 : memref<!tpu.dma_semaphore, #tpu.memory_space<semaphore_mem>>) src(%arg12 : memref<64x128xf32, #tpu.memory_space<vmem>>) dst(%dma_wait3A_81 : memref<10240x128xf32, #tpu.memory_space<vmem_shared>>)
        tpu.yield
      }) : () -> ()
      %dma_wait3A_61 = arith.constant 1 : i32
      %dma_wait3A_62 = arith.constant 0 : i32
      %dma_wait3A_63 = tpu.memref_slice %arg11[%dma_wait3A_61, %dma_wait3A_62] : memref<4x64xi32, #tpu.memory_space<vmem>> -> memref<1x64xi32, #tpu.memory_space<vmem>>
      %dma_wait3A_64 = tpu.memref_squeeze %dma_wait3A_63 : memref<1x64xi32, #tpu.memory_space<vmem>> -> memref<64xi32, #tpu.memory_space<vmem>>
      %dma_wait3A_65 = arith.constant 0 : i32
      %dma_wait3A_66 = arith.constant 0 : i32
      %dma_wait3A_67 = tpu.memref_slice %arg2[%dma_wait3A_65, %dma_wait3A_66] : memref<10240x128xf32, #tpu.memory_space<hbm>> -> memref<10240x128xf32, #tpu.memory_space<hbm>>
      tpu.wait_indirect_dma semaphore(%arg15 : memref<!tpu.dma_semaphore, #tpu.memory_space<semaphore_mem>>) src(%dma_wait3A_67 : memref<10240x128xf32, #tpu.memory_space<hbm>>) dst(%arg13 : memref<64x128xf32, #tpu.memory_space<vmem>>)
      %run_scoped3A_68 = arith.constant 3 : i32
      "tpu.region"() ({
        %run_scoped3A_69 = tpu.sem_alloc : memref<!tpu.dma_semaphore, #tpu.memory_space<semaphore_mem>>
        %dma_start3A_70 = arith.constant 0 : i32
        %dma_start3A_71 = tpu.memref_slice %arg11[%run_scoped3A_68, %dma_start3A_70] : memref<4x64xi32, #tpu.memory_space<vmem>> -> memref<1x64xi32, #tpu.memory_space<vmem>>
        %dma_start3A_72 = tpu.memref_squeeze %dma_start3A_71 : memref<1x64xi32, #tpu.memory_space<vmem>> -> memref<64xi32, #tpu.memory_space<vmem>>
        %dma_start3A_73 = arith.constant 0 : i32
        %dma_start3A_74 = arith.constant 0 : i32
        %dma_start3A_75 = tpu.memref_slice %arg10[%dma_start3A_73, %dma_start3A_74] : memref<10240x128xf32, #tpu.memory_space<vmem_shared>> -> memref<10240x128xf32, #tpu.memory_space<vmem_shared>>
        tpu.enqueue_indirect_dma source(%arg13 : memref<64x128xf32, #tpu.memory_space<vmem>>) target(%dma_start3A_75 : memref<10240x128xf32, #tpu.memory_space<vmem_shared>>) offsets(%dma_start3A_72 : memref<64xi32, #tpu.memory_space<vmem>>) semaphore(%run_scoped3A_69 : memref<!tpu.dma_semaphore, #tpu.memory_space<semaphore_mem>>) {add = true}
        %dma_wait3A_76 = arith.constant 0 : i32
        %dma_wait3A_77 = tpu.memref_slice %arg11[%run_scoped3A_68, %dma_wait3A_76] : memref<4x64xi32, #tpu.memory_space<vmem>> -> memref<1x64xi32, #tpu.memory_space<vmem>>
        %dma_wait3A_78 = tpu.memref_squeeze %dma_wait3A_77 : memref<1x64xi32, #tpu.memory_space<vmem>> -> memref<64xi32, #tpu.memory_space<vmem>>
        %dma_wait3A_79 = arith.constant 0 : i32
        %dma_wait3A_80 = arith.constant 0 : i32
        %dma_wait3A_81 = tpu.memref_slice %arg10[%dma_wait3A_79, %dma_wait3A_80] : memref<10240x128xf32, #tpu.memory_space<vmem_shared>> -> memref<10240x128xf32, #tpu.memory_space<vmem_shared>>
        tpu.wait_indirect_dma semaphore(%run_scoped3A_69 : memref<!tpu.dma_semaphore, #tpu.memory_space<semaphore_mem>>) src(%arg13 : memref<64x128xf32, #tpu.memory_space<vmem>>) dst(%dma_wait3A_81 : memref<10240x128xf32, #tpu.memory_space<vmem_shared>>)
        tpu.yield
      }) : () -> ()
    }
    %scan3A_7 = arith.constant 79 : i32
    %barrier3A_8 = arith.constant 0 : index
    tpu.barrier barrier_id(%barrier3A_8)
    %run_scoped3A = arith.constant 0 : i32
    "tpu.region"() ({
      %run_scoped3A_40 = tpu.sem_alloc : memref<!tpu.dma_semaphore, #tpu.memory_space<semaphore_mem>>
      %dma_start3A = arith.constant 0 : i32
      %dma_start3A_41 = tpu.memref_slice %arg9[%run_scoped3A, %arg0, %mul3A_2, %dma_start3A] : memref<4x2x10240x128xf32, #tpu.memory_space<hbm>> -> memref<1x1x640x128xf32, #tpu.memory_space<hbm>>
      %dma_start3A_42 = tpu.memref_squeeze %dma_start3A_41 : memref<1x1x640x128xf32, #tpu.memory_space<hbm>> -> memref<640x128xf32, #tpu.memory_space<hbm>>
      %dma_start3A_43 = arith.constant 0 : i32
      %dma_start3A_44 = tpu.memref_slice %arg10[%mul3A_2, %dma_start3A_43] : memref<10240x128xf32, #tpu.memory_space<vmem_shared>> -> memref<640x128xf32, #tpu.memory_space<vmem_shared>>
      tpu.enqueue_dma source(%dma_start3A_44 : memref<640x128xf32, #tpu.memory_space<vmem_shared>>) target(%dma_start3A_42 : memref<640x128xf32, #tpu.memory_space<hbm>>) target_semaphore(%run_scoped3A_40 : memref<!tpu.dma_semaphore, #tpu.memory_space<semaphore_mem>>)
      %dma_wait3A = arith.constant 0 : i32
      %dma_wait3A_45 = tpu.memref_slice %arg9[%run_scoped3A, %arg0, %mul3A_2, %dma_wait3A] : memref<4x2x10240x128xf32, #tpu.memory_space<hbm>> -> memref<1x1x640x128xf32, #tpu.memory_space<hbm>>
      %dma_wait3A_46 = tpu.memref_squeeze %dma_wait3A_45 : memref<1x1x640x128xf32, #tpu.memory_space<hbm>> -> memref<640x128xf32, #tpu.memory_space<hbm>>
      %dma_wait3A_47 = arith.constant 0 : i32
      %dma_wait3A_48 = tpu.memref_slice %arg10[%mul3A_2, %dma_wait3A_47] : memref<10240x128xf32, #tpu.memory_space<vmem_shared>> -> memref<640x128xf32, #tpu.memory_space<vmem_shared>>
      tpu.wait_dma2 semaphore(%run_scoped3A_40 : memref<!tpu.dma_semaphore, #tpu.memory_space<semaphore_mem>>) src(%dma_wait3A_48 : memref<640x128xf32, #tpu.memory_space<vmem_shared>>) dst(%dma_wait3A_46 : memref<640x128xf32, #tpu.memory_space<hbm>>)
      tpu.yield
    }) : () -> ()
    %barrier3A_9 = arith.constant 0 : index
    tpu.barrier barrier_id(%barrier3A_9)
    "tpu.region"() ({
      %run_scoped3A_40 = tpu.sem_alloc : memref<!tpu.dma_semaphore, #tpu.memory_space<semaphore_mem>>
      %dma_start3A = arith.constant 0 : i32
      %dma_start3A_41 = tpu.memref_slice %arg10[%mul3A_2, %dma_start3A] : memref<10240x128xf32, #tpu.memory_space<vmem_shared>> -> memref<640x128xf32, #tpu.memory_space<vmem_shared>>
      %dma_start3A_42 = arith.constant 0 : i32
      %dma_start3A_43 = tpu.memref_slice %arg8[%mul3A_2, %dma_start3A_42] : memref<10240x128xf32, #tpu.memory_space<hbm>> -> memref<640x128xf32, #tpu.memory_space<hbm>>
      tpu.enqueue_dma source(%dma_start3A_43 : memref<640x128xf32, #tpu.memory_space<hbm>>) target(%dma_start3A_41 : memref<640x128xf32, #tpu.memory_space<vmem_shared>>) target_semaphore(%run_scoped3A_40 : memref<!tpu.dma_semaphore, #tpu.memory_space<semaphore_mem>>)
      %dma_wait3A = arith.constant 0 : i32
      %dma_wait3A_44 = tpu.memref_slice %arg10[%mul3A_2, %dma_wait3A] : memref<10240x128xf32, #tpu.memory_space<vmem_shared>> -> memref<640x128xf32, #tpu.memory_space<vmem_shared>>
      %dma_wait3A_45 = arith.constant 0 : i32
      %dma_wait3A_46 = tpu.memref_slice %arg8[%mul3A_2, %dma_wait3A_45] : memref<10240x128xf32, #tpu.memory_space<hbm>> -> memref<640x128xf32, #tpu.memory_space<hbm>>
      tpu.wait_dma2 semaphore(%run_scoped3A_40 : memref<!tpu.dma_semaphore, #tpu.memory_space<semaphore_mem>>) src(%dma_wait3A_46 : memref<640x128xf32, #tpu.memory_space<hbm>>) dst(%dma_wait3A_44 : memref<640x128xf32, #tpu.memory_space<vmem_shared>>)
      tpu.yield
    }) : () -> ()
    %barrier3A_10 = arith.constant 0 : index
    tpu.barrier barrier_id(%barrier3A_10)
    %scan3A_11 = arith.constant 0 : i32
    %scan3A_12 = arith.constant 0 : i32
    %scan3A_13 = arith.constant 79 : i32
    %scan3A_14 = arith.addi %scan3A_12, %scan3A_13 : i32
    %scan3A_15 = arith.constant 1 : i32
    scf.for %scan3A_40 = %scan3A_12 to %scan3A_14 step %scan3A_15  : i32 {
      "tpu.region"() ({
        %run_scoped3A_69 = tpu.sem_alloc : memref<!tpu.dma_semaphore, #tpu.memory_space<semaphore_mem>>
        %dma_start3A_70 = arith.constant 0 : i32
        %dma_start3A_71 = arith.constant 0 : i32
        %dma_start3A_72 = tpu.memref_slice %arg6[%add3A, %scan3A_40, %dma_start3A_70, %dma_start3A_71] : memref<32x79x4x64xi32, #tpu.memory_space<hbm>> -> memref<1x1x4x64xi32, #tpu.memory_space<hbm>>
        %dma_start3A_73 = tpu.memref_squeeze %dma_start3A_72 : memref<1x1x4x64xi32, #tpu.memory_space<hbm>> -> memref<4x64xi32, #tpu.memory_space<hbm>>
        %dma_start3A_74 = arith.constant 0 : i32
        %dma_start3A_75 = arith.constant 0 : i32
        %dma_start3A_76 = tpu.memref_slice %arg6[%add3A, %scan3A_40, %dma_start3A_74, %dma_start3A_75] : memref<32x79x4x64xi32, #tpu.memory_space<hbm>> -> memref<1x1x4x64xi32, #tpu.memory_space<hbm>>
        %dma_start3A_77 = tpu.memref_squeeze %dma_start3A_76 : memref<1x1x4x64xi32, #tpu.memory_space<hbm>> -> memref<4x64xi32, #tpu.memory_space<hbm>>
        tpu.enqueue_dma source(%dma_start3A_77 : memref<4x64xi32, #tpu.memory_space<hbm>>) target(%arg11 : memref<4x64xi32, #tpu.memory_space<vmem>>) target_semaphore(%run_scoped3A_69 : memref<!tpu.dma_semaphore, #tpu.memory_space<semaphore_mem>>)
        %dma_wait3A_78 = arith.constant 0 : i32
        %dma_wait3A_79 = arith.constant 0 : i32
        %dma_wait3A_80 = tpu.memref_slice %arg6[%add3A, %scan3A_40, %dma_wait3A_78, %dma_wait3A_79] : memref<32x79x4x64xi32, #tpu.memory_space<hbm>> -> memref<1x1x4x64xi32, #tpu.memory_space<hbm>>
        %dma_wait3A_81 = tpu.memref_squeeze %dma_wait3A_80 : memref<1x1x4x64xi32, #tpu.memory_space<hbm>> -> memref<4x64xi32, #tpu.memory_space<hbm>>
        %dma_wait3A_82 = arith.constant 0 : i32
        %dma_wait3A_83 = arith.constant 0 : i32
        %dma_wait3A_84 = tpu.memref_slice %arg6[%add3A, %scan3A_40, %dma_wait3A_82, %dma_wait3A_83] : memref<32x79x4x64xi32, #tpu.memory_space<hbm>> -> memref<1x1x4x64xi32, #tpu.memory_space<hbm>>
        %dma_wait3A_85 = tpu.memref_squeeze %dma_wait3A_84 : memref<1x1x4x64xi32, #tpu.memory_space<hbm>> -> memref<4x64xi32, #tpu.memory_space<hbm>>
        tpu.wait_dma2 semaphore(%run_scoped3A_69 : memref<!tpu.dma_semaphore, #tpu.memory_space<semaphore_mem>>) src(%dma_wait3A_85 : memref<4x64xi32, #tpu.memory_space<hbm>>) dst(%arg11 : memref<4x64xi32, #tpu.memory_space<vmem>>)
        tpu.yield
      }) : () -> ()
      %dma_start3A = arith.constant 0 : i32
      %dma_start3A_41 = arith.constant 0 : i32
      %dma_start3A_42 = tpu.memref_slice %arg11[%dma_start3A, %dma_start3A_41] : memref<4x64xi32, #tpu.memory_space<vmem>> -> memref<1x64xi32, #tpu.memory_space<vmem>>
      %dma_start3A_43 = tpu.memref_squeeze %dma_start3A_42 : memref<1x64xi32, #tpu.memory_space<vmem>> -> memref<64xi32, #tpu.memory_space<vmem>>
      %dma_start3A_44 = arith.constant 0 : i32
      %dma_start3A_45 = arith.constant 0 : i32
      %dma_start3A_46 = tpu.memref_slice %arg3[%dma_start3A_44, %dma_start3A_45] : memref<10240x128xf32, #tpu.memory_space<hbm>> -> memref<10240x128xf32, #tpu.memory_space<hbm>>
      tpu.enqueue_indirect_dma source(%dma_start3A_46 : memref<10240x128xf32, #tpu.memory_space<hbm>>) target(%arg12 : memref<64x128xf32, #tpu.memory_space<vmem>>) offsets(%dma_start3A_43 : memref<64xi32, #tpu.memory_space<vmem>>) semaphore(%arg14 : memref<!tpu.dma_semaphore, #tpu.memory_space<semaphore_mem>>)
      %dma_start3A_47 = arith.constant 1 : i32
      %dma_start3A_48 = arith.constant 0 : i32
      %dma_start3A_49 = tpu.memref_slice %arg11[%dma_start3A_47, %dma_start3A_48] : memref<4x64xi32, #tpu.memory_space<vmem>> -> memref<1x64xi32, #tpu.memory_space<vmem>>
      %dma_start3A_50 = tpu.memref_squeeze %dma_start3A_49 : memref<1x64xi32, #tpu.memory_space<vmem>> -> memref<64xi32, #tpu.memory_space<vmem>>
      %dma_start3A_51 = arith.constant 0 : i32
      %dma_start3A_52 = arith.constant 0 : i32
      %dma_start3A_53 = tpu.memref_slice %arg3[%dma_start3A_51, %dma_start3A_52] : memref<10240x128xf32, #tpu.memory_space<hbm>> -> memref<10240x128xf32, #tpu.memory_space<hbm>>
      tpu.enqueue_indirect_dma source(%dma_start3A_53 : memref<10240x128xf32, #tpu.memory_space<hbm>>) target(%arg13 : memref<64x128xf32, #tpu.memory_space<vmem>>) offsets(%dma_start3A_50 : memref<64xi32, #tpu.memory_space<vmem>>) semaphore(%arg15 : memref<!tpu.dma_semaphore, #tpu.memory_space<semaphore_mem>>)
      %dma_wait3A = arith.constant 0 : i32
      %dma_wait3A_54 = arith.constant 0 : i32
      %dma_wait3A_55 = tpu.memref_slice %arg11[%dma_wait3A, %dma_wait3A_54] : memref<4x64xi32, #tpu.memory_space<vmem>> -> memref<1x64xi32, #tpu.memory_space<vmem>>
      %dma_wait3A_56 = tpu.memref_squeeze %dma_wait3A_55 : memref<1x64xi32, #tpu.memory_space<vmem>> -> memref<64xi32, #tpu.memory_space<vmem>>
      %dma_wait3A_57 = arith.constant 0 : i32
      %dma_wait3A_58 = arith.constant 0 : i32
      %dma_wait3A_59 = tpu.memref_slice %arg3[%dma_wait3A_57, %dma_wait3A_58] : memref<10240x128xf32, #tpu.memory_space<hbm>> -> memref<10240x128xf32, #tpu.memory_space<hbm>>
      tpu.wait_indirect_dma semaphore(%arg14 : memref<!tpu.dma_semaphore, #tpu.memory_space<semaphore_mem>>) src(%dma_wait3A_59 : memref<10240x128xf32, #tpu.memory_space<hbm>>) dst(%arg12 : memref<64x128xf32, #tpu.memory_space<vmem>>)
      %run_scoped3A_60 = arith.constant 2 : i32
      "tpu.region"() ({
        %run_scoped3A_69 = tpu.sem_alloc : memref<!tpu.dma_semaphore, #tpu.memory_space<semaphore_mem>>
        %dma_start3A_70 = arith.constant 0 : i32
        %dma_start3A_71 = tpu.memref_slice %arg11[%run_scoped3A_60, %dma_start3A_70] : memref<4x64xi32, #tpu.memory_space<vmem>> -> memref<1x64xi32, #tpu.memory_space<vmem>>
        %dma_start3A_72 = tpu.memref_squeeze %dma_start3A_71 : memref<1x64xi32, #tpu.memory_space<vmem>> -> memref<64xi32, #tpu.memory_space<vmem>>
        %dma_start3A_73 = arith.constant 0 : i32
        %dma_start3A_74 = arith.constant 0 : i32
        %dma_start3A_75 = tpu.memref_slice %arg10[%dma_start3A_73, %dma_start3A_74] : memref<10240x128xf32, #tpu.memory_space<vmem_shared>> -> memref<10240x128xf32, #tpu.memory_space<vmem_shared>>
        tpu.enqueue_indirect_dma source(%arg12 : memref<64x128xf32, #tpu.memory_space<vmem>>) target(%dma_start3A_75 : memref<10240x128xf32, #tpu.memory_space<vmem_shared>>) offsets(%dma_start3A_72 : memref<64xi32, #tpu.memory_space<vmem>>) semaphore(%run_scoped3A_69 : memref<!tpu.dma_semaphore, #tpu.memory_space<semaphore_mem>>) {add = true}
        %dma_wait3A_76 = arith.constant 0 : i32
        %dma_wait3A_77 = tpu.memref_slice %arg11[%run_scoped3A_60, %dma_wait3A_76] : memref<4x64xi32, #tpu.memory_space<vmem>> -> memref<1x64xi32, #tpu.memory_space<vmem>>
        %dma_wait3A_78 = tpu.memref_squeeze %dma_wait3A_77 : memref<1x64xi32, #tpu.memory_space<vmem>> -> memref<64xi32, #tpu.memory_space<vmem>>
        %dma_wait3A_79 = arith.constant 0 : i32
        %dma_wait3A_80 = arith.constant 0 : i32
        %dma_wait3A_81 = tpu.memref_slice %arg10[%dma_wait3A_79, %dma_wait3A_80] : memref<10240x128xf32, #tpu.memory_space<vmem_shared>> -> memref<10240x128xf32, #tpu.memory_space<vmem_shared>>
        tpu.wait_indirect_dma semaphore(%run_scoped3A_69 : memref<!tpu.dma_semaphore, #tpu.memory_space<semaphore_mem>>) src(%arg12 : memref<64x128xf32, #tpu.memory_space<vmem>>) dst(%dma_wait3A_81 : memref<10240x128xf32, #tpu.memory_space<vmem_shared>>)
        tpu.yield
      }) : () -> ()
      %dma_wait3A_61 = arith.constant 1 : i32
      %dma_wait3A_62 = arith.constant 0 : i32
      %dma_wait3A_63 = tpu.memref_slice %arg11[%dma_wait3A_61, %dma_wait3A_62] : memref<4x64xi32, #tpu.memory_space<vmem>> -> memref<1x64xi32, #tpu.memory_space<vmem>>
      %dma_wait3A_64 = tpu.memref_squeeze %dma_wait3A_63 : memref<1x64xi32, #tpu.memory_space<vmem>> -> memref<64xi32, #tpu.memory_space<vmem>>
      %dma_wait3A_65 = arith.constant 0 : i32
      %dma_wait3A_66 = arith.constant 0 : i32
      %dma_wait3A_67 = tpu.memref_slice %arg3[%dma_wait3A_65, %dma_wait3A_66] : memref<10240x128xf32, #tpu.memory_space<hbm>> -> memref<10240x128xf32, #tpu.memory_space<hbm>>
      tpu.wait_indirect_dma semaphore(%arg15 : memref<!tpu.dma_semaphore, #tpu.memory_space<semaphore_mem>>) src(%dma_wait3A_67 : memref<10240x128xf32, #tpu.memory_space<hbm>>) dst(%arg13 : memref<64x128xf32, #tpu.memory_space<vmem>>)
      %run_scoped3A_68 = arith.constant 3 : i32
      "tpu.region"() ({
        %run_scoped3A_69 = tpu.sem_alloc : memref<!tpu.dma_semaphore, #tpu.memory_space<semaphore_mem>>
        %dma_start3A_70 = arith.constant 0 : i32
        %dma_start3A_71 = tpu.memref_slice %arg11[%run_scoped3A_68, %dma_start3A_70] : memref<4x64xi32, #tpu.memory_space<vmem>> -> memref<1x64xi32, #tpu.memory_space<vmem>>
        %dma_start3A_72 = tpu.memref_squeeze %dma_start3A_71 : memref<1x64xi32, #tpu.memory_space<vmem>> -> memref<64xi32, #tpu.memory_space<vmem>>
        %dma_start3A_73 = arith.constant 0 : i32
        %dma_start3A_74 = arith.constant 0 : i32
        %dma_start3A_75 = tpu.memref_slice %arg10[%dma_start3A_73, %dma_start3A_74] : memref<10240x128xf32, #tpu.memory_space<vmem_shared>> -> memref<10240x128xf32, #tpu.memory_space<vmem_shared>>
        tpu.enqueue_indirect_dma source(%arg13 : memref<64x128xf32, #tpu.memory_space<vmem>>) target(%dma_start3A_75 : memref<10240x128xf32, #tpu.memory_space<vmem_shared>>) offsets(%dma_start3A_72 : memref<64xi32, #tpu.memory_space<vmem>>) semaphore(%run_scoped3A_69 : memref<!tpu.dma_semaphore, #tpu.memory_space<semaphore_mem>>) {add = true}
        %dma_wait3A_76 = arith.constant 0 : i32
        %dma_wait3A_77 = tpu.memref_slice %arg11[%run_scoped3A_68, %dma_wait3A_76] : memref<4x64xi32, #tpu.memory_space<vmem>> -> memref<1x64xi32, #tpu.memory_space<vmem>>
        %dma_wait3A_78 = tpu.memref_squeeze %dma_wait3A_77 : memref<1x64xi32, #tpu.memory_space<vmem>> -> memref<64xi32, #tpu.memory_space<vmem>>
        %dma_wait3A_79 = arith.constant 0 : i32
        %dma_wait3A_80 = arith.constant 0 : i32
        %dma_wait3A_81 = tpu.memref_slice %arg10[%dma_wait3A_79, %dma_wait3A_80] : memref<10240x128xf32, #tpu.memory_space<vmem_shared>> -> memref<10240x128xf32, #tpu.memory_space<vmem_shared>>
        tpu.wait_indirect_dma semaphore(%run_scoped3A_69 : memref<!tpu.dma_semaphore, #tpu.memory_space<semaphore_mem>>) src(%arg13 : memref<64x128xf32, #tpu.memory_space<vmem>>) dst(%dma_wait3A_81 : memref<10240x128xf32, #tpu.memory_space<vmem_shared>>)
        tpu.yield
      }) : () -> ()
    }
    %scan3A_16 = arith.constant 79 : i32
    %barrier3A_17 = arith.constant 0 : index
    tpu.barrier barrier_id(%barrier3A_17)
    %run_scoped3A_18 = arith.constant 1 : i32
    "tpu.region"() ({
      %run_scoped3A_40 = tpu.sem_alloc : memref<!tpu.dma_semaphore, #tpu.memory_space<semaphore_mem>>
      %dma_start3A = arith.constant 0 : i32
      %dma_start3A_41 = tpu.memref_slice %arg9[%run_scoped3A_18, %arg0, %mul3A_2, %dma_start3A] : memref<4x2x10240x128xf32, #tpu.memory_space<hbm>> -> memref<1x1x640x128xf32, #tpu.memory_space<hbm>>
      %dma_start3A_42 = tpu.memref_squeeze %dma_start3A_41 : memref<1x1x640x128xf32, #tpu.memory_space<hbm>> -> memref<640x128xf32, #tpu.memory_space<hbm>>
      %dma_start3A_43 = arith.constant 0 : i32
      %dma_start3A_44 = tpu.memref_slice %arg10[%mul3A_2, %dma_start3A_43] : memref<10240x128xf32, #tpu.memory_space<vmem_shared>> -> memref<640x128xf32, #tpu.memory_space<vmem_shared>>
      tpu.enqueue_dma source(%dma_start3A_44 : memref<640x128xf32, #tpu.memory_space<vmem_shared>>) target(%dma_start3A_42 : memref<640x128xf32, #tpu.memory_space<hbm>>) target_semaphore(%run_scoped3A_40 : memref<!tpu.dma_semaphore, #tpu.memory_space<semaphore_mem>>)
      %dma_wait3A = arith.constant 0 : i32
      %dma_wait3A_45 = tpu.memref_slice %arg9[%run_scoped3A_18, %arg0, %mul3A_2, %dma_wait3A] : memref<4x2x10240x128xf32, #tpu.memory_space<hbm>> -> memref<1x1x640x128xf32, #tpu.memory_space<hbm>>
      %dma_wait3A_46 = tpu.memref_squeeze %dma_wait3A_45 : memref<1x1x640x128xf32, #tpu.memory_space<hbm>> -> memref<640x128xf32, #tpu.memory_space<hbm>>
      %dma_wait3A_47 = arith.constant 0 : i32
      %dma_wait3A_48 = tpu.memref_slice %arg10[%mul3A_2, %dma_wait3A_47] : memref<10240x128xf32, #tpu.memory_space<vmem_shared>> -> memref<640x128xf32, #tpu.memory_space<vmem_shared>>
      tpu.wait_dma2 semaphore(%run_scoped3A_40 : memref<!tpu.dma_semaphore, #tpu.memory_space<semaphore_mem>>) src(%dma_wait3A_48 : memref<640x128xf32, #tpu.memory_space<vmem_shared>>) dst(%dma_wait3A_46 : memref<640x128xf32, #tpu.memory_space<hbm>>)
      tpu.yield
    }) : () -> ()
    %barrier3A_19 = arith.constant 0 : index
    tpu.barrier barrier_id(%barrier3A_19)
    "tpu.region"() ({
      %run_scoped3A_40 = tpu.sem_alloc : memref<!tpu.dma_semaphore, #tpu.memory_space<semaphore_mem>>
      %dma_start3A = arith.constant 0 : i32
      %dma_start3A_41 = tpu.memref_slice %arg10[%mul3A_2, %dma_start3A] : memref<10240x128xf32, #tpu.memory_space<vmem_shared>> -> memref<640x128xf32, #tpu.memory_space<vmem_shared>>
      %dma_start3A_42 = arith.constant 0 : i32
      %dma_start3A_43 = tpu.memref_slice %arg8[%mul3A_2, %dma_start3A_42] : memref<10240x128xf32, #tpu.memory_space<hbm>> -> memref<640x128xf32, #tpu.memory_space<hbm>>
      tpu.enqueue_dma source(%dma_start3A_43 : memref<640x128xf32, #tpu.memory_space<hbm>>) target(%dma_start3A_41 : memref<640x128xf32, #tpu.memory_space<vmem_shared>>) target_semaphore(%run_scoped3A_40 : memref<!tpu.dma_semaphore, #tpu.memory_space<semaphore_mem>>)
      %dma_wait3A = arith.constant 0 : i32
      %dma_wait3A_44 = tpu.memref_slice %arg10[%mul3A_2, %dma_wait3A] : memref<10240x128xf32, #tpu.memory_space<vmem_shared>> -> memref<640x128xf32, #tpu.memory_space<vmem_shared>>
      %dma_wait3A_45 = arith.constant 0 : i32
      %dma_wait3A_46 = tpu.memref_slice %arg8[%mul3A_2, %dma_wait3A_45] : memref<10240x128xf32, #tpu.memory_space<hbm>> -> memref<640x128xf32, #tpu.memory_space<hbm>>
      tpu.wait_dma2 semaphore(%run_scoped3A_40 : memref<!tpu.dma_semaphore, #tpu.memory_space<semaphore_mem>>) src(%dma_wait3A_46 : memref<640x128xf32, #tpu.memory_space<hbm>>) dst(%dma_wait3A_44 : memref<640x128xf32, #tpu.memory_space<vmem_shared>>)
      tpu.yield
    }) : () -> ()
    %barrier3A_20 = arith.constant 0 : index
    tpu.barrier barrier_id(%barrier3A_20)
    %scan3A_21 = arith.constant 0 : i32
    %scan3A_22 = arith.constant 0 : i32
    %scan3A_23 = arith.constant 79 : i32
    %scan3A_24 = arith.addi %scan3A_22, %scan3A_23 : i32
    %scan3A_25 = arith.constant 1 : i32
    scf.for %scan3A_40 = %scan3A_22 to %scan3A_24 step %scan3A_25  : i32 {
      "tpu.region"() ({
        %run_scoped3A_69 = tpu.sem_alloc : memref<!tpu.dma_semaphore, #tpu.memory_space<semaphore_mem>>
        %dma_start3A_70 = arith.constant 0 : i32
        %dma_start3A_71 = arith.constant 0 : i32
        %dma_start3A_72 = tpu.memref_slice %arg7[%add3A, %scan3A_40, %dma_start3A_70, %dma_start3A_71] : memref<32x79x4x64xi32, #tpu.memory_space<hbm>> -> memref<1x1x4x64xi32, #tpu.memory_space<hbm>>
        %dma_start3A_73 = tpu.memref_squeeze %dma_start3A_72 : memref<1x1x4x64xi32, #tpu.memory_space<hbm>> -> memref<4x64xi32, #tpu.memory_space<hbm>>
        %dma_start3A_74 = arith.constant 0 : i32
        %dma_start3A_75 = arith.constant 0 : i32
        %dma_start3A_76 = tpu.memref_slice %arg7[%add3A, %scan3A_40, %dma_start3A_74, %dma_start3A_75] : memref<32x79x4x64xi32, #tpu.memory_space<hbm>> -> memref<1x1x4x64xi32, #tpu.memory_space<hbm>>
        %dma_start3A_77 = tpu.memref_squeeze %dma_start3A_76 : memref<1x1x4x64xi32, #tpu.memory_space<hbm>> -> memref<4x64xi32, #tpu.memory_space<hbm>>
        tpu.enqueue_dma source(%dma_start3A_77 : memref<4x64xi32, #tpu.memory_space<hbm>>) target(%arg11 : memref<4x64xi32, #tpu.memory_space<vmem>>) target_semaphore(%run_scoped3A_69 : memref<!tpu.dma_semaphore, #tpu.memory_space<semaphore_mem>>)
        %dma_wait3A_78 = arith.constant 0 : i32
        %dma_wait3A_79 = arith.constant 0 : i32
        %dma_wait3A_80 = tpu.memref_slice %arg7[%add3A, %scan3A_40, %dma_wait3A_78, %dma_wait3A_79] : memref<32x79x4x64xi32, #tpu.memory_space<hbm>> -> memref<1x1x4x64xi32, #tpu.memory_space<hbm>>
        %dma_wait3A_81 = tpu.memref_squeeze %dma_wait3A_80 : memref<1x1x4x64xi32, #tpu.memory_space<hbm>> -> memref<4x64xi32, #tpu.memory_space<hbm>>
        %dma_wait3A_82 = arith.constant 0 : i32
        %dma_wait3A_83 = arith.constant 0 : i32
        %dma_wait3A_84 = tpu.memref_slice %arg7[%add3A, %scan3A_40, %dma_wait3A_82, %dma_wait3A_83] : memref<32x79x4x64xi32, #tpu.memory_space<hbm>> -> memref<1x1x4x64xi32, #tpu.memory_space<hbm>>
        %dma_wait3A_85 = tpu.memref_squeeze %dma_wait3A_84 : memref<1x1x4x64xi32, #tpu.memory_space<hbm>> -> memref<4x64xi32, #tpu.memory_space<hbm>>
        tpu.wait_dma2 semaphore(%run_scoped3A_69 : memref<!tpu.dma_semaphore, #tpu.memory_space<semaphore_mem>>) src(%dma_wait3A_85 : memref<4x64xi32, #tpu.memory_space<hbm>>) dst(%arg11 : memref<4x64xi32, #tpu.memory_space<vmem>>)
        tpu.yield
      }) : () -> ()
      %dma_start3A = arith.constant 0 : i32
      %dma_start3A_41 = arith.constant 0 : i32
      %dma_start3A_42 = tpu.memref_slice %arg11[%dma_start3A, %dma_start3A_41] : memref<4x64xi32, #tpu.memory_space<vmem>> -> memref<1x64xi32, #tpu.memory_space<vmem>>
      %dma_start3A_43 = tpu.memref_squeeze %dma_start3A_42 : memref<1x64xi32, #tpu.memory_space<vmem>> -> memref<64xi32, #tpu.memory_space<vmem>>
      %dma_start3A_44 = arith.constant 0 : i32
      %dma_start3A_45 = arith.constant 0 : i32
      %dma_start3A_46 = tpu.memref_slice %arg4[%dma_start3A_44, %dma_start3A_45] : memref<10240x128xf32, #tpu.memory_space<hbm>> -> memref<10240x128xf32, #tpu.memory_space<hbm>>
      tpu.enqueue_indirect_dma source(%dma_start3A_46 : memref<10240x128xf32, #tpu.memory_space<hbm>>) target(%arg12 : memref<64x128xf32, #tpu.memory_space<vmem>>) offsets(%dma_start3A_43 : memref<64xi32, #tpu.memory_space<vmem>>) semaphore(%arg14 : memref<!tpu.dma_semaphore, #tpu.memory_space<semaphore_mem>>)
      %dma_start3A_47 = arith.constant 1 : i32
      %dma_start3A_48 = arith.constant 0 : i32
      %dma_start3A_49 = tpu.memref_slice %arg11[%dma_start3A_47, %dma_start3A_48] : memref<4x64xi32, #tpu.memory_space<vmem>> -> memref<1x64xi32, #tpu.memory_space<vmem>>
      %dma_start3A_50 = tpu.memref_squeeze %dma_start3A_49 : memref<1x64xi32, #tpu.memory_space<vmem>> -> memref<64xi32, #tpu.memory_space<vmem>>
      %dma_start3A_51 = arith.constant 0 : i32
      %dma_start3A_52 = arith.constant 0 : i32
      %dma_start3A_53 = tpu.memref_slice %arg4[%dma_start3A_51, %dma_start3A_52] : memref<10240x128xf32, #tpu.memory_space<hbm>> -> memref<10240x128xf32, #tpu.memory_space<hbm>>
      tpu.enqueue_indirect_dma source(%dma_start3A_53 : memref<10240x128xf32, #tpu.memory_space<hbm>>) target(%arg13 : memref<64x128xf32, #tpu.memory_space<vmem>>) offsets(%dma_start3A_50 : memref<64xi32, #tpu.memory_space<vmem>>) semaphore(%arg15 : memref<!tpu.dma_semaphore, #tpu.memory_space<semaphore_mem>>)
      %dma_wait3A = arith.constant 0 : i32
      %dma_wait3A_54 = arith.constant 0 : i32
      %dma_wait3A_55 = tpu.memref_slice %arg11[%dma_wait3A, %dma_wait3A_54] : memref<4x64xi32, #tpu.memory_space<vmem>> -> memref<1x64xi32, #tpu.memory_space<vmem>>
      %dma_wait3A_56 = tpu.memref_squeeze %dma_wait3A_55 : memref<1x64xi32, #tpu.memory_space<vmem>> -> memref<64xi32, #tpu.memory_space<vmem>>
      %dma_wait3A_57 = arith.constant 0 : i32
      %dma_wait3A_58 = arith.constant 0 : i32
      %dma_wait3A_59 = tpu.memref_slice %arg4[%dma_wait3A_57, %dma_wait3A_58] : memref<10240x128xf32, #tpu.memory_space<hbm>> -> memref<10240x128xf32, #tpu.memory_space<hbm>>
      tpu.wait_indirect_dma semaphore(%arg14 : memref<!tpu.dma_semaphore, #tpu.memory_space<semaphore_mem>>) src(%dma_wait3A_59 : memref<10240x128xf32, #tpu.memory_space<hbm>>) dst(%arg12 : memref<64x128xf32, #tpu.memory_space<vmem>>)
      %run_scoped3A_60 = arith.constant 2 : i32
      "tpu.region"() ({
        %run_scoped3A_69 = tpu.sem_alloc : memref<!tpu.dma_semaphore, #tpu.memory_space<semaphore_mem>>
        %dma_start3A_70 = arith.constant 0 : i32
        %dma_start3A_71 = tpu.memref_slice %arg11[%run_scoped3A_60, %dma_start3A_70] : memref<4x64xi32, #tpu.memory_space<vmem>> -> memref<1x64xi32, #tpu.memory_space<vmem>>
        %dma_start3A_72 = tpu.memref_squeeze %dma_start3A_71 : memref<1x64xi32, #tpu.memory_space<vmem>> -> memref<64xi32, #tpu.memory_space<vmem>>
        %dma_start3A_73 = arith.constant 0 : i32
        %dma_start3A_74 = arith.constant 0 : i32
        %dma_start3A_75 = tpu.memref_slice %arg10[%dma_start3A_73, %dma_start3A_74] : memref<10240x128xf32, #tpu.memory_space<vmem_shared>> -> memref<10240x128xf32, #tpu.memory_space<vmem_shared>>
        tpu.enqueue_indirect_dma source(%arg12 : memref<64x128xf32, #tpu.memory_space<vmem>>) target(%dma_start3A_75 : memref<10240x128xf32, #tpu.memory_space<vmem_shared>>) offsets(%dma_start3A_72 : memref<64xi32, #tpu.memory_space<vmem>>) semaphore(%run_scoped3A_69 : memref<!tpu.dma_semaphore, #tpu.memory_space<semaphore_mem>>) {add = true}
        %dma_wait3A_76 = arith.constant 0 : i32
        %dma_wait3A_77 = tpu.memref_slice %arg11[%run_scoped3A_60, %dma_wait3A_76] : memref<4x64xi32, #tpu.memory_space<vmem>> -> memref<1x64xi32, #tpu.memory_space<vmem>>
        %dma_wait3A_78 = tpu.memref_squeeze %dma_wait3A_77 : memref<1x64xi32, #tpu.memory_space<vmem>> -> memref<64xi32, #tpu.memory_space<vmem>>
        %dma_wait3A_79 = arith.constant 0 : i32
        %dma_wait3A_80 = arith.constant 0 : i32
        %dma_wait3A_81 = tpu.memref_slice %arg10[%dma_wait3A_79, %dma_wait3A_80] : memref<10240x128xf32, #tpu.memory_space<vmem_shared>> -> memref<10240x128xf32, #tpu.memory_space<vmem_shared>>
        tpu.wait_indirect_dma semaphore(%run_scoped3A_69 : memref<!tpu.dma_semaphore, #tpu.memory_space<semaphore_mem>>) src(%arg12 : memref<64x128xf32, #tpu.memory_space<vmem>>) dst(%dma_wait3A_81 : memref<10240x128xf32, #tpu.memory_space<vmem_shared>>)
        tpu.yield
      }) : () -> ()
      %dma_wait3A_61 = arith.constant 1 : i32
      %dma_wait3A_62 = arith.constant 0 : i32
      %dma_wait3A_63 = tpu.memref_slice %arg11[%dma_wait3A_61, %dma_wait3A_62] : memref<4x64xi32, #tpu.memory_space<vmem>> -> memref<1x64xi32, #tpu.memory_space<vmem>>
      %dma_wait3A_64 = tpu.memref_squeeze %dma_wait3A_63 : memref<1x64xi32, #tpu.memory_space<vmem>> -> memref<64xi32, #tpu.memory_space<vmem>>
      %dma_wait3A_65 = arith.constant 0 : i32
      %dma_wait3A_66 = arith.constant 0 : i32
      %dma_wait3A_67 = tpu.memref_slice %arg4[%dma_wait3A_65, %dma_wait3A_66] : memref<10240x128xf32, #tpu.memory_space<hbm>> -> memref<10240x128xf32, #tpu.memory_space<hbm>>
      tpu.wait_indirect_dma semaphore(%arg15 : memref<!tpu.dma_semaphore, #tpu.memory_space<semaphore_mem>>) src(%dma_wait3A_67 : memref<10240x128xf32, #tpu.memory_space<hbm>>) dst(%arg13 : memref<64x128xf32, #tpu.memory_space<vmem>>)
      %run_scoped3A_68 = arith.constant 3 : i32
      "tpu.region"() ({
        %run_scoped3A_69 = tpu.sem_alloc : memref<!tpu.dma_semaphore, #tpu.memory_space<semaphore_mem>>
        %dma_start3A_70 = arith.constant 0 : i32
        %dma_start3A_71 = tpu.memref_slice %arg11[%run_scoped3A_68, %dma_start3A_70] : memref<4x64xi32, #tpu.memory_space<vmem>> -> memref<1x64xi32, #tpu.memory_space<vmem>>
        %dma_start3A_72 = tpu.memref_squeeze %dma_start3A_71 : memref<1x64xi32, #tpu.memory_space<vmem>> -> memref<64xi32, #tpu.memory_space<vmem>>
        %dma_start3A_73 = arith.constant 0 : i32
        %dma_start3A_74 = arith.constant 0 : i32
        %dma_start3A_75 = tpu.memref_slice %arg10[%dma_start3A_73, %dma_start3A_74] : memref<10240x128xf32, #tpu.memory_space<vmem_shared>> -> memref<10240x128xf32, #tpu.memory_space<vmem_shared>>
        tpu.enqueue_indirect_dma source(%arg13 : memref<64x128xf32, #tpu.memory_space<vmem>>) target(%dma_start3A_75 : memref<10240x128xf32, #tpu.memory_space<vmem_shared>>) offsets(%dma_start3A_72 : memref<64xi32, #tpu.memory_space<vmem>>) semaphore(%run_scoped3A_69 : memref<!tpu.dma_semaphore, #tpu.memory_space<semaphore_mem>>) {add = true}
        %dma_wait3A_76 = arith.constant 0 : i32
        %dma_wait3A_77 = tpu.memref_slice %arg11[%run_scoped3A_68, %dma_wait3A_76] : memref<4x64xi32, #tpu.memory_space<vmem>> -> memref<1x64xi32, #tpu.memory_space<vmem>>
        %dma_wait3A_78 = tpu.memref_squeeze %dma_wait3A_77 : memref<1x64xi32, #tpu.memory_space<vmem>> -> memref<64xi32, #tpu.memory_space<vmem>>
        %dma_wait3A_79 = arith.constant 0 : i32
        %dma_wait3A_80 = arith.constant 0 : i32
        %dma_wait3A_81 = tpu.memref_slice %arg10[%dma_wait3A_79, %dma_wait3A_80] : memref<10240x128xf32, #tpu.memory_space<vmem_shared>> -> memref<10240x128xf32, #tpu.memory_space<vmem_shared>>
        tpu.wait_indirect_dma semaphore(%run_scoped3A_69 : memref<!tpu.dma_semaphore, #tpu.memory_space<semaphore_mem>>) src(%arg13 : memref<64x128xf32, #tpu.memory_space<vmem>>) dst(%dma_wait3A_81 : memref<10240x128xf32, #tpu.memory_space<vmem_shared>>)
        tpu.yield
      }) : () -> ()
    }
    %scan3A_26 = arith.constant 79 : i32
    %barrier3A_27 = arith.constant 0 : index
    tpu.barrier barrier_id(%barrier3A_27)
    %run_scoped3A_28 = arith.constant 2 : i32
    "tpu.region"() ({
      %run_scoped3A_40 = tpu.sem_alloc : memref<!tpu.dma_semaphore, #tpu.memory_space<semaphore_mem>>
      %dma_start3A = arith.constant 0 : i32
      %dma_start3A_41 = tpu.memref_slice %arg9[%run_scoped3A_28, %arg0, %mul3A_2, %dma_start3A] : memref<4x2x10240x128xf32, #tpu.memory_space<hbm>> -> memref<1x1x640x128xf32, #tpu.memory_space<hbm>>
      %dma_start3A_42 = tpu.memref_squeeze %dma_start3A_41 : memref<1x1x640x128xf32, #tpu.memory_space<hbm>> -> memref<640x128xf32, #tpu.memory_space<hbm>>
      %dma_start3A_43 = arith.constant 0 : i32
      %dma_start3A_44 = tpu.memref_slice %arg10[%mul3A_2, %dma_start3A_43] : memref<10240x128xf32, #tpu.memory_space<vmem_shared>> -> memref<640x128xf32, #tpu.memory_space<vmem_shared>>
      tpu.enqueue_dma source(%dma_start3A_44 : memref<640x128xf32, #tpu.memory_space<vmem_shared>>) target(%dma_start3A_42 : memref<640x128xf32, #tpu.memory_space<hbm>>) target_semaphore(%run_scoped3A_40 : memref<!tpu.dma_semaphore, #tpu.memory_space<semaphore_mem>>)
      %dma_wait3A = arith.constant 0 : i32
      %dma_wait3A_45 = tpu.memref_slice %arg9[%run_scoped3A_28, %arg0, %mul3A_2, %dma_wait3A] : memref<4x2x10240x128xf32, #tpu.memory_space<hbm>> -> memref<1x1x640x128xf32, #tpu.memory_space<hbm>>
      %dma_wait3A_46 = tpu.memref_squeeze %dma_wait3A_45 : memref<1x1x640x128xf32, #tpu.memory_space<hbm>> -> memref<640x128xf32, #tpu.memory_space<hbm>>
      %dma_wait3A_47 = arith.constant 0 : i32
      %dma_wait3A_48 = tpu.memref_slice %arg10[%mul3A_2, %dma_wait3A_47] : memref<10240x128xf32, #tpu.memory_space<vmem_shared>> -> memref<640x128xf32, #tpu.memory_space<vmem_shared>>
      tpu.wait_dma2 semaphore(%run_scoped3A_40 : memref<!tpu.dma_semaphore, #tpu.memory_space<semaphore_mem>>) src(%dma_wait3A_48 : memref<640x128xf32, #tpu.memory_space<vmem_shared>>) dst(%dma_wait3A_46 : memref<640x128xf32, #tpu.memory_space<hbm>>)
      tpu.yield
    }) : () -> ()
    %barrier3A_29 = arith.constant 0 : index
    tpu.barrier barrier_id(%barrier3A_29)
    "tpu.region"() ({
      %run_scoped3A_40 = tpu.sem_alloc : memref<!tpu.dma_semaphore, #tpu.memory_space<semaphore_mem>>
      %dma_start3A = arith.constant 0 : i32
      %dma_start3A_41 = tpu.memref_slice %arg10[%mul3A_2, %dma_start3A] : memref<10240x128xf32, #tpu.memory_space<vmem_shared>> -> memref<640x128xf32, #tpu.memory_space<vmem_shared>>
      %dma_start3A_42 = arith.constant 0 : i32
      %dma_start3A_43 = tpu.memref_slice %arg8[%mul3A_2, %dma_start3A_42] : memref<10240x128xf32, #tpu.memory_space<hbm>> -> memref<640x128xf32, #tpu.memory_space<hbm>>
      tpu.enqueue_dma source(%dma_start3A_43 : memref<640x128xf32, #tpu.memory_space<hbm>>) target(%dma_start3A_41 : memref<640x128xf32, #tpu.memory_space<vmem_shared>>) target_semaphore(%run_scoped3A_40 : memref<!tpu.dma_semaphore, #tpu.memory_space<semaphore_mem>>)
      %dma_wait3A = arith.constant 0 : i32
      %dma_wait3A_44 = tpu.memref_slice %arg10[%mul3A_2, %dma_wait3A] : memref<10240x128xf32, #tpu.memory_space<vmem_shared>> -> memref<640x128xf32, #tpu.memory_space<vmem_shared>>
      %dma_wait3A_45 = arith.constant 0 : i32
      %dma_wait3A_46 = tpu.memref_slice %arg8[%mul3A_2, %dma_wait3A_45] : memref<10240x128xf32, #tpu.memory_space<hbm>> -> memref<640x128xf32, #tpu.memory_space<hbm>>
      tpu.wait_dma2 semaphore(%run_scoped3A_40 : memref<!tpu.dma_semaphore, #tpu.memory_space<semaphore_mem>>) src(%dma_wait3A_46 : memref<640x128xf32, #tpu.memory_space<hbm>>) dst(%dma_wait3A_44 : memref<640x128xf32, #tpu.memory_space<vmem_shared>>)
      tpu.yield
    }) : () -> ()
    %barrier3A_30 = arith.constant 0 : index
    tpu.barrier barrier_id(%barrier3A_30)
    %scan3A_31 = arith.constant 0 : i32
    %scan3A_32 = arith.constant 0 : i32
    %scan3A_33 = arith.constant 79 : i32
    %scan3A_34 = arith.addi %scan3A_32, %scan3A_33 : i32
    %scan3A_35 = arith.constant 1 : i32
    scf.for %scan3A_40 = %scan3A_32 to %scan3A_34 step %scan3A_35  : i32 {
      "tpu.region"() ({
        %run_scoped3A_69 = tpu.sem_alloc : memref<!tpu.dma_semaphore, #tpu.memory_space<semaphore_mem>>
        %dma_start3A_70 = arith.constant 0 : i32
        %dma_start3A_71 = arith.constant 0 : i32
        %dma_start3A_72 = tpu.memref_slice %arg7[%add3A, %scan3A_40, %dma_start3A_70, %dma_start3A_71] : memref<32x79x4x64xi32, #tpu.memory_space<hbm>> -> memref<1x1x4x64xi32, #tpu.memory_space<hbm>>
        %dma_start3A_73 = tpu.memref_squeeze %dma_start3A_72 : memref<1x1x4x64xi32, #tpu.memory_space<hbm>> -> memref<4x64xi32, #tpu.memory_space<hbm>>
        %dma_start3A_74 = arith.constant 0 : i32
        %dma_start3A_75 = arith.constant 0 : i32
        %dma_start3A_76 = tpu.memref_slice %arg7[%add3A, %scan3A_40, %dma_start3A_74, %dma_start3A_75] : memref<32x79x4x64xi32, #tpu.memory_space<hbm>> -> memref<1x1x4x64xi32, #tpu.memory_space<hbm>>
        %dma_start3A_77 = tpu.memref_squeeze %dma_start3A_76 : memref<1x1x4x64xi32, #tpu.memory_space<hbm>> -> memref<4x64xi32, #tpu.memory_space<hbm>>
        tpu.enqueue_dma source(%dma_start3A_77 : memref<4x64xi32, #tpu.memory_space<hbm>>) target(%arg11 : memref<4x64xi32, #tpu.memory_space<vmem>>) target_semaphore(%run_scoped3A_69 : memref<!tpu.dma_semaphore, #tpu.memory_space<semaphore_mem>>)
        %dma_wait3A_78 = arith.constant 0 : i32
        %dma_wait3A_79 = arith.constant 0 : i32
        %dma_wait3A_80 = tpu.memref_slice %arg7[%add3A, %scan3A_40, %dma_wait3A_78, %dma_wait3A_79] : memref<32x79x4x64xi32, #tpu.memory_space<hbm>> -> memref<1x1x4x64xi32, #tpu.memory_space<hbm>>
        %dma_wait3A_81 = tpu.memref_squeeze %dma_wait3A_80 : memref<1x1x4x64xi32, #tpu.memory_space<hbm>> -> memref<4x64xi32, #tpu.memory_space<hbm>>
        %dma_wait3A_82 = arith.constant 0 : i32
        %dma_wait3A_83 = arith.constant 0 : i32
        %dma_wait3A_84 = tpu.memref_slice %arg7[%add3A, %scan3A_40, %dma_wait3A_82, %dma_wait3A_83] : memref<32x79x4x64xi32, #tpu.memory_space<hbm>> -> memref<1x1x4x64xi32, #tpu.memory_space<hbm>>
        %dma_wait3A_85 = tpu.memref_squeeze %dma_wait3A_84 : memref<1x1x4x64xi32, #tpu.memory_space<hbm>> -> memref<4x64xi32, #tpu.memory_space<hbm>>
        tpu.wait_dma2 semaphore(%run_scoped3A_69 : memref<!tpu.dma_semaphore, #tpu.memory_space<semaphore_mem>>) src(%dma_wait3A_85 : memref<4x64xi32, #tpu.memory_space<hbm>>) dst(%arg11 : memref<4x64xi32, #tpu.memory_space<vmem>>)
        tpu.yield
      }) : () -> ()
      %dma_start3A = arith.constant 0 : i32
      %dma_start3A_41 = arith.constant 0 : i32
      %dma_start3A_42 = tpu.memref_slice %arg11[%dma_start3A, %dma_start3A_41] : memref<4x64xi32, #tpu.memory_space<vmem>> -> memref<1x64xi32, #tpu.memory_space<vmem>>
      %dma_start3A_43 = tpu.memref_squeeze %dma_start3A_42 : memref<1x64xi32, #tpu.memory_space<vmem>> -> memref<64xi32, #tpu.memory_space<vmem>>
      %dma_start3A_44 = arith.constant 0 : i32
      %dma_start3A_45 = arith.constant 0 : i32
      %dma_start3A_46 = tpu.memref_slice %arg5[%dma_start3A_44, %dma_start3A_45] : memref<10240x128xf32, #tpu.memory_space<hbm>> -> memref<10240x128xf32, #tpu.memory_space<hbm>>
      tpu.enqueue_indirect_dma source(%dma_start3A_46 : memref<10240x128xf32, #tpu.memory_space<hbm>>) target(%arg12 : memref<64x128xf32, #tpu.memory_space<vmem>>) offsets(%dma_start3A_43 : memref<64xi32, #tpu.memory_space<vmem>>) semaphore(%arg14 : memref<!tpu.dma_semaphore, #tpu.memory_space<semaphore_mem>>)
      %dma_start3A_47 = arith.constant 1 : i32
      %dma_start3A_48 = arith.constant 0 : i32
      %dma_start3A_49 = tpu.memref_slice %arg11[%dma_start3A_47, %dma_start3A_48] : memref<4x64xi32, #tpu.memory_space<vmem>> -> memref<1x64xi32, #tpu.memory_space<vmem>>
      %dma_start3A_50 = tpu.memref_squeeze %dma_start3A_49 : memref<1x64xi32, #tpu.memory_space<vmem>> -> memref<64xi32, #tpu.memory_space<vmem>>
      %dma_start3A_51 = arith.constant 0 : i32
      %dma_start3A_52 = arith.constant 0 : i32
      %dma_start3A_53 = tpu.memref_slice %arg5[%dma_start3A_51, %dma_start3A_52] : memref<10240x128xf32, #tpu.memory_space<hbm>> -> memref<10240x128xf32, #tpu.memory_space<hbm>>
      tpu.enqueue_indirect_dma source(%dma_start3A_53 : memref<10240x128xf32, #tpu.memory_space<hbm>>) target(%arg13 : memref<64x128xf32, #tpu.memory_space<vmem>>) offsets(%dma_start3A_50 : memref<64xi32, #tpu.memory_space<vmem>>) semaphore(%arg15 : memref<!tpu.dma_semaphore, #tpu.memory_space<semaphore_mem>>)
      %dma_wait3A = arith.constant 0 : i32
      %dma_wait3A_54 = arith.constant 0 : i32
      %dma_wait3A_55 = tpu.memref_slice %arg11[%dma_wait3A, %dma_wait3A_54] : memref<4x64xi32, #tpu.memory_space<vmem>> -> memref<1x64xi32, #tpu.memory_space<vmem>>
      %dma_wait3A_56 = tpu.memref_squeeze %dma_wait3A_55 : memref<1x64xi32, #tpu.memory_space<vmem>> -> memref<64xi32, #tpu.memory_space<vmem>>
      %dma_wait3A_57 = arith.constant 0 : i32
      %dma_wait3A_58 = arith.constant 0 : i32
      %dma_wait3A_59 = tpu.memref_slice %arg5[%dma_wait3A_57, %dma_wait3A_58] : memref<10240x128xf32, #tpu.memory_space<hbm>> -> memref<10240x128xf32, #tpu.memory_space<hbm>>
      tpu.wait_indirect_dma semaphore(%arg14 : memref<!tpu.dma_semaphore, #tpu.memory_space<semaphore_mem>>) src(%dma_wait3A_59 : memref<10240x128xf32, #tpu.memory_space<hbm>>) dst(%arg12 : memref<64x128xf32, #tpu.memory_space<vmem>>)
      %run_scoped3A_60 = arith.constant 2 : i32
      "tpu.region"() ({
        %run_scoped3A_69 = tpu.sem_alloc : memref<!tpu.dma_semaphore, #tpu.memory_space<semaphore_mem>>
        %dma_start3A_70 = arith.constant 0 : i32
        %dma_start3A_71 = tpu.memref_slice %arg11[%run_scoped3A_60, %dma_start3A_70] : memref<4x64xi32, #tpu.memory_space<vmem>> -> memref<1x64xi32, #tpu.memory_space<vmem>>
        %dma_start3A_72 = tpu.memref_squeeze %dma_start3A_71 : memref<1x64xi32, #tpu.memory_space<vmem>> -> memref<64xi32, #tpu.memory_space<vmem>>
        %dma_start3A_73 = arith.constant 0 : i32
        %dma_start3A_74 = arith.constant 0 : i32
        %dma_start3A_75 = tpu.memref_slice %arg10[%dma_start3A_73, %dma_start3A_74] : memref<10240x128xf32, #tpu.memory_space<vmem_shared>> -> memref<10240x128xf32, #tpu.memory_space<vmem_shared>>
        tpu.enqueue_indirect_dma source(%arg12 : memref<64x128xf32, #tpu.memory_space<vmem>>) target(%dma_start3A_75 : memref<10240x128xf32, #tpu.memory_space<vmem_shared>>) offsets(%dma_start3A_72 : memref<64xi32, #tpu.memory_space<vmem>>) semaphore(%run_scoped3A_69 : memref<!tpu.dma_semaphore, #tpu.memory_space<semaphore_mem>>) {add = true}
        %dma_wait3A_76 = arith.constant 0 : i32
        %dma_wait3A_77 = tpu.memref_slice %arg11[%run_scoped3A_60, %dma_wait3A_76] : memref<4x64xi32, #tpu.memory_space<vmem>> -> memref<1x64xi32, #tpu.memory_space<vmem>>
        %dma_wait3A_78 = tpu.memref_squeeze %dma_wait3A_77 : memref<1x64xi32, #tpu.memory_space<vmem>> -> memref<64xi32, #tpu.memory_space<vmem>>
        %dma_wait3A_79 = arith.constant 0 : i32
        %dma_wait3A_80 = arith.constant 0 : i32
        %dma_wait3A_81 = tpu.memref_slice %arg10[%dma_wait3A_79, %dma_wait3A_80] : memref<10240x128xf32, #tpu.memory_space<vmem_shared>> -> memref<10240x128xf32, #tpu.memory_space<vmem_shared>>
        tpu.wait_indirect_dma semaphore(%run_scoped3A_69 : memref<!tpu.dma_semaphore, #tpu.memory_space<semaphore_mem>>) src(%arg12 : memref<64x128xf32, #tpu.memory_space<vmem>>) dst(%dma_wait3A_81 : memref<10240x128xf32, #tpu.memory_space<vmem_shared>>)
        tpu.yield
      }) : () -> ()
      %dma_wait3A_61 = arith.constant 1 : i32
      %dma_wait3A_62 = arith.constant 0 : i32
      %dma_wait3A_63 = tpu.memref_slice %arg11[%dma_wait3A_61, %dma_wait3A_62] : memref<4x64xi32, #tpu.memory_space<vmem>> -> memref<1x64xi32, #tpu.memory_space<vmem>>
      %dma_wait3A_64 = tpu.memref_squeeze %dma_wait3A_63 : memref<1x64xi32, #tpu.memory_space<vmem>> -> memref<64xi32, #tpu.memory_space<vmem>>
      %dma_wait3A_65 = arith.constant 0 : i32
      %dma_wait3A_66 = arith.constant 0 : i32
      %dma_wait3A_67 = tpu.memref_slice %arg5[%dma_wait3A_65, %dma_wait3A_66] : memref<10240x128xf32, #tpu.memory_space<hbm>> -> memref<10240x128xf32, #tpu.memory_space<hbm>>
      tpu.wait_indirect_dma semaphore(%arg15 : memref<!tpu.dma_semaphore, #tpu.memory_space<semaphore_mem>>) src(%dma_wait3A_67 : memref<10240x128xf32, #tpu.memory_space<hbm>>) dst(%arg13 : memref<64x128xf32, #tpu.memory_space<vmem>>)
      %run_scoped3A_68 = arith.constant 3 : i32
      "tpu.region"() ({
        %run_scoped3A_69 = tpu.sem_alloc : memref<!tpu.dma_semaphore, #tpu.memory_space<semaphore_mem>>
        %dma_start3A_70 = arith.constant 0 : i32
        %dma_start3A_71 = tpu.memref_slice %arg11[%run_scoped3A_68, %dma_start3A_70] : memref<4x64xi32, #tpu.memory_space<vmem>> -> memref<1x64xi32, #tpu.memory_space<vmem>>
        %dma_start3A_72 = tpu.memref_squeeze %dma_start3A_71 : memref<1x64xi32, #tpu.memory_space<vmem>> -> memref<64xi32, #tpu.memory_space<vmem>>
        %dma_start3A_73 = arith.constant 0 : i32
        %dma_start3A_74 = arith.constant 0 : i32
        %dma_start3A_75 = tpu.memref_slice %arg10[%dma_start3A_73, %dma_start3A_74] : memref<10240x128xf32, #tpu.memory_space<vmem_shared>> -> memref<10240x128xf32, #tpu.memory_space<vmem_shared>>
        tpu.enqueue_indirect_dma source(%arg13 : memref<64x128xf32, #tpu.memory_space<vmem>>) target(%dma_start3A_75 : memref<10240x128xf32, #tpu.memory_space<vmem_shared>>) offsets(%dma_start3A_72 : memref<64xi32, #tpu.memory_space<vmem>>) semaphore(%run_scoped3A_69 : memref<!tpu.dma_semaphore, #tpu.memory_space<semaphore_mem>>) {add = true}
        %dma_wait3A_76 = arith.constant 0 : i32
        %dma_wait3A_77 = tpu.memref_slice %arg11[%run_scoped3A_68, %dma_wait3A_76] : memref<4x64xi32, #tpu.memory_space<vmem>> -> memref<1x64xi32, #tpu.memory_space<vmem>>
        %dma_wait3A_78 = tpu.memref_squeeze %dma_wait3A_77 : memref<1x64xi32, #tpu.memory_space<vmem>> -> memref<64xi32, #tpu.memory_space<vmem>>
        %dma_wait3A_79 = arith.constant 0 : i32
        %dma_wait3A_80 = arith.constant 0 : i32
        %dma_wait3A_81 = tpu.memref_slice %arg10[%dma_wait3A_79, %dma_wait3A_80] : memref<10240x128xf32, #tpu.memory_space<vmem_shared>> -> memref<10240x128xf32, #tpu.memory_space<vmem_shared>>
        tpu.wait_indirect_dma semaphore(%run_scoped3A_69 : memref<!tpu.dma_semaphore, #tpu.memory_space<semaphore_mem>>) src(%arg13 : memref<64x128xf32, #tpu.memory_space<vmem>>) dst(%dma_wait3A_81 : memref<10240x128xf32, #tpu.memory_space<vmem_shared>>)
        tpu.yield
      }) : () -> ()
    }
    %scan3A_36 = arith.constant 79 : i32
    %barrier3A_37 = arith.constant 0 : index
    tpu.barrier barrier_id(%barrier3A_37)
    %run_scoped3A_38 = arith.constant 3 : i32
    "tpu.region"() ({
      %run_scoped3A_40 = tpu.sem_alloc : memref<!tpu.dma_semaphore, #tpu.memory_space<semaphore_mem>>
      %dma_start3A = arith.constant 0 : i32
      %dma_start3A_41 = tpu.memref_slice %arg9[%run_scoped3A_38, %arg0, %mul3A_2, %dma_start3A] : memref<4x2x10240x128xf32, #tpu.memory_space<hbm>> -> memref<1x1x640x128xf32, #tpu.memory_space<hbm>>
      %dma_start3A_42 = tpu.memref_squeeze %dma_start3A_41 : memref<1x1x640x128xf32, #tpu.memory_space<hbm>> -> memref<640x128xf32, #tpu.memory_space<hbm>>
      %dma_start3A_43 = arith.constant 0 : i32
      %dma_start3A_44 = tpu.memref_slice %arg10[%mul3A_2, %dma_start3A_43] : memref<10240x128xf32, #tpu.memory_space<vmem_shared>> -> memref<640x128xf32, #tpu.memory_space<vmem_shared>>
      tpu.enqueue_dma source(%dma_start3A_44 : memref<640x128xf32, #tpu.memory_space<vmem_shared>>) target(%dma_start3A_42 : memref<640x128xf32, #tpu.memory_space<hbm>>) target_semaphore(%run_scoped3A_40 : memref<!tpu.dma_semaphore, #tpu.memory_space<semaphore_mem>>)
      %dma_wait3A = arith.constant 0 : i32
      %dma_wait3A_45 = tpu.memref_slice %arg9[%run_scoped3A_38, %arg0, %mul3A_2, %dma_wait3A] : memref<4x2x10240x128xf32, #tpu.memory_space<hbm>> -> memref<1x1x640x128xf32, #tpu.memory_space<hbm>>
      %dma_wait3A_46 = tpu.memref_squeeze %dma_wait3A_45 : memref<1x1x640x128xf32, #tpu.memory_space<hbm>> -> memref<640x128xf32, #tpu.memory_space<hbm>>
      %dma_wait3A_47 = arith.constant 0 : i32
      %dma_wait3A_48 = tpu.memref_slice %arg10[%mul3A_2, %dma_wait3A_47] : memref<10240x128xf32, #tpu.memory_space<vmem_shared>> -> memref<640x128xf32, #tpu.memory_space<vmem_shared>>
      tpu.wait_dma2 semaphore(%run_scoped3A_40 : memref<!tpu.dma_semaphore, #tpu.memory_space<semaphore_mem>>) src(%dma_wait3A_48 : memref<640x128xf32, #tpu.memory_space<vmem_shared>>) dst(%dma_wait3A_46 : memref<640x128xf32, #tpu.memory_space<hbm>>)
      tpu.yield
    }) : () -> ()
    %barrier3A_39 = arith.constant 0 : index
    tpu.barrier barrier_id(%barrier3A_39)
    return
  }
}

#map = affine_map<(d0, d1) -> (0, 0, 0, 0)>
#map1 = affine_map<(d0, d1) -> (0, 0, 0)>
module attributes {stable_mosaic.version = 14 : i64} {
  func.func @_deg_body(%arg0: i32, %arg1: i32, %arg2: memref<32x79x4x64xi32, #tpu.memory_space<hbm>>, %arg3: memref<32x79x4x64xi32, #tpu.memory_space<hbm>>, %arg4: memref<2x4x10240xf32, #tpu.memory_space<hbm>>, %arg5: memref<10240xf32, #tpu.memory_space<vmem>>, %arg6: memref<10240xf32, #tpu.memory_space<vmem>>, %arg7: memref<10240xf32, #tpu.memory_space<vmem>>, %arg8: memref<10240xf32, #tpu.memory_space<vmem>>, %arg9: memref<4x16x10240xf32, #tpu.memory_space<vmem_shared>>, %arg10: memref<4x64xi32, #tpu.memory_space<vmem>>, %arg11: memref<16x640xf32, #tpu.memory_space<vmem>>, %arg12: memref<640xf32, #tpu.memory_space<vmem>>) attributes {dimension_semantics = [#tpu.dimension_semantics<core_parallel>, #tpu.dimension_semantics<subcore_parallel>], iteration_bounds = array<i64: 2, 16>, scalar_prefetch = 0 : i64, scratch_operands = 8 : i64, tpu.core_type = #tpu.core_type<sc_vector_subcore>, window_params = [{transform_indices = #map}, {transform_indices = #map}, {transform_indices = #map1}]} {
    %mul3A = arith.constant 16 : i32
    %mul3A_0 = arith.muli %arg0, %mul3A : i32
    %add3A = arith.addi %mul3A_0, %arg1 : i32
    %mul3A_1 = arith.constant 640 : i32
    %mul3A_2 = arith.muli %arg1, %mul3A_1 : i32
    %broadcast_in_dim3A = arith.constant 0.000000e+00 : f32
    %broadcast_in_dim3A_3 = vector.broadcast %broadcast_in_dim3A : f32 to vector<16xf32>
    %broadcast_in_dim3A_4 = arith.constant 1.000000e+00 : f32
    %broadcast_in_dim3A_5 = vector.broadcast %broadcast_in_dim3A_4 : f32 to vector<16xf32>
    %scan3A = arith.constant 0 : i32
    %scan3A_6 = arith.constant 0 : i32
    %scan3A_7 = arith.constant 640 : i32
    %scan3A_8 = arith.addi %scan3A_6, %scan3A_7 : i32
    %scan3A_9 = arith.constant 1 : i32
    scf.for %scan3A_58 = %scan3A_6 to %scan3A_8 step %scan3A_9  : i32 {
      %mul3A_59 = arith.constant 16 : i32
      %mul3A_60 = arith.muli %scan3A_58, %mul3A_59 : i32
      %swap3A = arith.index_cast %mul3A_60 : i32 to index
      %swap3A_61 = tpu.vector_load %arg5[%swap3A] {strides = array<i32>} : memref<10240xf32, #tpu.memory_space<vmem>>, vector<16xf32>,
      tpu.vector_store %arg5[%swap3A], %broadcast_in_dim3A_3 {strides = array<i32>} : memref<10240xf32, #tpu.memory_space<vmem>>, vector<16xf32>,
      %mul3A_62 = arith.constant 16 : i32
      %mul3A_63 = arith.muli %scan3A_58, %mul3A_62 : i32
      %swap3A_64 = arith.index_cast %mul3A_63 : i32 to index
      %swap3A_65 = tpu.vector_load %arg6[%swap3A_64] {strides = array<i32>} : memref<10240xf32, #tpu.memory_space<vmem>>, vector<16xf32>,
      tpu.vector_store %arg6[%swap3A_64], %broadcast_in_dim3A_3 {strides = array<i32>} : memref<10240xf32, #tpu.memory_space<vmem>>, vector<16xf32>,
      %mul3A_66 = arith.constant 16 : i32
      %mul3A_67 = arith.muli %scan3A_58, %mul3A_66 : i32
      %swap3A_68 = arith.index_cast %mul3A_67 : i32 to index
      %swap3A_69 = tpu.vector_load %arg7[%swap3A_68] {strides = array<i32>} : memref<10240xf32, #tpu.memory_space<vmem>>, vector<16xf32>,
      tpu.vector_store %arg7[%swap3A_68], %broadcast_in_dim3A_3 {strides = array<i32>} : memref<10240xf32, #tpu.memory_space<vmem>>, vector<16xf32>,
      %mul3A_70 = arith.constant 16 : i32
      %mul3A_71 = arith.muli %scan3A_58, %mul3A_70 : i32
      %swap3A_72 = arith.index_cast %mul3A_71 : i32 to index
      %swap3A_73 = tpu.vector_load %arg8[%swap3A_72] {strides = array<i32>} : memref<10240xf32, #tpu.memory_space<vmem>>, vector<16xf32>,
      tpu.vector_store %arg8[%swap3A_72], %broadcast_in_dim3A_3 {strides = array<i32>} : memref<10240xf32, #tpu.memory_space<vmem>>, vector<16xf32>,
    }
    %scan3A_10 = arith.constant 640 : i32
    %scan3A_11 = arith.constant 0 : i32
    %scan3A_12 = arith.constant 0 : i32
    %scan3A_13 = arith.constant 79 : i32
    %scan3A_14 = arith.addi %scan3A_12, %scan3A_13 : i32
    %scan3A_15 = arith.constant 1 : i32
    scf.for %scan3A_58 = %scan3A_12 to %scan3A_14 step %scan3A_15  : i32 {
      "tpu.region"() ({
        %run_scoped3A_122 = tpu.sem_alloc : memref<!tpu.dma_semaphore, #tpu.memory_space<semaphore_mem>>
        %dma_start3A = arith.constant 0 : i32
        %dma_start3A_123 = arith.constant 0 : i32
        %dma_start3A_124 = tpu.memref_slice %arg2[%add3A, %scan3A_58, %dma_start3A, %dma_start3A_123] : memref<32x79x4x64xi32, #tpu.memory_space<hbm>> -> memref<1x1x4x64xi32, #tpu.memory_space<hbm>>
        %dma_start3A_125 = tpu.memref_squeeze %dma_start3A_124 : memref<1x1x4x64xi32, #tpu.memory_space<hbm>> -> memref<4x64xi32, #tpu.memory_space<hbm>>
        %dma_start3A_126 = arith.constant 0 : i32
        %dma_start3A_127 = arith.constant 0 : i32
        %dma_start3A_128 = tpu.memref_slice %arg2[%add3A, %scan3A_58, %dma_start3A_126, %dma_start3A_127] : memref<32x79x4x64xi32, #tpu.memory_space<hbm>> -> memref<1x1x4x64xi32, #tpu.memory_space<hbm>>
        %dma_start3A_129 = tpu.memref_squeeze %dma_start3A_128 : memref<1x1x4x64xi32, #tpu.memory_space<hbm>> -> memref<4x64xi32, #tpu.memory_space<hbm>>
        tpu.enqueue_dma source(%dma_start3A_129 : memref<4x64xi32, #tpu.memory_space<hbm>>) target(%arg10 : memref<4x64xi32, #tpu.memory_space<vmem>>) target_semaphore(%run_scoped3A_122 : memref<!tpu.dma_semaphore, #tpu.memory_space<semaphore_mem>>)
        %dma_wait3A = arith.constant 0 : i32
        %dma_wait3A_130 = arith.constant 0 : i32
        %dma_wait3A_131 = tpu.memref_slice %arg2[%add3A, %scan3A_58, %dma_wait3A, %dma_wait3A_130] : memref<32x79x4x64xi32, #tpu.memory_space<hbm>> -> memref<1x1x4x64xi32, #tpu.memory_space<hbm>>
        %dma_wait3A_132 = tpu.memref_squeeze %dma_wait3A_131 : memref<1x1x4x64xi32, #tpu.memory_space<hbm>> -> memref<4x64xi32, #tpu.memory_space<hbm>>
        %dma_wait3A_133 = arith.constant 0 : i32
        %dma_wait3A_134 = arith.constant 0 : i32
        %dma_wait3A_135 = tpu.memref_slice %arg2[%add3A, %scan3A_58, %dma_wait3A_133, %dma_wait3A_134] : memref<32x79x4x64xi32, #tpu.memory_space<hbm>> -> memref<1x1x4x64xi32, #tpu.memory_space<hbm>>
        %dma_wait3A_136 = tpu.memref_squeeze %dma_wait3A_135 : memref<1x1x4x64xi32, #tpu.memory_space<hbm>> -> memref<4x64xi32, #tpu.memory_space<hbm>>
        tpu.wait_dma2 semaphore(%run_scoped3A_122 : memref<!tpu.dma_semaphore, #tpu.memory_space<semaphore_mem>>) src(%dma_wait3A_136 : memref<4x64xi32, #tpu.memory_space<hbm>>) dst(%arg10 : memref<4x64xi32, #tpu.memory_space<vmem>>)
        tpu.yield
      }) : () -> ()
      %get3A = arith.constant 0 : i32
      %get3A_59 = arith.index_cast %get3A : i32 to index
      %get3A_60 = arith.constant 0 : index
      %get3A_61 = tpu.vector_load %arg10[%get3A_59, %get3A_60] {strides = array<i32>} : memref<4x64xi32, #tpu.memory_space<vmem>>, vector<16xi32>,
      tpu.vector_store_idx %arg5[%get3A_61], %broadcast_in_dim3A_5 {add = true} : memref<10240xf32, #tpu.memory_space<vmem>>[vector<16xi32>], vector<16xf32>,
      %get3A_62 = arith.constant 0 : i32
      %get3A_63 = arith.index_cast %get3A_62 : i32 to index
      %get3A_64 = arith.constant 16 : index
      %get3A_65 = tpu.vector_load %arg10[%get3A_63, %get3A_64] {strides = array<i32>} : memref<4x64xi32, #tpu.memory_space<vmem>>, vector<16xi32>,
      tpu.vector_store_idx %arg5[%get3A_65], %broadcast_in_dim3A_5 {add = true} : memref<10240xf32, #tpu.memory_space<vmem>>[vector<16xi32>], vector<16xf32>,
      %get3A_66 = arith.constant 0 : i32
      %get3A_67 = arith.index_cast %get3A_66 : i32 to index
      %get3A_68 = arith.constant 32 : index
      %get3A_69 = tpu.vector_load %arg10[%get3A_67, %get3A_68] {strides = array<i32>} : memref<4x64xi32, #tpu.memory_space<vmem>>, vector<16xi32>,
      tpu.vector_store_idx %arg5[%get3A_69], %broadcast_in_dim3A_5 {add = true} : memref<10240xf32, #tpu.memory_space<vmem>>[vector<16xi32>], vector<16xf32>,
      %get3A_70 = arith.constant 0 : i32
      %get3A_71 = arith.index_cast %get3A_70 : i32 to index
      %get3A_72 = arith.constant 48 : index
      %get3A_73 = tpu.vector_load %arg10[%get3A_71, %get3A_72] {strides = array<i32>} : memref<4x64xi32, #tpu.memory_space<vmem>>, vector<16xi32>,
      tpu.vector_store_idx %arg5[%get3A_73], %broadcast_in_dim3A_5 {add = true} : memref<10240xf32, #tpu.memory_space<vmem>>[vector<16xi32>], vector<16xf32>,
      %get3A_74 = arith.constant 1 : i32
      %get3A_75 = arith.index_cast %get3A_74 : i32 to index
      %get3A_76 = arith.constant 0 : index
      %get3A_77 = tpu.vector_load %arg10[%get3A_75, %get3A_76] {strides = array<i32>} : memref<4x64xi32, #tpu.memory_space<vmem>>, vector<16xi32>,
      tpu.vector_store_idx %arg5[%get3A_77], %broadcast_in_dim3A_5 {add = true} : memref<10240xf32, #tpu.memory_space<vmem>>[vector<16xi32>], vector<16xf32>,
      %get3A_78 = arith.constant 1 : i32
      %get3A_79 = arith.index_cast %get3A_78 : i32 to index
      %get3A_80 = arith.constant 16 : index
      %get3A_81 = tpu.vector_load %arg10[%get3A_79, %get3A_80] {strides = array<i32>} : memref<4x64xi32, #tpu.memory_space<vmem>>, vector<16xi32>,
      tpu.vector_store_idx %arg5[%get3A_81], %broadcast_in_dim3A_5 {add = true} : memref<10240xf32, #tpu.memory_space<vmem>>[vector<16xi32>], vector<16xf32>,
      %get3A_82 = arith.constant 1 : i32
      %get3A_83 = arith.index_cast %get3A_82 : i32 to index
      %get3A_84 = arith.constant 32 : index
      %get3A_85 = tpu.vector_load %arg10[%get3A_83, %get3A_84] {strides = array<i32>} : memref<4x64xi32, #tpu.memory_space<vmem>>, vector<16xi32>,
      tpu.vector_store_idx %arg5[%get3A_85], %broadcast_in_dim3A_5 {add = true} : memref<10240xf32, #tpu.memory_space<vmem>>[vector<16xi32>], vector<16xf32>,
      %get3A_86 = arith.constant 1 : i32
      %get3A_87 = arith.index_cast %get3A_86 : i32 to index
      %get3A_88 = arith.constant 48 : index
      %get3A_89 = tpu.vector_load %arg10[%get3A_87, %get3A_88] {strides = array<i32>} : memref<4x64xi32, #tpu.memory_space<vmem>>, vector<16xi32>,
      tpu.vector_store_idx %arg5[%get3A_89], %broadcast_in_dim3A_5 {add = true} : memref<10240xf32, #tpu.memory_space<vmem>>[vector<16xi32>], vector<16xf32>,
      %get3A_90 = arith.constant 2 : i32
      %get3A_91 = arith.index_cast %get3A_90 : i32 to index
      %get3A_92 = arith.constant 0 : index
      %get3A_93 = tpu.vector_load %arg10[%get3A_91, %get3A_92] {strides = array<i32>} : memref<4x64xi32, #tpu.memory_space<vmem>>, vector<16xi32>,
      tpu.vector_store_idx %arg6[%get3A_93], %broadcast_in_dim3A_5 {add = true} : memref<10240xf32, #tpu.memory_space<vmem>>[vector<16xi32>], vector<16xf32>,
      %get3A_94 = arith.constant 2 : i32
      %get3A_95 = arith.index_cast %get3A_94 : i32 to index
      %get3A_96 = arith.constant 16 : index
      %get3A_97 = tpu.vector_load %arg10[%get3A_95, %get3A_96] {strides = array<i32>} : memref<4x64xi32, #tpu.memory_space<vmem>>, vector<16xi32>,
      tpu.vector_store_idx %arg6[%get3A_97], %broadcast_in_dim3A_5 {add = true} : memref<10240xf32, #tpu.memory_space<vmem>>[vector<16xi32>], vector<16xf32>,
      %get3A_98 = arith.constant 2 : i32
      %get3A_99 = arith.index_cast %get3A_98 : i32 to index
      %get3A_100 = arith.constant 32 : index
      %get3A_101 = tpu.vector_load %arg10[%get3A_99, %get3A_100] {strides = array<i32>} : memref<4x64xi32, #tpu.memory_space<vmem>>, vector<16xi32>,
      tpu.vector_store_idx %arg6[%get3A_101], %broadcast_in_dim3A_5 {add = true} : memref<10240xf32, #tpu.memory_space<vmem>>[vector<16xi32>], vector<16xf32>,
      %get3A_102 = arith.constant 2 : i32
      %get3A_103 = arith.index_cast %get3A_102 : i32 to index
      %get3A_104 = arith.constant 48 : index
      %get3A_105 = tpu.vector_load %arg10[%get3A_103, %get3A_104] {strides = array<i32>} : memref<4x64xi32, #tpu.memory_space<vmem>>, vector<16xi32>,
      tpu.vector_store_idx %arg6[%get3A_105], %broadcast_in_dim3A_5 {add = true} : memref<10240xf32, #tpu.memory_space<vmem>>[vector<16xi32>], vector<16xf32>,
      %get3A_106 = arith.constant 3 : i32
      %get3A_107 = arith.index_cast %get3A_106 : i32 to index
      %get3A_108 = arith.constant 0 : index
      %get3A_109 = tpu.vector_load %arg10[%get3A_107, %get3A_108] {strides = array<i32>} : memref<4x64xi32, #tpu.memory_space<vmem>>, vector<16xi32>,
      tpu.vector_store_idx %arg6[%get3A_109], %broadcast_in_dim3A_5 {add = true} : memref<10240xf32, #tpu.memory_space<vmem>>[vector<16xi32>], vector<16xf32>,
      %get3A_110 = arith.constant 3 : i32
      %get3A_111 = arith.index_cast %get3A_110 : i32 to index
      %get3A_112 = arith.constant 16 : index
      %get3A_113 = tpu.vector_load %arg10[%get3A_111, %get3A_112] {strides = array<i32>} : memref<4x64xi32, #tpu.memory_space<vmem>>, vector<16xi32>,
      tpu.vector_store_idx %arg6[%get3A_113], %broadcast_in_dim3A_5 {add = true} : memref<10240xf32, #tpu.memory_space<vmem>>[vector<16xi32>], vector<16xf32>,
      %get3A_114 = arith.constant 3 : i32
      %get3A_115 = arith.index_cast %get3A_114 : i32 to index
      %get3A_116 = arith.constant 32 : index
      %get3A_117 = tpu.vector_load %arg10[%get3A_115, %get3A_116] {strides = array<i32>} : memref<4x64xi32, #tpu.memory_space<vmem>>, vector<16xi32>,
      tpu.vector_store_idx %arg6[%get3A_117], %broadcast_in_dim3A_5 {add = true} : memref<10240xf32, #tpu.memory_space<vmem>>[vector<16xi32>], vector<16xf32>,
      %get3A_118 = arith.constant 3 : i32
      %get3A_119 = arith.index_cast %get3A_118 : i32 to index
      %get3A_120 = arith.constant 48 : index
      %get3A_121 = tpu.vector_load %arg10[%get3A_119, %get3A_120] {strides = array<i32>} : memref<4x64xi32, #tpu.memory_space<vmem>>, vector<16xi32>,
      tpu.vector_store_idx %arg6[%get3A_121], %broadcast_in_dim3A_5 {add = true} : memref<10240xf32, #tpu.memory_space<vmem>>[vector<16xi32>], vector<16xf32>,
    }
    %scan3A_16 = arith.constant 79 : i32
    %scan3A_17 = arith.constant 0 : i32
    %scan3A_18 = arith.constant 0 : i32
    %scan3A_19 = arith.constant 79 : i32
    %scan3A_20 = arith.addi %scan3A_18, %scan3A_19 : i32
    %scan3A_21 = arith.constant 1 : i32
    scf.for %scan3A_58 = %scan3A_18 to %scan3A_20 step %scan3A_21  : i32 {
      "tpu.region"() ({
        %run_scoped3A_122 = tpu.sem_alloc : memref<!tpu.dma_semaphore, #tpu.memory_space<semaphore_mem>>
        %dma_start3A = arith.constant 0 : i32
        %dma_start3A_123 = arith.constant 0 : i32
        %dma_start3A_124 = tpu.memref_slice %arg3[%add3A, %scan3A_58, %dma_start3A, %dma_start3A_123] : memref<32x79x4x64xi32, #tpu.memory_space<hbm>> -> memref<1x1x4x64xi32, #tpu.memory_space<hbm>>
        %dma_start3A_125 = tpu.memref_squeeze %dma_start3A_124 : memref<1x1x4x64xi32, #tpu.memory_space<hbm>> -> memref<4x64xi32, #tpu.memory_space<hbm>>
        %dma_start3A_126 = arith.constant 0 : i32
        %dma_start3A_127 = arith.constant 0 : i32
        %dma_start3A_128 = tpu.memref_slice %arg3[%add3A, %scan3A_58, %dma_start3A_126, %dma_start3A_127] : memref<32x79x4x64xi32, #tpu.memory_space<hbm>> -> memref<1x1x4x64xi32, #tpu.memory_space<hbm>>
        %dma_start3A_129 = tpu.memref_squeeze %dma_start3A_128 : memref<1x1x4x64xi32, #tpu.memory_space<hbm>> -> memref<4x64xi32, #tpu.memory_space<hbm>>
        tpu.enqueue_dma source(%dma_start3A_129 : memref<4x64xi32, #tpu.memory_space<hbm>>) target(%arg10 : memref<4x64xi32, #tpu.memory_space<vmem>>) target_semaphore(%run_scoped3A_122 : memref<!tpu.dma_semaphore, #tpu.memory_space<semaphore_mem>>)
        %dma_wait3A = arith.constant 0 : i32
        %dma_wait3A_130 = arith.constant 0 : i32
        %dma_wait3A_131 = tpu.memref_slice %arg3[%add3A, %scan3A_58, %dma_wait3A, %dma_wait3A_130] : memref<32x79x4x64xi32, #tpu.memory_space<hbm>> -> memref<1x1x4x64xi32, #tpu.memory_space<hbm>>
        %dma_wait3A_132 = tpu.memref_squeeze %dma_wait3A_131 : memref<1x1x4x64xi32, #tpu.memory_space<hbm>> -> memref<4x64xi32, #tpu.memory_space<hbm>>
        %dma_wait3A_133 = arith.constant 0 : i32
        %dma_wait3A_134 = arith.constant 0 : i32
        %dma_wait3A_135 = tpu.memref_slice %arg3[%add3A, %scan3A_58, %dma_wait3A_133, %dma_wait3A_134] : memref<32x79x4x64xi32, #tpu.memory_space<hbm>> -> memref<1x1x4x64xi32, #tpu.memory_space<hbm>>
        %dma_wait3A_136 = tpu.memref_squeeze %dma_wait3A_135 : memref<1x1x4x64xi32, #tpu.memory_space<hbm>> -> memref<4x64xi32, #tpu.memory_space<hbm>>
        tpu.wait_dma2 semaphore(%run_scoped3A_122 : memref<!tpu.dma_semaphore, #tpu.memory_space<semaphore_mem>>) src(%dma_wait3A_136 : memref<4x64xi32, #tpu.memory_space<hbm>>) dst(%arg10 : memref<4x64xi32, #tpu.memory_space<vmem>>)
        tpu.yield
      }) : () -> ()
      %get3A = arith.constant 0 : i32
      %get3A_59 = arith.index_cast %get3A : i32 to index
      %get3A_60 = arith.constant 0 : index
      %get3A_61 = tpu.vector_load %arg10[%get3A_59, %get3A_60] {strides = array<i32>} : memref<4x64xi32, #tpu.memory_space<vmem>>, vector<16xi32>,
      tpu.vector_store_idx %arg7[%get3A_61], %broadcast_in_dim3A_5 {add = true} : memref<10240xf32, #tpu.memory_space<vmem>>[vector<16xi32>], vector<16xf32>,
      %get3A_62 = arith.constant 0 : i32
      %get3A_63 = arith.index_cast %get3A_62 : i32 to index
      %get3A_64 = arith.constant 16 : index
      %get3A_65 = tpu.vector_load %arg10[%get3A_63, %get3A_64] {strides = array<i32>} : memref<4x64xi32, #tpu.memory_space<vmem>>, vector<16xi32>,
      tpu.vector_store_idx %arg7[%get3A_65], %broadcast_in_dim3A_5 {add = true} : memref<10240xf32, #tpu.memory_space<vmem>>[vector<16xi32>], vector<16xf32>,
      %get3A_66 = arith.constant 0 : i32
      %get3A_67 = arith.index_cast %get3A_66 : i32 to index
      %get3A_68 = arith.constant 32 : index
      %get3A_69 = tpu.vector_load %arg10[%get3A_67, %get3A_68] {strides = array<i32>} : memref<4x64xi32, #tpu.memory_space<vmem>>, vector<16xi32>,
      tpu.vector_store_idx %arg7[%get3A_69], %broadcast_in_dim3A_5 {add = true} : memref<10240xf32, #tpu.memory_space<vmem>>[vector<16xi32>], vector<16xf32>,
      %get3A_70 = arith.constant 0 : i32
      %get3A_71 = arith.index_cast %get3A_70 : i32 to index
      %get3A_72 = arith.constant 48 : index
      %get3A_73 = tpu.vector_load %arg10[%get3A_71, %get3A_72] {strides = array<i32>} : memref<4x64xi32, #tpu.memory_space<vmem>>, vector<16xi32>,
      tpu.vector_store_idx %arg7[%get3A_73], %broadcast_in_dim3A_5 {add = true} : memref<10240xf32, #tpu.memory_space<vmem>>[vector<16xi32>], vector<16xf32>,
      %get3A_74 = arith.constant 1 : i32
      %get3A_75 = arith.index_cast %get3A_74 : i32 to index
      %get3A_76 = arith.constant 0 : index
      %get3A_77 = tpu.vector_load %arg10[%get3A_75, %get3A_76] {strides = array<i32>} : memref<4x64xi32, #tpu.memory_space<vmem>>, vector<16xi32>,
      tpu.vector_store_idx %arg7[%get3A_77], %broadcast_in_dim3A_5 {add = true} : memref<10240xf32, #tpu.memory_space<vmem>>[vector<16xi32>], vector<16xf32>,
      %get3A_78 = arith.constant 1 : i32
      %get3A_79 = arith.index_cast %get3A_78 : i32 to index
      %get3A_80 = arith.constant 16 : index
      %get3A_81 = tpu.vector_load %arg10[%get3A_79, %get3A_80] {strides = array<i32>} : memref<4x64xi32, #tpu.memory_space<vmem>>, vector<16xi32>,
      tpu.vector_store_idx %arg7[%get3A_81], %broadcast_in_dim3A_5 {add = true} : memref<10240xf32, #tpu.memory_space<vmem>>[vector<16xi32>], vector<16xf32>,
      %get3A_82 = arith.constant 1 : i32
      %get3A_83 = arith.index_cast %get3A_82 : i32 to index
      %get3A_84 = arith.constant 32 : index
      %get3A_85 = tpu.vector_load %arg10[%get3A_83, %get3A_84] {strides = array<i32>} : memref<4x64xi32, #tpu.memory_space<vmem>>, vector<16xi32>,
      tpu.vector_store_idx %arg7[%get3A_85], %broadcast_in_dim3A_5 {add = true} : memref<10240xf32, #tpu.memory_space<vmem>>[vector<16xi32>], vector<16xf32>,
      %get3A_86 = arith.constant 1 : i32
      %get3A_87 = arith.index_cast %get3A_86 : i32 to index
      %get3A_88 = arith.constant 48 : index
      %get3A_89 = tpu.vector_load %arg10[%get3A_87, %get3A_88] {strides = array<i32>} : memref<4x64xi32, #tpu.memory_space<vmem>>, vector<16xi32>,
      tpu.vector_store_idx %arg7[%get3A_89], %broadcast_in_dim3A_5 {add = true} : memref<10240xf32, #tpu.memory_space<vmem>>[vector<16xi32>], vector<16xf32>,
      %get3A_90 = arith.constant 2 : i32
      %get3A_91 = arith.index_cast %get3A_90 : i32 to index
      %get3A_92 = arith.constant 0 : index
      %get3A_93 = tpu.vector_load %arg10[%get3A_91, %get3A_92] {strides = array<i32>} : memref<4x64xi32, #tpu.memory_space<vmem>>, vector<16xi32>,
      tpu.vector_store_idx %arg8[%get3A_93], %broadcast_in_dim3A_5 {add = true} : memref<10240xf32, #tpu.memory_space<vmem>>[vector<16xi32>], vector<16xf32>,
      %get3A_94 = arith.constant 2 : i32
      %get3A_95 = arith.index_cast %get3A_94 : i32 to index
      %get3A_96 = arith.constant 16 : index
      %get3A_97 = tpu.vector_load %arg10[%get3A_95, %get3A_96] {strides = array<i32>} : memref<4x64xi32, #tpu.memory_space<vmem>>, vector<16xi32>,
      tpu.vector_store_idx %arg8[%get3A_97], %broadcast_in_dim3A_5 {add = true} : memref<10240xf32, #tpu.memory_space<vmem>>[vector<16xi32>], vector<16xf32>,
      %get3A_98 = arith.constant 2 : i32
      %get3A_99 = arith.index_cast %get3A_98 : i32 to index
      %get3A_100 = arith.constant 32 : index
      %get3A_101 = tpu.vector_load %arg10[%get3A_99, %get3A_100] {strides = array<i32>} : memref<4x64xi32, #tpu.memory_space<vmem>>, vector<16xi32>,
      tpu.vector_store_idx %arg8[%get3A_101], %broadcast_in_dim3A_5 {add = true} : memref<10240xf32, #tpu.memory_space<vmem>>[vector<16xi32>], vector<16xf32>,
      %get3A_102 = arith.constant 2 : i32
      %get3A_103 = arith.index_cast %get3A_102 : i32 to index
      %get3A_104 = arith.constant 48 : index
      %get3A_105 = tpu.vector_load %arg10[%get3A_103, %get3A_104] {strides = array<i32>} : memref<4x64xi32, #tpu.memory_space<vmem>>, vector<16xi32>,
      tpu.vector_store_idx %arg8[%get3A_105], %broadcast_in_dim3A_5 {add = true} : memref<10240xf32, #tpu.memory_space<vmem>>[vector<16xi32>], vector<16xf32>,
      %get3A_106 = arith.constant 3 : i32
      %get3A_107 = arith.index_cast %get3A_106 : i32 to index
      %get3A_108 = arith.constant 0 : index
      %get3A_109 = tpu.vector_load %arg10[%get3A_107, %get3A_108] {strides = array<i32>} : memref<4x64xi32, #tpu.memory_space<vmem>>, vector<16xi32>,
      tpu.vector_store_idx %arg8[%get3A_109], %broadcast_in_dim3A_5 {add = true} : memref<10240xf32, #tpu.memory_space<vmem>>[vector<16xi32>], vector<16xf32>,
      %get3A_110 = arith.constant 3 : i32
      %get3A_111 = arith.index_cast %get3A_110 : i32 to index
      %get3A_112 = arith.constant 16 : index
      %get3A_113 = tpu.vector_load %arg10[%get3A_111, %get3A_112] {strides = array<i32>} : memref<4x64xi32, #tpu.memory_space<vmem>>, vector<16xi32>,
      tpu.vector_store_idx %arg8[%get3A_113], %broadcast_in_dim3A_5 {add = true} : memref<10240xf32, #tpu.memory_space<vmem>>[vector<16xi32>], vector<16xf32>,
      %get3A_114 = arith.constant 3 : i32
      %get3A_115 = arith.index_cast %get3A_114 : i32 to index
      %get3A_116 = arith.constant 32 : index
      %get3A_117 = tpu.vector_load %arg10[%get3A_115, %get3A_116] {strides = array<i32>} : memref<4x64xi32, #tpu.memory_space<vmem>>, vector<16xi32>,
      tpu.vector_store_idx %arg8[%get3A_117], %broadcast_in_dim3A_5 {add = true} : memref<10240xf32, #tpu.memory_space<vmem>>[vector<16xi32>], vector<16xf32>,
      %get3A_118 = arith.constant 3 : i32
      %get3A_119 = arith.index_cast %get3A_118 : i32 to index
      %get3A_120 = arith.constant 48 : index
      %get3A_121 = tpu.vector_load %arg10[%get3A_119, %get3A_120] {strides = array<i32>} : memref<4x64xi32, #tpu.memory_space<vmem>>, vector<16xi32>,
      tpu.vector_store_idx %arg8[%get3A_121], %broadcast_in_dim3A_5 {add = true} : memref<10240xf32, #tpu.memory_space<vmem>>[vector<16xi32>], vector<16xf32>,
    }
    %scan3A_22 = arith.constant 79 : i32
    %run_scoped3A = arith.constant 0 : i32
    "tpu.region"() ({
      %run_scoped3A_58 = tpu.sem_alloc : memref<!tpu.dma_semaphore, #tpu.memory_space<semaphore_mem>>
      %dma_start3A = arith.constant 0 : i32
      %dma_start3A_59 = tpu.memref_slice %arg9[%run_scoped3A, %arg1, %dma_start3A] : memref<4x16x10240xf32, #tpu.memory_space<vmem_shared>> -> memref<1x1x10240xf32, #tpu.memory_space<vmem_shared>>
      %dma_start3A_60 = tpu.memref_squeeze %dma_start3A_59 : memref<1x1x10240xf32, #tpu.memory_space<vmem_shared>> -> memref<10240xf32, #tpu.memory_space<vmem_shared>>
      %dma_start3A_61 = arith.constant 0 : i32
      %dma_start3A_62 = tpu.memref_slice %arg9[%run_scoped3A, %arg1, %dma_start3A_61] : memref<4x16x10240xf32, #tpu.memory_space<vmem_shared>> -> memref<1x1x10240xf32, #tpu.memory_space<vmem_shared>>
      %dma_start3A_63 = tpu.memref_squeeze %dma_start3A_62 : memref<1x1x10240xf32, #tpu.memory_space<vmem_shared>> -> memref<10240xf32, #tpu.memory_space<vmem_shared>>
      tpu.enqueue_dma source(%arg5 : memref<10240xf32, #tpu.memory_space<vmem>>) target(%dma_start3A_63 : memref<10240xf32, #tpu.memory_space<vmem_shared>>) target_semaphore(%run_scoped3A_58 : memref<!tpu.dma_semaphore, #tpu.memory_space<semaphore_mem>>)
      %dma_wait3A = arith.constant 0 : i32
      %dma_wait3A_64 = tpu.memref_slice %arg9[%run_scoped3A, %arg1, %dma_wait3A] : memref<4x16x10240xf32, #tpu.memory_space<vmem_shared>> -> memref<1x1x10240xf32, #tpu.memory_space<vmem_shared>>
      %dma_wait3A_65 = tpu.memref_squeeze %dma_wait3A_64 : memref<1x1x10240xf32, #tpu.memory_space<vmem_shared>> -> memref<10240xf32, #tpu.memory_space<vmem_shared>>
      %dma_wait3A_66 = arith.constant 0 : i32
      %dma_wait3A_67 = tpu.memref_slice %arg9[%run_scoped3A, %arg1, %dma_wait3A_66] : memref<4x16x10240xf32, #tpu.memory_space<vmem_shared>> -> memref<1x1x10240xf32, #tpu.memory_space<vmem_shared>>
      %dma_wait3A_68 = tpu.memref_squeeze %dma_wait3A_67 : memref<1x1x10240xf32, #tpu.memory_space<vmem_shared>> -> memref<10240xf32, #tpu.memory_space<vmem_shared>>
      tpu.wait_dma2 semaphore(%run_scoped3A_58 : memref<!tpu.dma_semaphore, #tpu.memory_space<semaphore_mem>>) src(%arg5 : memref<10240xf32, #tpu.memory_space<vmem>>) dst(%dma_wait3A_68 : memref<10240xf32, #tpu.memory_space<vmem_shared>>)
      tpu.yield
    }) : () -> ()
    %run_scoped3A_23 = arith.constant 1 : i32
    "tpu.region"() ({
      %run_scoped3A_58 = tpu.sem_alloc : memref<!tpu.dma_semaphore, #tpu.memory_space<semaphore_mem>>
      %dma_start3A = arith.constant 0 : i32
      %dma_start3A_59 = tpu.memref_slice %arg9[%run_scoped3A_23, %arg1, %dma_start3A] : memref<4x16x10240xf32, #tpu.memory_space<vmem_shared>> -> memref<1x1x10240xf32, #tpu.memory_space<vmem_shared>>
      %dma_start3A_60 = tpu.memref_squeeze %dma_start3A_59 : memref<1x1x10240xf32, #tpu.memory_space<vmem_shared>> -> memref<10240xf32, #tpu.memory_space<vmem_shared>>
      %dma_start3A_61 = arith.constant 0 : i32
      %dma_start3A_62 = tpu.memref_slice %arg9[%run_scoped3A_23, %arg1, %dma_start3A_61] : memref<4x16x10240xf32, #tpu.memory_space<vmem_shared>> -> memref<1x1x10240xf32, #tpu.memory_space<vmem_shared>>
      %dma_start3A_63 = tpu.memref_squeeze %dma_start3A_62 : memref<1x1x10240xf32, #tpu.memory_space<vmem_shared>> -> memref<10240xf32, #tpu.memory_space<vmem_shared>>
      tpu.enqueue_dma source(%arg6 : memref<10240xf32, #tpu.memory_space<vmem>>) target(%dma_start3A_63 : memref<10240xf32, #tpu.memory_space<vmem_shared>>) target_semaphore(%run_scoped3A_58 : memref<!tpu.dma_semaphore, #tpu.memory_space<semaphore_mem>>)
      %dma_wait3A = arith.constant 0 : i32
      %dma_wait3A_64 = tpu.memref_slice %arg9[%run_scoped3A_23, %arg1, %dma_wait3A] : memref<4x16x10240xf32, #tpu.memory_space<vmem_shared>> -> memref<1x1x10240xf32, #tpu.memory_space<vmem_shared>>
      %dma_wait3A_65 = tpu.memref_squeeze %dma_wait3A_64 : memref<1x1x10240xf32, #tpu.memory_space<vmem_shared>> -> memref<10240xf32, #tpu.memory_space<vmem_shared>>
      %dma_wait3A_66 = arith.constant 0 : i32
      %dma_wait3A_67 = tpu.memref_slice %arg9[%run_scoped3A_23, %arg1, %dma_wait3A_66] : memref<4x16x10240xf32, #tpu.memory_space<vmem_shared>> -> memref<1x1x10240xf32, #tpu.memory_space<vmem_shared>>
      %dma_wait3A_68 = tpu.memref_squeeze %dma_wait3A_67 : memref<1x1x10240xf32, #tpu.memory_space<vmem_shared>> -> memref<10240xf32, #tpu.memory_space<vmem_shared>>
      tpu.wait_dma2 semaphore(%run_scoped3A_58 : memref<!tpu.dma_semaphore, #tpu.memory_space<semaphore_mem>>) src(%arg6 : memref<10240xf32, #tpu.memory_space<vmem>>) dst(%dma_wait3A_68 : memref<10240xf32, #tpu.memory_space<vmem_shared>>)
      tpu.yield
    }) : () -> ()
    %run_scoped3A_24 = arith.constant 2 : i32
    "tpu.region"() ({
      %run_scoped3A_58 = tpu.sem_alloc : memref<!tpu.dma_semaphore, #tpu.memory_space<semaphore_mem>>
      %dma_start3A = arith.constant 0 : i32
      %dma_start3A_59 = tpu.memref_slice %arg9[%run_scoped3A_24, %arg1, %dma_start3A] : memref<4x16x10240xf32, #tpu.memory_space<vmem_shared>> -> memref<1x1x10240xf32, #tpu.memory_space<vmem_shared>>
      %dma_start3A_60 = tpu.memref_squeeze %dma_start3A_59 : memref<1x1x10240xf32, #tpu.memory_space<vmem_shared>> -> memref<10240xf32, #tpu.memory_space<vmem_shared>>
      %dma_start3A_61 = arith.constant 0 : i32
      %dma_start3A_62 = tpu.memref_slice %arg9[%run_scoped3A_24, %arg1, %dma_start3A_61] : memref<4x16x10240xf32, #tpu.memory_space<vmem_shared>> -> memref<1x1x10240xf32, #tpu.memory_space<vmem_shared>>
      %dma_start3A_63 = tpu.memref_squeeze %dma_start3A_62 : memref<1x1x10240xf32, #tpu.memory_space<vmem_shared>> -> memref<10240xf32, #tpu.memory_space<vmem_shared>>
      tpu.enqueue_dma source(%arg7 : memref<10240xf32, #tpu.memory_space<vmem>>) target(%dma_start3A_63 : memref<10240xf32, #tpu.memory_space<vmem_shared>>) target_semaphore(%run_scoped3A_58 : memref<!tpu.dma_semaphore, #tpu.memory_space<semaphore_mem>>)
      %dma_wait3A = arith.constant 0 : i32
      %dma_wait3A_64 = tpu.memref_slice %arg9[%run_scoped3A_24, %arg1, %dma_wait3A] : memref<4x16x10240xf32, #tpu.memory_space<vmem_shared>> -> memref<1x1x10240xf32, #tpu.memory_space<vmem_shared>>
      %dma_wait3A_65 = tpu.memref_squeeze %dma_wait3A_64 : memref<1x1x10240xf32, #tpu.memory_space<vmem_shared>> -> memref<10240xf32, #tpu.memory_space<vmem_shared>>
      %dma_wait3A_66 = arith.constant 0 : i32
      %dma_wait3A_67 = tpu.memref_slice %arg9[%run_scoped3A_24, %arg1, %dma_wait3A_66] : memref<4x16x10240xf32, #tpu.memory_space<vmem_shared>> -> memref<1x1x10240xf32, #tpu.memory_space<vmem_shared>>
      %dma_wait3A_68 = tpu.memref_squeeze %dma_wait3A_67 : memref<1x1x10240xf32, #tpu.memory_space<vmem_shared>> -> memref<10240xf32, #tpu.memory_space<vmem_shared>>
      tpu.wait_dma2 semaphore(%run_scoped3A_58 : memref<!tpu.dma_semaphore, #tpu.memory_space<semaphore_mem>>) src(%arg7 : memref<10240xf32, #tpu.memory_space<vmem>>) dst(%dma_wait3A_68 : memref<10240xf32, #tpu.memory_space<vmem_shared>>)
      tpu.yield
    }) : () -> ()
    %run_scoped3A_25 = arith.constant 3 : i32
    "tpu.region"() ({
      %run_scoped3A_58 = tpu.sem_alloc : memref<!tpu.dma_semaphore, #tpu.memory_space<semaphore_mem>>
      %dma_start3A = arith.constant 0 : i32
      %dma_start3A_59 = tpu.memref_slice %arg9[%run_scoped3A_25, %arg1, %dma_start3A] : memref<4x16x10240xf32, #tpu.memory_space<vmem_shared>> -> memref<1x1x10240xf32, #tpu.memory_space<vmem_shared>>
      %dma_start3A_60 = tpu.memref_squeeze %dma_start3A_59 : memref<1x1x10240xf32, #tpu.memory_space<vmem_shared>> -> memref<10240xf32, #tpu.memory_space<vmem_shared>>
      %dma_start3A_61 = arith.constant 0 : i32
      %dma_start3A_62 = tpu.memref_slice %arg9[%run_scoped3A_25, %arg1, %dma_start3A_61] : memref<4x16x10240xf32, #tpu.memory_space<vmem_shared>> -> memref<1x1x10240xf32, #tpu.memory_space<vmem_shared>>
      %dma_start3A_63 = tpu.memref_squeeze %dma_start3A_62 : memref<1x1x10240xf32, #tpu.memory_space<vmem_shared>> -> memref<10240xf32, #tpu.memory_space<vmem_shared>>
      tpu.enqueue_dma source(%arg8 : memref<10240xf32, #tpu.memory_space<vmem>>) target(%dma_start3A_63 : memref<10240xf32, #tpu.memory_space<vmem_shared>>) target_semaphore(%run_scoped3A_58 : memref<!tpu.dma_semaphore, #tpu.memory_space<semaphore_mem>>)
      %dma_wait3A = arith.constant 0 : i32
      %dma_wait3A_64 = tpu.memref_slice %arg9[%run_scoped3A_25, %arg1, %dma_wait3A] : memref<4x16x10240xf32, #tpu.memory_space<vmem_shared>> -> memref<1x1x10240xf32, #tpu.memory_space<vmem_shared>>
      %dma_wait3A_65 = tpu.memref_squeeze %dma_wait3A_64 : memref<1x1x10240xf32, #tpu.memory_space<vmem_shared>> -> memref<10240xf32, #tpu.memory_space<vmem_shared>>
      %dma_wait3A_66 = arith.constant 0 : i32
      %dma_wait3A_67 = tpu.memref_slice %arg9[%run_scoped3A_25, %arg1, %dma_wait3A_66] : memref<4x16x10240xf32, #tpu.memory_space<vmem_shared>> -> memref<1x1x10240xf32, #tpu.memory_space<vmem_shared>>
      %dma_wait3A_68 = tpu.memref_squeeze %dma_wait3A_67 : memref<1x1x10240xf32, #tpu.memory_space<vmem_shared>> -> memref<10240xf32, #tpu.memory_space<vmem_shared>>
      tpu.wait_dma2 semaphore(%run_scoped3A_58 : memref<!tpu.dma_semaphore, #tpu.memory_space<semaphore_mem>>) src(%arg8 : memref<10240xf32, #tpu.memory_space<vmem>>) dst(%dma_wait3A_68 : memref<10240xf32, #tpu.memory_space<vmem_shared>>)
      tpu.yield
    }) : () -> ()
    %barrier3A = arith.constant 0 : index
    tpu.barrier barrier_id(%barrier3A)
    %run_scoped3A_26 = arith.constant 0 : i32
    "tpu.region"() ({
      %run_scoped3A_58 = tpu.sem_alloc : memref<!tpu.dma_semaphore, #tpu.memory_space<semaphore_mem>>
      %dma_start3A = arith.constant 0 : i32
      %dma_start3A_59 = tpu.memref_slice %arg9[%run_scoped3A_26, %dma_start3A, %mul3A_2] : memref<4x16x10240xf32, #tpu.memory_space<vmem_shared>> -> memref<1x16x640xf32, #tpu.memory_space<vmem_shared>>
      %dma_start3A_60 = tpu.memref_squeeze %dma_start3A_59 : memref<1x16x640xf32, #tpu.memory_space<vmem_shared>> -> memref<16x640xf32, #tpu.memory_space<vmem_shared>>
      %dma_start3A_61 = arith.constant 0 : i32
      %dma_start3A_62 = tpu.memref_slice %arg9[%run_scoped3A_26, %dma_start3A_61, %mul3A_2] : memref<4x16x10240xf32, #tpu.memory_space<vmem_shared>> -> memref<1x16x640xf32, #tpu.memory_space<vmem_shared>>
      %dma_start3A_63 = tpu.memref_squeeze %dma_start3A_62 : memref<1x16x640xf32, #tpu.memory_space<vmem_shared>> -> memref<16x640xf32, #tpu.memory_space<vmem_shared>>
      tpu.enqueue_dma source(%dma_start3A_63 : memref<16x640xf32, #tpu.memory_space<vmem_shared>>) target(%arg11 : memref<16x640xf32, #tpu.memory_space<vmem>>) target_semaphore(%run_scoped3A_58 : memref<!tpu.dma_semaphore, #tpu.memory_space<semaphore_mem>>)
      %dma_wait3A = arith.constant 0 : i32
      %dma_wait3A_64 = tpu.memref_slice %arg9[%run_scoped3A_26, %dma_wait3A, %mul3A_2] : memref<4x16x10240xf32, #tpu.memory_space<vmem_shared>> -> memref<1x16x640xf32, #tpu.memory_space<vmem_shared>>
      %dma_wait3A_65 = tpu.memref_squeeze %dma_wait3A_64 : memref<1x16x640xf32, #tpu.memory_space<vmem_shared>> -> memref<16x640xf32, #tpu.memory_space<vmem_shared>>
      %dma_wait3A_66 = arith.constant 0 : i32
      %dma_wait3A_67 = tpu.memref_slice %arg9[%run_scoped3A_26, %dma_wait3A_66, %mul3A_2] : memref<4x16x10240xf32, #tpu.memory_space<vmem_shared>> -> memref<1x16x640xf32, #tpu.memory_space<vmem_shared>>
      %dma_wait3A_68 = tpu.memref_squeeze %dma_wait3A_67 : memref<1x16x640xf32, #tpu.memory_space<vmem_shared>> -> memref<16x640xf32, #tpu.memory_space<vmem_shared>>
      tpu.wait_dma2 semaphore(%run_scoped3A_58 : memref<!tpu.dma_semaphore, #tpu.memory_space<semaphore_mem>>) src(%dma_wait3A_68 : memref<16x640xf32, #tpu.memory_space<vmem_shared>>) dst(%arg11 : memref<16x640xf32, #tpu.memory_space<vmem>>)
      tpu.yield
    }) : () -> ()
    %scan3A_27 = arith.constant 0 : i32
    %scan3A_28 = arith.constant 0 : i32
    %scan3A_29 = arith.constant 40 : i32
    %scan3A_30 = arith.addi %scan3A_28, %scan3A_29 : i32
    %scan3A_31 = arith.constant 1 : i32
    scf.for %scan3A_58 = %scan3A_28 to %scan3A_30 step %scan3A_31  : i32 {
      %mul3A_59 = arith.constant 16 : i32
      %mul3A_60 = arith.muli %scan3A_58, %mul3A_59 : i32
      %get3A = arith.constant 0 : i32
      %get3A_61 = arith.index_cast %get3A : i32 to index
      %get3A_62 = arith.index_cast %mul3A_60 : i32 to index
      %get3A_63 = tpu.vector_load %arg11[%get3A_61, %get3A_62] {strides = array<i32>} : memref<16x640xf32, #tpu.memory_space<vmem>>, vector<16xf32>,
      %mul3A_64 = arith.constant 16 : i32
      %mul3A_65 = arith.muli %scan3A_58, %mul3A_64 : i32
      %get3A_66 = arith.constant 1 : i32
      %get3A_67 = arith.index_cast %get3A_66 : i32 to index
      %get3A_68 = arith.index_cast %mul3A_65 : i32 to index
      %get3A_69 = tpu.vector_load %arg11[%get3A_67, %get3A_68] {strides = array<i32>} : memref<16x640xf32, #tpu.memory_space<vmem>>, vector<16xf32>,
      %add3A_70 = arith.addf %get3A_63, %get3A_69 : vector<16xf32>
      %mul3A_71 = arith.constant 16 : i32
      %mul3A_72 = arith.muli %scan3A_58, %mul3A_71 : i32
      %get3A_73 = arith.constant 2 : i32
      %get3A_74 = arith.index_cast %get3A_73 : i32 to index
      %get3A_75 = arith.index_cast %mul3A_72 : i32 to index
      %get3A_76 = tpu.vector_load %arg11[%get3A_74, %get3A_75] {strides = array<i32>} : memref<16x640xf32, #tpu.memory_space<vmem>>, vector<16xf32>,
      %add3A_77 = arith.addf %add3A_70, %get3A_76 : vector<16xf32>
      %mul3A_78 = arith.constant 16 : i32
      %mul3A_79 = arith.muli %scan3A_58, %mul3A_78 : i32
      %get3A_80 = arith.constant 3 : i32
      %get3A_81 = arith.index_cast %get3A_80 : i32 to index
      %get3A_82 = arith.index_cast %mul3A_79 : i32 to index
      %get3A_83 = tpu.vector_load %arg11[%get3A_81, %get3A_82] {strides = array<i32>} : memref<16x640xf32, #tpu.memory_space<vmem>>, vector<16xf32>,
      %add3A_84 = arith.addf %add3A_77, %get3A_83 : vector<16xf32>
      %mul3A_85 = arith.constant 16 : i32
      %mul3A_86 = arith.muli %scan3A_58, %mul3A_85 : i32
      %get3A_87 = arith.constant 4 : i32
      %get3A_88 = arith.index_cast %get3A_87 : i32 to index
      %get3A_89 = arith.index_cast %mul3A_86 : i32 to index
      %get3A_90 = tpu.vector_load %arg11[%get3A_88, %get3A_89] {strides = array<i32>} : memref<16x640xf32, #tpu.memory_space<vmem>>, vector<16xf32>,
      %add3A_91 = arith.addf %add3A_84, %get3A_90 : vector<16xf32>
      %mul3A_92 = arith.constant 16 : i32
      %mul3A_93 = arith.muli %scan3A_58, %mul3A_92 : i32
      %get3A_94 = arith.constant 5 : i32
      %get3A_95 = arith.index_cast %get3A_94 : i32 to index
      %get3A_96 = arith.index_cast %mul3A_93 : i32 to index
      %get3A_97 = tpu.vector_load %arg11[%get3A_95, %get3A_96] {strides = array<i32>} : memref<16x640xf32, #tpu.memory_space<vmem>>, vector<16xf32>,
      %add3A_98 = arith.addf %add3A_91, %get3A_97 : vector<16xf32>
      %mul3A_99 = arith.constant 16 : i32
      %mul3A_100 = arith.muli %scan3A_58, %mul3A_99 : i32
      %get3A_101 = arith.constant 6 : i32
      %get3A_102 = arith.index_cast %get3A_101 : i32 to index
      %get3A_103 = arith.index_cast %mul3A_100 : i32 to index
      %get3A_104 = tpu.vector_load %arg11[%get3A_102, %get3A_103] {strides = array<i32>} : memref<16x640xf32, #tpu.memory_space<vmem>>, vector<16xf32>,
      %add3A_105 = arith.addf %add3A_98, %get3A_104 : vector<16xf32>
      %mul3A_106 = arith.constant 16 : i32
      %mul3A_107 = arith.muli %scan3A_58, %mul3A_106 : i32
      %get3A_108 = arith.constant 7 : i32
      %get3A_109 = arith.index_cast %get3A_108 : i32 to index
      %get3A_110 = arith.index_cast %mul3A_107 : i32 to index
      %get3A_111 = tpu.vector_load %arg11[%get3A_109, %get3A_110] {strides = array<i32>} : memref<16x640xf32, #tpu.memory_space<vmem>>, vector<16xf32>,
      %add3A_112 = arith.addf %add3A_105, %get3A_111 : vector<16xf32>
      %mul3A_113 = arith.constant 16 : i32
      %mul3A_114 = arith.muli %scan3A_58, %mul3A_113 : i32
      %get3A_115 = arith.constant 8 : i32
      %get3A_116 = arith.index_cast %get3A_115 : i32 to index
      %get3A_117 = arith.index_cast %mul3A_114 : i32 to index
      %get3A_118 = tpu.vector_load %arg11[%get3A_116, %get3A_117] {strides = array<i32>} : memref<16x640xf32, #tpu.memory_space<vmem>>, vector<16xf32>,
      %add3A_119 = arith.addf %add3A_112, %get3A_118 : vector<16xf32>
      %mul3A_120 = arith.constant 16 : i32
      %mul3A_121 = arith.muli %scan3A_58, %mul3A_120 : i32
      %get3A_122 = arith.constant 9 : i32
      %get3A_123 = arith.index_cast %get3A_122 : i32 to index
      %get3A_124 = arith.index_cast %mul3A_121 : i32 to index
      %get3A_125 = tpu.vector_load %arg11[%get3A_123, %get3A_124] {strides = array<i32>} : memref<16x640xf32, #tpu.memory_space<vmem>>, vector<16xf32>,
      %add3A_126 = arith.addf %add3A_119, %get3A_125 : vector<16xf32>
      %mul3A_127 = arith.constant 16 : i32
      %mul3A_128 = arith.muli %scan3A_58, %mul3A_127 : i32
      %get3A_129 = arith.constant 10 : i32
      %get3A_130 = arith.index_cast %get3A_129 : i32 to index
      %get3A_131 = arith.index_cast %mul3A_128 : i32 to index
      %get3A_132 = tpu.vector_load %arg11[%get3A_130, %get3A_131] {strides = array<i32>} : memref<16x640xf32, #tpu.memory_space<vmem>>, vector<16xf32>,
      %add3A_133 = arith.addf %add3A_126, %get3A_132 : vector<16xf32>
      %mul3A_134 = arith.constant 16 : i32
      %mul3A_135 = arith.muli %scan3A_58, %mul3A_134 : i32
      %get3A_136 = arith.constant 11 : i32
      %get3A_137 = arith.index_cast %get3A_136 : i32 to index
      %get3A_138 = arith.index_cast %mul3A_135 : i32 to index
      %get3A_139 = tpu.vector_load %arg11[%get3A_137, %get3A_138] {strides = array<i32>} : memref<16x640xf32, #tpu.memory_space<vmem>>, vector<16xf32>,
      %add3A_140 = arith.addf %add3A_133, %get3A_139 : vector<16xf32>
      %mul3A_141 = arith.constant 16 : i32
      %mul3A_142 = arith.muli %scan3A_58, %mul3A_141 : i32
      %get3A_143 = arith.constant 12 : i32
      %get3A_144 = arith.index_cast %get3A_143 : i32 to index
      %get3A_145 = arith.index_cast %mul3A_142 : i32 to index
      %get3A_146 = tpu.vector_load %arg11[%get3A_144, %get3A_145] {strides = array<i32>} : memref<16x640xf32, #tpu.memory_space<vmem>>, vector<16xf32>,
      %add3A_147 = arith.addf %add3A_140, %get3A_146 : vector<16xf32>
      %mul3A_148 = arith.constant 16 : i32
      %mul3A_149 = arith.muli %scan3A_58, %mul3A_148 : i32
      %get3A_150 = arith.constant 13 : i32
      %get3A_151 = arith.index_cast %get3A_150 : i32 to index
      %get3A_152 = arith.index_cast %mul3A_149 : i32 to index
      %get3A_153 = tpu.vector_load %arg11[%get3A_151, %get3A_152] {strides = array<i32>} : memref<16x640xf32, #tpu.memory_space<vmem>>, vector<16xf32>,
      %add3A_154 = arith.addf %add3A_147, %get3A_153 : vector<16xf32>
      %mul3A_155 = arith.constant 16 : i32
      %mul3A_156 = arith.muli %scan3A_58, %mul3A_155 : i32
      %get3A_157 = arith.constant 14 : i32
      %get3A_158 = arith.index_cast %get3A_157 : i32 to index
      %get3A_159 = arith.index_cast %mul3A_156 : i32 to index
      %get3A_160 = tpu.vector_load %arg11[%get3A_158, %get3A_159] {strides = array<i32>} : memref<16x640xf32, #tpu.memory_space<vmem>>, vector<16xf32>,
      %add3A_161 = arith.addf %add3A_154, %get3A_160 : vector<16xf32>
      %mul3A_162 = arith.constant 16 : i32
      %mul3A_163 = arith.muli %scan3A_58, %mul3A_162 : i32
      %get3A_164 = arith.constant 15 : i32
      %get3A_165 = arith.index_cast %get3A_164 : i32 to index
      %get3A_166 = arith.index_cast %mul3A_163 : i32 to index
      %get3A_167 = tpu.vector_load %arg11[%get3A_165, %get3A_166] {strides = array<i32>} : memref<16x640xf32, #tpu.memory_space<vmem>>, vector<16xf32>,
      %add3A_168 = arith.addf %add3A_161, %get3A_167 : vector<16xf32>
      %mul3A_169 = arith.constant 16 : i32
      %mul3A_170 = arith.muli %scan3A_58, %mul3A_169 : i32
      %swap3A = arith.index_cast %mul3A_170 : i32 to index
      %swap3A_171 = tpu.vector_load %arg12[%swap3A] {strides = array<i32>} : memref<640xf32, #tpu.memory_space<vmem>>, vector<16xf32>,
      tpu.vector_store %arg12[%swap3A], %add3A_168 {strides = array<i32>} : memref<640xf32, #tpu.memory_space<vmem>>, vector<16xf32>,
    }
    %scan3A_32 = arith.constant 40 : i32
    %run_scoped3A_33 = arith.constant 0 : i32
    "tpu.region"() ({
      %run_scoped3A_58 = tpu.sem_alloc : memref<!tpu.dma_semaphore, #tpu.memory_space<semaphore_mem>>
      %dma_start3A = tpu.memref_slice %arg4[%arg0, %run_scoped3A_33, %mul3A_2] : memref<2x4x10240xf32, #tpu.memory_space<hbm>> -> memref<1x1x640xf32, #tpu.memory_space<hbm>>
      %dma_start3A_59 = tpu.memref_squeeze %dma_start3A : memref<1x1x640xf32, #tpu.memory_space<hbm>> -> memref<640xf32, #tpu.memory_space<hbm>>
      %dma_start3A_60 = tpu.memref_slice %arg4[%arg0, %run_scoped3A_33, %mul3A_2] : memref<2x4x10240xf32, #tpu.memory_space<hbm>> -> memref<1x1x640xf32, #tpu.memory_space<hbm>>
      %dma_start3A_61 = tpu.memref_squeeze %dma_start3A_60 : memref<1x1x640xf32, #tpu.memory_space<hbm>> -> memref<640xf32, #tpu.memory_space<hbm>>
      tpu.enqueue_dma source(%arg12 : memref<640xf32, #tpu.memory_space<vmem>>) target(%dma_start3A_61 : memref<640xf32, #tpu.memory_space<hbm>>) target_semaphore(%run_scoped3A_58 : memref<!tpu.dma_semaphore, #tpu.memory_space<semaphore_mem>>)
      %dma_wait3A = tpu.memref_slice %arg4[%arg0, %run_scoped3A_33, %mul3A_2] : memref<2x4x10240xf32, #tpu.memory_space<hbm>> -> memref<1x1x640xf32, #tpu.memory_space<hbm>>
      %dma_wait3A_62 = tpu.memref_squeeze %dma_wait3A : memref<1x1x640xf32, #tpu.memory_space<hbm>> -> memref<640xf32, #tpu.memory_space<hbm>>
      %dma_wait3A_63 = tpu.memref_slice %arg4[%arg0, %run_scoped3A_33, %mul3A_2] : memref<2x4x10240xf32, #tpu.memory_space<hbm>> -> memref<1x1x640xf32, #tpu.memory_space<hbm>>
      %dma_wait3A_64 = tpu.memref_squeeze %dma_wait3A_63 : memref<1x1x640xf32, #tpu.memory_space<hbm>> -> memref<640xf32, #tpu.memory_space<hbm>>
      tpu.wait_dma2 semaphore(%run_scoped3A_58 : memref<!tpu.dma_semaphore, #tpu.memory_space<semaphore_mem>>) src(%arg12 : memref<640xf32, #tpu.memory_space<vmem>>) dst(%dma_wait3A_64 : memref<640xf32, #tpu.memory_space<hbm>>)
      tpu.yield
    }) : () -> ()
    %run_scoped3A_34 = arith.constant 1 : i32
    "tpu.region"() ({
      %run_scoped3A_58 = tpu.sem_alloc : memref<!tpu.dma_semaphore, #tpu.memory_space<semaphore_mem>>
      %dma_start3A = arith.constant 0 : i32
      %dma_start3A_59 = tpu.memref_slice %arg9[%run_scoped3A_34, %dma_start3A, %mul3A_2] : memref<4x16x10240xf32, #tpu.memory_space<vmem_shared>> -> memref<1x16x640xf32, #tpu.memory_space<vmem_shared>>
      %dma_start3A_60 = tpu.memref_squeeze %dma_start3A_59 : memref<1x16x640xf32, #tpu.memory_space<vmem_shared>> -> memref<16x640xf32, #tpu.memory_space<vmem_shared>>
      %dma_start3A_61 = arith.constant 0 : i32
      %dma_start3A_62 = tpu.memref_slice %arg9[%run_scoped3A_34, %dma_start3A_61, %mul3A_2] : memref<4x16x10240xf32, #tpu.memory_space<vmem_shared>> -> memref<1x16x640xf32, #tpu.memory_space<vmem_shared>>
      %dma_start3A_63 = tpu.memref_squeeze %dma_start3A_62 : memref<1x16x640xf32, #tpu.memory_space<vmem_shared>> -> memref<16x640xf32, #tpu.memory_space<vmem_shared>>
      tpu.enqueue_dma source(%dma_start3A_63 : memref<16x640xf32, #tpu.memory_space<vmem_shared>>) target(%arg11 : memref<16x640xf32, #tpu.memory_space<vmem>>) target_semaphore(%run_scoped3A_58 : memref<!tpu.dma_semaphore, #tpu.memory_space<semaphore_mem>>)
      %dma_wait3A = arith.constant 0 : i32
      %dma_wait3A_64 = tpu.memref_slice %arg9[%run_scoped3A_34, %dma_wait3A, %mul3A_2] : memref<4x16x10240xf32, #tpu.memory_space<vmem_shared>> -> memref<1x16x640xf32, #tpu.memory_space<vmem_shared>>
      %dma_wait3A_65 = tpu.memref_squeeze %dma_wait3A_64 : memref<1x16x640xf32, #tpu.memory_space<vmem_shared>> -> memref<16x640xf32, #tpu.memory_space<vmem_shared>>
      %dma_wait3A_66 = arith.constant 0 : i32
      %dma_wait3A_67 = tpu.memref_slice %arg9[%run_scoped3A_34, %dma_wait3A_66, %mul3A_2] : memref<4x16x10240xf32, #tpu.memory_space<vmem_shared>> -> memref<1x16x640xf32, #tpu.memory_space<vmem_shared>>
      %dma_wait3A_68 = tpu.memref_squeeze %dma_wait3A_67 : memref<1x16x640xf32, #tpu.memory_space<vmem_shared>> -> memref<16x640xf32, #tpu.memory_space<vmem_shared>>
      tpu.wait_dma2 semaphore(%run_scoped3A_58 : memref<!tpu.dma_semaphore, #tpu.memory_space<semaphore_mem>>) src(%dma_wait3A_68 : memref<16x640xf32, #tpu.memory_space<vmem_shared>>) dst(%arg11 : memref<16x640xf32, #tpu.memory_space<vmem>>)
      tpu.yield
    }) : () -> ()
    %scan3A_35 = arith.constant 0 : i32
    %scan3A_36 = arith.constant 0 : i32
    %scan3A_37 = arith.constant 40 : i32
    %scan3A_38 = arith.addi %scan3A_36, %scan3A_37 : i32
    %scan3A_39 = arith.constant 1 : i32
    scf.for %scan3A_58 = %scan3A_36 to %scan3A_38 step %scan3A_39  : i32 {
      %mul3A_59 = arith.constant 16 : i32
      %mul3A_60 = arith.muli %scan3A_58, %mul3A_59 : i32
      %get3A = arith.constant 0 : i32
      %get3A_61 = arith.index_cast %get3A : i32 to index
      %get3A_62 = arith.index_cast %mul3A_60 : i32 to index
      %get3A_63 = tpu.vector_load %arg11[%get3A_61, %get3A_62] {strides = array<i32>} : memref<16x640xf32, #tpu.memory_space<vmem>>, vector<16xf32>,
      %mul3A_64 = arith.constant 16 : i32
      %mul3A_65 = arith.muli %scan3A_58, %mul3A_64 : i32
      %get3A_66 = arith.constant 1 : i32
      %get3A_67 = arith.index_cast %get3A_66 : i32 to index
      %get3A_68 = arith.index_cast %mul3A_65 : i32 to index
      %get3A_69 = tpu.vector_load %arg11[%get3A_67, %get3A_68] {strides = array<i32>} : memref<16x640xf32, #tpu.memory_space<vmem>>, vector<16xf32>,
      %add3A_70 = arith.addf %get3A_63, %get3A_69 : vector<16xf32>
      %mul3A_71 = arith.constant 16 : i32
      %mul3A_72 = arith.muli %scan3A_58, %mul3A_71 : i32
      %get3A_73 = arith.constant 2 : i32
      %get3A_74 = arith.index_cast %get3A_73 : i32 to index
      %get3A_75 = arith.index_cast %mul3A_72 : i32 to index
      %get3A_76 = tpu.vector_load %arg11[%get3A_74, %get3A_75] {strides = array<i32>} : memref<16x640xf32, #tpu.memory_space<vmem>>, vector<16xf32>,
      %add3A_77 = arith.addf %add3A_70, %get3A_76 : vector<16xf32>
      %mul3A_78 = arith.constant 16 : i32
      %mul3A_79 = arith.muli %scan3A_58, %mul3A_78 : i32
      %get3A_80 = arith.constant 3 : i32
      %get3A_81 = arith.index_cast %get3A_80 : i32 to index
      %get3A_82 = arith.index_cast %mul3A_79 : i32 to index
      %get3A_83 = tpu.vector_load %arg11[%get3A_81, %get3A_82] {strides = array<i32>} : memref<16x640xf32, #tpu.memory_space<vmem>>, vector<16xf32>,
      %add3A_84 = arith.addf %add3A_77, %get3A_83 : vector<16xf32>
      %mul3A_85 = arith.constant 16 : i32
      %mul3A_86 = arith.muli %scan3A_58, %mul3A_85 : i32
      %get3A_87 = arith.constant 4 : i32
      %get3A_88 = arith.index_cast %get3A_87 : i32 to index
      %get3A_89 = arith.index_cast %mul3A_86 : i32 to index
      %get3A_90 = tpu.vector_load %arg11[%get3A_88, %get3A_89] {strides = array<i32>} : memref<16x640xf32, #tpu.memory_space<vmem>>, vector<16xf32>,
      %add3A_91 = arith.addf %add3A_84, %get3A_90 : vector<16xf32>
      %mul3A_92 = arith.constant 16 : i32
      %mul3A_93 = arith.muli %scan3A_58, %mul3A_92 : i32
      %get3A_94 = arith.constant 5 : i32
      %get3A_95 = arith.index_cast %get3A_94 : i32 to index
      %get3A_96 = arith.index_cast %mul3A_93 : i32 to index
      %get3A_97 = tpu.vector_load %arg11[%get3A_95, %get3A_96] {strides = array<i32>} : memref<16x640xf32, #tpu.memory_space<vmem>>, vector<16xf32>,
      %add3A_98 = arith.addf %add3A_91, %get3A_97 : vector<16xf32>
      %mul3A_99 = arith.constant 16 : i32
      %mul3A_100 = arith.muli %scan3A_58, %mul3A_99 : i32
      %get3A_101 = arith.constant 6 : i32
      %get3A_102 = arith.index_cast %get3A_101 : i32 to index
      %get3A_103 = arith.index_cast %mul3A_100 : i32 to index
      %get3A_104 = tpu.vector_load %arg11[%get3A_102, %get3A_103] {strides = array<i32>} : memref<16x640xf32, #tpu.memory_space<vmem>>, vector<16xf32>,
      %add3A_105 = arith.addf %add3A_98, %get3A_104 : vector<16xf32>
      %mul3A_106 = arith.constant 16 : i32
      %mul3A_107 = arith.muli %scan3A_58, %mul3A_106 : i32
      %get3A_108 = arith.constant 7 : i32
      %get3A_109 = arith.index_cast %get3A_108 : i32 to index
      %get3A_110 = arith.index_cast %mul3A_107 : i32 to index
      %get3A_111 = tpu.vector_load %arg11[%get3A_109, %get3A_110] {strides = array<i32>} : memref<16x640xf32, #tpu.memory_space<vmem>>, vector<16xf32>,
      %add3A_112 = arith.addf %add3A_105, %get3A_111 : vector<16xf32>
      %mul3A_113 = arith.constant 16 : i32
      %mul3A_114 = arith.muli %scan3A_58, %mul3A_113 : i32
      %get3A_115 = arith.constant 8 : i32
      %get3A_116 = arith.index_cast %get3A_115 : i32 to index
      %get3A_117 = arith.index_cast %mul3A_114 : i32 to index
      %get3A_118 = tpu.vector_load %arg11[%get3A_116, %get3A_117] {strides = array<i32>} : memref<16x640xf32, #tpu.memory_space<vmem>>, vector<16xf32>,
      %add3A_119 = arith.addf %add3A_112, %get3A_118 : vector<16xf32>
      %mul3A_120 = arith.constant 16 : i32
      %mul3A_121 = arith.muli %scan3A_58, %mul3A_120 : i32
      %get3A_122 = arith.constant 9 : i32
      %get3A_123 = arith.index_cast %get3A_122 : i32 to index
      %get3A_124 = arith.index_cast %mul3A_121 : i32 to index
      %get3A_125 = tpu.vector_load %arg11[%get3A_123, %get3A_124] {strides = array<i32>} : memref<16x640xf32, #tpu.memory_space<vmem>>, vector<16xf32>,
      %add3A_126 = arith.addf %add3A_119, %get3A_125 : vector<16xf32>
      %mul3A_127 = arith.constant 16 : i32
      %mul3A_128 = arith.muli %scan3A_58, %mul3A_127 : i32
      %get3A_129 = arith.constant 10 : i32
      %get3A_130 = arith.index_cast %get3A_129 : i32 to index
      %get3A_131 = arith.index_cast %mul3A_128 : i32 to index
      %get3A_132 = tpu.vector_load %arg11[%get3A_130, %get3A_131] {strides = array<i32>} : memref<16x640xf32, #tpu.memory_space<vmem>>, vector<16xf32>,
      %add3A_133 = arith.addf %add3A_126, %get3A_132 : vector<16xf32>
      %mul3A_134 = arith.constant 16 : i32
      %mul3A_135 = arith.muli %scan3A_58, %mul3A_134 : i32
      %get3A_136 = arith.constant 11 : i32
      %get3A_137 = arith.index_cast %get3A_136 : i32 to index
      %get3A_138 = arith.index_cast %mul3A_135 : i32 to index
      %get3A_139 = tpu.vector_load %arg11[%get3A_137, %get3A_138] {strides = array<i32>} : memref<16x640xf32, #tpu.memory_space<vmem>>, vector<16xf32>,
      %add3A_140 = arith.addf %add3A_133, %get3A_139 : vector<16xf32>
      %mul3A_141 = arith.constant 16 : i32
      %mul3A_142 = arith.muli %scan3A_58, %mul3A_141 : i32
      %get3A_143 = arith.constant 12 : i32
      %get3A_144 = arith.index_cast %get3A_143 : i32 to index
      %get3A_145 = arith.index_cast %mul3A_142 : i32 to index
      %get3A_146 = tpu.vector_load %arg11[%get3A_144, %get3A_145] {strides = array<i32>} : memref<16x640xf32, #tpu.memory_space<vmem>>, vector<16xf32>,
      %add3A_147 = arith.addf %add3A_140, %get3A_146 : vector<16xf32>
      %mul3A_148 = arith.constant 16 : i32
      %mul3A_149 = arith.muli %scan3A_58, %mul3A_148 : i32
      %get3A_150 = arith.constant 13 : i32
      %get3A_151 = arith.index_cast %get3A_150 : i32 to index
      %get3A_152 = arith.index_cast %mul3A_149 : i32 to index
      %get3A_153 = tpu.vector_load %arg11[%get3A_151, %get3A_152] {strides = array<i32>} : memref<16x640xf32, #tpu.memory_space<vmem>>, vector<16xf32>,
      %add3A_154 = arith.addf %add3A_147, %get3A_153 : vector<16xf32>
      %mul3A_155 = arith.constant 16 : i32
      %mul3A_156 = arith.muli %scan3A_58, %mul3A_155 : i32
      %get3A_157 = arith.constant 14 : i32
      %get3A_158 = arith.index_cast %get3A_157 : i32 to index
      %get3A_159 = arith.index_cast %mul3A_156 : i32 to index
      %get3A_160 = tpu.vector_load %arg11[%get3A_158, %get3A_159] {strides = array<i32>} : memref<16x640xf32, #tpu.memory_space<vmem>>, vector<16xf32>,
      %add3A_161 = arith.addf %add3A_154, %get3A_160 : vector<16xf32>
      %mul3A_162 = arith.constant 16 : i32
      %mul3A_163 = arith.muli %scan3A_58, %mul3A_162 : i32
      %get3A_164 = arith.constant 15 : i32
      %get3A_165 = arith.index_cast %get3A_164 : i32 to index
      %get3A_166 = arith.index_cast %mul3A_163 : i32 to index
      %get3A_167 = tpu.vector_load %arg11[%get3A_165, %get3A_166] {strides = array<i32>} : memref<16x640xf32, #tpu.memory_space<vmem>>, vector<16xf32>,
      %add3A_168 = arith.addf %add3A_161, %get3A_167 : vector<16xf32>
      %mul3A_169 = arith.constant 16 : i32
      %mul3A_170 = arith.muli %scan3A_58, %mul3A_169 : i32
      %swap3A = arith.index_cast %mul3A_170 : i32 to index
      %swap3A_171 = tpu.vector_load %arg12[%swap3A] {strides = array<i32>} : memref<640xf32, #tpu.memory_space<vmem>>, vector<16xf32>,
      tpu.vector_store %arg12[%swap3A], %add3A_168 {strides = array<i32>} : memref<640xf32, #tpu.memory_space<vmem>>, vector<16xf32>,
    }
    %scan3A_40 = arith.constant 40 : i32
    %run_scoped3A_41 = arith.constant 1 : i32
    "tpu.region"() ({
      %run_scoped3A_58 = tpu.sem_alloc : memref<!tpu.dma_semaphore, #tpu.memory_space<semaphore_mem>>
      %dma_start3A = tpu.memref_slice %arg4[%arg0, %run_scoped3A_41, %mul3A_2] : memref<2x4x10240xf32, #tpu.memory_space<hbm>> -> memref<1x1x640xf32, #tpu.memory_space<hbm>>
      %dma_start3A_59 = tpu.memref_squeeze %dma_start3A : memref<1x1x640xf32, #tpu.memory_space<hbm>> -> memref<640xf32, #tpu.memory_space<hbm>>
      %dma_start3A_60 = tpu.memref_slice %arg4[%arg0, %run_scoped3A_41, %mul3A_2] : memref<2x4x10240xf32, #tpu.memory_space<hbm>> -> memref<1x1x640xf32, #tpu.memory_space<hbm>>
      %dma_start3A_61 = tpu.memref_squeeze %dma_start3A_60 : memref<1x1x640xf32, #tpu.memory_space<hbm>> -> memref<640xf32, #tpu.memory_space<hbm>>
      tpu.enqueue_dma source(%arg12 : memref<640xf32, #tpu.memory_space<vmem>>) target(%dma_start3A_61 : memref<640xf32, #tpu.memory_space<hbm>>) target_semaphore(%run_scoped3A_58 : memref<!tpu.dma_semaphore, #tpu.memory_space<semaphore_mem>>)
      %dma_wait3A = tpu.memref_slice %arg4[%arg0, %run_scoped3A_41, %mul3A_2] : memref<2x4x10240xf32, #tpu.memory_space<hbm>> -> memref<1x1x640xf32, #tpu.memory_space<hbm>>
      %dma_wait3A_62 = tpu.memref_squeeze %dma_wait3A : memref<1x1x640xf32, #tpu.memory_space<hbm>> -> memref<640xf32, #tpu.memory_space<hbm>>
      %dma_wait3A_63 = tpu.memref_slice %arg4[%arg0, %run_scoped3A_41, %mul3A_2] : memref<2x4x10240xf32, #tpu.memory_space<hbm>> -> memref<1x1x640xf32, #tpu.memory_space<hbm>>
      %dma_wait3A_64 = tpu.memref_squeeze %dma_wait3A_63 : memref<1x1x640xf32, #tpu.memory_space<hbm>> -> memref<640xf32, #tpu.memory_space<hbm>>
      tpu.wait_dma2 semaphore(%run_scoped3A_58 : memref<!tpu.dma_semaphore, #tpu.memory_space<semaphore_mem>>) src(%arg12 : memref<640xf32, #tpu.memory_space<vmem>>) dst(%dma_wait3A_64 : memref<640xf32, #tpu.memory_space<hbm>>)
      tpu.yield
    }) : () -> ()
    %run_scoped3A_42 = arith.constant 2 : i32
    "tpu.region"() ({
      %run_scoped3A_58 = tpu.sem_alloc : memref<!tpu.dma_semaphore, #tpu.memory_space<semaphore_mem>>
      %dma_start3A = arith.constant 0 : i32
      %dma_start3A_59 = tpu.memref_slice %arg9[%run_scoped3A_42, %dma_start3A, %mul3A_2] : memref<4x16x10240xf32, #tpu.memory_space<vmem_shared>> -> memref<1x16x640xf32, #tpu.memory_space<vmem_shared>>
      %dma_start3A_60 = tpu.memref_squeeze %dma_start3A_59 : memref<1x16x640xf32, #tpu.memory_space<vmem_shared>> -> memref<16x640xf32, #tpu.memory_space<vmem_shared>>
      %dma_start3A_61 = arith.constant 0 : i32
      %dma_start3A_62 = tpu.memref_slice %arg9[%run_scoped3A_42, %dma_start3A_61, %mul3A_2] : memref<4x16x10240xf32, #tpu.memory_space<vmem_shared>> -> memref<1x16x640xf32, #tpu.memory_space<vmem_shared>>
      %dma_start3A_63 = tpu.memref_squeeze %dma_start3A_62 : memref<1x16x640xf32, #tpu.memory_space<vmem_shared>> -> memref<16x640xf32, #tpu.memory_space<vmem_shared>>
      tpu.enqueue_dma source(%dma_start3A_63 : memref<16x640xf32, #tpu.memory_space<vmem_shared>>) target(%arg11 : memref<16x640xf32, #tpu.memory_space<vmem>>) target_semaphore(%run_scoped3A_58 : memref<!tpu.dma_semaphore, #tpu.memory_space<semaphore_mem>>)
      %dma_wait3A = arith.constant 0 : i32
      %dma_wait3A_64 = tpu.memref_slice %arg9[%run_scoped3A_42, %dma_wait3A, %mul3A_2] : memref<4x16x10240xf32, #tpu.memory_space<vmem_shared>> -> memref<1x16x640xf32, #tpu.memory_space<vmem_shared>>
      %dma_wait3A_65 = tpu.memref_squeeze %dma_wait3A_64 : memref<1x16x640xf32, #tpu.memory_space<vmem_shared>> -> memref<16x640xf32, #tpu.memory_space<vmem_shared>>
      %dma_wait3A_66 = arith.constant 0 : i32
      %dma_wait3A_67 = tpu.memref_slice %arg9[%run_scoped3A_42, %dma_wait3A_66, %mul3A_2] : memref<4x16x10240xf32, #tpu.memory_space<vmem_shared>> -> memref<1x16x640xf32, #tpu.memory_space<vmem_shared>>
      %dma_wait3A_68 = tpu.memref_squeeze %dma_wait3A_67 : memref<1x16x640xf32, #tpu.memory_space<vmem_shared>> -> memref<16x640xf32, #tpu.memory_space<vmem_shared>>
      tpu.wait_dma2 semaphore(%run_scoped3A_58 : memref<!tpu.dma_semaphore, #tpu.memory_space<semaphore_mem>>) src(%dma_wait3A_68 : memref<16x640xf32, #tpu.memory_space<vmem_shared>>) dst(%arg11 : memref<16x640xf32, #tpu.memory_space<vmem>>)
      tpu.yield
    }) : () -> ()
    %scan3A_43 = arith.constant 0 : i32
    %scan3A_44 = arith.constant 0 : i32
    %scan3A_45 = arith.constant 40 : i32
    %scan3A_46 = arith.addi %scan3A_44, %scan3A_45 : i32
    %scan3A_47 = arith.constant 1 : i32
    scf.for %scan3A_58 = %scan3A_44 to %scan3A_46 step %scan3A_47  : i32 {
      %mul3A_59 = arith.constant 16 : i32
      %mul3A_60 = arith.muli %scan3A_58, %mul3A_59 : i32
      %get3A = arith.constant 0 : i32
      %get3A_61 = arith.index_cast %get3A : i32 to index
      %get3A_62 = arith.index_cast %mul3A_60 : i32 to index
      %get3A_63 = tpu.vector_load %arg11[%get3A_61, %get3A_62] {strides = array<i32>} : memref<16x640xf32, #tpu.memory_space<vmem>>, vector<16xf32>,
      %mul3A_64 = arith.constant 16 : i32
      %mul3A_65 = arith.muli %scan3A_58, %mul3A_64 : i32
      %get3A_66 = arith.constant 1 : i32
      %get3A_67 = arith.index_cast %get3A_66 : i32 to index
      %get3A_68 = arith.index_cast %mul3A_65 : i32 to index
      %get3A_69 = tpu.vector_load %arg11[%get3A_67, %get3A_68] {strides = array<i32>} : memref<16x640xf32, #tpu.memory_space<vmem>>, vector<16xf32>,
      %add3A_70 = arith.addf %get3A_63, %get3A_69 : vector<16xf32>
      %mul3A_71 = arith.constant 16 : i32
      %mul3A_72 = arith.muli %scan3A_58, %mul3A_71 : i32
      %get3A_73 = arith.constant 2 : i32
      %get3A_74 = arith.index_cast %get3A_73 : i32 to index
      %get3A_75 = arith.index_cast %mul3A_72 : i32 to index
      %get3A_76 = tpu.vector_load %arg11[%get3A_74, %get3A_75] {strides = array<i32>} : memref<16x640xf32, #tpu.memory_space<vmem>>, vector<16xf32>,
      %add3A_77 = arith.addf %add3A_70, %get3A_76 : vector<16xf32>
      %mul3A_78 = arith.constant 16 : i32
      %mul3A_79 = arith.muli %scan3A_58, %mul3A_78 : i32
      %get3A_80 = arith.constant 3 : i32
      %get3A_81 = arith.index_cast %get3A_80 : i32 to index
      %get3A_82 = arith.index_cast %mul3A_79 : i32 to index
      %get3A_83 = tpu.vector_load %arg11[%get3A_81, %get3A_82] {strides = array<i32>} : memref<16x640xf32, #tpu.memory_space<vmem>>, vector<16xf32>,
      %add3A_84 = arith.addf %add3A_77, %get3A_83 : vector<16xf32>
      %mul3A_85 = arith.constant 16 : i32
      %mul3A_86 = arith.muli %scan3A_58, %mul3A_85 : i32
      %get3A_87 = arith.constant 4 : i32
      %get3A_88 = arith.index_cast %get3A_87 : i32 to index
      %get3A_89 = arith.index_cast %mul3A_86 : i32 to index
      %get3A_90 = tpu.vector_load %arg11[%get3A_88, %get3A_89] {strides = array<i32>} : memref<16x640xf32, #tpu.memory_space<vmem>>, vector<16xf32>,
      %add3A_91 = arith.addf %add3A_84, %get3A_90 : vector<16xf32>
      %mul3A_92 = arith.constant 16 : i32
      %mul3A_93 = arith.muli %scan3A_58, %mul3A_92 : i32
      %get3A_94 = arith.constant 5 : i32
      %get3A_95 = arith.index_cast %get3A_94 : i32 to index
      %get3A_96 = arith.index_cast %mul3A_93 : i32 to index
      %get3A_97 = tpu.vector_load %arg11[%get3A_95, %get3A_96] {strides = array<i32>} : memref<16x640xf32, #tpu.memory_space<vmem>>, vector<16xf32>,
      %add3A_98 = arith.addf %add3A_91, %get3A_97 : vector<16xf32>
      %mul3A_99 = arith.constant 16 : i32
      %mul3A_100 = arith.muli %scan3A_58, %mul3A_99 : i32
      %get3A_101 = arith.constant 6 : i32
      %get3A_102 = arith.index_cast %get3A_101 : i32 to index
      %get3A_103 = arith.index_cast %mul3A_100 : i32 to index
      %get3A_104 = tpu.vector_load %arg11[%get3A_102, %get3A_103] {strides = array<i32>} : memref<16x640xf32, #tpu.memory_space<vmem>>, vector<16xf32>,
      %add3A_105 = arith.addf %add3A_98, %get3A_104 : vector<16xf32>
      %mul3A_106 = arith.constant 16 : i32
      %mul3A_107 = arith.muli %scan3A_58, %mul3A_106 : i32
      %get3A_108 = arith.constant 7 : i32
      %get3A_109 = arith.index_cast %get3A_108 : i32 to index
      %get3A_110 = arith.index_cast %mul3A_107 : i32 to index
      %get3A_111 = tpu.vector_load %arg11[%get3A_109, %get3A_110] {strides = array<i32>} : memref<16x640xf32, #tpu.memory_space<vmem>>, vector<16xf32>,
      %add3A_112 = arith.addf %add3A_105, %get3A_111 : vector<16xf32>
      %mul3A_113 = arith.constant 16 : i32
      %mul3A_114 = arith.muli %scan3A_58, %mul3A_113 : i32
      %get3A_115 = arith.constant 8 : i32
      %get3A_116 = arith.index_cast %get3A_115 : i32 to index
      %get3A_117 = arith.index_cast %mul3A_114 : i32 to index
      %get3A_118 = tpu.vector_load %arg11[%get3A_116, %get3A_117] {strides = array<i32>} : memref<16x640xf32, #tpu.memory_space<vmem>>, vector<16xf32>,
      %add3A_119 = arith.addf %add3A_112, %get3A_118 : vector<16xf32>
      %mul3A_120 = arith.constant 16 : i32
      %mul3A_121 = arith.muli %scan3A_58, %mul3A_120 : i32
      %get3A_122 = arith.constant 9 : i32
      %get3A_123 = arith.index_cast %get3A_122 : i32 to index
      %get3A_124 = arith.index_cast %mul3A_121 : i32 to index
      %get3A_125 = tpu.vector_load %arg11[%get3A_123, %get3A_124] {strides = array<i32>} : memref<16x640xf32, #tpu.memory_space<vmem>>, vector<16xf32>,
      %add3A_126 = arith.addf %add3A_119, %get3A_125 : vector<16xf32>
      %mul3A_127 = arith.constant 16 : i32
      %mul3A_128 = arith.muli %scan3A_58, %mul3A_127 : i32
      %get3A_129 = arith.constant 10 : i32
      %get3A_130 = arith.index_cast %get3A_129 : i32 to index
      %get3A_131 = arith.index_cast %mul3A_128 : i32 to index
      %get3A_132 = tpu.vector_load %arg11[%get3A_130, %get3A_131] {strides = array<i32>} : memref<16x640xf32, #tpu.memory_space<vmem>>, vector<16xf32>,
      %add3A_133 = arith.addf %add3A_126, %get3A_132 : vector<16xf32>
      %mul3A_134 = arith.constant 16 : i32
      %mul3A_135 = arith.muli %scan3A_58, %mul3A_134 : i32
      %get3A_136 = arith.constant 11 : i32
      %get3A_137 = arith.index_cast %get3A_136 : i32 to index
      %get3A_138 = arith.index_cast %mul3A_135 : i32 to index
      %get3A_139 = tpu.vector_load %arg11[%get3A_137, %get3A_138] {strides = array<i32>} : memref<16x640xf32, #tpu.memory_space<vmem>>, vector<16xf32>,
      %add3A_140 = arith.addf %add3A_133, %get3A_139 : vector<16xf32>
      %mul3A_141 = arith.constant 16 : i32
      %mul3A_142 = arith.muli %scan3A_58, %mul3A_141 : i32
      %get3A_143 = arith.constant 12 : i32
      %get3A_144 = arith.index_cast %get3A_143 : i32 to index
      %get3A_145 = arith.index_cast %mul3A_142 : i32 to index
      %get3A_146 = tpu.vector_load %arg11[%get3A_144, %get3A_145] {strides = array<i32>} : memref<16x640xf32, #tpu.memory_space<vmem>>, vector<16xf32>,
      %add3A_147 = arith.addf %add3A_140, %get3A_146 : vector<16xf32>
      %mul3A_148 = arith.constant 16 : i32
      %mul3A_149 = arith.muli %scan3A_58, %mul3A_148 : i32
      %get3A_150 = arith.constant 13 : i32
      %get3A_151 = arith.index_cast %get3A_150 : i32 to index
      %get3A_152 = arith.index_cast %mul3A_149 : i32 to index
      %get3A_153 = tpu.vector_load %arg11[%get3A_151, %get3A_152] {strides = array<i32>} : memref<16x640xf32, #tpu.memory_space<vmem>>, vector<16xf32>,
      %add3A_154 = arith.addf %add3A_147, %get3A_153 : vector<16xf32>
      %mul3A_155 = arith.constant 16 : i32
      %mul3A_156 = arith.muli %scan3A_58, %mul3A_155 : i32
      %get3A_157 = arith.constant 14 : i32
      %get3A_158 = arith.index_cast %get3A_157 : i32 to index
      %get3A_159 = arith.index_cast %mul3A_156 : i32 to index
      %get3A_160 = tpu.vector_load %arg11[%get3A_158, %get3A_159] {strides = array<i32>} : memref<16x640xf32, #tpu.memory_space<vmem>>, vector<16xf32>,
      %add3A_161 = arith.addf %add3A_154, %get3A_160 : vector<16xf32>
      %mul3A_162 = arith.constant 16 : i32
      %mul3A_163 = arith.muli %scan3A_58, %mul3A_162 : i32
      %get3A_164 = arith.constant 15 : i32
      %get3A_165 = arith.index_cast %get3A_164 : i32 to index
      %get3A_166 = arith.index_cast %mul3A_163 : i32 to index
      %get3A_167 = tpu.vector_load %arg11[%get3A_165, %get3A_166] {strides = array<i32>} : memref<16x640xf32, #tpu.memory_space<vmem>>, vector<16xf32>,
      %add3A_168 = arith.addf %add3A_161, %get3A_167 : vector<16xf32>
      %mul3A_169 = arith.constant 16 : i32
      %mul3A_170 = arith.muli %scan3A_58, %mul3A_169 : i32
      %swap3A = arith.index_cast %mul3A_170 : i32 to index
      %swap3A_171 = tpu.vector_load %arg12[%swap3A] {strides = array<i32>} : memref<640xf32, #tpu.memory_space<vmem>>, vector<16xf32>,
      tpu.vector_store %arg12[%swap3A], %add3A_168 {strides = array<i32>} : memref<640xf32, #tpu.memory_space<vmem>>, vector<16xf32>,
    }
    %scan3A_48 = arith.constant 40 : i32
    %run_scoped3A_49 = arith.constant 2 : i32
    "tpu.region"() ({
      %run_scoped3A_58 = tpu.sem_alloc : memref<!tpu.dma_semaphore, #tpu.memory_space<semaphore_mem>>
      %dma_start3A = tpu.memref_slice %arg4[%arg0, %run_scoped3A_49, %mul3A_2] : memref<2x4x10240xf32, #tpu.memory_space<hbm>> -> memref<1x1x640xf32, #tpu.memory_space<hbm>>
      %dma_start3A_59 = tpu.memref_squeeze %dma_start3A : memref<1x1x640xf32, #tpu.memory_space<hbm>> -> memref<640xf32, #tpu.memory_space<hbm>>
      %dma_start3A_60 = tpu.memref_slice %arg4[%arg0, %run_scoped3A_49, %mul3A_2] : memref<2x4x10240xf32, #tpu.memory_space<hbm>> -> memref<1x1x640xf32, #tpu.memory_space<hbm>>
      %dma_start3A_61 = tpu.memref_squeeze %dma_start3A_60 : memref<1x1x640xf32, #tpu.memory_space<hbm>> -> memref<640xf32, #tpu.memory_space<hbm>>
      tpu.enqueue_dma source(%arg12 : memref<640xf32, #tpu.memory_space<vmem>>) target(%dma_start3A_61 : memref<640xf32, #tpu.memory_space<hbm>>) target_semaphore(%run_scoped3A_58 : memref<!tpu.dma_semaphore, #tpu.memory_space<semaphore_mem>>)
      %dma_wait3A = tpu.memref_slice %arg4[%arg0, %run_scoped3A_49, %mul3A_2] : memref<2x4x10240xf32, #tpu.memory_space<hbm>> -> memref<1x1x640xf32, #tpu.memory_space<hbm>>
      %dma_wait3A_62 = tpu.memref_squeeze %dma_wait3A : memref<1x1x640xf32, #tpu.memory_space<hbm>> -> memref<640xf32, #tpu.memory_space<hbm>>
      %dma_wait3A_63 = tpu.memref_slice %arg4[%arg0, %run_scoped3A_49, %mul3A_2] : memref<2x4x10240xf32, #tpu.memory_space<hbm>> -> memref<1x1x640xf32, #tpu.memory_space<hbm>>
      %dma_wait3A_64 = tpu.memref_squeeze %dma_wait3A_63 : memref<1x1x640xf32, #tpu.memory_space<hbm>> -> memref<640xf32, #tpu.memory_space<hbm>>
      tpu.wait_dma2 semaphore(%run_scoped3A_58 : memref<!tpu.dma_semaphore, #tpu.memory_space<semaphore_mem>>) src(%arg12 : memref<640xf32, #tpu.memory_space<vmem>>) dst(%dma_wait3A_64 : memref<640xf32, #tpu.memory_space<hbm>>)
      tpu.yield
    }) : () -> ()
    %run_scoped3A_50 = arith.constant 3 : i32
    "tpu.region"() ({
      %run_scoped3A_58 = tpu.sem_alloc : memref<!tpu.dma_semaphore, #tpu.memory_space<semaphore_mem>>
      %dma_start3A = arith.constant 0 : i32
      %dma_start3A_59 = tpu.memref_slice %arg9[%run_scoped3A_50, %dma_start3A, %mul3A_2] : memref<4x16x10240xf32, #tpu.memory_space<vmem_shared>> -> memref<1x16x640xf32, #tpu.memory_space<vmem_shared>>
      %dma_start3A_60 = tpu.memref_squeeze %dma_start3A_59 : memref<1x16x640xf32, #tpu.memory_space<vmem_shared>> -> memref<16x640xf32, #tpu.memory_space<vmem_shared>>
      %dma_start3A_61 = arith.constant 0 : i32
      %dma_start3A_62 = tpu.memref_slice %arg9[%run_scoped3A_50, %dma_start3A_61, %mul3A_2] : memref<4x16x10240xf32, #tpu.memory_space<vmem_shared>> -> memref<1x16x640xf32, #tpu.memory_space<vmem_shared>>
      %dma_start3A_63 = tpu.memref_squeeze %dma_start3A_62 : memref<1x16x640xf32, #tpu.memory_space<vmem_shared>> -> memref<16x640xf32, #tpu.memory_space<vmem_shared>>
      tpu.enqueue_dma source(%dma_start3A_63 : memref<16x640xf32, #tpu.memory_space<vmem_shared>>) target(%arg11 : memref<16x640xf32, #tpu.memory_space<vmem>>) target_semaphore(%run_scoped3A_58 : memref<!tpu.dma_semaphore, #tpu.memory_space<semaphore_mem>>)
      %dma_wait3A = arith.constant 0 : i32
      %dma_wait3A_64 = tpu.memref_slice %arg9[%run_scoped3A_50, %dma_wait3A, %mul3A_2] : memref<4x16x10240xf32, #tpu.memory_space<vmem_shared>> -> memref<1x16x640xf32, #tpu.memory_space<vmem_shared>>
      %dma_wait3A_65 = tpu.memref_squeeze %dma_wait3A_64 : memref<1x16x640xf32, #tpu.memory_space<vmem_shared>> -> memref<16x640xf32, #tpu.memory_space<vmem_shared>>
      %dma_wait3A_66 = arith.constant 0 : i32
      %dma_wait3A_67 = tpu.memref_slice %arg9[%run_scoped3A_50, %dma_wait3A_66, %mul3A_2] : memref<4x16x10240xf32, #tpu.memory_space<vmem_shared>> -> memref<1x16x640xf32, #tpu.memory_space<vmem_shared>>
      %dma_wait3A_68 = tpu.memref_squeeze %dma_wait3A_67 : memref<1x16x640xf32, #tpu.memory_space<vmem_shared>> -> memref<16x640xf32, #tpu.memory_space<vmem_shared>>
      tpu.wait_dma2 semaphore(%run_scoped3A_58 : memref<!tpu.dma_semaphore, #tpu.memory_space<semaphore_mem>>) src(%dma_wait3A_68 : memref<16x640xf32, #tpu.memory_space<vmem_shared>>) dst(%arg11 : memref<16x640xf32, #tpu.memory_space<vmem>>)
      tpu.yield
    }) : () -> ()
    %scan3A_51 = arith.constant 0 : i32
    %scan3A_52 = arith.constant 0 : i32
    %scan3A_53 = arith.constant 40 : i32
    %scan3A_54 = arith.addi %scan3A_52, %scan3A_53 : i32
    %scan3A_55 = arith.constant 1 : i32
    scf.for %scan3A_58 = %scan3A_52 to %scan3A_54 step %scan3A_55  : i32 {
      %mul3A_59 = arith.constant 16 : i32
      %mul3A_60 = arith.muli %scan3A_58, %mul3A_59 : i32
      %get3A = arith.constant 0 : i32
      %get3A_61 = arith.index_cast %get3A : i32 to index
      %get3A_62 = arith.index_cast %mul3A_60 : i32 to index
      %get3A_63 = tpu.vector_load %arg11[%get3A_61, %get3A_62] {strides = array<i32>} : memref<16x640xf32, #tpu.memory_space<vmem>>, vector<16xf32>,
      %mul3A_64 = arith.constant 16 : i32
      %mul3A_65 = arith.muli %scan3A_58, %mul3A_64 : i32
      %get3A_66 = arith.constant 1 : i32
      %get3A_67 = arith.index_cast %get3A_66 : i32 to index
      %get3A_68 = arith.index_cast %mul3A_65 : i32 to index
      %get3A_69 = tpu.vector_load %arg11[%get3A_67, %get3A_68] {strides = array<i32>} : memref<16x640xf32, #tpu.memory_space<vmem>>, vector<16xf32>,
      %add3A_70 = arith.addf %get3A_63, %get3A_69 : vector<16xf32>
      %mul3A_71 = arith.constant 16 : i32
      %mul3A_72 = arith.muli %scan3A_58, %mul3A_71 : i32
      %get3A_73 = arith.constant 2 : i32
      %get3A_74 = arith.index_cast %get3A_73 : i32 to index
      %get3A_75 = arith.index_cast %mul3A_72 : i32 to index
      %get3A_76 = tpu.vector_load %arg11[%get3A_74, %get3A_75] {strides = array<i32>} : memref<16x640xf32, #tpu.memory_space<vmem>>, vector<16xf32>,
      %add3A_77 = arith.addf %add3A_70, %get3A_76 : vector<16xf32>
      %mul3A_78 = arith.constant 16 : i32
      %mul3A_79 = arith.muli %scan3A_58, %mul3A_78 : i32
      %get3A_80 = arith.constant 3 : i32
      %get3A_81 = arith.index_cast %get3A_80 : i32 to index
      %get3A_82 = arith.index_cast %mul3A_79 : i32 to index
      %get3A_83 = tpu.vector_load %arg11[%get3A_81, %get3A_82] {strides = array<i32>} : memref<16x640xf32, #tpu.memory_space<vmem>>, vector<16xf32>,
      %add3A_84 = arith.addf %add3A_77, %get3A_83 : vector<16xf32>
      %mul3A_85 = arith.constant 16 : i32
      %mul3A_86 = arith.muli %scan3A_58, %mul3A_85 : i32
      %get3A_87 = arith.constant 4 : i32
      %get3A_88 = arith.index_cast %get3A_87 : i32 to index
      %get3A_89 = arith.index_cast %mul3A_86 : i32 to index
      %get3A_90 = tpu.vector_load %arg11[%get3A_88, %get3A_89] {strides = array<i32>} : memref<16x640xf32, #tpu.memory_space<vmem>>, vector<16xf32>,
      %add3A_91 = arith.addf %add3A_84, %get3A_90 : vector<16xf32>
      %mul3A_92 = arith.constant 16 : i32
      %mul3A_93 = arith.muli %scan3A_58, %mul3A_92 : i32
      %get3A_94 = arith.constant 5 : i32
      %get3A_95 = arith.index_cast %get3A_94 : i32 to index
      %get3A_96 = arith.index_cast %mul3A_93 : i32 to index
      %get3A_97 = tpu.vector_load %arg11[%get3A_95, %get3A_96] {strides = array<i32>} : memref<16x640xf32, #tpu.memory_space<vmem>>, vector<16xf32>,
      %add3A_98 = arith.addf %add3A_91, %get3A_97 : vector<16xf32>
      %mul3A_99 = arith.constant 16 : i32
      %mul3A_100 = arith.muli %scan3A_58, %mul3A_99 : i32
      %get3A_101 = arith.constant 6 : i32
      %get3A_102 = arith.index_cast %get3A_101 : i32 to index
      %get3A_103 = arith.index_cast %mul3A_100 : i32 to index
      %get3A_104 = tpu.vector_load %arg11[%get3A_102, %get3A_103] {strides = array<i32>} : memref<16x640xf32, #tpu.memory_space<vmem>>, vector<16xf32>,
      %add3A_105 = arith.addf %add3A_98, %get3A_104 : vector<16xf32>
      %mul3A_106 = arith.constant 16 : i32
      %mul3A_107 = arith.muli %scan3A_58, %mul3A_106 : i32
      %get3A_108 = arith.constant 7 : i32
      %get3A_109 = arith.index_cast %get3A_108 : i32 to index
      %get3A_110 = arith.index_cast %mul3A_107 : i32 to index
      %get3A_111 = tpu.vector_load %arg11[%get3A_109, %get3A_110] {strides = array<i32>} : memref<16x640xf32, #tpu.memory_space<vmem>>, vector<16xf32>,
      %add3A_112 = arith.addf %add3A_105, %get3A_111 : vector<16xf32>
      %mul3A_113 = arith.constant 16 : i32
      %mul3A_114 = arith.muli %scan3A_58, %mul3A_113 : i32
      %get3A_115 = arith.constant 8 : i32
      %get3A_116 = arith.index_cast %get3A_115 : i32 to index
      %get3A_117 = arith.index_cast %mul3A_114 : i32 to index
      %get3A_118 = tpu.vector_load %arg11[%get3A_116, %get3A_117] {strides = array<i32>} : memref<16x640xf32, #tpu.memory_space<vmem>>, vector<16xf32>,
      %add3A_119 = arith.addf %add3A_112, %get3A_118 : vector<16xf32>
      %mul3A_120 = arith.constant 16 : i32
      %mul3A_121 = arith.muli %scan3A_58, %mul3A_120 : i32
      %get3A_122 = arith.constant 9 : i32
      %get3A_123 = arith.index_cast %get3A_122 : i32 to index
      %get3A_124 = arith.index_cast %mul3A_121 : i32 to index
      %get3A_125 = tpu.vector_load %arg11[%get3A_123, %get3A_124] {strides = array<i32>} : memref<16x640xf32, #tpu.memory_space<vmem>>, vector<16xf32>,
      %add3A_126 = arith.addf %add3A_119, %get3A_125 : vector<16xf32>
      %mul3A_127 = arith.constant 16 : i32
      %mul3A_128 = arith.muli %scan3A_58, %mul3A_127 : i32
      %get3A_129 = arith.constant 10 : i32
      %get3A_130 = arith.index_cast %get3A_129 : i32 to index
      %get3A_131 = arith.index_cast %mul3A_128 : i32 to index
      %get3A_132 = tpu.vector_load %arg11[%get3A_130, %get3A_131] {strides = array<i32>} : memref<16x640xf32, #tpu.memory_space<vmem>>, vector<16xf32>,
      %add3A_133 = arith.addf %add3A_126, %get3A_132 : vector<16xf32>
      %mul3A_134 = arith.constant 16 : i32
      %mul3A_135 = arith.muli %scan3A_58, %mul3A_134 : i32
      %get3A_136 = arith.constant 11 : i32
      %get3A_137 = arith.index_cast %get3A_136 : i32 to index
      %get3A_138 = arith.index_cast %mul3A_135 : i32 to index
      %get3A_139 = tpu.vector_load %arg11[%get3A_137, %get3A_138] {strides = array<i32>} : memref<16x640xf32, #tpu.memory_space<vmem>>, vector<16xf32>,
      %add3A_140 = arith.addf %add3A_133, %get3A_139 : vector<16xf32>
      %mul3A_141 = arith.constant 16 : i32
      %mul3A_142 = arith.muli %scan3A_58, %mul3A_141 : i32
      %get3A_143 = arith.constant 12 : i32
      %get3A_144 = arith.index_cast %get3A_143 : i32 to index
      %get3A_145 = arith.index_cast %mul3A_142 : i32 to index
      %get3A_146 = tpu.vector_load %arg11[%get3A_144, %get3A_145] {strides = array<i32>} : memref<16x640xf32, #tpu.memory_space<vmem>>, vector<16xf32>,
      %add3A_147 = arith.addf %add3A_140, %get3A_146 : vector<16xf32>
      %mul3A_148 = arith.constant 16 : i32
      %mul3A_149 = arith.muli %scan3A_58, %mul3A_148 : i32
      %get3A_150 = arith.constant 13 : i32
      %get3A_151 = arith.index_cast %get3A_150 : i32 to index
      %get3A_152 = arith.index_cast %mul3A_149 : i32 to index
      %get3A_153 = tpu.vector_load %arg11[%get3A_151, %get3A_152] {strides = array<i32>} : memref<16x640xf32, #tpu.memory_space<vmem>>, vector<16xf32>,
      %add3A_154 = arith.addf %add3A_147, %get3A_153 : vector<16xf32>
      %mul3A_155 = arith.constant 16 : i32
      %mul3A_156 = arith.muli %scan3A_58, %mul3A_155 : i32
      %get3A_157 = arith.constant 14 : i32
      %get3A_158 = arith.index_cast %get3A_157 : i32 to index
      %get3A_159 = arith.index_cast %mul3A_156 : i32 to index
      %get3A_160 = tpu.vector_load %arg11[%get3A_158, %get3A_159] {strides = array<i32>} : memref<16x640xf32, #tpu.memory_space<vmem>>, vector<16xf32>,
      %add3A_161 = arith.addf %add3A_154, %get3A_160 : vector<16xf32>
      %mul3A_162 = arith.constant 16 : i32
      %mul3A_163 = arith.muli %scan3A_58, %mul3A_162 : i32
      %get3A_164 = arith.constant 15 : i32
      %get3A_165 = arith.index_cast %get3A_164 : i32 to index
      %get3A_166 = arith.index_cast %mul3A_163 : i32 to index
      %get3A_167 = tpu.vector_load %arg11[%get3A_165, %get3A_166] {strides = array<i32>} : memref<16x640xf32, #tpu.memory_space<vmem>>, vector<16xf32>,
      %add3A_168 = arith.addf %add3A_161, %get3A_167 : vector<16xf32>
      %mul3A_169 = arith.constant 16 : i32
      %mul3A_170 = arith.muli %scan3A_58, %mul3A_169 : i32
      %swap3A = arith.index_cast %mul3A_170 : i32 to index
      %swap3A_171 = tpu.vector_load %arg12[%swap3A] {strides = array<i32>} : memref<640xf32, #tpu.memory_space<vmem>>, vector<16xf32>,
      tpu.vector_store %arg12[%swap3A], %add3A_168 {strides = array<i32>} : memref<640xf32, #tpu.memory_space<vmem>>, vector<16xf32>,
    }
    %scan3A_56 = arith.constant 40 : i32
    %run_scoped3A_57 = arith.constant 3 : i32
    "tpu.region"() ({
      %run_scoped3A_58 = tpu.sem_alloc : memref<!tpu.dma_semaphore, #tpu.memory_space<semaphore_mem>>
      %dma_start3A = tpu.memref_slice %arg4[%arg0, %run_scoped3A_57, %mul3A_2] : memref<2x4x10240xf32, #tpu.memory_space<hbm>> -> memref<1x1x640xf32, #tpu.memory_space<hbm>>
      %dma_start3A_59 = tpu.memref_squeeze %dma_start3A : memref<1x1x640xf32, #tpu.memory_space<hbm>> -> memref<640xf32, #tpu.memory_space<hbm>>
      %dma_start3A_60 = tpu.memref_slice %arg4[%arg0, %run_scoped3A_57, %mul3A_2] : memref<2x4x10240xf32, #tpu.memory_space<hbm>> -> memref<1x1x640xf32, #tpu.memory_space<hbm>>
      %dma_start3A_61 = tpu.memref_squeeze %dma_start3A_60 : memref<1x1x640xf32, #tpu.memory_space<hbm>> -> memref<640xf32, #tpu.memory_space<hbm>>
      tpu.enqueue_dma source(%arg12 : memref<640xf32, #tpu.memory_space<vmem>>) target(%dma_start3A_61 : memref<640xf32, #tpu.memory_space<hbm>>) target_semaphore(%run_scoped3A_58 : memref<!tpu.dma_semaphore, #tpu.memory_space<semaphore_mem>>)
      %dma_wait3A = tpu.memref_slice %arg4[%arg0, %run_scoped3A_57, %mul3A_2] : memref<2x4x10240xf32, #tpu.memory_space<hbm>> -> memref<1x1x640xf32, #tpu.memory_space<hbm>>
      %dma_wait3A_62 = tpu.memref_squeeze %dma_wait3A : memref<1x1x640xf32, #tpu.memory_space<hbm>> -> memref<640xf32, #tpu.memory_space<hbm>>
      %dma_wait3A_63 = tpu.memref_slice %arg4[%arg0, %run_scoped3A_57, %mul3A_2] : memref<2x4x10240xf32, #tpu.memory_space<hbm>> -> memref<1x1x640xf32, #tpu.memory_space<hbm>>
      %dma_wait3A_64 = tpu.memref_squeeze %dma_wait3A_63 : memref<1x1x640xf32, #tpu.memory_space<hbm>> -> memref<640xf32, #tpu.memory_space<hbm>>
      tpu.wait_dma2 semaphore(%run_scoped3A_58 : memref<!tpu.dma_semaphore, #tpu.memory_space<semaphore_mem>>) src(%arg12 : memref<640xf32, #tpu.memory_space<vmem>>) dst(%dma_wait3A_64 : memref<640xf32, #tpu.memory_space<hbm>>)
      tpu.yield
    }) : () -> ()
    return
  }
}

module attributes {stable_mosaic.version = 14 : i64} {
  func.func @_prep_body(%arg0: i32, %arg1: memref<2x4x400x8xf32, #tpu.memory_space<vmem>>, %arg2: memref<400x128xf32, #tpu.memory_space<vmem>>, %arg3: memref<400x128xf32, #tpu.memory_space<vmem>>, %arg4: memref<400x128xf32, #tpu.memory_space<vmem>>, %arg5: memref<4x400x8xf32, #tpu.memory_space<vmem>>) attributes {dimension_semantics = [#tpu.dimension_semantics<arbitrary>], iteration_bounds = array<i64: 25>, scalar_prefetch = 0 : i64, scratch_operands = 0 : i64, tpu.core_type = #tpu.core_type<tc>, window_params = [{transform_indices = @transform_0, window_bounds = array<i64: 2, 4, 400, 8>}, {transform_indices = @transform_1, window_bounds = array<i64: 400, 128>}, {transform_indices = @transform_2, window_bounds = array<i64: 400, 128>}, {transform_indices = @transform_3, window_bounds = array<i64: 400, 128>}, {transform_indices = @transform_4, window_bounds = array<i64: 4, 400, 8>}]} {
    %get3A = arith.constant 0 : index
    %get3A_0 = arith.constant 0 : index
    %get3A_1 = arith.constant 0 : index
    %get3A_2 = arith.constant 0 : index
    %get3A_3 = vector.load %arg1[%get3A, %get3A_0, %get3A_1, %get3A_2] : memref<2x4x400x8xf32, #tpu.memory_space<vmem>>, vector<1x4x400x8xf32>
    %get3A_4 = vector.shape_cast %get3A_3 : vector<1x4x400x8xf32> to vector<4x400x8xf32>
    %get3A_5 = arith.constant 1 : index
    %get3A_6 = arith.constant 0 : index
    %get3A_7 = arith.constant 0 : index
    %get3A_8 = arith.constant 0 : index
    %get3A_9 = vector.load %arg1[%get3A_5, %get3A_6, %get3A_7, %get3A_8] : memref<2x4x400x8xf32, #tpu.memory_space<vmem>>, vector<1x4x400x8xf32>
    %get3A_10 = vector.shape_cast %get3A_9 : vector<1x4x400x8xf32> to vector<4x400x8xf32>
    %add3A = arith.addf %get3A_4, %get3A_10 : vector<4x400x8xf32>
    %slice3A = vector.extract_strided_slice %add3A {offsets = [0, 0, 0], sizes = [1, 400, 8], strides = [1, 1, 1]} : vector<4x400x8xf32> to vector<1x400x8xf32>
    %squeeze3A = vector.shape_cast %slice3A : vector<1x400x8xf32> to vector<400x8xf32>
    %gt3A = arith.constant 0.000000e+00 : f32
    %gt3A_11 = vector.broadcast %gt3A : f32 to vector<400x8xf32>
    %gt3A_12 = arith.cmpf ogt, %squeeze3A, %gt3A_11 : vector<400x8xf32>
    %rsqrt3A = math.rsqrt %squeeze3A : vector<400x8xf32>
    %jit3A = arith.constant 0.000000e+00 : f32
    %broadcast_in_dim3A = vector.broadcast %jit3A : f32 to vector<400x8xf32>
    %select_n3A = arith.select %gt3A_12, %rsqrt3A, %broadcast_in_dim3A : vector<400x8xi1>, vector<400x8xf32>
    %slice3A_13 = vector.extract_strided_slice %add3A {offsets = [1, 0, 0], sizes = [1, 400, 8], strides = [1, 1, 1]} : vector<4x400x8xf32> to vector<1x400x8xf32>
    %squeeze3A_14 = vector.shape_cast %slice3A_13 : vector<1x400x8xf32> to vector<400x8xf32>
    %gt3A_15 = arith.constant 0.000000e+00 : f32
    %gt3A_16 = vector.broadcast %gt3A_15 : f32 to vector<400x8xf32>
    %gt3A_17 = arith.cmpf ogt, %squeeze3A_14, %gt3A_16 : vector<400x8xf32>
    %rsqrt3A_18 = math.rsqrt %squeeze3A_14 : vector<400x8xf32>
    %jit3A_19 = arith.constant 0.000000e+00 : f32
    %broadcast_in_dim3A_20 = vector.broadcast %jit3A_19 : f32 to vector<400x8xf32>
    %select_n3A_21 = arith.select %gt3A_17, %rsqrt3A_18, %broadcast_in_dim3A_20 : vector<400x8xi1>, vector<400x8xf32>
    %slice3A_22 = vector.extract_strided_slice %add3A {offsets = [2, 0, 0], sizes = [1, 400, 8], strides = [1, 1, 1]} : vector<4x400x8xf32> to vector<1x400x8xf32>
    %squeeze3A_23 = vector.shape_cast %slice3A_22 : vector<1x400x8xf32> to vector<400x8xf32>
    %gt3A_24 = arith.constant 0.000000e+00 : f32
    %gt3A_25 = vector.broadcast %gt3A_24 : f32 to vector<400x8xf32>
    %gt3A_26 = arith.cmpf ogt, %squeeze3A_23, %gt3A_25 : vector<400x8xf32>
    %rsqrt3A_27 = math.rsqrt %squeeze3A_23 : vector<400x8xf32>
    %jit3A_28 = arith.constant 0.000000e+00 : f32
    %broadcast_in_dim3A_29 = vector.broadcast %jit3A_28 : f32 to vector<400x8xf32>
    %select_n3A_30 = arith.select %gt3A_26, %rsqrt3A_27, %broadcast_in_dim3A_29 : vector<400x8xi1>, vector<400x8xf32>
    %slice3A_31 = vector.extract_strided_slice %add3A {offsets = [3, 0, 0], sizes = [1, 400, 8], strides = [1, 1, 1]} : vector<4x400x8xf32> to vector<1x400x8xf32>
    %squeeze3A_32 = vector.shape_cast %slice3A_31 : vector<1x400x8xf32> to vector<400x8xf32>
    %gt3A_33 = arith.constant 0.000000e+00 : f32
    %gt3A_34 = vector.broadcast %gt3A_33 : f32 to vector<400x8xf32>
    %gt3A_35 = arith.cmpf ogt, %squeeze3A_32, %gt3A_34 : vector<400x8xf32>
    %rsqrt3A_36 = math.rsqrt %squeeze3A_32 : vector<400x8xf32>
    %jit3A_37 = arith.constant 0.000000e+00 : f32
    %broadcast_in_dim3A_38 = vector.broadcast %jit3A_37 : f32 to vector<400x8xf32>
    %select_n3A_39 = arith.select %gt3A_35, %rsqrt3A_36, %broadcast_in_dim3A_38 : vector<400x8xi1>, vector<400x8xf32>
    %get3A_40 = arith.constant 0 : index
    %get3A_41 = arith.constant 0 : index
    %get3A_42 = vector.load %arg2[%get3A_40, %get3A_41] : memref<400x128xf32, #tpu.memory_space<vmem>>, vector<400x128xf32>
    %slice3A_43 = vector.extract_strided_slice %select_n3A {offsets = [0, 0], sizes = [400, 1], strides = [1, 1]} : vector<400x8xf32> to vector<400x1xf32>
    %mul3A = vector.broadcast %slice3A_43 : vector<400x1xf32> to vector<400x128xf32>
    %mul3A_44 = arith.mulf %get3A_42, %mul3A : vector<400x128xf32>
    %swap3A = arith.constant 0 : index
    %swap3A_45 = arith.constant 0 : index
    %swap3A_46 = vector.load %arg3[%swap3A, %swap3A_45] : memref<400x128xf32, #tpu.memory_space<vmem>>, vector<400x128xf32>
    tpu.vector_store %arg3[%swap3A, %swap3A_45], %mul3A_44 {strides = array<i32>} : memref<400x128xf32, #tpu.memory_space<vmem>>, vector<400x128xf32>,
    %slice3A_47 = vector.extract_strided_slice %select_n3A_30 {offsets = [0, 0], sizes = [400, 1], strides = [1, 1]} : vector<400x8xf32> to vector<400x1xf32>
    %mul3A_48 = vector.broadcast %slice3A_47 : vector<400x1xf32> to vector<400x128xf32>
    %mul3A_49 = arith.mulf %get3A_42, %mul3A_48 : vector<400x128xf32>
    %swap3A_50 = arith.constant 0 : index
    %swap3A_51 = arith.constant 0 : index
    %swap3A_52 = vector.load %arg4[%swap3A_50, %swap3A_51] : memref<400x128xf32, #tpu.memory_space<vmem>>, vector<400x128xf32>
    tpu.vector_store %arg4[%swap3A_50, %swap3A_51], %mul3A_49 {strides = array<i32>} : memref<400x128xf32, #tpu.memory_space<vmem>>, vector<400x128xf32>,
    %stack3A = vector.shape_cast %select_n3A : vector<400x8xf32> to vector<1x400x8xf32>
    %stack3A_53 = vector.shape_cast %select_n3A_21 : vector<400x8xf32> to vector<1x400x8xf32>
    %stack3A_54 = vector.shape_cast %select_n3A_30 : vector<400x8xf32> to vector<1x400x8xf32>
    %stack3A_55 = vector.shape_cast %select_n3A_39 : vector<400x8xf32> to vector<1x400x8xf32>
    %stack3A_56 = tpu.concatenate %stack3A, %stack3A_53, %stack3A_54, %stack3A_55 in 0 : vector<1x400x8xf32>, vector<1x400x8xf32>, vector<1x400x8xf32>, vector<1x400x8xf32> -> vector<4x400x8xf32>
    %swap3A_57 = arith.constant 0 : index
    %swap3A_58 = arith.constant 0 : index
    %swap3A_59 = arith.constant 0 : index
    %swap3A_60 = vector.load %arg5[%swap3A_57, %swap3A_58, %swap3A_59] : memref<4x400x8xf32, #tpu.memory_space<vmem>>, vector<4x400x8xf32>
    tpu.vector_store %arg5[%swap3A_57, %swap3A_58, %swap3A_59], %stack3A_56 {strides = array<i32>} : memref<4x400x8xf32, #tpu.memory_space<vmem>>, vector<4x400x8xf32>,
    return
  }
  func.func @transform_0(%arg0: i32) -> (i32, i32, i32, i32) {
    %c0_i32 = arith.constant 0 : i32
    %c0_i32_0 = arith.constant 0 : i32
    %c0_i32_1 = arith.constant 0 : i32
    %c0_i32_2 = arith.constant 0 : i32
    return %c0_i32, %c0_i32_0, %arg0, %c0_i32_1 : i32, i32, i32, i32
  }
  func.func @transform_1(%arg0: i32) -> (i32, i32) {
    %c0_i32 = arith.constant 0 : i32
    %c0_i32_0 = arith.constant 0 : i32
    return %arg0, %c0_i32 : i32, i32
  }
  func.func @transform_2(%arg0: i32) -> (i32, i32) {
    %c0_i32 = arith.constant 0 : i32
    %c0_i32_0 = arith.constant 0 : i32
    return %arg0, %c0_i32 : i32, i32
  }
  func.func @transform_3(%arg0: i32) -> (i32, i32) {
    %c0_i32 = arith.constant 0 : i32
    %c0_i32_0 = arith.constant 0 : i32
    return %arg0, %c0_i32 : i32, i32
  }
  func.func @transform_4(%arg0: i32) -> (i32, i32, i32) {
    %c0_i32 = arith.constant 0 : i32
    %c0_i32_0 = arith.constant 0 : i32
    %c0_i32_1 = arith.constant 0 : i32
    return %c0_i32, %arg0, %c0_i32_0 : i32, i32, i32
  }
}

module attributes {stable_mosaic.version = 14 : i64} {
  func.func @_branch_body(%arg0: i32, %arg1: memref<1x2x400x128xf32, #tpu.memory_space<vmem>>, %arg2: memref<4x400x8xf32, #tpu.memory_space<vmem>>, %arg3: memref<128x1024xf32, #tpu.memory_space<vmem>>, %arg4: memref<1x1024xf32, #tpu.memory_space<vmem>>, %arg5: memref<1024x256xf32, #tpu.memory_space<vmem>>, %arg6: memref<400x128xf32, #tpu.memory_space<vmem>>, %arg7: memref<400x128xf32, #tpu.memory_space<vmem>>) attributes {dimension_semantics = [#tpu.dimension_semantics<arbitrary>], iteration_bounds = array<i64: 25>, scalar_prefetch = 0 : i64, scratch_operands = 0 : i64, tpu.core_type = #tpu.core_type<tc>, window_params = [{transform_indices = @transform_0, window_bounds = array<i64: 1, 2, 400, 128>}, {transform_indices = @transform_1, window_bounds = array<i64: 4, 400, 8>}, {pipeline_mode = #tpu.pipeline_mode<synchronous>, transform_indices = @transform_2, window_bounds = array<i64: 128, 1024>}, {pipeline_mode = #tpu.pipeline_mode<synchronous>, transform_indices = @transform_3, window_bounds = array<i64: 1, 1024>}, {pipeline_mode = #tpu.pipeline_mode<synchronous>, transform_indices = @transform_4, window_bounds = array<i64: 1024, 256>}, {transform_indices = @transform_5, window_bounds = array<i64: 400, 128>}, {transform_indices = @transform_6, window_bounds = array<i64: 400, 128>}]} {
    %get3A = arith.constant 3 : index
    %get3A_0 = arith.constant 0 : index
    %get3A_1 = arith.constant 0 : index
    %get3A_2 = vector.load %arg2[%get3A, %get3A_0, %get3A_1] : memref<4x400x8xf32, #tpu.memory_space<vmem>>, vector<1x400x8xf32>
    %get3A_3 = vector.shape_cast %get3A_2 : vector<1x400x8xf32> to vector<400x8xf32>
    %slice3A = vector.extract_strided_slice %get3A_3 {offsets = [0, 0], sizes = [400, 1], strides = [1, 1]} : vector<400x8xf32> to vector<400x1xf32>
    %get3A_4 = arith.constant 2 : index
    %get3A_5 = arith.constant 0 : index
    %get3A_6 = arith.constant 0 : index
    %get3A_7 = vector.load %arg2[%get3A_4, %get3A_5, %get3A_6] : memref<4x400x8xf32, #tpu.memory_space<vmem>>, vector<1x400x8xf32>
    %get3A_8 = vector.shape_cast %get3A_7 : vector<1x400x8xf32> to vector<400x8xf32>
    %slice3A_9 = vector.extract_strided_slice %get3A_8 {offsets = [0, 0], sizes = [400, 1], strides = [1, 1]} : vector<400x8xf32> to vector<400x1xf32>
    %get3A_10 = arith.constant 0 : index
    %get3A_11 = arith.constant 0 : index
    %get3A_12 = arith.constant 0 : index
    %get3A_13 = arith.constant 0 : index
    %get3A_14 = vector.load %arg1[%get3A_10, %get3A_11, %get3A_12, %get3A_13] : memref<1x2x400x128xf32, #tpu.memory_space<vmem>>, vector<1x1x400x128xf32>
    %get3A_15 = vector.shape_cast %get3A_14 : vector<1x1x400x128xf32> to vector<400x128xf32>
    %get3A_16 = arith.constant 0 : index
    %get3A_17 = arith.constant 1 : index
    %get3A_18 = arith.constant 0 : index
    %get3A_19 = arith.constant 0 : index
    %get3A_20 = vector.load %arg1[%get3A_16, %get3A_17, %get3A_18, %get3A_19] : memref<1x2x400x128xf32, #tpu.memory_space<vmem>>, vector<1x1x400x128xf32>
    %get3A_21 = vector.shape_cast %get3A_20 : vector<1x1x400x128xf32> to vector<400x128xf32>
    %add3A = arith.addf %get3A_15, %get3A_21 : vector<400x128xf32>
    %mul3A = vector.broadcast %slice3A : vector<400x1xf32> to vector<400x128xf32>
    %mul3A_22 = arith.mulf %add3A, %mul3A : vector<400x128xf32>
    %get3A_23 = arith.constant 0 : index
    %get3A_24 = arith.constant 0 : index
    %get3A_25 = vector.load %arg3[%get3A_23, %get3A_24] : memref<128x1024xf32, #tpu.memory_space<vmem>>, vector<128x1024xf32>
    %dot_general3A = arith.constant dense<0.000000e+00> : vector<400x1024xf32>
    %dot_general3A_26 = tpu.matmul %mul3A_22, %get3A_25, %dot_general3A {dimension_numbers = #tpu.dot_dimension_numbers<[1], [0], [0], [1], [0, 0, 1, 1], [], []>, transpose_lhs_hint = false} : vector<400x128xf32>, vector<128x1024xf32>, vector<400x1024xf32> -> vector<400x1024xf32>
    %get3A_27 = arith.constant 0 : index
    %get3A_28 = arith.constant 0 : index
    %get3A_29 = vector.load %arg4[%get3A_27, %get3A_28] : memref<1x1024xf32, #tpu.memory_space<vmem>>, vector<1x1024xf32>
    %add3A_30 = vector.broadcast %get3A_29 : vector<1x1024xf32> to vector<400x1024xf32>
    %add3A_31 = arith.addf %dot_general3A_26, %add3A_30 : vector<400x1024xf32>
    %max3A = arith.constant 0.000000e+00 : f32
    %max3A_32 = vector.broadcast %max3A : f32 to vector<400x1024xf32>
    %max3A_33 = arith.maximumf %add3A_31, %max3A_32 : vector<400x1024xf32>
    %mul3A_34 = vector.broadcast %slice3A_9 : vector<400x1xf32> to vector<400x1024xf32>
    %mul3A_35 = arith.mulf %max3A_33, %mul3A_34 : vector<400x1024xf32>
    %get3A_36 = arith.constant 0 : index
    %get3A_37 = arith.constant 0 : index
    %get3A_38 = vector.load %arg5[%get3A_36, %get3A_37] : memref<1024x256xf32, #tpu.memory_space<vmem>>, vector<1024x256xf32>
    %dot_general3A_39 = arith.constant dense<0.000000e+00> : vector<400x256xf32>
    %dot_general3A_40 = tpu.matmul %mul3A_35, %get3A_38, %dot_general3A_39 {dimension_numbers = #tpu.dot_dimension_numbers<[1], [0], [0], [1], [0, 0, 1, 1], [], []>, transpose_lhs_hint = false} : vector<400x1024xf32>, vector<1024x256xf32>, vector<400x256xf32> -> vector<400x256xf32>
    %slice3A_41 = vector.extract_strided_slice %dot_general3A_40 {offsets = [0, 0], sizes = [400, 128], strides = [1, 1]} : vector<400x256xf32> to vector<400x128xf32>
    %swap3A = arith.constant 0 : index
    %swap3A_42 = arith.constant 0 : index
    %swap3A_43 = vector.load %arg6[%swap3A, %swap3A_42] : memref<400x128xf32, #tpu.memory_space<vmem>>, vector<400x128xf32>
    tpu.vector_store %arg6[%swap3A, %swap3A_42], %slice3A_41 {strides = array<i32>} : memref<400x128xf32, #tpu.memory_space<vmem>>, vector<400x128xf32>,
    %slice3A_44 = vector.extract_strided_slice %dot_general3A_40 {offsets = [0, 128], sizes = [400, 128], strides = [1, 1]} : vector<400x256xf32> to vector<400x128xf32>
    %swap3A_45 = arith.constant 0 : index
    %swap3A_46 = arith.constant 0 : index
    %swap3A_47 = vector.load %arg7[%swap3A_45, %swap3A_46] : memref<400x128xf32, #tpu.memory_space<vmem>>, vector<400x128xf32>
    tpu.vector_store %arg7[%swap3A_45, %swap3A_46], %slice3A_44 {strides = array<i32>} : memref<400x128xf32, #tpu.memory_space<vmem>>, vector<400x128xf32>,
    return
  }
  func.func @transform_0(%arg0: i32) -> (i32, i32, i32, i32) {
    %c1_i32 = arith.constant 1 : i32
    %c0_i32 = arith.constant 0 : i32
    %c0_i32_0 = arith.constant 0 : i32
    %c0_i32_1 = arith.constant 0 : i32
    return %c1_i32, %c0_i32, %arg0, %c0_i32_0 : i32, i32, i32, i32
  }
  func.func @transform_1(%arg0: i32) -> (i32, i32, i32) {
    %c0_i32 = arith.constant 0 : i32
    %c0_i32_0 = arith.constant 0 : i32
    %c0_i32_1 = arith.constant 0 : i32
    return %c0_i32, %arg0, %c0_i32_0 : i32, i32, i32
  }
  func.func @transform_2(%arg0: i32) -> (i32, i32) {
    %c0_i32 = arith.constant 0 : i32
    %c0_i32_0 = arith.constant 0 : i32
    %c0_i32_1 = arith.constant 0 : i32
    return %c0_i32, %c0_i32_0 : i32, i32
  }
  func.func @transform_3(%arg0: i32) -> (i32, i32) {
    %c0_i32 = arith.constant 0 : i32
    %c0_i32_0 = arith.constant 0 : i32
    %c0_i32_1 = arith.constant 0 : i32
    return %c0_i32, %c0_i32_0 : i32, i32
  }
  func.func @transform_4(%arg0: i32) -> (i32, i32) {
    %c0_i32 = arith.constant 0 : i32
    %c0_i32_0 = arith.constant 0 : i32
    %c0_i32_1 = arith.constant 0 : i32
    return %c0_i32, %c0_i32_0 : i32, i32
  }
  func.func @transform_5(%arg0: i32) -> (i32, i32) {
    %c0_i32 = arith.constant 0 : i32
    %c0_i32_0 = arith.constant 0 : i32
    return %arg0, %c0_i32 : i32, i32
  }
  func.func @transform_6(%arg0: i32) -> (i32, i32) {
    %c0_i32 = arith.constant 0 : i32
    %c0_i32_0 = arith.constant 0 : i32
    return %arg0, %c0_i32 : i32, i32
  }
}

module attributes {stable_mosaic.version = 14 : i64} {
  func.func @_branch_body(%arg0: i32, %arg1: memref<1x2x400x128xf32, #tpu.memory_space<vmem>>, %arg2: memref<4x400x8xf32, #tpu.memory_space<vmem>>, %arg3: memref<128x1024xf32, #tpu.memory_space<vmem>>, %arg4: memref<1x1024xf32, #tpu.memory_space<vmem>>, %arg5: memref<1024x256xf32, #tpu.memory_space<vmem>>, %arg6: memref<400x128xf32, #tpu.memory_space<vmem>>, %arg7: memref<400x128xf32, #tpu.memory_space<vmem>>) attributes {dimension_semantics = [#tpu.dimension_semantics<arbitrary>], iteration_bounds = array<i64: 25>, scalar_prefetch = 0 : i64, scratch_operands = 0 : i64, tpu.core_type = #tpu.core_type<tc>, window_params = [{transform_indices = @transform_0, window_bounds = array<i64: 1, 2, 400, 128>}, {transform_indices = @transform_1, window_bounds = array<i64: 4, 400, 8>}, {pipeline_mode = #tpu.pipeline_mode<synchronous>, transform_indices = @transform_2, window_bounds = array<i64: 128, 1024>}, {pipeline_mode = #tpu.pipeline_mode<synchronous>, transform_indices = @transform_3, window_bounds = array<i64: 1, 1024>}, {pipeline_mode = #tpu.pipeline_mode<synchronous>, transform_indices = @transform_4, window_bounds = array<i64: 1024, 256>}, {transform_indices = @transform_5, window_bounds = array<i64: 400, 128>}, {transform_indices = @transform_6, window_bounds = array<i64: 400, 128>}]} {
    %get3A = arith.constant 1 : index
    %get3A_0 = arith.constant 0 : index
    %get3A_1 = arith.constant 0 : index
    %get3A_2 = vector.load %arg2[%get3A, %get3A_0, %get3A_1] : memref<4x400x8xf32, #tpu.memory_space<vmem>>, vector<1x400x8xf32>
    %get3A_3 = vector.shape_cast %get3A_2 : vector<1x400x8xf32> to vector<400x8xf32>
    %slice3A = vector.extract_strided_slice %get3A_3 {offsets = [0, 0], sizes = [400, 1], strides = [1, 1]} : vector<400x8xf32> to vector<400x1xf32>
    %get3A_4 = arith.constant 0 : index
    %get3A_5 = arith.constant 0 : index
    %get3A_6 = arith.constant 0 : index
    %get3A_7 = vector.load %arg2[%get3A_4, %get3A_5, %get3A_6] : memref<4x400x8xf32, #tpu.memory_space<vmem>>, vector<1x400x8xf32>
    %get3A_8 = vector.shape_cast %get3A_7 : vector<1x400x8xf32> to vector<400x8xf32>
    %slice3A_9 = vector.extract_strided_slice %get3A_8 {offsets = [0, 0], sizes = [400, 1], strides = [1, 1]} : vector<400x8xf32> to vector<400x1xf32>
    %get3A_10 = arith.constant 0 : index
    %get3A_11 = arith.constant 0 : index
    %get3A_12 = arith.constant 0 : index
    %get3A_13 = arith.constant 0 : index
    %get3A_14 = vector.load %arg1[%get3A_10, %get3A_11, %get3A_12, %get3A_13] : memref<1x2x400x128xf32, #tpu.memory_space<vmem>>, vector<1x1x400x128xf32>
    %get3A_15 = vector.shape_cast %get3A_14 : vector<1x1x400x128xf32> to vector<400x128xf32>
    %get3A_16 = arith.constant 0 : index
    %get3A_17 = arith.constant 1 : index
    %get3A_18 = arith.constant 0 : index
    %get3A_19 = arith.constant 0 : index
    %get3A_20 = vector.load %arg1[%get3A_16, %get3A_17, %get3A_18, %get3A_19] : memref<1x2x400x128xf32, #tpu.memory_space<vmem>>, vector<1x1x400x128xf32>
    %get3A_21 = vector.shape_cast %get3A_20 : vector<1x1x400x128xf32> to vector<400x128xf32>
    %add3A = arith.addf %get3A_15, %get3A_21 : vector<400x128xf32>
    %mul3A = vector.broadcast %slice3A : vector<400x1xf32> to vector<400x128xf32>
    %mul3A_22 = arith.mulf %add3A, %mul3A : vector<400x128xf32>
    %get3A_23 = arith.constant 0 : index
    %get3A_24 = arith.constant 0 : index
    %get3A_25 = vector.load %arg3[%get3A_23, %get3A_24] : memref<128x1024xf32, #tpu.memory_space<vmem>>, vector<128x1024xf32>
    %dot_general3A = arith.constant dense<0.000000e+00> : vector<400x1024xf32>
    %dot_general3A_26 = tpu.matmul %mul3A_22, %get3A_25, %dot_general3A {dimension_numbers = #tpu.dot_dimension_numbers<[1], [0], [0], [1], [0, 0, 1, 1], [], []>, transpose_lhs_hint = false} : vector<400x128xf32>, vector<128x1024xf32>, vector<400x1024xf32> -> vector<400x1024xf32>
    %get3A_27 = arith.constant 0 : index
    %get3A_28 = arith.constant 0 : index
    %get3A_29 = vector.load %arg4[%get3A_27, %get3A_28] : memref<1x1024xf32, #tpu.memory_space<vmem>>, vector<1x1024xf32>
    %add3A_30 = vector.broadcast %get3A_29 : vector<1x1024xf32> to vector<400x1024xf32>
    %add3A_31 = arith.addf %dot_general3A_26, %add3A_30 : vector<400x1024xf32>
    %max3A = arith.constant 0.000000e+00 : f32
    %max3A_32 = vector.broadcast %max3A : f32 to vector<400x1024xf32>
    %max3A_33 = arith.maximumf %add3A_31, %max3A_32 : vector<400x1024xf32>
    %mul3A_34 = vector.broadcast %slice3A_9 : vector<400x1xf32> to vector<400x1024xf32>
    %mul3A_35 = arith.mulf %max3A_33, %mul3A_34 : vector<400x1024xf32>
    %get3A_36 = arith.constant 0 : index
    %get3A_37 = arith.constant 0 : index
    %get3A_38 = vector.load %arg5[%get3A_36, %get3A_37] : memref<1024x256xf32, #tpu.memory_space<vmem>>, vector<1024x256xf32>
    %dot_general3A_39 = arith.constant dense<0.000000e+00> : vector<400x256xf32>
    %dot_general3A_40 = tpu.matmul %mul3A_35, %get3A_38, %dot_general3A_39 {dimension_numbers = #tpu.dot_dimension_numbers<[1], [0], [0], [1], [0, 0, 1, 1], [], []>, transpose_lhs_hint = false} : vector<400x1024xf32>, vector<1024x256xf32>, vector<400x256xf32> -> vector<400x256xf32>
    %slice3A_41 = vector.extract_strided_slice %dot_general3A_40 {offsets = [0, 0], sizes = [400, 128], strides = [1, 1]} : vector<400x256xf32> to vector<400x128xf32>
    %swap3A = arith.constant 0 : index
    %swap3A_42 = arith.constant 0 : index
    %swap3A_43 = vector.load %arg6[%swap3A, %swap3A_42] : memref<400x128xf32, #tpu.memory_space<vmem>>, vector<400x128xf32>
    tpu.vector_store %arg6[%swap3A, %swap3A_42], %slice3A_41 {strides = array<i32>} : memref<400x128xf32, #tpu.memory_space<vmem>>, vector<400x128xf32>,
    %slice3A_44 = vector.extract_strided_slice %dot_general3A_40 {offsets = [0, 128], sizes = [400, 128], strides = [1, 1]} : vector<400x256xf32> to vector<400x128xf32>
    %swap3A_45 = arith.constant 0 : index
    %swap3A_46 = arith.constant 0 : index
    %swap3A_47 = vector.load %arg7[%swap3A_45, %swap3A_46] : memref<400x128xf32, #tpu.memory_space<vmem>>, vector<400x128xf32>
    tpu.vector_store %arg7[%swap3A_45, %swap3A_46], %slice3A_44 {strides = array<i32>} : memref<400x128xf32, #tpu.memory_space<vmem>>, vector<400x128xf32>,
    return
  }
  func.func @transform_0(%arg0: i32) -> (i32, i32, i32, i32) {
    %c0_i32 = arith.constant 0 : i32
    %c0_i32_0 = arith.constant 0 : i32
    %c0_i32_1 = arith.constant 0 : i32
    %c0_i32_2 = arith.constant 0 : i32
    return %c0_i32, %c0_i32_0, %arg0, %c0_i32_1 : i32, i32, i32, i32
  }
  func.func @transform_1(%arg0: i32) -> (i32, i32, i32) {
    %c0_i32 = arith.constant 0 : i32
    %c0_i32_0 = arith.constant 0 : i32
    %c0_i32_1 = arith.constant 0 : i32
    return %c0_i32, %arg0, %c0_i32_0 : i32, i32, i32
  }
  func.func @transform_2(%arg0: i32) -> (i32, i32) {
    %c0_i32 = arith.constant 0 : i32
    %c0_i32_0 = arith.constant 0 : i32
    %c0_i32_1 = arith.constant 0 : i32
    return %c0_i32, %c0_i32_0 : i32, i32
  }
  func.func @transform_3(%arg0: i32) -> (i32, i32) {
    %c0_i32 = arith.constant 0 : i32
    %c0_i32_0 = arith.constant 0 : i32
    %c0_i32_1 = arith.constant 0 : i32
    return %c0_i32, %c0_i32_0 : i32, i32
  }
  func.func @transform_4(%arg0: i32) -> (i32, i32) {
    %c0_i32 = arith.constant 0 : i32
    %c0_i32_0 = arith.constant 0 : i32
    %c0_i32_1 = arith.constant 0 : i32
    return %c0_i32, %c0_i32_0 : i32, i32
  }
  func.func @transform_5(%arg0: i32) -> (i32, i32) {
    %c0_i32 = arith.constant 0 : i32
    %c0_i32_0 = arith.constant 0 : i32
    return %arg0, %c0_i32 : i32, i32
  }
  func.func @transform_6(%arg0: i32) -> (i32, i32) {
    %c0_i32 = arith.constant 0 : i32
    %c0_i32_0 = arith.constant 0 : i32
    return %arg0, %c0_i32 : i32, i32
  }
}

module attributes {stable_mosaic.version = 14 : i64} {
  func.func @_att_body(%arg0: i32, %arg1: memref<4x2x400x128xf32, #tpu.memory_space<vmem>>, %arg2: memref<4x400x8xf32, #tpu.memory_space<vmem>>, %arg3: memref<1x256xf32, #tpu.memory_space<vmem>>, %arg4: memref<1x256xf32, #tpu.memory_space<vmem>>, %arg5: memref<256x128xf32, #tpu.memory_space<vmem>>, %arg6: memref<1x128xf32, #tpu.memory_space<vmem>>, %arg7: memref<1x128xf32, #tpu.memory_space<vmem>>, %arg8: memref<400x256xf32, #tpu.memory_space<vmem>>, %arg9: memref<400x256xf32, #tpu.memory_space<vmem>>, %arg10: memref<2x128xf32, #tpu.memory_space<vmem>>) attributes {dimension_semantics = [#tpu.dimension_semantics<arbitrary>], iteration_bounds = array<i64: 25>, scalar_prefetch = 0 : i64, scratch_operands = 0 : i64, tpu.core_type = #tpu.core_type<tc>, window_params = [{transform_indices = @transform_0, window_bounds = array<i64: 4, 2, 400, 128>}, {transform_indices = @transform_1, window_bounds = array<i64: 4, 400, 8>}, {pipeline_mode = #tpu.pipeline_mode<synchronous>, transform_indices = @transform_2, window_bounds = array<i64: 1, 256>}, {pipeline_mode = #tpu.pipeline_mode<synchronous>, transform_indices = @transform_3, window_bounds = array<i64: 1, 256>}, {pipeline_mode = #tpu.pipeline_mode<synchronous>, transform_indices = @transform_4, window_bounds = array<i64: 256, 128>}, {pipeline_mode = #tpu.pipeline_mode<synchronous>, transform_indices = @transform_5, window_bounds = array<i64: 1, 128>}, {pipeline_mode = #tpu.pipeline_mode<synchronous>, transform_indices = @transform_6, window_bounds = array<i64: 1, 128>}, {transform_indices = @transform_7, window_bounds = array<i64: 400, 256>}, {transform_indices = @transform_8, window_bounds = array<i64: 400, 256>}, {pipeline_mode = #tpu.pipeline_mode<synchronous>, transform_indices = @transform_9, window_bounds = array<i64: 2, 128>}]} {
    %get3A = arith.constant 1 : index
    %get3A_0 = arith.constant 0 : index
    %get3A_1 = arith.constant 0 : index
    %get3A_2 = vector.load %arg2[%get3A, %get3A_0, %get3A_1] : memref<4x400x8xf32, #tpu.memory_space<vmem>>, vector<1x400x8xf32>
    %get3A_3 = vector.shape_cast %get3A_2 : vector<1x400x8xf32> to vector<400x8xf32>
    %slice3A = vector.extract_strided_slice %get3A_3 {offsets = [0, 0], sizes = [400, 1], strides = [1, 1]} : vector<400x8xf32> to vector<400x1xf32>
    %get3A_4 = arith.constant 3 : index
    %get3A_5 = arith.constant 0 : index
    %get3A_6 = arith.constant 0 : index
    %get3A_7 = vector.load %arg2[%get3A_4, %get3A_5, %get3A_6] : memref<4x400x8xf32, #tpu.memory_space<vmem>>, vector<1x400x8xf32>
    %get3A_8 = vector.shape_cast %get3A_7 : vector<1x400x8xf32> to vector<400x8xf32>
    %slice3A_9 = vector.extract_strided_slice %get3A_8 {offsets = [0, 0], sizes = [400, 1], strides = [1, 1]} : vector<400x8xf32> to vector<400x1xf32>
    %get3A_10 = arith.constant 0 : index
    %get3A_11 = arith.constant 0 : index
    %get3A_12 = arith.constant 0 : index
    %get3A_13 = arith.constant 0 : index
    %get3A_14 = vector.load %arg1[%get3A_10, %get3A_11, %get3A_12, %get3A_13] : memref<4x2x400x128xf32, #tpu.memory_space<vmem>>, vector<1x1x400x128xf32>
    %get3A_15 = vector.shape_cast %get3A_14 : vector<1x1x400x128xf32> to vector<400x128xf32>
    %get3A_16 = arith.constant 0 : index
    %get3A_17 = arith.constant 1 : index
    %get3A_18 = arith.constant 0 : index
    %get3A_19 = arith.constant 0 : index
    %get3A_20 = vector.load %arg1[%get3A_16, %get3A_17, %get3A_18, %get3A_19] : memref<4x2x400x128xf32, #tpu.memory_space<vmem>>, vector<1x1x400x128xf32>
    %get3A_21 = vector.shape_cast %get3A_20 : vector<1x1x400x128xf32> to vector<400x128xf32>
    %add3A = arith.addf %get3A_15, %get3A_21 : vector<400x128xf32>
    %get3A_22 = arith.constant 1 : index
    %get3A_23 = arith.constant 0 : index
    %get3A_24 = arith.constant 0 : index
    %get3A_25 = arith.constant 0 : index
    %get3A_26 = vector.load %arg1[%get3A_22, %get3A_23, %get3A_24, %get3A_25] : memref<4x2x400x128xf32, #tpu.memory_space<vmem>>, vector<1x1x400x128xf32>
    %get3A_27 = vector.shape_cast %get3A_26 : vector<1x1x400x128xf32> to vector<400x128xf32>
    %get3A_28 = arith.constant 1 : index
    %get3A_29 = arith.constant 1 : index
    %get3A_30 = arith.constant 0 : index
    %get3A_31 = arith.constant 0 : index
    %get3A_32 = vector.load %arg1[%get3A_28, %get3A_29, %get3A_30, %get3A_31] : memref<4x2x400x128xf32, #tpu.memory_space<vmem>>, vector<1x1x400x128xf32>
    %get3A_33 = vector.shape_cast %get3A_32 : vector<1x1x400x128xf32> to vector<400x128xf32>
    %add3A_34 = arith.addf %get3A_27, %get3A_33 : vector<400x128xf32>
    %concatenate3A = tpu.concatenate %add3A, %add3A_34 in 1 : vector<400x128xf32>, vector<400x128xf32> -> vector<400x256xf32>
    %mul3A = vector.broadcast %slice3A : vector<400x1xf32> to vector<400x256xf32>
    %mul3A_35 = arith.mulf %concatenate3A, %mul3A : vector<400x256xf32>
    %get3A_36 = arith.constant 0 : index
    %get3A_37 = arith.constant 0 : index
    %get3A_38 = vector.load %arg3[%get3A_36, %get3A_37] : memref<1x256xf32, #tpu.memory_space<vmem>>, vector<1x256xf32>
    %add3A_39 = vector.broadcast %get3A_38 : vector<1x256xf32> to vector<400x256xf32>
    %add3A_40 = arith.addf %mul3A_35, %add3A_39 : vector<400x256xf32>
    %get3A_41 = arith.constant 2 : index
    %get3A_42 = arith.constant 0 : index
    %get3A_43 = arith.constant 0 : index
    %get3A_44 = arith.constant 0 : index
    %get3A_45 = vector.load %arg1[%get3A_41, %get3A_42, %get3A_43, %get3A_44] : memref<4x2x400x128xf32, #tpu.memory_space<vmem>>, vector<1x1x400x128xf32>
    %get3A_46 = vector.shape_cast %get3A_45 : vector<1x1x400x128xf32> to vector<400x128xf32>
    %get3A_47 = arith.constant 2 : index
    %get3A_48 = arith.constant 1 : index
    %get3A_49 = arith.constant 0 : index
    %get3A_50 = arith.constant 0 : index
    %get3A_51 = vector.load %arg1[%get3A_47, %get3A_48, %get3A_49, %get3A_50] : memref<4x2x400x128xf32, #tpu.memory_space<vmem>>, vector<1x1x400x128xf32>
    %get3A_52 = vector.shape_cast %get3A_51 : vector<1x1x400x128xf32> to vector<400x128xf32>
    %add3A_53 = arith.addf %get3A_46, %get3A_52 : vector<400x128xf32>
    %get3A_54 = arith.constant 3 : index
    %get3A_55 = arith.constant 0 : index
    %get3A_56 = arith.constant 0 : index
    %get3A_57 = arith.constant 0 : index
    %get3A_58 = vector.load %arg1[%get3A_54, %get3A_55, %get3A_56, %get3A_57] : memref<4x2x400x128xf32, #tpu.memory_space<vmem>>, vector<1x1x400x128xf32>
    %get3A_59 = vector.shape_cast %get3A_58 : vector<1x1x400x128xf32> to vector<400x128xf32>
    %get3A_60 = arith.constant 3 : index
    %get3A_61 = arith.constant 1 : index
    %get3A_62 = arith.constant 0 : index
    %get3A_63 = arith.constant 0 : index
    %get3A_64 = vector.load %arg1[%get3A_60, %get3A_61, %get3A_62, %get3A_63] : memref<4x2x400x128xf32, #tpu.memory_space<vmem>>, vector<1x1x400x128xf32>
    %get3A_65 = vector.shape_cast %get3A_64 : vector<1x1x400x128xf32> to vector<400x128xf32>
    %add3A_66 = arith.addf %get3A_59, %get3A_65 : vector<400x128xf32>
    %concatenate3A_67 = tpu.concatenate %add3A_53, %add3A_66 in 1 : vector<400x128xf32>, vector<400x128xf32> -> vector<400x256xf32>
    %mul3A_68 = vector.broadcast %slice3A_9 : vector<400x1xf32> to vector<400x256xf32>
    %mul3A_69 = arith.mulf %concatenate3A_67, %mul3A_68 : vector<400x256xf32>
    %get3A_70 = arith.constant 0 : index
    %get3A_71 = arith.constant 0 : index
    %get3A_72 = vector.load %arg4[%get3A_70, %get3A_71] : memref<1x256xf32, #tpu.memory_space<vmem>>, vector<1x256xf32>
    %add3A_73 = vector.broadcast %get3A_72 : vector<1x256xf32> to vector<400x256xf32>
    %add3A_74 = arith.addf %mul3A_69, %add3A_73 : vector<400x256xf32>
    %swap3A = arith.constant 0 : index
    %swap3A_75 = arith.constant 0 : index
    %swap3A_76 = vector.load %arg8[%swap3A, %swap3A_75] : memref<400x256xf32, #tpu.memory_space<vmem>>, vector<400x256xf32>
    tpu.vector_store %arg8[%swap3A, %swap3A_75], %add3A_40 {strides = array<i32>} : memref<400x256xf32, #tpu.memory_space<vmem>>, vector<400x256xf32>,
    %swap3A_77 = arith.constant 0 : index
    %swap3A_78 = arith.constant 0 : index
    %swap3A_79 = vector.load %arg9[%swap3A_77, %swap3A_78] : memref<400x256xf32, #tpu.memory_space<vmem>>, vector<400x256xf32>
    tpu.vector_store %arg9[%swap3A_77, %swap3A_78], %add3A_74 {strides = array<i32>} : memref<400x256xf32, #tpu.memory_space<vmem>>, vector<400x256xf32>,
    %get3A_80 = arith.constant 0 : index
    %get3A_81 = arith.constant 0 : index
    %get3A_82 = vector.load %arg5[%get3A_80, %get3A_81] : memref<256x128xf32, #tpu.memory_space<vmem>>, vector<256x128xf32>
    %dot_general3A = arith.constant dense<0.000000e+00> : vector<400x128xf32>
    %dot_general3A_83 = tpu.matmul %add3A_40, %get3A_82, %dot_general3A {dimension_numbers = #tpu.dot_dimension_numbers<[1], [0], [0], [1], [0, 0, 1, 1], [], []>, transpose_lhs_hint = false} : vector<400x256xf32>, vector<256x128xf32>, vector<400x128xf32> -> vector<400x128xf32>
    %get3A_84 = arith.constant 0 : index
    %get3A_85 = arith.constant 0 : index
    %get3A_86 = vector.load %arg6[%get3A_84, %get3A_85] : memref<1x128xf32, #tpu.memory_space<vmem>>, vector<1x128xf32>
    %add3A_87 = vector.broadcast %get3A_86 : vector<1x128xf32> to vector<400x128xf32>
    %add3A_88 = arith.addf %dot_general3A_83, %add3A_87 : vector<400x128xf32>
    %tanh3A = math.tanh %add3A_88 : vector<400x128xf32>
    %get3A_89 = arith.constant 0 : index
    %get3A_90 = arith.constant 0 : index
    %get3A_91 = vector.load %arg5[%get3A_89, %get3A_90] : memref<256x128xf32, #tpu.memory_space<vmem>>, vector<256x128xf32>
    %dot_general3A_92 = arith.constant dense<0.000000e+00> : vector<400x128xf32>
    %dot_general3A_93 = tpu.matmul %add3A_74, %get3A_91, %dot_general3A_92 {dimension_numbers = #tpu.dot_dimension_numbers<[1], [0], [0], [1], [0, 0, 1, 1], [], []>, transpose_lhs_hint = false} : vector<400x256xf32>, vector<256x128xf32>, vector<400x128xf32> -> vector<400x128xf32>
    %get3A_94 = arith.constant 0 : index
    %get3A_95 = arith.constant 0 : index
    %get3A_96 = vector.load %arg6[%get3A_94, %get3A_95] : memref<1x128xf32, #tpu.memory_space<vmem>>, vector<1x128xf32>
    %add3A_97 = vector.broadcast %get3A_96 : vector<1x128xf32> to vector<400x128xf32>
    %add3A_98 = arith.addf %dot_general3A_93, %add3A_97 : vector<400x128xf32>
    %tanh3A_99 = math.tanh %add3A_98 : vector<400x128xf32>
    %get3A_100 = arith.constant 0 : index
    %get3A_101 = arith.constant 0 : index
    %get3A_102 = vector.load %arg7[%get3A_100, %get3A_101] : memref<1x128xf32, #tpu.memory_space<vmem>>, vector<1x128xf32>
    %mul3A_103 = vector.broadcast %get3A_102 : vector<1x128xf32> to vector<400x128xf32>
    %mul3A_104 = arith.mulf %tanh3A, %mul3A_103 : vector<400x128xf32>
    %reduce_sum3A = vector.shape_cast %mul3A_104 : vector<400x128xf32> to vector<1x400x128xf32>
    %reduce_sum3A_105 = arith.constant dense<0.000000e+00> : vector<1xf32>
    %reduce_sum3A_106 = vector.multi_reduction <add>, %reduce_sum3A, %reduce_sum3A_105 [1, 2] : vector<1x400x128xf32> to vector<1xf32>
    %reduce_sum3A_107 = vector.shape_cast %reduce_sum3A_106 : vector<1xf32> to vector<1x1x1xf32>
    %reduce_sum3A_108 = vector.extract %reduce_sum3A_107[0, 0, 0] : f32 from vector<1x1x1xf32>
    %get3A_109 = arith.constant 0 : index
    %get3A_110 = arith.constant 0 : index
    %get3A_111 = vector.load %arg7[%get3A_109, %get3A_110] : memref<1x128xf32, #tpu.memory_space<vmem>>, vector<1x128xf32>
    %mul3A_112 = vector.broadcast %get3A_111 : vector<1x128xf32> to vector<400x128xf32>
    %mul3A_113 = arith.mulf %tanh3A_99, %mul3A_112 : vector<400x128xf32>
    %reduce_sum3A_114 = vector.shape_cast %mul3A_113 : vector<400x128xf32> to vector<1x400x128xf32>
    %reduce_sum3A_115 = arith.constant dense<0.000000e+00> : vector<1xf32>
    %reduce_sum3A_116 = vector.multi_reduction <add>, %reduce_sum3A_114, %reduce_sum3A_115 [1, 2] : vector<1x400x128xf32> to vector<1xf32>
    %reduce_sum3A_117 = vector.shape_cast %reduce_sum3A_116 : vector<1xf32> to vector<1x1x1xf32>
    %reduce_sum3A_118 = vector.extract %reduce_sum3A_117[0, 0, 0] : f32 from vector<1x1x1xf32>
    %broadcast_in_dim3A = vector.broadcast %reduce_sum3A_108 : f32 to vector<1x128xf32>
    %broadcast_in_dim3A_119 = vector.broadcast %reduce_sum3A_118 : f32 to vector<1x128xf32>
    %concatenate3A_120 = tpu.concatenate %broadcast_in_dim3A, %broadcast_in_dim3A_119 in 0 : vector<1x128xf32>, vector<1x128xf32> -> vector<2x128xf32>
    %eq3A = arith.constant 0 : i32
    %eq3A_121 = arith.cmpi eq, %arg0, %eq3A : i32
    %convert_element_type3A = arith.extui %eq3A_121 : i1 to i32
    %cond3A = arith.constant 0 : i32
    %cond3A_122 = arith.cmpi ne, %convert_element_type3A, %cond3A : i32
    scf.if %cond3A_122 {
      %swap3A_127 = arith.constant 0 : index
      %swap3A_128 = arith.constant 0 : index
      %swap3A_129 = vector.load %arg10[%swap3A_127, %swap3A_128] : memref<2x128xf32, #tpu.memory_space<vmem>>, vector<2x128xf32>
      tpu.vector_store %arg10[%swap3A_127, %swap3A_128], %concatenate3A_120 {strides = array<i32>} : memref<2x128xf32, #tpu.memory_space<vmem>>, vector<2x128xf32>,
    } else {
    }
    %gt3A = arith.constant 0 : i32
    %gt3A_123 = arith.cmpi sgt, %arg0, %gt3A : i32
    %convert_element_type3A_124 = arith.extui %gt3A_123 : i1 to i32
    %cond3A_125 = arith.constant 0 : i32
    %cond3A_126 = arith.cmpi ne, %convert_element_type3A_124, %cond3A_125 : i32
    scf.if %cond3A_126 {
      %get3A_127 = arith.constant 0 : index
      %get3A_128 = arith.constant 0 : index
      %get3A_129 = vector.load %arg10[%get3A_127, %get3A_128] : memref<2x128xf32, #tpu.memory_space<vmem>>, vector<2x128xf32>
      %add3A_130 = arith.addf %get3A_129, %concatenate3A_120 : vector<2x128xf32>
      %swap3A_131 = arith.constant 0 : index
      %swap3A_132 = arith.constant 0 : index
      %swap3A_133 = vector.load %arg10[%swap3A_131, %swap3A_132] : memref<2x128xf32, #tpu.memory_space<vmem>>, vector<2x128xf32>
      tpu.vector_store %arg10[%swap3A_131, %swap3A_132], %add3A_130 {strides = array<i32>} : memref<2x128xf32, #tpu.memory_space<vmem>>, vector<2x128xf32>,
    } else {
    }
    return
  }
  func.func @transform_0(%arg0: i32) -> (i32, i32, i32, i32) {
    %c0_i32 = arith.constant 0 : i32
    %c0_i32_0 = arith.constant 0 : i32
    %c0_i32_1 = arith.constant 0 : i32
    %c0_i32_2 = arith.constant 0 : i32
    return %c0_i32, %c0_i32_0, %arg0, %c0_i32_1 : i32, i32, i32, i32
  }
  func.func @transform_1(%arg0: i32) -> (i32, i32, i32) {
    %c0_i32 = arith.constant 0 : i32
    %c0_i32_0 = arith.constant 0 : i32
    %c0_i32_1 = arith.constant 0 : i32
    return %c0_i32, %arg0, %c0_i32_0 : i32, i32, i32
  }
  func.func @transform_2(%arg0: i32) -> (i32, i32) {
    %c0_i32 = arith.constant 0 : i32
    %c0_i32_0 = arith.constant 0 : i32
    %c0_i32_1 = arith.constant 0 : i32
    return %c0_i32, %c0_i32_0 : i32, i32
  }
  func.func @transform_3(%arg0: i32) -> (i32, i32) {
    %c0_i32 = arith.constant 0 : i32
    %c0_i32_0 = arith.constant 0 : i32
    %c0_i32_1 = arith.constant 0 : i32
    return %c0_i32, %c0_i32_0 : i32, i32
  }
  func.func @transform_4(%arg0: i32) -> (i32, i32) {
    %c0_i32 = arith.constant 0 : i32
    %c0_i32_0 = arith.constant 0 : i32
    %c0_i32_1 = arith.constant 0 : i32
    return %c0_i32, %c0_i32_0 : i32, i32
  }
  func.func @transform_5(%arg0: i32) -> (i32, i32) {
    %c0_i32 = arith.constant 0 : i32
    %c0_i32_0 = arith.constant 0 : i32
    %c0_i32_1 = arith.constant 0 : i32
    return %c0_i32, %c0_i32_0 : i32, i32
  }
  func.func @transform_6(%arg0: i32) -> (i32, i32) {
    %c0_i32 = arith.constant 0 : i32
    %c0_i32_0 = arith.constant 0 : i32
    %c0_i32_1 = arith.constant 0 : i32
    return %c0_i32, %c0_i32_0 : i32, i32
  }
  func.func @transform_7(%arg0: i32) -> (i32, i32) {
    %c0_i32 = arith.constant 0 : i32
    %c0_i32_0 = arith.constant 0 : i32
    return %arg0, %c0_i32 : i32, i32
  }
  func.func @transform_8(%arg0: i32) -> (i32, i32) {
    %c0_i32 = arith.constant 0 : i32
    %c0_i32_0 = arith.constant 0 : i32
    return %arg0, %c0_i32 : i32, i32
  }
  func.func @transform_9(%arg0: i32) -> (i32, i32) {
    %c0_i32 = arith.constant 0 : i32
    %c0_i32_0 = arith.constant 0 : i32
    %c0_i32_1 = arith.constant 0 : i32
    return %c0_i32, %c0_i32_0 : i32, i32
  }
}

module attributes {stable_mosaic.version = 14 : i64} {
  func.func @_mix_body(%arg0: i32, %arg1: memref<400x256xf32, #tpu.memory_space<vmem>>, %arg2: memref<400x256xf32, #tpu.memory_space<vmem>>, %arg3: memref<2x128xf32, #tpu.memory_space<vmem>>, %arg4: memref<400x256xf32, #tpu.memory_space<vmem>>) attributes {dimension_semantics = [#tpu.dimension_semantics<arbitrary>], iteration_bounds = array<i64: 25>, scalar_prefetch = 0 : i64, scratch_operands = 0 : i64, tpu.core_type = #tpu.core_type<tc>, window_params = [{transform_indices = @transform_0, window_bounds = array<i64: 400, 256>}, {transform_indices = @transform_1, window_bounds = array<i64: 400, 256>}, {pipeline_mode = #tpu.pipeline_mode<synchronous>, transform_indices = @transform_2, window_bounds = array<i64: 2, 128>}, {transform_indices = @transform_3, window_bounds = array<i64: 400, 256>}]} {
    %get3A = arith.constant 0 : index
    %get3A_0 = arith.constant 0 : index
    %get3A_1 = vector.load %arg3[%get3A, %get3A_0] : memref<2x128xf32, #tpu.memory_space<vmem>>, vector<1x128xf32>
    %get3A_2 = vector.shape_cast %get3A_1 : vector<1x128xf32> to vector<128xf32>
    %reduce_max3A = vector.shape_cast %get3A_2 : vector<128xf32> to vector<1x128xf32>
    %reduce_max3A_3 = arith.constant dense<0xFF800000> : vector<1xf32>
    %reduce_max3A_4 = vector.multi_reduction <maximumf>, %reduce_max3A, %reduce_max3A_3 [1] : vector<1x128xf32> to vector<1xf32>
    %reduce_max3A_5 = vector.shape_cast %reduce_max3A_4 : vector<1xf32> to vector<1x1xf32>
    %reduce_max3A_6 = vector.extract %reduce_max3A_5[0, 0] : f32 from vector<1x1xf32>
    %mul3A = arith.constant 9.99999974E-5 : f32
    %mul3A_7 = arith.mulf %reduce_max3A_6, %mul3A : f32
    %get3A_8 = arith.constant 1 : index
    %get3A_9 = arith.constant 0 : index
    %get3A_10 = vector.load %arg3[%get3A_8, %get3A_9] : memref<2x128xf32, #tpu.memory_space<vmem>>, vector<1x128xf32>
    %get3A_11 = vector.shape_cast %get3A_10 : vector<1x128xf32> to vector<128xf32>
    %reduce_max3A_12 = vector.shape_cast %get3A_11 : vector<128xf32> to vector<1x128xf32>
    %reduce_max3A_13 = arith.constant dense<0xFF800000> : vector<1xf32>
    %reduce_max3A_14 = vector.multi_reduction <maximumf>, %reduce_max3A_12, %reduce_max3A_13 [1] : vector<1x128xf32> to vector<1xf32>
    %reduce_max3A_15 = vector.shape_cast %reduce_max3A_14 : vector<1xf32> to vector<1x1xf32>
    %reduce_max3A_16 = vector.extract %reduce_max3A_15[0, 0] : f32 from vector<1x1xf32>
    %mul3A_17 = arith.constant 9.99999974E-5 : f32
    %mul3A_18 = arith.mulf %reduce_max3A_16, %mul3A_17 : f32
    %max3A = arith.maximumf %mul3A_7, %mul3A_18 : f32
    %sub3A = arith.subf %mul3A_7, %max3A : f32
    %exp3A = math.exp %sub3A : f32
    %sub3A_19 = arith.subf %mul3A_18, %max3A : f32
    %exp3A_20 = math.exp %sub3A_19 : f32
    %add3A = arith.addf %exp3A, %exp3A_20 : f32
    %div3A = arith.divf %exp3A, %add3A : f32
    %get3A_21 = arith.constant 0 : index
    %get3A_22 = arith.constant 0 : index
    %get3A_23 = vector.load %arg1[%get3A_21, %get3A_22] : memref<400x256xf32, #tpu.memory_space<vmem>>, vector<400x256xf32>
    %mul3A_24 = vector.broadcast %div3A : f32 to vector<400x256xf32>
    %mul3A_25 = arith.mulf %mul3A_24, %get3A_23 : vector<400x256xf32>
    %sub3A_26 = arith.constant 1.000000e+00 : f32
    %sub3A_27 = arith.subf %sub3A_26, %div3A : f32
    %get3A_28 = arith.constant 0 : index
    %get3A_29 = arith.constant 0 : index
    %get3A_30 = vector.load %arg2[%get3A_28, %get3A_29] : memref<400x256xf32, #tpu.memory_space<vmem>>, vector<400x256xf32>
    %mul3A_31 = vector.broadcast %sub3A_27 : f32 to vector<400x256xf32>
    %mul3A_32 = arith.mulf %mul3A_31, %get3A_30 : vector<400x256xf32>
    %add3A_33 = arith.addf %mul3A_25, %mul3A_32 : vector<400x256xf32>
    %swap3A = arith.constant 0 : index
    %swap3A_34 = arith.constant 0 : index
    %swap3A_35 = vector.load %arg4[%swap3A, %swap3A_34] : memref<400x256xf32, #tpu.memory_space<vmem>>, vector<400x256xf32>
    tpu.vector_store %arg4[%swap3A, %swap3A_34], %add3A_33 {strides = array<i32>} : memref<400x256xf32, #tpu.memory_space<vmem>>, vector<400x256xf32>,
    return
  }
  func.func @transform_0(%arg0: i32) -> (i32, i32) {
    %c0_i32 = arith.constant 0 : i32
    %c0_i32_0 = arith.constant 0 : i32
    return %arg0, %c0_i32 : i32, i32
  }
  func.func @transform_1(%arg0: i32) -> (i32, i32) {
    %c0_i32 = arith.constant 0 : i32
    %c0_i32_0 = arith.constant 0 : i32
    return %arg0, %c0_i32 : i32, i32
  }
  func.func @transform_2(%arg0: i32) -> (i32, i32) {
    %c0_i32 = arith.constant 0 : i32
    %c0_i32_0 = arith.constant 0 : i32
    %c0_i32_1 = arith.constant 0 : i32
    return %c0_i32, %c0_i32_0 : i32, i32
  }
  func.func @transform_3(%arg0: i32) -> (i32, i32) {
    %c0_i32 = arith.constant 0 : i32
    %c0_i32_0 = arith.constant 0 : i32
    return %arg0, %c0_i32 : i32, i32
  }
}

</mosaic_0001>

<sc_bundles>
// kernel: kernel.10.cloned.1.call-start
scs
__scs_entry_jumppad:
0x0: {  	(pc) =	sbr.rel $0x88, $3  }
0x1: {  	(tag) =	ssettag $0x0;
	lr =	simm.s32 $0x1  }
0x2: {  	[smem:$0x3F93] =	sst lr;
	_ =	strace $0xD0000000  }
0x3: {  	_ = 	snop  }
0x4: {  	_ = 	snop  }
0x5: {  	_ = 	snop  }
0x6: {  	_ = 	snop  }
0x7: {  	_ = 	snop  }
__scs_overlays_trampoline_lowered:
0x8: {  	[smem:$0x3FA2] =	sst s0  }
0x9: {  	[smem:$0x3FA3] =	sst s1  }
0xa: {  	[smem:$0x3FA4] =	sst s2  }
0xb: {  	[smem:$0x3FA5] =	sst s3  }
0xc: {  	[smem:$0x3FA6] =	sst s4  }
0xd: {  	[smem:$0x3FA7] =	sst s5  }
0xe: {  	[smem:$0x3FA8] =	sst s6  }
0xf: {  	[smem:$0x3FA9] =	sst s7  }
0x10: {  	[smem:$0x3FAA] =	sst s8  }
0x11: {  	[smem:$0x3FAB] =	sst s9;
	s0 =	simm.s32 @!p0 $0x0  }
0x12: {  	s1 =	sld [smem:$0x3F91];
	s0 =	simm.s32 @p0 $0x1  }
0x13: {  	[smem:$0x3FAC] =	sst s0;
	s0 =	simm.s32 @!p1 $0x0  }
0x14: {  	s2 =	sld [smem:$0x3F90];
	s0 =	simm.s32 @p1 $0x1  }
0x15: {  	[smem:$0x3FAD] =	sst s0;
	s0 =	simm.s32 @!p2 $0x0  }
0x16: {  	s3 =	sld [smem:$0x3FDB];
	s0 =	simm.s32 @p2 $0x1  }
0x17: {  	s4 =	simm.s32 $0x1BF5;
	[smem:$0x3FAF] =	sst s0  }
0x18: {  	s0 =	sld [smem:$0x3F92];
	_ =	swait.ge [sflag:s4], $0x0  }
0x19: {  	s7 =	sld [smem:$0x3F93]  }
0x1a: {  	s8 =	sadd.s32 $0xFFFFE003, lr  }
0x1b: {  	s9 =	sadd.s32 $0xFFFFFEF7, lr;
	s5 =	simm.s32 $0xFFFFFFFF;
	p2 =	slt.u32 s8, $0xFFFFF086  }
0x1c: {  	p1 =	slt.u32 s9, $0xF7A;
	s5 =	simm.s32 @!p2 $0x0  }
0x1d: {  	s5 =	simm.s32 @p1 $0x1;
	p0 =	seq.s32 s7, s2  }
0x1e: {  	s7 =	smul.u32 @!p0 $0xF7A, s2;
	p2 =	seq.s32 @!p0 s5, $0x0  }
0x1f: {  	s9 =	smul.u32 $0xF7A, s1;
	s8 =	simm.s32 @!p0 $0x1BF5;
	p2 =	por !p2, p0  }
0x20: {  	[sflag:s8] =	ssyncset.s32 @!p0 $0xFFFFF086;
	s6 =	sadd.s32 @!p0 s3, s7;
	s7 =	simm.s32 @!p0 $0x108  }
0x21: {  	s3 =	sadd.s32 s3, s9;
	s6 =	sadd.s32 @!p0 $0x88, s6;
	s7 =	simm.s32 @p2 $0x1082  }
0x22: {  	[simem:s7], [sflag:s8] =	dma.local @!p0 [hbm:s6], $0xF7A  }
0x23: {  	s9 =	sor.u32 $0xD0000000, s2;
	s6 =	simm.s32 $0x108;
	_ =	swait.ge @!p0 [sflag:s8], $0x0  }
0x24: {  	s3 =	sadd.s32 $0x88, s3;
	s6 =	simm.s32 @!p1 $0x1082;
	[sflag:s4] =	ssyncset.s32 $0xFFFFF086  }
0x25: {  	[simem:s6], [sflag:s4] =	dma.local [hbm:s3], $0xF7A  }
0x26: {  	[smem:$0x3F93] =	sst s1;
	(tag) =	ssettag s2;
	_ =	strace s9  }
0x27: {  	s1 =	sld [smem:$0x3FA3]  }
0x28: {  	s2 =	sld [smem:$0x3FA4]  }
0x29: {  	s4 =	sld [smem:$0x3FA6]  }
0x2a: {  	p0 =	seq.s32 s5, $0x0;
	s5 =	sld [smem:$0x3FA7]  }
0x2b: {  	s6 =	sld [smem:$0x3FA8]  }
0x2c: {  	s7 =	sld [smem:$0x3FA9]  }
0x2d: {  	s3 =	simm.s32 $0x108;
	s8 =	sld [smem:$0x3FAA]  }
0x2e: {  	s3 =	simm.s32 @!p0 $0x1082;
	s9 =	sld [smem:$0x3FAB]  }
0x2f: {  	lr =	sadd.s32 s0, s3;
	s0 =	sld [smem:$0x3FA2]  }
0x30: {  	s3 =	sld [smem:$0x3FA5]  }
0x31: {  	[smem:$0x3FAE] =	sst s10  }
0x32: {  	s10 =	sld [smem:$0x3FAC];
	_ =	sdelay $0x3  }
0x33: {  	p0 =	seq.s32 s10, $0x1;
	s10 =	sld [smem:$0x3FAE];
	_ =	sdelay $0x3  }
0x34: {  	[smem:$0x3FAE] =	sst s10  }
0x35: {  	s10 =	sld [smem:$0x3FAD];
	_ =	sdelay $0x3  }
0x36: {  	p1 =	seq.s32 s10, $0x1;
	s10 =	sld [smem:$0x3FAE];
	_ =	sdelay $0x3  }
0x37: {  	[smem:$0x3FAE] =	sst s10  }
0x38: {  	s10 =	sld [smem:$0x3FAF]  }
0x39: {  	_ = 	snop;
	(pc) =	sbr.ind lr, $3  }
0x3a: {  	_ = 	snop  }
0x3b: {  	_ = 	snop  }
0x3c: {  	p2 =	seq.s32 s10, $0x1;
	s10 =	sld [smem:$0x3FAE]  }
0x3d: {  	_ =	shalt  }
0x3e: {  	_ =	shalt  }
0x3f: {  	_ =	shalt  }
0x40: {  	_ =	shalt  }
0x41: {  	_ =	shalt  }
0x42: {  	_ =	shalt  }
0x43: {  	_ =	shalt  }
0x44: {  	_ =	shalt  }
0x45: {  	_ =	shalt  }
0x46: {  	_ =	shalt  }
0x47: {  	_ =	shalt  }
0x48: {  	_ =	shalt  }
0x49: {  	_ =	shalt  }
0x4a: {  	_ =	shalt  }
0x4b: {  	_ =	shalt  }
0x4c: {  	_ =	shalt  }
0x4d: {  	_ =	shalt  }
0x4e: {  	_ =	shalt  }
0x4f: {  	_ =	shalt  }
0x50: {  	_ =	shalt  }
0x51: {  	_ =	shalt  }
0x52: {  	_ =	shalt  }
0x53: {  	_ =	shalt  }
0x54: {  	_ =	shalt  }
0x55: {  	_ =	shalt  }
0x56: {  	_ =	shalt  }
0x57: {  	_ =	shalt  }
0x58: {  	_ =	shalt  }
0x59: {  	_ =	shalt  }
0x5a: {  	_ =	shalt  }
0x5b: {  	_ =	shalt  }
0x5c: {  	_ =	shalt  }
0x5d: {  	_ =	shalt  }
0x5e: {  	_ =	shalt  }
0x5f: {  	_ =	shalt  }
0x60: {  	_ =	shalt  }
0x61: {  	_ =	shalt  }
0x62: {  	_ =	shalt  }
0x63: {  	_ =	shalt  }
0x64: {  	_ =	shalt  }
0x65: {  	_ =	shalt  }
0x66: {  	_ =	shalt  }
0x67: {  	_ =	shalt  }
0x68: {  	_ =	shalt  }
0x69: {  	_ =	shalt  }
0x6a: {  	_ =	shalt  }
0x6b: {  	_ =	shalt  }
0x6c: {  	_ =	shalt  }
0x6d: {  	_ =	shalt  }
0x6e: {  	_ =	shalt  }
0x6f: {  	_ =	shalt  }
0x70: {  	_ =	shalt  }
0x71: {  	_ =	shalt  }
0x72: {  	_ =	shalt  }
0x73: {  	_ =	shalt  }
0x74: {  	_ =	shalt  }
0x75: {  	_ =	shalt  }
0x76: {  	_ =	shalt  }
0x77: {  	_ =	shalt  }
0x78: {  	_ =	shalt  }
0x79: {  	_ =	shalt  }
0x7a: {  	_ =	shalt  }
0x7b: {  	_ =	shalt  }
0x7c: {  	_ =	shalt  }
0x7d: {  	_ =	shalt  }
0x7e: {  	_ =	shalt  }
0x7f: {  	_ =	shalt  }
0x80: {  	_ =	shalt  }
0x81: {  	_ =	shalt  }
0x82: {  	_ =	shalt  }
0x83: {  	_ =	shalt  }
0x84: {  	_ =	shalt  }
0x85: {  	_ =	shalt  }
0x86: {  	_ =	shalt  }
0x87: {  	_ =	shalt  }
.Lfunc_end0:
.L_simem_size_0:
called_computation_lowered:
.L_overlay_start_0:
0x88: {  	s2 =	sld [smem:$0x3FD9]  }
0x89: {  	s3 =	sld [smem:$0x3FFE];
	_ =	sdelay $0x1  }
0x8a: {  	s1 =	srdreg.scid  }
0x8b: {  	s0 =	sand.u32 $0x1, s1  }
0x8c: {  	s17 =	sshll.u32 s0, $0xA;
	s2 =	sadd.s32 s3, s2  }
0x8d: {  	s2 =	sadd.s32 s2, s17  }
0x8e: {  	[smem:$0x3FBA] =	sst s2  }
0x8f: {  	_ = 	snop  }
0x90: {  	s2 =	sld [smem:$0x3FD0];
	(tm) =	ssettm $0x1  }
0x91: {  	s18 =	sld [smem:$0x3FFB];
	_ =	sdelay $0x3  }
0x92: {  	_ =	strace s18  }
0x93: {  	s3 =	sld [smem:$0x3FFC];
	_ =	sdelay $0x3  }
0x94: {  	_ =	strace s3  }
0x95: {  	s3 =	sld [smem:$0x3FFD];
	_ =	sdelay $0x3  }
0x96: {  	_ =	strace s3  }
0x97: {  	_ =	strace $0x8FFFFFFF  }
0x98: {  	s19 =	sld [smem:$0x3FDB];
	_ =	sdelay $0x1  }
0x99: {  	s4 =	simm.s32 $_scs_section_size  }
0x9a: {  	s5 =	simm.s32 $_size__tile_overlayer_lowered;
	s6 =	simm.s32 $_tile_overlayer_lowered  }
0x9b: {  	s22 =	simm.s32 $0x1BFF;
	s21 =	sshll.u32 s6, $0x1;
	s3 =	sadd.s32 s4, s19  }
0x9c: {  	s7 =	simm.s32 $0x0;
	s20 =	sshll.u32 s5, $0x1;
	s5 =	sadd.s32 s21, s3  }
0x9d: {  	[timem:s7], [sflag:s22] =	dma.local [hbm:s5], s20  }
0x9e: {  	_ =	swait.ge [sflag:s22], s20  }
0x9f: {  	s4 =	ssub.s32 $0x0, s20;
	[sflag:s22] =	ssyncset.done $0x0  }
0xa0: {  	[sflag:s22] =	ssyncadd.s32 s4;
	_ =	sdelay $0x1  }
0xa1: {  	s23 =	simm.s32 $0x1B8B  }
0xa2: {  	_ =	swait.ge [sflag:s23], $0x1  }
0xa3: {  	[sflag:s23] =	ssyncset.done $0x0  }
0xa4: {  	s25 =	simm.s32 $0x1B8E;
	s24 =	sld [smem:$0x3FFE];
	[sflag:s23] =	ssyncadd.s32 $0xFFFFFFFF  }
0xa5: {  	s26 =	simm.s32 $execute0_lowered;
	[smem:$0x3FD2] =	sst s25  }
0xa6: {  	s5 =	sshll.u32 s26, $0x1;
	_ =	strace $0x80000046;
	[dreg:$0x1] =	wrdreg $0xFFFFFFFF  }
0xa7: {  	s28 =	simm.s32 $_size_execute0_lowered;
	s3 =	sadd.s32 s3, s5;
	[dreg:$0x0] =	wrdreg $0x0  }
0xa8: {  	s5 =	sshll.u32 s28, $0x1;
	[dreg:$0x2] =	wrdreg s3  }
0xa9: {  	[dreg:$0x3] =	wrdreg s5  }
0xaa: {  	[dreg:$0x4] =	wrdreg $0xC0  }
0xab: {  	_ =	task [dreg:s7], $0x5FFFF  }
0xac: {  	[dreg:$0x1] =	wrdreg $0xFFFFFFFF  }
0xad: {  	[dreg:$0x0] =	wrdreg $0x60  }
0xae: {  	[dreg:$0x2] =	wrdreg s24  }
0xaf: {  	[dreg:$0x3] =	wrdreg s2  }
0xb0: {  	[dreg:$0x4] =	wrdreg $0xA0000  }
0xb1: {  	[dreg:$0x5] =	wrdreg $0x9  }
0xb2: {  	_ =	task.clear_ibuf [dreg:s7], $0x6FFFF;
	_ =	strace $0x90000046  }
0xb3: {  	s29 =	simm.s32 $0x9;
	_ =	strace $0x80000048  }
0xb4: {  	_ =	swait.ge [sflag:s29], $0x1  }
0xb5: {  	[sflag:s29] =	ssyncadd.s32 $0xFFFFFFFF  }
0xb6: {  	_ =	strace $0x90000048  }
0xb7: {  	_ =	sfence  }
0xb8: {  	s30 =	sld [smem:$0x0];
	_ =	sdelay $0x2  }
0xb9: {  	s31 =	sshll.u32 s1, $0xD;
	s1 =	sshrl.u32 s1, $0x2  }
0xba: {  	s3 =	sand.u32 $0x4000, s31;
	s1 =	sadd.s32 s1, s30  }
0xbb: {  	s0 =	sor.u32 s3, s0;
	s1 =	sshll.u32 s1, $0x11  }
0xbc: {  	s0 =	sor.u32 s1, s0  }
0xbd: {  	s0 =	sadd.s32 $0x8F2B, s0  }
0xbe: {  	[sflag:s0] =	ssyncadd.remote.s32 $0x1  }
0xbf: {  	_ =	sfence.sel $0xFFFF  }
0xc0: {  	[dreg:$0x0] =	wrdreg $0xFFFFFFFF;
	(pc) =	sbr.abs _section_cstart, $3  }
0xc1: {  	[dreg:$0x1] =	wrdreg $0xFFFFFFFF  }
0xc2: {  	_ =	task.clear_ibuf [dreg:s7], $0x2FFFF;
	_ =	strace $0x9FFFFFFF  }
0xc3: {  	(tm) =	ssettm $0x7FFFFFFF  }
tec
execute0_lowered:
.L_overlay_start_1:
0x0: {  	(tag) =	ssettag $0x1  }
0x1: {  	s0 =	rddreg [dreg:$0x0]  }
0x2: {  	s1 =	srdreg.scid;
	s8 =	rddreg [dreg:$0x1]  }
0x3: {  	s10 =	stileid.u32;
	s7 =	rddreg [dreg:$0x2]  }
0x4: {  	s2 =	simm.s32 $0x0;
	s18 =	simm.s32 $0x14000;
	s19 =	simm.s32 $0x1  }
0x5: {  	s20 =	simm.s32 $0x2800;
	s21 =	simm.s32 $0x5000;
	s22 =	simm.s32 $0x7800  }
0x6: {  	s23 =	simm.s32 $0x80;
	s24 =	simm.s32 $0x400;
	s25 =	simm.s32 $0x1400  }
0x7: {  	s28 =	simm.s32 $0x200;
	s30 =	simm.s32 $0x0;
	s4 =	smul.u32 $0x9E00, s10  }
0x8: {  	s1 =	sand.u32 $0x1, s1;
	s26 =	sshrl.u32 s10, $0x3;
	s6 =	smul.u32 $0xA00, s10  }
0x9: {  	[smem:$0x7FF] =	sst s2;
	s29 =	sshll.u32 s10, $0x7;
	s10 =	smul.u32 $0x5000, s10  }
0xa: {  	s3 =	smul.u32 $0x9E000, s1;
	_ =	strace $0x80000047;
	s5 =	ssub.s32 $0x2, s1  }
0xb: {  	s1 =	smul.u32 $0xA000, s1;
	s9 =	sshrl.u32 s5, $0x1;
	s31 =	sshrl.u32 s10, $0x2  }
0xc: {  	s3 =	sadd.s32 s4, s3;
	s4 =	smul.u32 $0x50000, s26;
	s15 =	ssub.s32 s5, s9  }
0xd: {  	s1 =	sadd.s32 s6, s1;
	s26 =	simm.s32 $0x14200;
	s3 =	sshrl.u32 s3, $0x3  }
0xe: {  	s1 =	sshrl.u32 s1, $0x3;
	s15 =	smax.u32 s15, $0x1;
	s0 =	sadd.s32 s3, s0  }
0xf: {  	s4 =	sshrl.u32 s4, $0x2;
	s3 =	sand.u32 $0x380, s29;
	s8 =	sadd.s32 s8, s1  }
0x10: {  	s4 =	sadd.s32 s4, s7;
	s7 =	sadd.s32 s31, s7;
	s10 =	sadd.s32 $0x10, s8  }
0x11: {  	s12 =	sadd.s32 $0x20, s8;
	s14 =	sadd.s32 $0x30, s8;
	s16 =	sadd.s32 $0x3200, s0  }
0x12: {  	s17 =	sadd.s32 $0x2AA00, s0;
	s3 =	sadd.s32 s3, s4;
	s9 =	sadd.s32 $0x28000, s7  }
0x13: {  	s11 =	sadd.s32 $0x50000, s7;
	s13 =	sadd.s32 $0x78000, s7;
	s4 =	sadd.s32 $0x28000, s3  }
0x14: {  	v0 =	vimm.f32 $0.0e+00;
	v1 =	vimm.f32 $1.000000000e+00;
	s5 =	sadd.s32 $0x50000, s3;
	s6 =	sadd.s32 $0x78000, s3;
	[dreg:$0x4] =	wrdreg s4  }
.LBB2_1:
0x15: {  	s1 =	simm.s32 $0x40;
	s0 =	simm.s32 $0x0  }
.LBB2_2:
0x16: {  	p0 =	sne.s32 s1, $0x9FC0;
	[tilespmem:s0+$0x7800] =	vst v0;
	s29 =	smov.u32 s1;
	s1 =	sadd.s32 $0x40, s1  }
.Ltmp0:
0x17: {  	[tilespmem:s0+$0x5000] =	vst v0;
	(pc) =	sbr.rel @p0 .LBB2_2-.Ltmp0, $3  }
0x18: {  	[tilespmem:s0+$0x0] =	vst v0  }
0x19: {  	[tilespmem:s0+$0x2800] =	vst v0;
	_ =	sdelay $0x1  }
0x1a: {  	s0 =	sshra.s32 s29, $0x2  }
0x1b: {  	[tilespmem:s0+$0x7800] =	vst v0  }
0x1c: {  	[tilespmem:s0+$0x5000] =	vst v0  }
0x1d: {  	[tilespmem:s0+$0x0] =	vst v0  }
0x1e: {  	s1 =	simm.s32 $0x0;
	[tilespmem:s0+$0x2800] =	vst v0;
	s0 =	simm.s32 $0x0  }
.LBB2_4:
0x1f: {  	s29 =	sadd.s32 s0, s16  }
0x20: {  	[tilespmem:s18], [sflag:$0x1] =	stream.linear.gather [hbm4b:s29+s1], $0x200, $0x38;
	[tilespmem:$0x16C80] =	vst v63  }
0x21: {  	_ =	swait.ge [sflag:s19], $0x200  }
0x22: {  	[sflag:s19] =	ssyncset.done $0x0  }
0x23: {  	[sflag:s19] =	ssyncadd.s32 $0xFFFFFE00  }
0x24: {  	v2 =	vld [tilespmem:$0x14000];
	_ =	sdelay $0x7  }
0x25: {  	[tilespmem:v2+s1+$0x0] =	vst.idx.add.f32.msk $0xffff, v1  }
0x26: {  	v2 =	vld [tilespmem:$0x14010];
	_ =	sdelay $0x7  }
0x27: {  	[tilespmem:v2+s1+$0x0] =	vst.idx.add.f32.msk $0xffff, v1  }
0x28: {  	v2 =	vld [tilespmem:$0x14020];
	_ =	sdelay $0x7  }
0x29: {  	[tilespmem:v2+s1+$0x0] =	vst.idx.add.f32.msk $0xffff, v1  }
0x2a: {  	v2 =	vld [tilespmem:$0x14030];
	_ =	sdelay $0x7  }
0x2b: {  	[tilespmem:v2+s1+$0x0] =	vst.idx.add.f32.msk $0xffff, v1  }
0x2c: {  	v2 =	vld [tilespmem:$0x14080];
	_ =	sdelay $0x7  }
0x2d: {  	[tilespmem:v2+s1+$0x0] =	vst.idx.add.f32.msk $0xffff, v1  }
0x2e: {  	v2 =	vld [tilespmem:$0x14090];
	_ =	sdelay $0x7  }
0x2f: {  	[tilespmem:v2+s1+$0x0] =	vst.idx.add.f32.msk $0xffff, v1  }
0x30: {  	v2 =	vld [tilespmem:$0x140A0];
	_ =	sdelay $0x7  }
0x31: {  	[tilespmem:v2+s1+$0x0] =	vst.idx.add.f32.msk $0xffff, v1  }
0x32: {  	v2 =	vld [tilespmem:$0x140B0];
	_ =	sdelay $0x7  }
0x33: {  	[tilespmem:v2+s1+$0x0] =	vst.idx.add.f32.msk $0xffff, v1  }
0x34: {  	v2 =	vld [tilespmem:$0x14100];
	_ =	sdelay $0x7  }
0x35: {  	[tilespmem:v2+s20+$0x0] =	vst.idx.add.f32.msk $0xffff, v1  }
0x36: {  	v2 =	vld [tilespmem:$0x14110];
	_ =	sdelay $0x7  }
0x37: {  	[tilespmem:v2+s20+$0x0] =	vst.idx.add.f32.msk $0xffff, v1  }
0x38: {  	v2 =	vld [tilespmem:$0x14120];
	_ =	sdelay $0x7  }
0x39: {  	[tilespmem:v2+s20+$0x0] =	vst.idx.add.f32.msk $0xffff, v1  }
0x3a: {  	v2 =	vld [tilespmem:$0x14130];
	_ =	sdelay $0x7  }
0x3b: {  	[tilespmem:v2+s20+$0x0] =	vst.idx.add.f32.msk $0xffff, v1  }
0x3c: {  	v2 =	vld [tilespmem:$0x14180];
	_ =	sdelay $0x7  }
0x3d: {  	[tilespmem:v2+s20+$0x0] =	vst.idx.add.f32.msk $0xffff, v1  }
0x3e: {  	v2 =	vld [tilespmem:$0x14190];
	_ =	sdelay $0x7  }
0x3f: {  	[tilespmem:v2+s20+$0x0] =	vst.idx.add.f32.msk $0xffff, v1  }
0x40: {  	v2 =	vld [tilespmem:$0x141A0];
	_ =	sdelay $0x7  }
0x41: {  	[tilespmem:v2+s20+$0x0] =	vst.idx.add.f32.msk $0xffff, v1  }
0x42: {  	v2 =	vld [tilespmem:$0x141B0];
	_ =	sdelay $0x2  }
0x43: {  	p0 =	sne.s32 s0, $0x1380  }
.Ltmp1:
0x44: {  	_ = 	snop;
	(pc) =	sbr.rel @p0 .LBB2_4-.Ltmp1, $2  }
0x45: {  	_ =	sdelay $0x2  }
0x46: {  	s0 =	sadd.s32 $0x40, s0;
	[tilespmem:v2+s20+$0x0] =	vst.idx.add.f32.msk $0xffff, v1  }
.LBB2_5:
0x47: {  	s0 =	sadd.s32 s1, s17  }
0x48: {  	[tilespmem:s18], [sflag:$0x1] =	stream.linear.gather [hbm4b:s0+s2], $0x200, $0x38;
	[tilespmem:$0x16C80] =	vst v63  }
0x49: {  	_ =	swait.ge [sflag:s19], $0x200  }
0x4a: {  	[sflag:s19] =	ssyncset.done $0x0  }
0x4b: {  	[sflag:s19] =	ssyncadd.s32 $0xFFFFFE00  }
0x4c: {  	v2 =	vld [tilespmem:$0x14000];
	_ =	sdelay $0x7  }
0x4d: {  	[tilespmem:v2+s21+$0x0] =	vst.idx.add.f32.msk $0xffff, v1  }
0x4e: {  	v2 =	vld [tilespmem:$0x14010];
	_ =	sdelay $0x7  }
0x4f: {  	[tilespmem:v2+s21+$0x0] =	vst.idx.add.f32.msk $0xffff, v1  }
0x50: {  	v2 =	vld [tilespmem:$0x14020];
	_ =	sdelay $0x7  }
0x51: {  	[tilespmem:v2+s21+$0x0] =	vst.idx.add.f32.msk $0xffff, v1  }
0x52: {  	v2 =	vld [tilespmem:$0x14030];
	_ =	sdelay $0x7  }
0x53: {  	[tilespmem:v2+s21+$0x0] =	vst.idx.add.f32.msk $0xffff, v1  }
0x54: {  	v2 =	vld [tilespmem:$0x14080];
	_ =	sdelay $0x7  }
0x55: {  	[tilespmem:v2+s21+$0x0] =	vst.idx.add.f32.msk $0xffff, v1  }
0x56: {  	v2 =	vld [tilespmem:$0x14090];
	_ =	sdelay $0x7  }
0x57: {  	[tilespmem:v2+s21+$0x0] =	vst.idx.add.f32.msk $0xffff, v1  }
0x58: {  	v2 =	vld [tilespmem:$0x140A0];
	_ =	sdelay $0x7  }
0x59: {  	[tilespmem:v2+s21+$0x0] =	vst.idx.add.f32.msk $0xffff, v1  }
0x5a: {  	v2 =	vld [tilespmem:$0x140B0];
	_ =	sdelay $0x7  }
0x5b: {  	[tilespmem:v2+s21+$0x0] =	vst.idx.add.f32.msk $0xffff, v1  }
0x5c: {  	v2 =	vld [tilespmem:$0x14100];
	_ =	sdelay $0x7  }
0x5d: {  	[tilespmem:v2+s22+$0x0] =	vst.idx.add.f32.msk $0xffff, v1  }
0x5e: {  	v2 =	vld [tilespmem:$0x14110];
	_ =	sdelay $0x7  }
0x5f: {  	[tilespmem:v2+s22+$0x0] =	vst.idx.add.f32.msk $0xffff, v1  }
0x60: {  	v2 =	vld [tilespmem:$0x14120];
	_ =	sdelay $0x7  }
0x61: {  	[tilespmem:v2+s22+$0x0] =	vst.idx.add.f32.msk $0xffff, v1  }
0x62: {  	v2 =	vld [tilespmem:$0x14130];
	_ =	sdelay $0x7  }
0x63: {  	[tilespmem:v2+s22+$0x0] =	vst.idx.add.f32.msk $0xffff, v1  }
0x64: {  	v2 =	vld [tilespmem:$0x14180];
	_ =	sdelay $0x7  }
0x65: {  	[tilespmem:v2+s22+$0x0] =	vst.idx.add.f32.msk $0xffff, v1  }
0x66: {  	v2 =	vld [tilespmem:$0x14190];
	_ =	sdelay $0x7  }
0x67: {  	[tilespmem:v2+s22+$0x0] =	vst.idx.add.f32.msk $0xffff, v1  }
0x68: {  	v2 =	vld [tilespmem:$0x141A0];
	_ =	sdelay $0x7  }
0x69: {  	[tilespmem:v2+s22+$0x0] =	vst.idx.add.f32.msk $0xffff, v1  }
0x6a: {  	v2 =	vld [tilespmem:$0x141B0];
	_ =	sdelay $0x2  }
0x6b: {  	p0 =	sne.s32 s1, $0x1380  }
.Ltmp2:
0x6c: {  	_ = 	snop;
	(pc) =	sbr.rel @p0 .LBB2_5-.Ltmp2, $2  }
0x6d: {  	_ =	sdelay $0x2  }
0x6e: {  	s1 =	sadd.s32 $0x40, s1;
	[tilespmem:v2+s22+$0x0] =	vst.idx.add.f32.msk $0xffff, v1  }
0x6f: {  	s0 =	simm.s32 $0x0  }
0x70: {  	[spmem:s3] =	stream.strided.scatter [tilespmem:s0], [sflag:$0x1], $0x2800, s24, s23, $0x38;
	[tilespmem:$0x16C80] =	vst v63  }
0x71: {  	_ =	swait.ge [sflag:s19], $0x2800  }
0x72: {  	[sflag:s19] =	ssyncset.done $0x0  }
0x73: {  	s1 =	rddreg [dreg:$0x4];
	[sflag:s19] =	ssyncadd.s32 $0xFFFFD800  }
0x74: {  	[spmem:s1] =	stream.strided.scatter [tilespmem:s20], [sflag:$0x1], $0x2800, s24, s23, $0x38;
	[tilespmem:$0x16C80] =	vst v63  }
0x75: {  	_ =	swait.ge [sflag:s19], $0x2800  }
0x76: {  	[sflag:s19] =	ssyncset.done $0x0  }
0x77: {  	[sflag:s19] =	ssyncadd.s32 $0xFFFFD800  }
0x78: {  	[spmem:s5] =	stream.strided.scatter [tilespmem:s21], [sflag:$0x1], $0x2800, s24, s23, $0x38;
	[tilespmem:$0x16C80] =	vst v63  }
0x79: {  	_ =	swait.ge [sflag:s19], $0x2800  }
0x7a: {  	[sflag:s19] =	ssyncset.done $0x0  }
0x7b: {  	[sflag:s19] =	ssyncadd.s32 $0xFFFFD800  }
0x7c: {  	[spmem:s6] =	stream.strided.scatter [tilespmem:s22], [sflag:$0x1], $0x2800, s24, s23, $0x38;
	[tilespmem:$0x16C80] =	vst v63  }
0x7d: {  	_ =	swait.ge [sflag:s19], $0x2800  }
0x7e: {  	[sflag:s19] =	ssyncset.done $0x0  }
0x7f: {  	[sflag:s19] =	ssyncadd.s32 $0xFFFFD800  }
0x80: {  	[bflag:$0x0] =	sbarrier.arrive $0xFFFF  }
0x81: {  	[tilespmem:s26], [sflag:$0x1] =	stream.strided.gather [spmem:s7], $0x2800, s18, s25, $0x38;
	[tilespmem:$0x16C80] =	vst v63  }
0x82: {  	_ =	swait.ge [sflag:s19], $0x2800  }
0x83: {  	s4 =	sand.u32 $0x70, s0;
	s0 =	sand.u32 $0x1C00, s0;
	[sflag:s19] =	ssyncset.done $0x0  }
0x84: {  	s0 =	sor.u32 s4, s0;
	[sflag:s19] =	ssyncadd.s32 $0xFFFFD800  }
0x85: {  	v2 =	vld [tilespmem:s0+$0x14280]  }
0x86: {  	v3 =	vld [tilespmem:s0+$0x14200];
	_ =	sdelay $0x1  }
0x87: {  	v4 =	vld [tilespmem:s0+$0x14300];
	_ =	sdelay $0x1  }
0x88: {  	v5 =	vld [tilespmem:s0+$0x14380]  }
0x89: {  	v2 =	vadd.f32 v2, v3  }
0x8a: {  	v3 =	vld [tilespmem:s0+$0x14400]  }
0x8b: {  	v2 =	vadd.f32 v4, v2  }
0x8c: {  	v56 =	vld [tilespmem:s0+$0x14480]  }
0x8d: {  	v2 =	vadd.f32 v5, v2  }
0x8e: {  	v57 =	vld [tilespmem:s0+$0x14500]  }
0x8f: {  	v2 =	vadd.f32 v3, v2  }
0x90: {  	v3 =	vld [tilespmem:s0+$0x14580]  }
0x91: {  	v2 =	vadd.f32 v56, v2  }
0x92: {  	v58 =	vld [tilespmem:s0+$0x15600]  }
0x93: {  	v2 =	vadd.f32 v57, v2  }
0x94: {  	v59 =	vld [tilespmem:s0+$0x15680]  }
0x95: {  	v2 =	vadd.f32 v3, v2  }
0x96: {  	v3 =	vld [tilespmem:s0+$0x15700]  }
0x97: {  	v2 =	vadd.f32 v58, v2  }
0x98: {  	v60 =	vld [tilespmem:s0+$0x15780]  }
0x99: {  	v2 =	vadd.f32 v59, v2  }
0x9a: {  	v61 =	vld [tilespmem:s0+$0x15800]  }
0x9b: {  	v2 =	vadd.f32 v3, v2  }
0x9c: {  	v3 =	vld [tilespmem:s0+$0x15880]  }
0x9d: {  	v2 =	vadd.f32 v60, v2  }
0x9e: {  	v62 =	vld [tilespmem:s0+$0x15900]  }
0x9f: {  	v2 =	vadd.f32 v61, v2  }
0xa0: {  	v63 =	vld [tilespmem:s0+$0x15980]  }
0xa1: {  	v2 =	vadd.f32 v3, v2;
	_ =	sdelay $0x1  }
0xa2: {  	v2 =	vadd.f32 v62, v2;
	_ =	sdelay $0x1  }
0xa3: {  	s4 =	simm.s32 $0x10;
	s0 =	simm.s32 $0x80;
	v2 =	vadd.f32 v63, v2  }
0xa4: {  	s31 =	simm.s32 $0x16A00;
	s1 =	sand.u32 $0x70, s4;
	s29 =	sand.u32 $0x1C00, s0  }
0xa5: {  	s1 =	sor.u32 s1, s29;
	s29 =	simm.s32 $0x20;
	[tilespmem:s31+$0x0] =	vst v2  }
.LBB2_7:
0xa6: {  	p0 =	sne.s32 s29, $0x270;
	v2 =	vld [tilespmem:s1+$0x14280]  }
0xa7: {  	v3 =	vld [tilespmem:s1+$0x14200];
	_ =	sdelay $0x1  }
0xa8: {  	v4 =	vld [tilespmem:s1+$0x14300];
	_ =	sdelay $0x1  }
0xa9: {  	v5 =	vld [tilespmem:s1+$0x14380]  }
0xaa: {  	v2 =	vadd.f32 v2, v3  }
0xab: {  	v3 =	vld [tilespmem:s1+$0x14400]  }
0xac: {  	v2 =	vadd.f32 v4, v2  }
0xad: {  	v4 =	vld [tilespmem:s1+$0x14480]  }
0xae: {  	v2 =	vadd.f32 v5, v2  }
0xaf: {  	v5 =	vld [tilespmem:s1+$0x14500]  }
0xb0: {  	v2 =	vadd.f32 v3, v2  }
0xb1: {  	v3 =	vld [tilespmem:s1+$0x14580]  }
0xb2: {  	v2 =	vadd.f32 v4, v2  }
0xb3: {  	v4 =	vld [tilespmem:s1+$0x15600]  }
0xb4: {  	v2 =	vadd.f32 v5, v2  }
0xb5: {  	v5 =	vld [tilespmem:s1+$0x15680]  }
0xb6: {  	v2 =	vadd.f32 v3, v2  }
0xb7: {  	v3 =	vld [tilespmem:s1+$0x15700]  }
0xb8: {  	v2 =	vadd.f32 v4, v2  }
0xb9: {  	v4 =	vld [tilespmem:s1+$0x15780]  }
0xba: {  	v2 =	vadd.f32 v5, v2  }
0xbb: {  	v5 =	vld [tilespmem:s1+$0x15800]  }
0xbc: {  	v2 =	vadd.f32 v3, v2  }
0xbd: {  	v3 =	vld [tilespmem:s1+$0x15880]  }
0xbe: {  	v2 =	vadd.f32 v4, v2  }
0xbf: {  	v4 =	vld [tilespmem:s1+$0x15900]  }
0xc0: {  	v2 =	vadd.f32 v5, v2  }
0xc1: {  	v5 =	vld [tilespmem:s1+$0x15980]  }
0xc2: {  	v2 =	vadd.f32 v3, v2;
	_ =	sdelay $0x1  }
.Ltmp3:
0xc3: {  	v2 =	vadd.f32 v4, v2;
	(pc) =	sbr.rel @p0 .LBB2_7-.Ltmp3, $4  }
0xc4: {  	_ = 	snop  }
0xc5: {  	s0 =	sadd.s32 $0x80, s0;
	v2 =	vadd.f32 v5, v2  }
0xc6: {  	s31 =	sadd.s32 $0x10, s31;
	s4 =	sand.u32 $0x1C00, s0;
	s1 =	sand.u32 $0x70, s29  }
0xc7: {  	s29 =	sadd.s32 $0x10, s29;
	s1 =	sor.u32 s1, s4;
	[tilespmem:s31+$0x0] =	vst v2  }
0xc8: {  	v2 =	vld [tilespmem:s1+$0x14280]  }
0xc9: {  	v3 =	vld [tilespmem:s1+$0x14200];
	_ =	sdelay $0x1  }
0xca: {  	v4 =	vld [tilespmem:s1+$0x14300];
	_ =	sdelay $0x1  }
0xcb: {  	v5 =	vld [tilespmem:s1+$0x14380]  }
0xcc: {  	v2 =	vadd.f32 v2, v3  }
0xcd: {  	v3 =	vld [tilespmem:s1+$0x14400]  }
0xce: {  	v2 =	vadd.f32 v4, v2  }
0xcf: {  	v46 =	vld [tilespmem:s1+$0x14480]  }
0xd0: {  	v2 =	vadd.f32 v5, v2  }
0xd1: {  	v47 =	vld [tilespmem:s1+$0x14500]  }
0xd2: {  	v2 =	vadd.f32 v3, v2  }
0xd3: {  	v3 =	vld [tilespmem:s1+$0x14580]  }
0xd4: {  	v2 =	vadd.f32 v46, v2  }
0xd5: {  	v48 =	vld [tilespmem:s1+$0x15600]  }
0xd6: {  	v2 =	vadd.f32 v47, v2  }
0xd7: {  	v49 =	vld [tilespmem:s1+$0x15680]  }
0xd8: {  	v2 =	vadd.f32 v3, v2  }
0xd9: {  	v3 =	vld [tilespmem:s1+$0x15700]  }
0xda: {  	v2 =	vadd.f32 v48, v2  }
0xdb: {  	v50 =	vld [tilespmem:s1+$0x15780]  }
0xdc: {  	v2 =	vadd.f32 v49, v2  }
0xdd: {  	v51 =	vld [tilespmem:s1+$0x15800]  }
0xde: {  	v2 =	vadd.f32 v3, v2  }
0xdf: {  	v3 =	vld [tilespmem:s1+$0x15880]  }
0xe0: {  	v2 =	vadd.f32 v50, v2  }
0xe1: {  	v52 =	vld [tilespmem:s1+$0x15900]  }
0xe2: {  	v2 =	vadd.f32 v51, v2  }
0xe3: {  	v53 =	vld [tilespmem:s1+$0x15980]  }
0xe4: {  	v2 =	vadd.f32 v3, v2;
	_ =	sdelay $0x1  }
0xe5: {  	v2 =	vadd.f32 v52, v2;
	_ =	sdelay $0x1  }
0xe6: {  	v2 =	vadd.f32 v53, v2  }
0xe7: {  	s0 =	sadd.s32 $0x10, s31  }
0xe8: {  	s31 =	simm.s32 $0x16A00;
	[tilespmem:s0+$0x0] =	vst v2  }
0xe9: {  	[hbm4b:s8+s23] =	stream.strided.scatter [tilespmem:s31], [sflag:$0x1], $0x280, s28, s23, $0x38;
	[tilespmem:$0x16C80] =	vst v63  }
0xea: {  	_ =	swait.ge [sflag:s19], $0x280  }
0xeb: {  	[sflag:s19] =	ssyncset.done $0x0  }
0xec: {  	[sflag:s19] =	ssyncadd.s32 $0xFFFFFD80  }
0xed: {  	[tilespmem:s26], [sflag:$0x1] =	stream.strided.gather [spmem:s9], $0x2800, s18, s25, $0x38;
	[tilespmem:$0x16C80] =	vst v63  }
0xee: {  	s1 =	simm.s32 $0x0;
	_ =	swait.ge [sflag:s19], $0x2800  }
0xef: {  	s4 =	sand.u32 $0x70, s1;
	s0 =	sand.u32 $0x1C00, s1;
	[sflag:s19] =	ssyncset.done $0x0  }
0xf0: {  	s0 =	sor.u32 s4, s0;
	[sflag:s19] =	ssyncadd.s32 $0xFFFFD800  }
0xf1: {  	v2 =	vld [tilespmem:s0+$0x14280]  }
0xf2: {  	v3 =	vld [tilespmem:s0+$0x14200];
	_ =	sdelay $0x1  }
0xf3: {  	v54 =	vld [tilespmem:s0+$0x14300];
	_ =	sdelay $0x1  }
0xf4: {  	v55 =	vld [tilespmem:s0+$0x14380]  }
0xf5: {  	v2 =	vadd.f32 v2, v3  }
0xf6: {  	v3 =	vld [tilespmem:s0+$0x14400]  }
0xf7: {  	v2 =	vadd.f32 v54, v2  }
0xf8: {  	v56 =	vld [tilespmem:s0+$0x14480]  }
0xf9: {  	v2 =	vadd.f32 v55, v2  }
0xfa: {  	v57 =	vld [tilespmem:s0+$0x14500]  }
0xfb: {  	v2 =	vadd.f32 v3, v2  }
0xfc: {  	v3 =	vld [tilespmem:s0+$0x14580]  }
0xfd: {  	v2 =	vadd.f32 v56, v2  }
0xfe: {  	v58 =	vld [tilespmem:s0+$0x15600]  }
0xff: {  	v2 =	vadd.f32 v57, v2  }
0x100: {  	v59 =	vld [tilespmem:s0+$0x15680]  }
0x101: {  	v2 =	vadd.f32 v3, v2  }
0x102: {  	v3 =	vld [tilespmem:s0+$0x15700]  }
0x103: {  	v2 =	vadd.f32 v58, v2  }
0x104: {  	v60 =	vld [tilespmem:s0+$0x15780]  }
0x105: {  	v2 =	vadd.f32 v59, v2  }
0x106: {  	v61 =	vld [tilespmem:s0+$0x15800]  }
0x107: {  	v2 =	vadd.f32 v3, v2  }
0x108: {  	v3 =	vld [tilespmem:s0+$0x15880]  }
0x109: {  	v2 =	vadd.f32 v60, v2  }
0x10a: {  	v62 =	vld [tilespmem:s0+$0x15900]  }
0x10b: {  	v2 =	vadd.f32 v61, v2  }
0x10c: {  	v63 =	vld [tilespmem:s0+$0x15980]  }
0x10d: {  	v2 =	vadd.f32 v3, v2;
	_ =	sdelay $0x1  }
0x10e: {  	v2 =	vadd.f32 v62, v2;
	_ =	sdelay $0x1  }
0x10f: {  	s4 =	simm.s32 $0x10;
	s0 =	simm.s32 $0x80;
	v2 =	vadd.f32 v63, v2  }
0x110: {  	s1 =	sand.u32 $0x70, s4;
	s4 =	sand.u32 $0x1C00, s0  }
0x111: {  	s29 =	simm.s32 $0x20;
	s1 =	sor.u32 s1, s4;
	[tilespmem:s31+$0x0] =	vst v2  }
.LBB2_9:
0x112: {  	p0 =	sne.s32 s29, $0x270;
	v2 =	vld [tilespmem:s1+$0x14280]  }
0x113: {  	v3 =	vld [tilespmem:s1+$0x14200];
	_ =	sdelay $0x1  }
0x114: {  	v4 =	vld [tilespmem:s1+$0x14300];
	_ =	sdelay $0x1  }
0x115: {  	v5 =	vld [tilespmem:s1+$0x14380]  }
0x116: {  	v2 =	vadd.f32 v2, v3  }
0x117: {  	v3 =	vld [tilespmem:s1+$0x14400]  }
0x118: {  	v2 =	vadd.f32 v4, v2  }
0x119: {  	v4 =	vld [tilespmem:s1+$0x14480]  }
0x11a: {  	v2 =	vadd.f32 v5, v2  }
0x11b: {  	v5 =	vld [tilespmem:s1+$0x14500]  }
0x11c: {  	v2 =	vadd.f32 v3, v2  }
0x11d: {  	v3 =	vld [tilespmem:s1+$0x14580]  }
0x11e: {  	v2 =	vadd.f32 v4, v2  }
0x11f: {  	v4 =	vld [tilespmem:s1+$0x15600]  }
0x120: {  	v2 =	vadd.f32 v5, v2  }
0x121: {  	v5 =	vld [tilespmem:s1+$0x15680]  }
0x122: {  	v2 =	vadd.f32 v3, v2  }
0x123: {  	v3 =	vld [tilespmem:s1+$0x15700]  }
0x124: {  	v2 =	vadd.f32 v4, v2  }
0x125: {  	v4 =	vld [tilespmem:s1+$0x15780]  }
0x126: {  	v2 =	vadd.f32 v5, v2  }
0x127: {  	v5 =	vld [tilespmem:s1+$0x15800]  }
0x128: {  	v2 =	vadd.f32 v3, v2  }
0x129: {  	v3 =	vld [tilespmem:s1+$0x15880]  }
0x12a: {  	v2 =	vadd.f32 v4, v2  }
0x12b: {  	v4 =	vld [tilespmem:s1+$0x15900]  }
0x12c: {  	v2 =	vadd.f32 v5, v2  }
0x12d: {  	v5 =	vld [tilespmem:s1+$0x15980]  }
0x12e: {  	v2 =	vadd.f32 v3, v2;
	_ =	sdelay $0x1  }
.Ltmp4:
0x12f: {  	v2 =	vadd.f32 v4, v2;
	(pc) =	sbr.rel @p0 .LBB2_9-.Ltmp4, $4  }
0x130: {  	_ = 	snop  }
0x131: {  	s0 =	sadd.s32 $0x80, s0;
	v2 =	vadd.f32 v5, v2  }
0x132: {  	s31 =	sadd.s32 $0x10, s31;
	s4 =	sand.u32 $0x1C00, s0;
	s1 =	sand.u32 $0x70, s29  }
0x133: {  	s29 =	sadd.s32 $0x10, s29;
	s1 =	sor.u32 s1, s4;
	[tilespmem:s31+$0x0] =	vst v2  }
0x134: {  	v2 =	vld [tilespmem:s1+$0x14280]  }
0x135: {  	v3 =	vld [tilespmem:s1+$0x14200];
	_ =	sdelay $0x1  }
0x136: {  	v4 =	vld [tilespmem:s1+$0x14300];
	_ =	sdelay $0x1  }
0x137: {  	v5 =	vld [tilespmem:s1+$0x14380]  }
0x138: {  	v2 =	vadd.f32 v2, v3  }
0x139: {  	v3 =	vld [tilespmem:s1+$0x14400]  }
0x13a: {  	v2 =	vadd.f32 v4, v2  }
0x13b: {  	v46 =	vld [tilespmem:s1+$0x14480]  }
0x13c: {  	v2 =	vadd.f32 v5, v2  }
0x13d: {  	v47 =	vld [tilespmem:s1+$0x14500]  }
0x13e: {  	v2 =	vadd.f32 v3, v2  }
0x13f: {  	v3 =	vld [tilespmem:s1+$0x14580]  }
0x140: {  	v2 =	vadd.f32 v46, v2  }
0x141: {  	v48 =	vld [tilespmem:s1+$0x15600]  }
0x142: {  	v2 =	vadd.f32 v47, v2  }
0x143: {  	v49 =	vld [tilespmem:s1+$0x15680]  }
0x144: {  	v2 =	vadd.f32 v3, v2  }
0x145: {  	v3 =	vld [tilespmem:s1+$0x15700]  }
0x146: {  	v2 =	vadd.f32 v48, v2  }
0x147: {  	v50 =	vld [tilespmem:s1+$0x15780]  }
0x148: {  	v2 =	vadd.f32 v49, v2  }
0x149: {  	v51 =	vld [tilespmem:s1+$0x15800]  }
0x14a: {  	v2 =	vadd.f32 v3, v2  }
0x14b: {  	v3 =	vld [tilespmem:s1+$0x15880]  }
0x14c: {  	v2 =	vadd.f32 v50, v2  }
0x14d: {  	v52 =	vld [tilespmem:s1+$0x15900]  }
0x14e: {  	v2 =	vadd.f32 v51, v2  }
0x14f: {  	v53 =	vld [tilespmem:s1+$0x15980]  }
0x150: {  	v2 =	vadd.f32 v3, v2;
	_ =	sdelay $0x1  }
0x151: {  	v2 =	vadd.f32 v52, v2;
	_ =	sdelay $0x1  }
0x152: {  	v2 =	vadd.f32 v53, v2  }
0x153: {  	s0 =	sadd.s32 $0x10, s31  }
0x154: {  	s31 =	simm.s32 $0x16A00;
	[tilespmem:s0+$0x0] =	vst v2  }
0x155: {  	[hbm4b:s10+s23] =	stream.strided.scatter [tilespmem:s31], [sflag:$0x1], $0x280, s28, s23, $0x38;
	[tilespmem:$0x16C80] =	vst v63  }
0x156: {  	_ =	swait.ge [sflag:s19], $0x280  }
0x157: {  	[sflag:s19] =	ssyncset.done $0x0  }
0x158: {  	[sflag:s19] =	ssyncadd.s32 $0xFFFFFD80  }
0x159: {  	[tilespmem:s26], [sflag:$0x1] =	stream.strided.gather [spmem:s11], $0x2800, s18, s25, $0x38;
	[tilespmem:$0x16C80] =	vst v63  }
0x15a: {  	s1 =	simm.s32 $0x0;
	_ =	swait.ge [sflag:s19], $0x2800  }
0x15b: {  	s4 =	sand.u32 $0x70, s1;
	s0 =	sand.u32 $0x1C00, s1;
	[sflag:s19] =	ssyncset.done $0x0  }
0x15c: {  	s0 =	sor.u32 s4, s0;
	[sflag:s19] =	ssyncadd.s32 $0xFFFFD800  }
0x15d: {  	v2 =	vld [tilespmem:s0+$0x14280]  }
0x15e: {  	v3 =	vld [tilespmem:s0+$0x14200];
	_ =	sdelay $0x1  }
0x15f: {  	v54 =	vld [tilespmem:s0+$0x14300];
	_ =	sdelay $0x1  }
0x160: {  	v55 =	vld [tilespmem:s0+$0x14380]  }
0x161: {  	v2 =	vadd.f32 v2, v3  }
0x162: {  	v3 =	vld [tilespmem:s0+$0x14400]  }
0x163: {  	v2 =	vadd.f32 v54, v2  }
0x164: {  	v56 =	vld [tilespmem:s0+$0x14480]  }
0x165: {  	v2 =	vadd.f32 v55, v2  }
0x166: {  	v57 =	vld [tilespmem:s0+$0x14500]  }
0x167: {  	v2 =	vadd.f32 v3, v2  }
0x168: {  	v3 =	vld [tilespmem:s0+$0x14580]  }
0x169: {  	v2 =	vadd.f32 v56, v2  }
0x16a: {  	v58 =	vld [tilespmem:s0+$0x15600]  }
0x16b: {  	v2 =	vadd.f32 v57, v2  }
0x16c: {  	v59 =	vld [tilespmem:s0+$0x15680]  }
0x16d: {  	v2 =	vadd.f32 v3, v2  }
0x16e: {  	v3 =	vld [tilespmem:s0+$0x15700]  }
0x16f: {  	v2 =	vadd.f32 v58, v2  }
0x170: {  	v60 =	vld [tilespmem:s0+$0x15780]  }
0x171: {  	v2 =	vadd.f32 v59, v2  }
0x172: {  	v61 =	vld [tilespmem:s0+$0x15800]  }
0x173: {  	v2 =	vadd.f32 v3, v2  }
0x174: {  	v3 =	vld [tilespmem:s0+$0x15880]  }
0x175: {  	v2 =	vadd.f32 v60, v2  }
0x176: {  	v62 =	vld [tilespmem:s0+$0x15900]  }
0x177: {  	v2 =	vadd.f32 v61, v2  }
0x178: {  	v63 =	vld [tilespmem:s0+$0x15980]  }
0x179: {  	v2 =	vadd.f32 v3, v2;
	_ =	sdelay $0x1  }
0x17a: {  	v2 =	vadd.f32 v62, v2;
	_ =	sdelay $0x1  }
0x17b: {  	s4 =	simm.s32 $0x10;
	s0 =	simm.s32 $0x80;
	v2 =	vadd.f32 v63, v2  }
0x17c: {  	s1 =	sand.u32 $0x70, s4;
	s4 =	sand.u32 $0x1C00, s0  }
0x17d: {  	s29 =	simm.s32 $0x20;
	s1 =	sor.u32 s1, s4;
	[tilespmem:s31+$0x0] =	vst v2  }
.LBB2_11:
0x17e: {  	p0 =	sne.s32 s29, $0x270;
	v2 =	vld [tilespmem:s1+$0x14280]  }
0x17f: {  	v3 =	vld [tilespmem:s1+$0x14200];
	_ =	sdelay $0x1  }
0x180: {  	v4 =	vld [tilespmem:s1+$0x14300];
	_ =	sdelay $0x1  }
0x181: {  	v5 =	vld [tilespmem:s1+$0x14380]  }
0x182: {  	v2 =	vadd.f32 v2, v3  }
0x183: {  	v3 =	vld [tilespmem:s1+$0x14400]  }
0x184: {  	v2 =	vadd.f32 v4, v2  }
0x185: {  	v4 =	vld [tilespmem:s1+$0x14480]  }
0x186: {  	v2 =	vadd.f32 v5, v2  }
0x187: {  	v5 =	vld [tilespmem:s1+$0x14500]  }
0x188: {  	v2 =	vadd.f32 v3, v2  }
0x189: {  	v3 =	vld [tilespmem:s1+$0x14580]  }
0x18a: {  	v2 =	vadd.f32 v4, v2  }
0x18b: {  	v4 =	vld [tilespmem:s1+$0x15600]  }
0x18c: {  	v2 =	vadd.f32 v5, v2  }
0x18d: {  	v5 =	vld [tilespmem:s1+$0x15680]  }
0x18e: {  	v2 =	vadd.f32 v3, v2  }
0x18f: {  	v3 =	vld [tilespmem:s1+$0x15700]  }
0x190: {  	v2 =	vadd.f32 v4, v2  }
0x191: {  	v4 =	vld [tilespmem:s1+$0x15780]  }
0x192: {  	v2 =	vadd.f32 v5, v2  }
0x193: {  	v5 =	vld [tilespmem:s1+$0x15800]  }
0x194: {  	v2 =	vadd.f32 v3, v2  }
0x195: {  	v3 =	vld [tilespmem:s1+$0x15880]  }
0x196: {  	v2 =	vadd.f32 v4, v2  }
0x197: {  	v4 =	vld [tilespmem:s1+$0x15900]  }
0x198: {  	v2 =	vadd.f32 v5, v2  }
0x199: {  	v5 =	vld [tilespmem:s1+$0x15980]  }
0x19a: {  	v2 =	vadd.f32 v3, v2;
	_ =	sdelay $0x1  }
.Ltmp5:
0x19b: {  	v2 =	vadd.f32 v4, v2;
	(pc) =	sbr.rel @p0 .LBB2_11-.Ltmp5, $4  }
0x19c: {  	_ = 	snop  }
0x19d: {  	s0 =	sadd.s32 $0x80, s0;
	v2 =	vadd.f32 v5, v2  }
0x19e: {  	s31 =	sadd.s32 $0x10, s31;
	s4 =	sand.u32 $0x1C00, s0;
	s1 =	sand.u32 $0x70, s29  }
0x19f: {  	s29 =	sadd.s32 $0x10, s29;
	s1 =	sor.u32 s1, s4;
	[tilespmem:s31+$0x0] =	vst v2  }
0x1a0: {  	v2 =	vld [tilespmem:s1+$0x14280]  }
0x1a1: {  	v3 =	vld [tilespmem:s1+$0x14200];
	_ =	sdelay $0x1  }
0x1a2: {  	v4 =	vld [tilespmem:s1+$0x14300];
	_ =	sdelay $0x1  }
0x1a3: {  	v5 =	vld [tilespmem:s1+$0x14380]  }
0x1a4: {  	v2 =	vadd.f32 v2, v3  }
0x1a5: {  	v3 =	vld [tilespmem:s1+$0x14400]  }
0x1a6: {  	v2 =	vadd.f32 v4, v2  }
0x1a7: {  	v46 =	vld [tilespmem:s1+$0x14480]  }
0x1a8: {  	v2 =	vadd.f32 v5, v2  }
0x1a9: {  	v47 =	vld [tilespmem:s1+$0x14500]  }
0x1aa: {  	v2 =	vadd.f32 v3, v2  }
0x1ab: {  	v3 =	vld [tilespmem:s1+$0x14580]  }
0x1ac: {  	v2 =	vadd.f32 v46, v2  }
0x1ad: {  	v48 =	vld [tilespmem:s1+$0x15600]  }
0x1ae: {  	v2 =	vadd.f32 v47, v2  }
0x1af: {  	v49 =	vld [tilespmem:s1+$0x15680]  }
0x1b0: {  	v2 =	vadd.f32 v3, v2  }
0x1b1: {  	v3 =	vld [tilespmem:s1+$0x15700]  }
0x1b2: {  	v2 =	vadd.f32 v48, v2  }
0x1b3: {  	v50 =	vld [tilespmem:s1+$0x15780]  }
0x1b4: {  	v2 =	vadd.f32 v49, v2  }
0x1b5: {  	v51 =	vld [tilespmem:s1+$0x15800]  }
0x1b6: {  	v2 =	vadd.f32 v3, v2  }
0x1b7: {  	v3 =	vld [tilespmem:s1+$0x15880]  }
0x1b8: {  	v2 =	vadd.f32 v50, v2  }
0x1b9: {  	v52 =	vld [tilespmem:s1+$0x15900]  }
0x1ba: {  	v2 =	vadd.f32 v51, v2  }
0x1bb: {  	v53 =	vld [tilespmem:s1+$0x15980]  }
0x1bc: {  	v2 =	vadd.f32 v3, v2;
	_ =	sdelay $0x1  }
0x1bd: {  	v2 =	vadd.f32 v52, v2;
	_ =	sdelay $0x1  }
0x1be: {  	v2 =	vadd.f32 v53, v2  }
0x1bf: {  	s0 =	sadd.s32 $0x10, s31  }
0x1c0: {  	s31 =	simm.s32 $0x16A00;
	[tilespmem:s0+$0x0] =	vst v2  }
0x1c1: {  	[hbm4b:s12+s23] =	stream.strided.scatter [tilespmem:s31], [sflag:$0x1], $0x280, s28, s23, $0x38;
	[tilespmem:$0x16C80] =	vst v63  }
0x1c2: {  	_ =	swait.ge [sflag:s19], $0x280  }
0x1c3: {  	[sflag:s19] =	ssyncset.done $0x0  }
0x1c4: {  	[sflag:s19] =	ssyncadd.s32 $0xFFFFFD80  }
0x1c5: {  	[tilespmem:s26], [sflag:$0x1] =	stream.strided.gather [spmem:s13], $0x2800, s18, s25, $0x38;
	[tilespmem:$0x16C80] =	vst v63  }
0x1c6: {  	s1 =	simm.s32 $0x0;
	_ =	swait.ge [sflag:s19], $0x2800  }
0x1c7: {  	s4 =	sand.u32 $0x70, s1;
	s0 =	sand.u32 $0x1C00, s1;
	[sflag:s19] =	ssyncset.done $0x0  }
0x1c8: {  	s0 =	sor.u32 s4, s0;
	[sflag:s19] =	ssyncadd.s32 $0xFFFFD800  }
0x1c9: {  	v2 =	vld [tilespmem:s0+$0x14280]  }
0x1ca: {  	v3 =	vld [tilespmem:s0+$0x14200];
	_ =	sdelay $0x1  }
0x1cb: {  	v54 =	vld [tilespmem:s0+$0x14300];
	_ =	sdelay $0x1  }
0x1cc: {  	v55 =	vld [tilespmem:s0+$0x14380]  }
0x1cd: {  	v2 =	vadd.f32 v2, v3  }
0x1ce: {  	v3 =	vld [tilespmem:s0+$0x14400]  }
0x1cf: {  	v2 =	vadd.f32 v54, v2  }
0x1d0: {  	v56 =	vld [tilespmem:s0+$0x14480]  }
0x1d1: {  	v2 =	vadd.f32 v55, v2  }
0x1d2: {  	v57 =	vld [tilespmem:s0+$0x14500]  }
0x1d3: {  	v2 =	vadd.f32 v3, v2  }
0x1d4: {  	v3 =	vld [tilespmem:s0+$0x14580]  }
0x1d5: {  	v2 =	vadd.f32 v56, v2  }
0x1d6: {  	v58 =	vld [tilespmem:s0+$0x15600]  }
0x1d7: {  	v2 =	vadd.f32 v57, v2  }
0x1d8: {  	v59 =	vld [tilespmem:s0+$0x15680]  }
0x1d9: {  	v2 =	vadd.f32 v3, v2  }
0x1da: {  	v3 =	vld [tilespmem:s0+$0x15700]  }
0x1db: {  	v2 =	vadd.f32 v58, v2  }
0x1dc: {  	v60 =	vld [tilespmem:s0+$0x15780]  }
0x1dd: {  	v2 =	vadd.f32 v59, v2  }
0x1de: {  	v61 =	vld [tilespmem:s0+$0x15800]  }
0x1df: {  	v2 =	vadd.f32 v3, v2  }
0x1e0: {  	v3 =	vld [tilespmem:s0+$0x15880]  }
0x1e1: {  	v2 =	vadd.f32 v60, v2  }
0x1e2: {  	v62 =	vld [tilespmem:s0+$0x15900]  }
0x1e3: {  	v2 =	vadd.f32 v61, v2  }
0x1e4: {  	v63 =	vld [tilespmem:s0+$0x15980]  }
0x1e5: {  	v2 =	vadd.f32 v3, v2;
	_ =	sdelay $0x1  }
0x1e6: {  	v2 =	vadd.f32 v62, v2;
	_ =	sdelay $0x1  }
0x1e7: {  	s4 =	simm.s32 $0x10;
	s0 =	simm.s32 $0x80;
	v2 =	vadd.f32 v63, v2  }
0x1e8: {  	s1 =	sand.u32 $0x70, s4;
	s4 =	sand.u32 $0x1C00, s0  }
0x1e9: {  	s29 =	simm.s32 $0x20;
	s1 =	sor.u32 s1, s4;
	[tilespmem:s31+$0x0] =	vst v2  }
.LBB2_13:
0x1ea: {  	p0 =	sne.s32 s29, $0x270;
	v2 =	vld [tilespmem:s1+$0x14280]  }
0x1eb: {  	v3 =	vld [tilespmem:s1+$0x14200];
	_ =	sdelay $0x1  }
0x1ec: {  	v4 =	vld [tilespmem:s1+$0x14300];
	_ =	sdelay $0x1  }
0x1ed: {  	v5 =	vld [tilespmem:s1+$0x14380]  }
0x1ee: {  	v2 =	vadd.f32 v2, v3  }
0x1ef: {  	v3 =	vld [tilespmem:s1+$0x14400]  }
0x1f0: {  	v2 =	vadd.f32 v4, v2  }
0x1f1: {  	v4 =	vld [tilespmem:s1+$0x14480]  }
0x1f2: {  	v2 =	vadd.f32 v5, v2  }
0x1f3: {  	v5 =	vld [tilespmem:s1+$0x14500]  }
0x1f4: {  	v2 =	vadd.f32 v3, v2  }
0x1f5: {  	v3 =	vld [tilespmem:s1+$0x14580]  }
0x1f6: {  	v2 =	vadd.f32 v4, v2  }
0x1f7: {  	v4 =	vld [tilespmem:s1+$0x15600]  }
0x1f8: {  	v2 =	vadd.f32 v5, v2  }
0x1f9: {  	v5 =	vld [tilespmem:s1+$0x15680]  }
0x1fa: {  	v2 =	vadd.f32 v3, v2  }
0x1fb: {  	v3 =	vld [tilespmem:s1+$0x15700]  }
0x1fc: {  	v2 =	vadd.f32 v4, v2  }
0x1fd: {  	v4 =	vld [tilespmem:s1+$0x15780]  }
0x1fe: {  	v2 =	vadd.f32 v5, v2  }
0x1ff: {  	v5 =	vld [tilespmem:s1+$0x15800]  }
0x200: {  	v2 =	vadd.f32 v3, v2  }
0x201: {  	v3 =	vld [tilespmem:s1+$0x15880]  }
0x202: {  	v2 =	vadd.f32 v4, v2  }
0x203: {  	v4 =	vld [tilespmem:s1+$0x15900]  }
0x204: {  	v2 =	vadd.f32 v5, v2  }
0x205: {  	v5 =	vld [tilespmem:s1+$0x15980]  }
0x206: {  	v2 =	vadd.f32 v3, v2;
	_ =	sdelay $0x1  }
.Ltmp6:
0x207: {  	v2 =	vadd.f32 v4, v2;
	(pc) =	sbr.rel @p0 .LBB2_13-.Ltmp6, $4  }
0x208: {  	_ = 	snop  }
0x209: {  	s0 =	sadd.s32 $0x80, s0;
	v2 =	vadd.f32 v5, v2  }
0x20a: {  	s31 =	sadd.s32 $0x10, s31;
	s4 =	sand.u32 $0x1C00, s0;
	s1 =	sand.u32 $0x70, s29  }
0x20b: {  	s29 =	sadd.s32 $0x10, s29;
	s1 =	sor.u32 s1, s4;
	[tilespmem:s31+$0x0] =	vst v2  }
0x20c: {  	v2 =	vld [tilespmem:s1+$0x14280]  }
0x20d: {  	v3 =	vld [tilespmem:s1+$0x14200];
	_ =	sdelay $0x1  }
0x20e: {  	v4 =	vld [tilespmem:s1+$0x14300];
	_ =	sdelay $0x1  }
0x20f: {  	v5 =	vld [tilespmem:s1+$0x14380]  }
0x210: {  	v2 =	vadd.f32 v2, v3  }
0x211: {  	v3 =	vld [tilespmem:s1+$0x14400]  }
0x212: {  	v2 =	vadd.f32 v4, v2  }
0x213: {  	v56 =	vld [tilespmem:s1+$0x14480]  }
0x214: {  	v2 =	vadd.f32 v5, v2  }
0x215: {  	v57 =	vld [tilespmem:s1+$0x14500]  }
0x216: {  	v2 =	vadd.f32 v3, v2  }
0x217: {  	v3 =	vld [tilespmem:s1+$0x14580]  }
0x218: {  	v2 =	vadd.f32 v56, v2  }
0x219: {  	v58 =	vld [tilespmem:s1+$0x15600]  }
0x21a: {  	v2 =	vadd.f32 v57, v2  }
0x21b: {  	v59 =	vld [tilespmem:s1+$0x15680]  }
0x21c: {  	v2 =	vadd.f32 v3, v2  }
0x21d: {  	v3 =	vld [tilespmem:s1+$0x15700]  }
0x21e: {  	v2 =	vadd.f32 v58, v2  }
0x21f: {  	v60 =	vld [tilespmem:s1+$0x15780]  }
0x220: {  	v2 =	vadd.f32 v59, v2  }
0x221: {  	v61 =	vld [tilespmem:s1+$0x15800]  }
0x222: {  	v2 =	vadd.f32 v3, v2  }
0x223: {  	v3 =	vld [tilespmem:s1+$0x15880]  }
0x224: {  	v2 =	vadd.f32 v60, v2  }
0x225: {  	v62 =	vld [tilespmem:s1+$0x15900]  }
0x226: {  	v2 =	vadd.f32 v61, v2  }
0x227: {  	v63 =	vld [tilespmem:s1+$0x15980]  }
0x228: {  	v2 =	vadd.f32 v3, v2;
	_ =	sdelay $0x1  }
0x229: {  	v2 =	vadd.f32 v62, v2;
	_ =	sdelay $0x1  }
0x22a: {  	s30 =	sadd.s32 $0x1, s30;
	v2 =	vadd.f32 v63, v2  }
0x22b: {  	s0 =	sadd.s32 $0x10, s31;
	p0 =	sne.s32 s30, s15  }
.Ltmp7:
0x22c: {  	s31 =	simm.s32 $0x16A00;
	[tilespmem:s0+$0x0] =	vst v2;
	(pc) =	sbr.rel @p0 .LBB2_1-.Ltmp7, $4  }
0x22d: {  	[hbm4b:s14+s23] =	stream.strided.scatter [tilespmem:s31], [sflag:$0x1], $0x280, s28, s23, $0x38;
	[tilespmem:$0x16C80] =	vst v63  }
0x22e: {  	_ =	swait.ge [sflag:s19], $0x280  }
0x22f: {  	[sflag:s19] =	ssyncset.done $0x0  }
0x230: {  	[sflag:s19] =	ssyncadd.s32 $0xFFFFFD80  }
0x231: {  	_ =	sfence.sel $0x180000  }
0x232: {  	[bflag:$0x0] =	sbarrier.arrive $0xFFFF  }
0x233: {  	_ =	strace $0x90000047  }
0x234: {  	s0 =	stileid.u32;
	[bflag:$0x2] =	sbarrier.arrive $0xFFFF  }
0x235: {  	p0 =	sne.s32 s0, $0x0;
	s0 =	rddreg [dreg:$0x3]  }
0x236: {  	s0 =	sadd.s32 @!p0 $0x100000, s0  }
0x237: {  	[sflag:s0] =	ssyncadd.tile.s32 @!p0 $0x1;
	_ =	shalt  }
.Lfunc_end2:
_tile_overlayer_lowered:
.L_overlay_start_2:
0x238: {  	(tag) =	ssettag $0x2  }
0x239: {  	s0 =	rddreg [dreg:$0x0];
	s2 =	stileid.u32  }
0x23a: {  	s1 =	rddreg [dreg:$0x1];
	p0 =	sne.s32 s2, $0x0  }
0x23b: {  	s3 =	rddreg [dreg:$0x2];
	[bflag:$0x3] =	sbarrier.arrive $0xFFFF;
	s2 =	simm.s32 @!p0 $0x1C01  }
0x23c: {  	[timem:s3], [sflag:s2] =	dma.local @!p0 [hbm:s0], s1  }
0x23d: {  	s0 =	simm.s32 @!p0 $0x1  }
0x23e: {  	_ =	swait.ge @!p0 [sflag:s0], s1  }
0x23f: {  	s1 =	ssub.s32 @!p0 $0x0, s1;
	[sflag:s0] =	ssyncset.done @!p0 $0x0  }
0x240: {  	[sflag:s0] =	ssyncadd.s32 @!p0 s1  }
0x241: {  	[bflag:$0x3] =	sbarrier.arrive $0xFFFF  }
0x242: {  	_ =	shalt  }

// kernel: kernel.13.cloned.1.call-start
scs
__scs_entry_jumppad:
0x0: {  	(pc) =	sbr.rel $0x88, $3  }
0x1: {  	(tag) =	ssettag $0x0;
	lr =	simm.s32 $0x1  }
0x2: {  	[smem:$0x3F93] =	sst lr;
	_ =	strace $0xD0000000  }
0x3: {  	_ = 	snop  }
0x4: {  	_ = 	snop  }
0x5: {  	_ = 	snop  }
0x6: {  	_ = 	snop  }
0x7: {  	_ = 	snop  }
__scs_overlays_trampoline_lowered:
0x8: {  	[smem:$0x3FA2] =	sst s0  }
0x9: {  	[smem:$0x3FA3] =	sst s1  }
0xa: {  	[smem:$0x3FA4] =	sst s2  }
0xb: {  	[smem:$0x3FA5] =	sst s3  }
0xc: {  	[smem:$0x3FA6] =	sst s4  }
0xd: {  	[smem:$0x3FA7] =	sst s5  }
0xe: {  	[smem:$0x3FA8] =	sst s6  }
0xf: {  	[smem:$0x3FA9] =	sst s7  }
0x10: {  	[smem:$0x3FAA] =	sst s8  }
0x11: {  	[smem:$0x3FAB] =	sst s9;
	s0 =	simm.s32 @!p0 $0x0  }
0x12: {  	s1 =	sld [smem:$0x3F91];
	s0 =	simm.s32 @p0 $0x1  }
0x13: {  	[smem:$0x3FAC] =	sst s0;
	s0 =	simm.s32 @!p1 $0x0  }
0x14: {  	s2 =	sld [smem:$0x3F90];
	s0 =	simm.s32 @p1 $0x1  }
0x15: {  	[smem:$0x3FAD] =	sst s0;
	s0 =	simm.s32 @!p2 $0x0  }
0x16: {  	s3 =	sld [smem:$0x3FDB];
	s0 =	simm.s32 @p2 $0x1  }
0x17: {  	s4 =	simm.s32 $0x1BF5;
	[smem:$0x3FAF] =	sst s0  }
0x18: {  	s0 =	sld [smem:$0x3F92];
	_ =	swait.ge [sflag:s4], $0x0  }
0x19: {  	s7 =	sld [smem:$0x3F93]  }
0x1a: {  	s8 =	sadd.s32 $0xFFFFE003, lr  }
0x1b: {  	s9 =	sadd.s32 $0xFFFFFEF7, lr;
	s5 =	simm.s32 $0xFFFFFFFF;
	p2 =	slt.u32 s8, $0xFFFFF086  }
0x1c: {  	p1 =	slt.u32 s9, $0xF7A;
	s5 =	simm.s32 @!p2 $0x0  }
0x1d: {  	s5 =	simm.s32 @p1 $0x1;
	p0 =	seq.s32 s7, s2  }
0x1e: {  	s7 =	smul.u32 @!p0 $0xF7A, s2;
	p2 =	seq.s32 @!p0 s5, $0x0  }
0x1f: {  	s9 =	smul.u32 $0xF7A, s1;
	s8 =	simm.s32 @!p0 $0x1BF5;
	p2 =	por !p2, p0  }
0x20: {  	[sflag:s8] =	ssyncset.s32 @!p0 $0xFFFFF086;
	s6 =	sadd.s32 @!p0 s3, s7;
	s7 =	simm.s32 @!p0 $0x108  }
0x21: {  	s3 =	sadd.s32 s3, s9;
	s6 =	sadd.s32 @!p0 $0x88, s6;
	s7 =	simm.s32 @p2 $0x1082  }
0x22: {  	[simem:s7], [sflag:s8] =	dma.local @!p0 [hbm:s6], $0xF7A  }
0x23: {  	s9 =	sor.u32 $0xD0000000, s2;
	s6 =	simm.s32 $0x108;
	_ =	swait.ge @!p0 [sflag:s8], $0x0  }
0x24: {  	s3 =	sadd.s32 $0x88, s3;
	s6 =	simm.s32 @!p1 $0x1082;
	[sflag:s4] =	ssyncset.s32 $0xFFFFF086  }
0x25: {  	[simem:s6], [sflag:s4] =	dma.local [hbm:s3], $0xF7A  }
0x26: {  	[smem:$0x3F93] =	sst s1;
	(tag) =	ssettag s2;
	_ =	strace s9  }
0x27: {  	s1 =	sld [smem:$0x3FA3]  }
0x28: {  	s2 =	sld [smem:$0x3FA4]  }
0x29: {  	s4 =	sld [smem:$0x3FA6]  }
0x2a: {  	p0 =	seq.s32 s5, $0x0;
	s5 =	sld [smem:$0x3FA7]  }
0x2b: {  	s6 =	sld [smem:$0x3FA8]  }
0x2c: {  	s7 =	sld [smem:$0x3FA9]  }
0x2d: {  	s3 =	simm.s32 $0x108;
	s8 =	sld [smem:$0x3FAA]  }
0x2e: {  	s3 =	simm.s32 @!p0 $0x1082;
	s9 =	sld [smem:$0x3FAB]  }
0x2f: {  	lr =	sadd.s32 s0, s3;
	s0 =	sld [smem:$0x3FA2]  }
0x30: {  	s3 =	sld [smem:$0x3FA5]  }
0x31: {  	[smem:$0x3FAE] =	sst s10  }
0x32: {  	s10 =	sld [smem:$0x3FAC];
	_ =	sdelay $0x3  }
0x33: {  	p0 =	seq.s32 s10, $0x1;
	s10 =	sld [smem:$0x3FAE];
	_ =	sdelay $0x3  }
0x34: {  	[smem:$0x3FAE] =	sst s10  }
0x35: {  	s10 =	sld [smem:$0x3FAD];
	_ =	sdelay $0x3  }
0x36: {  	p1 =	seq.s32 s10, $0x1;
	s10 =	sld [smem:$0x3FAE];
	_ =	sdelay $0x3  }
0x37: {  	[smem:$0x3FAE] =	sst s10  }
0x38: {  	s10 =	sld [smem:$0x3FAF]  }
0x39: {  	_ = 	snop;
	(pc) =	sbr.ind lr, $3  }
0x3a: {  	_ = 	snop  }
0x3b: {  	_ = 	snop  }
0x3c: {  	p2 =	seq.s32 s10, $0x1;
	s10 =	sld [smem:$0x3FAE]  }
0x3d: {  	_ =	shalt  }
0x3e: {  	_ =	shalt  }
0x3f: {  	_ =	shalt  }
0x40: {  	_ =	shalt  }
0x41: {  	_ =	shalt  }
0x42: {  	_ =	shalt  }
0x43: {  	_ =	shalt  }
0x44: {  	_ =	shalt  }
0x45: {  	_ =	shalt  }
0x46: {  	_ =	shalt  }
0x47: {  	_ =	shalt  }
0x48: {  	_ =	shalt  }
0x49: {  	_ =	shalt  }
0x4a: {  	_ =	shalt  }
0x4b: {  	_ =	shalt  }
0x4c: {  	_ =	shalt  }
0x4d: {  	_ =	shalt  }
0x4e: {  	_ =	shalt  }
0x4f: {  	_ =	shalt  }
0x50: {  	_ =	shalt  }
0x51: {  	_ =	shalt  }
0x52: {  	_ =	shalt  }
0x53: {  	_ =	shalt  }
0x54: {  	_ =	shalt  }
0x55: {  	_ =	shalt  }
0x56: {  	_ =	shalt  }
0x57: {  	_ =	shalt  }
0x58: {  	_ =	shalt  }
0x59: {  	_ =	shalt  }
0x5a: {  	_ =	shalt  }
0x5b: {  	_ =	shalt  }
0x5c: {  	_ =	shalt  }
0x5d: {  	_ =	shalt  }
0x5e: {  	_ =	shalt  }
0x5f: {  	_ =	shalt  }
0x60: {  	_ =	shalt  }
0x61: {  	_ =	shalt  }
0x62: {  	_ =	shalt  }
0x63: {  	_ =	shalt  }
0x64: {  	_ =	shalt  }
0x65: {  	_ =	shalt  }
0x66: {  	_ =	shalt  }
0x67: {  	_ =	shalt  }
0x68: {  	_ =	shalt  }
0x69: {  	_ =	shalt  }
0x6a: {  	_ =	shalt  }
0x6b: {  	_ =	shalt  }
0x6c: {  	_ =	shalt  }
0x6d: {  	_ =	shalt  }
0x6e: {  	_ =	shalt  }
0x6f: {  	_ =	shalt  }
0x70: {  	_ =	shalt  }
0x71: {  	_ =	shalt  }
0x72: {  	_ =	shalt  }
0x73: {  	_ =	shalt  }
0x74: {  	_ =	shalt  }
0x75: {  	_ =	shalt  }
0x76: {  	_ =	shalt  }
0x77: {  	_ =	shalt  }
0x78: {  	_ =	shalt  }
0x79: {  	_ =	shalt  }
0x7a: {  	_ =	shalt  }
0x7b: {  	_ =	shalt  }
0x7c: {  	_ =	shalt  }
0x7d: {  	_ =	shalt  }
0x7e: {  	_ =	shalt  }
0x7f: {  	_ =	shalt  }
0x80: {  	_ =	shalt  }
0x81: {  	_ =	shalt  }
0x82: {  	_ =	shalt  }
0x83: {  	_ =	shalt  }
0x84: {  	_ =	shalt  }
0x85: {  	_ =	shalt  }
0x86: {  	_ =	shalt  }
0x87: {  	_ =	shalt  }
.Lfunc_end0:
.L_simem_size_0:
called_computation.1_lowered:
.L_overlay_start_0:
0x88: {  	s2 =	sld [smem:$0x3FD9]  }
0x89: {  	s3 =	sld [smem:$0x3FFE];
	_ =	sdelay $0x1  }
0x8a: {  	s1 =	srdreg.scid  }
0x8b: {  	s0 =	sand.u32 $0x1, s1  }
0x8c: {  	s17 =	sshll.u32 s0, $0xA;
	s2 =	sadd.s32 s3, s2  }
0x8d: {  	s2 =	sadd.s32 s2, s17  }
0x8e: {  	[smem:$0x3FBA] =	sst s2  }
0x8f: {  	_ = 	snop  }
0x90: {  	s2 =	sld [smem:$0x3FD0];
	(tm) =	ssettm $0x1  }
0x91: {  	s18 =	sld [smem:$0x3FFB];
	_ =	sdelay $0x3  }
0x92: {  	_ =	strace s18  }
0x93: {  	s3 =	sld [smem:$0x3FFC];
	_ =	sdelay $0x3  }
0x94: {  	_ =	strace s3  }
0x95: {  	s3 =	sld [smem:$0x3FFD];
	_ =	sdelay $0x3  }
0x96: {  	_ =	strace s3  }
0x97: {  	_ =	strace $0x8FFFFFFF  }
0x98: {  	s19 =	sld [smem:$0x3FDB];
	_ =	sdelay $0x1  }
0x99: {  	s4 =	simm.s32 $_scs_section_size  }
0x9a: {  	s5 =	simm.s32 $_size__tile_overlayer_lowered;
	s6 =	simm.s32 $_tile_overlayer_lowered  }
0x9b: {  	s22 =	simm.s32 $0x1BFF;
	s21 =	sshll.u32 s6, $0x1;
	s3 =	sadd.s32 s4, s19  }
0x9c: {  	s7 =	simm.s32 $0x0;
	s20 =	sshll.u32 s5, $0x1;
	s5 =	sadd.s32 s21, s3  }
0x9d: {  	[timem:s7], [sflag:s22] =	dma.local [hbm:s5], s20  }
0x9e: {  	_ =	swait.ge [sflag:s22], s20  }
0x9f: {  	s4 =	ssub.s32 $0x0, s20;
	[sflag:s22] =	ssyncset.done $0x0  }
0xa0: {  	[sflag:s22] =	ssyncadd.s32 s4;
	_ =	sdelay $0x1  }
0xa1: {  	s23 =	simm.s32 $0x1B8B  }
0xa2: {  	_ =	swait.ge [sflag:s23], $0x1  }
0xa3: {  	[sflag:s23] =	ssyncset.done $0x0  }
0xa4: {  	s25 =	simm.s32 $0x1B8E;
	s24 =	sld [smem:$0x3FFE];
	[sflag:s23] =	ssyncadd.s32 $0xFFFFFFFF  }
0xa5: {  	s26 =	simm.s32 $execute0_lowered;
	[smem:$0x3FD2] =	sst s25  }
0xa6: {  	s5 =	sshll.u32 s26, $0x1;
	_ =	strace $0x80000049;
	[dreg:$0x1] =	wrdreg $0xFFFFFFFF  }
0xa7: {  	s28 =	simm.s32 $_size_execute0_lowered;
	s3 =	sadd.s32 s3, s5;
	[dreg:$0x0] =	wrdreg $0x0  }
0xa8: {  	s5 =	sshll.u32 s28, $0x1;
	[dreg:$0x2] =	wrdreg s3  }
0xa9: {  	[dreg:$0x3] =	wrdreg s5  }
0xaa: {  	[dreg:$0x4] =	wrdreg $0xC0  }
0xab: {  	_ =	task [dreg:s7], $0x5FFFF  }
0xac: {  	[dreg:$0x1] =	wrdreg $0xFFFFFFFF  }
0xad: {  	[dreg:$0x0] =	wrdreg $0x60  }
0xae: {  	[dreg:$0x2] =	wrdreg s2  }
0xaf: {  	[dreg:$0x3] =	wrdreg s24  }
0xb0: {  	[dreg:$0x4] =	wrdreg $0x0  }
0xb1: {  	[dreg:$0x5] =	wrdreg $0x9  }
0xb2: {  	_ =	task.clear_ibuf [dreg:s7], $0x6FFFF;
	_ =	strace $0x90000049  }
0xb3: {  	s29 =	simm.s32 $0x9;
	_ =	strace $0x8000004B  }
0xb4: {  	_ =	swait.ge [sflag:s29], $0x1  }
0xb5: {  	[sflag:s29] =	ssyncadd.s32 $0xFFFFFFFF  }
0xb6: {  	_ =	strace $0x9000004B  }
0xb7: {  	_ =	sfence  }
0xb8: {  	s30 =	sld [smem:$0x0];
	_ =	sdelay $0x2  }
0xb9: {  	s31 =	sshll.u32 s1, $0xD;
	s1 =	sshrl.u32 s1, $0x2  }
0xba: {  	s3 =	sand.u32 $0x4000, s31;
	s1 =	sadd.s32 s1, s30  }
0xbb: {  	s0 =	sor.u32 s3, s0;
	s1 =	sshll.u32 s1, $0x11  }
0xbc: {  	s0 =	sor.u32 s1, s0  }
0xbd: {  	s0 =	sadd.s32 $0x8F2B, s0  }
0xbe: {  	[sflag:s0] =	ssyncadd.remote.s32 $0x1  }
0xbf: {  	_ =	sfence.sel $0xFFFF  }
0xc0: {  	[dreg:$0x0] =	wrdreg $0xFFFFFFFF;
	(pc) =	sbr.abs _section_cstart, $3  }
0xc1: {  	[dreg:$0x1] =	wrdreg $0xFFFFFFFF  }
0xc2: {  	_ =	task.clear_ibuf [dreg:s7], $0x2FFFF;
	_ =	strace $0x9FFFFFFF  }
0xc3: {  	(tm) =	ssettm $0x7FFFFFFF  }
tec
execute0_lowered:
.L_overlay_start_1:
0x0: {  	(tag) =	ssettag $0x1  }
0x1: {  	s1 =	rddreg [dreg:$0x0]  }
0x2: {  	s6 =	rddreg [dreg:$0x1]  }
0x3: {  	s0 =	srdreg.scid;
	s3 =	rddreg [dreg:$0x2]  }
0x4: {  	s2 =	rddreg [dreg:$0x3];
	s4 =	simm.s32 $0x0;
	s15 =	simm.s32 $0x14000  }
0x5: {  	s16 =	simm.s32 $0x40;
	s17 =	simm.s32 $0x14200;
	s18 =	simm.s32 $0x14080  }
0x6: {  	s19 =	simm.s32 $0x16200;
	s20 =	simm.s32 $0x1;
	s7 =	sand.u32 $0x1, s0  }
0x7: {  	s21 =	simm.s32 $0x14100;
	s0 =	stileid.u32;
	s5 =	smul.u32 $0x9E000, s7  }
0x8: {  	s22 =	simm.s32 $0x2;
	s23 =	simm.s32 $0x14180;
	s8 =	smul.u32 $0x9E00, s0  }
0x9: {  	s24 =	simm.s32 $0x0;
	[smem:$0x7FF] =	sst s4;
	s26 =	smul.u32 $0x14000, s0  }
0xa: {  	_ =	strace $0x8000004A;
	s10 =	smul.u32 $0x140000, s7;
	s7 =	ssub.s32 $0x2, s7  }
0xb: {  	s29 =	smul.u32 $0x50000, s0;
	s31 =	sshll.u32 s0, $0x6;
	s11 =	sshrl.u32 s7, $0x1  }
0xc: {  	s5 =	sadd.s32 s8, s5;
	s28 =	sshrl.u32 s26, $0x3;
	s8 =	sadd.s32 s26, s10  }
0xd: {  	s11 =	ssub.s32 s7, s11;
	s30 =	sshrl.u32 s29, $0x2;
	s7 =	sor.u32 $0x1C03, s31  }
0xe: {  	s9 =	sshrl.u32 s5, $0x3;
	s5 =	sadd.s32 $0x52200, s6;
	s8 =	sshrl.u32 s8, $0x3  }
0xf: {  	s14 =	sadd.s32 s30, s3;
	s12 =	sadd.s32 s9, s6;
	s9 =	sadd.s32 s28, s6  }
0x10: {  	s10 =	smax.u32 s11, $0x1;
	s13 =	sadd.s32 s8, s6;
	s6 =	sadd.s32 $0x7A200, s9  }
0x11: {  	s8 =	sadd.s32 $0xA2200, s13;
	s9 =	sadd.s32 $0xF2200, s13;
	s11 =	sadd.s32 $0x3200, s12  }
0x12: {  	s12 =	sadd.s32 $0x2AA00, s12;
	s13 =	sshrl.u32 s14, $0x3;
	s14 =	simm.s32 $0x3  }
.LBB2_1:
0x13: {  	[spmem:s13], [sflag:s7] =	dma.local [hbm:s6], $0x2800  }
0x14: {  	_ =	swait.ge [sflag:s14], $0x2800  }
0x15: {  	[sflag:s14] =	ssyncset.done $0x0  }
0x16: {  	[sflag:s14] =	ssyncadd.s32 $0xFFFFD800  }
0x17: {  	s25 =	sadd.s32 $0x0, s11;
	[bflag:$0x0] =	sbarrier.arrive $0xFFFF  }
0x18: {  	[tilespmem:s15], [sflag:$0x3] =	stream.linear.gather [hbm4b:s25+s4], $0x200, $0x38;
	[tilespmem:$0x18200] =	vst v63  }
0x19: {  	_ =	swait.ge [sflag:s14], $0x200  }
0x1a: {  	[sflag:s14] =	ssyncset.done $0x0  }
0x1b: {  	[sflag:s14] =	ssyncadd.s32 $0xFFFFFE00  }
0x1c: {  	[tilespmem:s17], [sflag:$0x1] =	stream.indirect.gather [hbm4b:s1+s16], $0x80, s15, s16, $0xb8;
	[tilespmem:$0x18200] =	vst v63  }
0x1d: {  	_ = 	snop  }
0x1e: {  	[tilespmem:s19], [sflag:$0x2] =	stream.indirect.gather [hbm4b:s1+s16], $0x80, s18, s16, $0xb8;
	[tilespmem:$0x18200] =	vst v63  }
0x1f: {  	_ =	swait.ge [sflag:s20], $0x2000  }
0x20: {  	[sflag:s20] =	ssyncset.done $0x0  }
0x21: {  	[sflag:s20] =	ssyncadd.s32 $0xFFFFE000  }
0x22: {  	[spmem:s3] =	stream.indirect.scatter.add.f32 [tilespmem:s17], [sflag:$0x3], $0x80, s21, s16, $0xb8;
	[tilespmem:$0x18200] =	vst v63  }
0x23: {  	_ =	swait.ge [sflag:s14], $0x2000  }
0x24: {  	[sflag:s14] =	ssyncset.done $0x0  }
0x25: {  	[sflag:s14] =	ssyncadd.s32 $0xFFFFE000  }
0x26: {  	_ =	swait.ge [sflag:s22], $0x2000  }
0x27: {  	[sflag:s22] =	ssyncset.done $0x0  }
0x28: {  	[sflag:s22] =	ssyncadd.s32 $0xFFFFE000  }
0x29: {  	[spmem:s3] =	stream.indirect.scatter.add.f32 [tilespmem:s19], [sflag:$0x3], $0x80, s23, s16, $0xb8;
	[tilespmem:$0x18200] =	vst v63  }
0x2a: {  	_ =	swait.ge [sflag:s14], $0x2000  }
0x2b: {  	s26 =	simm.s32 $0x80;
	s25 =	simm.s32 $0x40;
	[sflag:s14] =	ssyncset.done $0x0  }
.LBB2_2:
0x2c: {  	s28 =	sadd.s32 s25, s11  }
0x2d: {  	[sflag:s14] =	ssyncadd.s32 $0xFFFFE000;
	s25 =	smov.u32 s26;
	s29 =	sadd.s32 $0x40, s26  }
0x2e: {  	[tilespmem:s15], [sflag:$0x3] =	stream.linear.gather [hbm4b:s28+s4], $0x200, $0x38;
	[tilespmem:$0x18200] =	vst v63  }
0x2f: {  	p0 =	sne.s32 s26, $0x1380;
	_ =	swait.ge [sflag:s14], $0x200  }
0x30: {  	[sflag:s14] =	ssyncset.done $0x0  }
0x31: {  	[sflag:s14] =	ssyncadd.s32 $0xFFFFFE00  }
0x32: {  	[tilespmem:s17], [sflag:$0x1] =	stream.indirect.gather [hbm4b:s1+s16], $0x80, s15, s16, $0xb8;
	[tilespmem:$0x18200] =	vst v63  }
0x33: {  	_ = 	snop  }
0x34: {  	[tilespmem:s19], [sflag:$0x2] =	stream.indirect.gather [hbm4b:s1+s16], $0x80, s18, s16, $0xb8;
	[tilespmem:$0x18200] =	vst v63  }
0x35: {  	_ =	swait.ge [sflag:s20], $0x2000  }
0x36: {  	[sflag:s20] =	ssyncset.done $0x0  }
0x37: {  	[sflag:s20] =	ssyncadd.s32 $0xFFFFE000  }
0x38: {  	[spmem:s3] =	stream.indirect.scatter.add.f32 [tilespmem:s17], [sflag:$0x3], $0x80, s21, s16, $0xb8;
	[tilespmem:$0x18200] =	vst v63  }
0x39: {  	_ =	swait.ge [sflag:s14], $0x2000  }
0x3a: {  	[sflag:s14] =	ssyncset.done $0x0  }
0x3b: {  	[sflag:s14] =	ssyncadd.s32 $0xFFFFE000  }
0x3c: {  	_ =	swait.ge [sflag:s22], $0x2000  }
.Ltmp0:
0x3d: {  	[sflag:s22] =	ssyncset.done $0x0;
	(pc) =	sbr.rel @p0 .LBB2_2-.Ltmp0, $4  }
0x3e: {  	[sflag:s22] =	ssyncadd.s32 $0xFFFFE000  }
0x3f: {  	[spmem:s3] =	stream.indirect.scatter.add.f32 [tilespmem:s19], [sflag:$0x3], $0x80, s23, s16, $0xb8;
	[tilespmem:$0x18200] =	vst v63  }
0x40: {  	_ =	swait.ge [sflag:s14], $0x2000  }
0x41: {  	s26 =	smov.u32 s29;
	[sflag:s14] =	ssyncset.done $0x0  }
0x42: {  	s25 =	sadd.s32 s25, s11;
	[sflag:s14] =	ssyncadd.s32 $0xFFFFE000  }
0x43: {  	[tilespmem:s15], [sflag:$0x3] =	stream.linear.gather [hbm4b:s25+s4], $0x200, $0x38;
	[tilespmem:$0x18200] =	vst v63  }
0x44: {  	_ =	swait.ge [sflag:s14], $0x200  }
0x45: {  	[sflag:s14] =	ssyncset.done $0x0  }
0x46: {  	[sflag:s14] =	ssyncadd.s32 $0xFFFFFE00  }
0x47: {  	[tilespmem:s17], [sflag:$0x1] =	stream.indirect.gather [hbm4b:s1+s16], $0x80, s15, s16, $0xb8;
	[tilespmem:$0x18200] =	vst v63  }
0x48: {  	_ = 	snop  }
0x49: {  	[tilespmem:s19], [sflag:$0x2] =	stream.indirect.gather [hbm4b:s1+s16], $0x80, s18, s16, $0xb8;
	[tilespmem:$0x18200] =	vst v63  }
0x4a: {  	_ =	swait.ge [sflag:s20], $0x2000  }
0x4b: {  	[sflag:s20] =	ssyncset.done $0x0  }
0x4c: {  	[sflag:s20] =	ssyncadd.s32 $0xFFFFE000  }
0x4d: {  	[spmem:s3] =	stream.indirect.scatter.add.f32 [tilespmem:s17], [sflag:$0x3], $0x80, s21, s16, $0xb8;
	[tilespmem:$0x18200] =	vst v63  }
0x4e: {  	_ =	swait.ge [sflag:s14], $0x2000  }
0x4f: {  	[sflag:s14] =	ssyncset.done $0x0  }
0x50: {  	[sflag:s14] =	ssyncadd.s32 $0xFFFFE000  }
0x51: {  	_ =	swait.ge [sflag:s22], $0x2000  }
0x52: {  	[sflag:s22] =	ssyncset.done $0x0  }
0x53: {  	[sflag:s22] =	ssyncadd.s32 $0xFFFFE000  }
0x54: {  	[spmem:s3] =	stream.indirect.scatter.add.f32 [tilespmem:s19], [sflag:$0x3], $0x80, s23, s16, $0xb8;
	[tilespmem:$0x18200] =	vst v63  }
0x55: {  	_ =	swait.ge [sflag:s14], $0x2000  }
0x56: {  	[sflag:s14] =	ssyncset.done $0x0  }
0x57: {  	[sflag:s14] =	ssyncadd.s32 $0xFFFFE000  }
0x58: {  	[bflag:$0x0] =	sbarrier.arrive $0xFFFF  }
0x59: {  	[hbm:s8], [sflag:s7] =	dma.local [spmem:s13], $0x2800  }
0x5a: {  	_ =	swait.ge [sflag:s14], $0x2800  }
0x5b: {  	[sflag:s14] =	ssyncset.done $0x0  }
0x5c: {  	[sflag:s14] =	ssyncadd.s32 $0xFFFFD800  }
0x5d: {  	[bflag:$0x0] =	sbarrier.arrive $0xFFFF  }
0x5e: {  	[spmem:s13], [sflag:s7] =	dma.local [hbm:s6], $0x2800  }
0x5f: {  	_ =	swait.ge [sflag:s14], $0x2800  }
0x60: {  	[sflag:s14] =	ssyncset.done $0x0  }
0x61: {  	[sflag:s14] =	ssyncadd.s32 $0xFFFFD800  }
0x62: {  	s31 =	sadd.s32 $0x0, s12;
	[bflag:$0x0] =	sbarrier.arrive $0xFFFF  }
0x63: {  	[tilespmem:s15], [sflag:$0x3] =	stream.linear.gather [hbm4b:s31+s4], $0x200, $0x38;
	[tilespmem:$0x18200] =	vst v63  }
0x64: {  	_ =	swait.ge [sflag:s14], $0x200  }
0x65: {  	[sflag:s14] =	ssyncset.done $0x0  }
0x66: {  	[sflag:s14] =	ssyncadd.s32 $0xFFFFFE00  }
0x67: {  	[tilespmem:s17], [sflag:$0x1] =	stream.indirect.gather [hbm4b:s5+s16], $0x80, s15, s16, $0xb8;
	[tilespmem:$0x18200] =	vst v63  }
0x68: {  	_ = 	snop  }
0x69: {  	[tilespmem:s19], [sflag:$0x2] =	stream.indirect.gather [hbm4b:s5+s16], $0x80, s18, s16, $0xb8;
	[tilespmem:$0x18200] =	vst v63  }
0x6a: {  	_ =	swait.ge [sflag:s20], $0x2000  }
0x6b: {  	[sflag:s20] =	ssyncset.done $0x0  }
0x6c: {  	[sflag:s20] =	ssyncadd.s32 $0xFFFFE000  }
0x6d: {  	[spmem:s3] =	stream.indirect.scatter.add.f32 [tilespmem:s17], [sflag:$0x3], $0x80, s21, s16, $0xb8;
	[tilespmem:$0x18200] =	vst v63  }
0x6e: {  	_ =	swait.ge [sflag:s14], $0x2000  }
0x6f: {  	[sflag:s14] =	ssyncset.done $0x0  }
0x70: {  	[sflag:s14] =	ssyncadd.s32 $0xFFFFE000  }
0x71: {  	_ =	swait.ge [sflag:s22], $0x2000  }
0x72: {  	[sflag:s22] =	ssyncset.done $0x0  }
0x73: {  	[sflag:s22] =	ssyncadd.s32 $0xFFFFE000  }
0x74: {  	[spmem:s3] =	stream.indirect.scatter.add.f32 [tilespmem:s19], [sflag:$0x3], $0x80, s23, s16, $0xb8;
	[tilespmem:$0x18200] =	vst v63  }
0x75: {  	_ =	swait.ge [sflag:s14], $0x2000  }
0x76: {  	s26 =	simm.s32 $0x80;
	s25 =	simm.s32 $0x40;
	[sflag:s14] =	ssyncset.done $0x0  }
.LBB2_4:
0x77: {  	s28 =	sadd.s32 s25, s12  }
0x78: {  	[sflag:s14] =	ssyncadd.s32 $0xFFFFE000;
	s25 =	smov.u32 s26;
	s29 =	sadd.s32 $0x40, s26  }
0x79: {  	[tilespmem:s15], [sflag:$0x3] =	stream.linear.gather [hbm4b:s28+s4], $0x200, $0x38;
	[tilespmem:$0x18200] =	vst v63  }
0x7a: {  	p0 =	sne.s32 s26, $0x1380;
	_ =	swait.ge [sflag:s14], $0x200  }
0x7b: {  	[sflag:s14] =	ssyncset.done $0x0  }
0x7c: {  	[sflag:s14] =	ssyncadd.s32 $0xFFFFFE00  }
0x7d: {  	[tilespmem:s17], [sflag:$0x1] =	stream.indirect.gather [hbm4b:s5+s16], $0x80, s15, s16, $0xb8;
	[tilespmem:$0x18200] =	vst v63  }
0x7e: {  	_ = 	snop  }
0x7f: {  	[tilespmem:s19], [sflag:$0x2] =	stream.indirect.gather [hbm4b:s5+s16], $0x80, s18, s16, $0xb8;
	[tilespmem:$0x18200] =	vst v63  }
0x80: {  	_ =	swait.ge [sflag:s20], $0x2000  }
0x81: {  	[sflag:s20] =	ssyncset.done $0x0  }
0x82: {  	[sflag:s20] =	ssyncadd.s32 $0xFFFFE000  }
0x83: {  	[spmem:s3] =	stream.indirect.scatter.add.f32 [tilespmem:s17], [sflag:$0x3], $0x80, s21, s16, $0xb8;
	[tilespmem:$0x18200] =	vst v63  }
0x84: {  	_ =	swait.ge [sflag:s14], $0x2000  }
0x85: {  	[sflag:s14] =	ssyncset.done $0x0  }
0x86: {  	[sflag:s14] =	ssyncadd.s32 $0xFFFFE000  }
0x87: {  	_ =	swait.ge [sflag:s22], $0x2000  }
.Ltmp1:
0x88: {  	[sflag:s22] =	ssyncset.done $0x0;
	(pc) =	sbr.rel @p0 .LBB2_4-.Ltmp1, $4  }
0x89: {  	[sflag:s22] =	ssyncadd.s32 $0xFFFFE000  }
0x8a: {  	[spmem:s3] =	stream.indirect.scatter.add.f32 [tilespmem:s19], [sflag:$0x3], $0x80, s23, s16, $0xb8;
	[tilespmem:$0x18200] =	vst v63  }
0x8b: {  	_ =	swait.ge [sflag:s14], $0x2000  }
0x8c: {  	s26 =	smov.u32 s29;
	[sflag:s14] =	ssyncset.done $0x0  }
0x8d: {  	s25 =	sadd.s32 s25, s12;
	[sflag:s14] =	ssyncadd.s32 $0xFFFFE000  }
0x8e: {  	[tilespmem:s15], [sflag:$0x3] =	stream.linear.gather [hbm4b:s25+s4], $0x200, $0x38;
	[tilespmem:$0x18200] =	vst v63  }
0x8f: {  	_ =	swait.ge [sflag:s14], $0x200  }
0x90: {  	[sflag:s14] =	ssyncset.done $0x0  }
0x91: {  	[sflag:s14] =	ssyncadd.s32 $0xFFFFFE00  }
0x92: {  	[tilespmem:s17], [sflag:$0x1] =	stream.indirect.gather [hbm4b:s5+s16], $0x80, s15, s16, $0xb8;
	[tilespmem:$0x18200] =	vst v63  }
0x93: {  	_ = 	snop  }
0x94: {  	[tilespmem:s19], [sflag:$0x2] =	stream.indirect.gather [hbm4b:s5+s16], $0x80, s18, s16, $0xb8;
	[tilespmem:$0x18200] =	vst v63  }
0x95: {  	_ =	swait.ge [sflag:s20], $0x2000  }
0x96: {  	[sflag:s20] =	ssyncset.done $0x0  }
0x97: {  	[sflag:s20] =	ssyncadd.s32 $0xFFFFE000  }
0x98: {  	[spmem:s3] =	stream.indirect.scatter.add.f32 [tilespmem:s17], [sflag:$0x3], $0x80, s21, s16, $0xb8;
	[tilespmem:$0x18200] =	vst v63  }
0x99: {  	_ =	swait.ge [sflag:s14], $0x2000  }
0x9a: {  	[sflag:s14] =	ssyncset.done $0x0  }
0x9b: {  	[sflag:s14] =	ssyncadd.s32 $0xFFFFE000  }
0x9c: {  	_ =	swait.ge [sflag:s22], $0x2000  }
0x9d: {  	[sflag:s22] =	ssyncset.done $0x0  }
0x9e: {  	[sflag:s22] =	ssyncadd.s32 $0xFFFFE000  }
0x9f: {  	[spmem:s3] =	stream.indirect.scatter.add.f32 [tilespmem:s19], [sflag:$0x3], $0x80, s23, s16, $0xb8;
	[tilespmem:$0x18200] =	vst v63  }
0xa0: {  	_ =	swait.ge [sflag:s14], $0x2000  }
0xa1: {  	[sflag:s14] =	ssyncset.done $0x0  }
0xa2: {  	s24 =	sadd.s32 $0x1, s24;
	[sflag:s14] =	ssyncadd.s32 $0xFFFFE000  }
0xa3: {  	p0 =	sne.s32 s24, s10;
	[bflag:$0x0] =	sbarrier.arrive $0xFFFF  }
0xa4: {  	[hbm:s9], [sflag:s7] =	dma.local [spmem:s13], $0x2800  }
.Ltmp2:
0xa5: {  	_ =	swait.ge [sflag:s14], $0x2800;
	(pc) =	sbr.rel @p0 .LBB2_1-.Ltmp2, $3  }
0xa6: {  	[sflag:s14] =	ssyncset.done $0x0  }
0xa7: {  	[sflag:s14] =	ssyncadd.s32 $0xFFFFD800  }
0xa8: {  	[bflag:$0x0] =	sbarrier.arrive $0xFFFF;
	_ =	sdelay $0x1  }
0xa9: {  	_ =	sfence.sel $0x180000  }
0xaa: {  	[bflag:$0x0] =	sbarrier.arrive $0xFFFF  }
0xab: {  	p0 =	sne.s32 s0, $0x0;
	_ =	strace $0x9000004A  }
0xac: {  	s0 =	sadd.s32 @!p0 $0x100000, s2;
	[bflag:$0x2] =	sbarrier.arrive $0xFFFF  }
0xad: {  	[sflag:s0] =	ssyncadd.tile.s32 @!p0 $0x1;
	_ =	shalt  }
.Lfunc_end2:
_tile_overlayer_lowered:
.L_overlay_start_2:
0xae: {  	(tag) =	ssettag $0x2  }
0xaf: {  	s0 =	rddreg [dreg:$0x0];
	s2 =	stileid.u32  }
0xb0: {  	s1 =	rddreg [dreg:$0x1];
	p0 =	sne.s32 s2, $0x0  }
0xb1: {  	s3 =	rddreg [dreg:$0x2];
	[bflag:$0x3] =	sbarrier.arrive $0xFFFF;
	s2 =	simm.s32 @!p0 $0x1C03  }
0xb2: {  	[timem:s3], [sflag:s2] =	dma.local @!p0 [hbm:s0], s1  }
0xb3: {  	s0 =	simm.s32 @!p0 $0x3  }
0xb4: {  	_ =	swait.ge @!p0 [sflag:s0], s1  }
0xb5: {  	s1 =	ssub.s32 @!p0 $0x0, s1;
	[sflag:s0] =	ssyncset.done @!p0 $0x0  }
0xb6: {  	[sflag:s0] =	ssyncadd.s32 @!p0 s1  }
0xb7: {  	[bflag:$0x3] =	sbarrier.arrive $0xFFFF  }
0xb8: {  	_ =	shalt  }

// kernel: kernel.16.cloned.1.call-start
scs
__scs_entry_jumppad:
0x0: {  	(pc) =	sbr.rel $0x88, $3  }
0x1: {  	(tag) =	ssettag $0x0;
	lr =	simm.s32 $0x1  }
0x2: {  	[smem:$0x3F93] =	sst lr;
	_ =	strace $0xD0000000  }
0x3: {  	_ = 	snop  }
0x4: {  	_ = 	snop  }
0x5: {  	_ = 	snop  }
0x6: {  	_ = 	snop  }
0x7: {  	_ = 	snop  }
__scs_overlays_trampoline_lowered:
0x8: {  	[smem:$0x3FA2] =	sst s0  }
0x9: {  	[smem:$0x3FA3] =	sst s1  }
0xa: {  	[smem:$0x3FA4] =	sst s2  }
0xb: {  	[smem:$0x3FA5] =	sst s3  }
0xc: {  	[smem:$0x3FA6] =	sst s4  }
0xd: {  	[smem:$0x3FA7] =	sst s5  }
0xe: {  	[smem:$0x3FA8] =	sst s6  }
0xf: {  	[smem:$0x3FA9] =	sst s7  }
0x10: {  	[smem:$0x3FAA] =	sst s8  }
0x11: {  	[smem:$0x3FAB] =	sst s9;
	s0 =	simm.s32 @!p0 $0x0  }
0x12: {  	s1 =	sld [smem:$0x3F91];
	s0 =	simm.s32 @p0 $0x1  }
0x13: {  	[smem:$0x3FAC] =	sst s0;
	s0 =	simm.s32 @!p1 $0x0  }
0x14: {  	s2 =	sld [smem:$0x3F90];
	s0 =	simm.s32 @p1 $0x1  }
0x15: {  	[smem:$0x3FAD] =	sst s0;
	s0 =	simm.s32 @!p2 $0x0  }
0x16: {  	s3 =	sld [smem:$0x3FDB];
	s0 =	simm.s32 @p2 $0x1  }
0x17: {  	s4 =	simm.s32 $0x1BF5;
	[smem:$0x3FAF] =	sst s0  }
0x18: {  	s0 =	sld [smem:$0x3F92];
	_ =	swait.ge [sflag:s4], $0x0  }
0x19: {  	s7 =	sld [smem:$0x3F93]  }
0x1a: {  	s8 =	sadd.s32 $0xFFFFE003, lr  }
0x1b: {  	s9 =	sadd.s32 $0xFFFFFEF7, lr;
	s5 =	simm.s32 $0xFFFFFFFF;
	p2 =	slt.u32 s8, $0xFFFFF086  }
0x1c: {  	p1 =	slt.u32 s9, $0xF7A;
	s5 =	simm.s32 @!p2 $0x0  }
0x1d: {  	s5 =	simm.s32 @p1 $0x1;
	p0 =	seq.s32 s7, s2  }
0x1e: {  	s7 =	smul.u32 @!p0 $0xF7A, s2;
	p2 =	seq.s32 @!p0 s5, $0x0  }
0x1f: {  	s9 =	smul.u32 $0xF7A, s1;
	s8 =	simm.s32 @!p0 $0x1BF5;
	p2 =	por !p2, p0  }
0x20: {  	[sflag:s8] =	ssyncset.s32 @!p0 $0xFFFFF086;
	s6 =	sadd.s32 @!p0 s3, s7;
	s7 =	simm.s32 @!p0 $0x108  }
0x21: {  	s3 =	sadd.s32 s3, s9;
	s6 =	sadd.s32 @!p0 $0x88, s6;
	s7 =	simm.s32 @p2 $0x1082  }
0x22: {  	[simem:s7], [sflag:s8] =	dma.local @!p0 [hbm:s6], $0xF7A  }
0x23: {  	s9 =	sor.u32 $0xD0000000, s2;
	s6 =	simm.s32 $0x108;
	_ =	swait.ge @!p0 [sflag:s8], $0x0  }
0x24: {  	s3 =	sadd.s32 $0x88, s3;
	s6 =	simm.s32 @!p1 $0x1082;
	[sflag:s4] =	ssyncset.s32 $0xFFFFF086  }
0x25: {  	[simem:s6], [sflag:s4] =	dma.local [hbm:s3], $0xF7A  }
0x26: {  	[smem:$0x3F93] =	sst s1;
	(tag) =	ssettag s2;
	_ =	strace s9  }
0x27: {  	s1 =	sld [smem:$0x3FA3]  }
0x28: {  	s2 =	sld [smem:$0x3FA4]  }
0x29: {  	s4 =	sld [smem:$0x3FA6]  }
0x2a: {  	p0 =	seq.s32 s5, $0x0;
	s5 =	sld [smem:$0x3FA7]  }
0x2b: {  	s6 =	sld [smem:$0x3FA8]  }
0x2c: {  	s7 =	sld [smem:$0x3FA9]  }
0x2d: {  	s3 =	simm.s32 $0x108;
	s8 =	sld [smem:$0x3FAA]  }
0x2e: {  	s3 =	simm.s32 @!p0 $0x1082;
	s9 =	sld [smem:$0x3FAB]  }
0x2f: {  	lr =	sadd.s32 s0, s3;
	s0 =	sld [smem:$0x3FA2]  }
0x30: {  	s3 =	sld [smem:$0x3FA5]  }
0x31: {  	[smem:$0x3FAE] =	sst s10  }
0x32: {  	s10 =	sld [smem:$0x3FAC];
	_ =	sdelay $0x3  }
0x33: {  	p0 =	seq.s32 s10, $0x1;
	s10 =	sld [smem:$0x3FAE];
	_ =	sdelay $0x3  }
0x34: {  	[smem:$0x3FAE] =	sst s10  }
0x35: {  	s10 =	sld [smem:$0x3FAD];
	_ =	sdelay $0x3  }
0x36: {  	p1 =	seq.s32 s10, $0x1;
	s10 =	sld [smem:$0x3FAE];
	_ =	sdelay $0x3  }
0x37: {  	[smem:$0x3FAE] =	sst s10  }
0x38: {  	s10 =	sld [smem:$0x3FAF]  }
0x39: {  	_ = 	snop;
	(pc) =	sbr.ind lr, $3  }
0x3a: {  	_ = 	snop  }
0x3b: {  	_ = 	snop  }
0x3c: {  	p2 =	seq.s32 s10, $0x1;
	s10 =	sld [smem:$0x3FAE]  }
0x3d: {  	_ =	shalt  }
0x3e: {  	_ =	shalt  }
0x3f: {  	_ =	shalt  }
0x40: {  	_ =	shalt  }
0x41: {  	_ =	shalt  }
0x42: {  	_ =	shalt  }
0x43: {  	_ =	shalt  }
0x44: {  	_ =	shalt  }
0x45: {  	_ =	shalt  }
0x46: {  	_ =	shalt  }
0x47: {  	_ =	shalt  }
0x48: {  	_ =	shalt  }
0x49: {  	_ =	shalt  }
0x4a: {  	_ =	shalt  }
0x4b: {  	_ =	shalt  }
0x4c: {  	_ =	shalt  }
0x4d: {  	_ =	shalt  }
0x4e: {  	_ =	shalt  }
0x4f: {  	_ =	shalt  }
0x50: {  	_ =	shalt  }
0x51: {  	_ =	shalt  }
0x52: {  	_ =	shalt  }
0x53: {  	_ =	shalt  }
0x54: {  	_ =	shalt  }
0x55: {  	_ =	shalt  }
0x56: {  	_ =	shalt  }
0x57: {  	_ =	shalt  }
0x58: {  	_ =	shalt  }
0x59: {  	_ =	shalt  }
0x5a: {  	_ =	shalt  }
0x5b: {  	_ =	shalt  }
0x5c: {  	_ =	shalt  }
0x5d: {  	_ =	shalt  }
0x5e: {  	_ =	shalt  }
0x5f: {  	_ =	shalt  }
0x60: {  	_ =	shalt  }
0x61: {  	_ =	shalt  }
0x62: {  	_ =	shalt  }
0x63: {  	_ =	shalt  }
0x64: {  	_ =	shalt  }
0x65: {  	_ =	shalt  }
0x66: {  	_ =	shalt  }
0x67: {  	_ =	shalt  }
0x68: {  	_ =	shalt  }
0x69: {  	_ =	shalt  }
0x6a: {  	_ =	shalt  }
0x6b: {  	_ =	shalt  }
0x6c: {  	_ =	shalt  }
0x6d: {  	_ =	shalt  }
0x6e: {  	_ =	shalt  }
0x6f: {  	_ =	shalt  }
0x70: {  	_ =	shalt  }
0x71: {  	_ =	shalt  }
0x72: {  	_ =	shalt  }
0x73: {  	_ =	shalt  }
0x74: {  	_ =	shalt  }
0x75: {  	_ =	shalt  }
0x76: {  	_ =	shalt  }
0x77: {  	_ =	shalt  }
0x78: {  	_ =	shalt  }
0x79: {  	_ =	shalt  }
0x7a: {  	_ =	shalt  }
0x7b: {  	_ =	shalt  }
0x7c: {  	_ =	shalt  }
0x7d: {  	_ =	shalt  }
0x7e: {  	_ =	shalt  }
0x7f: {  	_ =	shalt  }
0x80: {  	_ =	shalt  }
0x81: {  	_ =	shalt  }
0x82: {  	_ =	shalt  }
0x83: {  	_ =	shalt  }
0x84: {  	_ =	shalt  }
0x85: {  	_ =	shalt  }
0x86: {  	_ =	shalt  }
0x87: {  	_ =	shalt  }
.Lfunc_end0:
.L_simem_size_0:
called_computation.2_lowered:
.L_overlay_start_0:
0x88: {  	s2 =	sld [smem:$0x3FD9]  }
0x89: {  	s3 =	sld [smem:$0x3FFE];
	_ =	sdelay $0x1  }
0x8a: {  	s1 =	srdreg.scid  }
0x8b: {  	s0 =	sand.u32 $0x1, s1  }
0x8c: {  	s17 =	sshll.u32 s0, $0xA;
	s2 =	sadd.s32 s3, s2  }
0x8d: {  	s2 =	sadd.s32 s2, s17  }
0x8e: {  	[smem:$0x3FBA] =	sst s2  }
0x8f: {  	_ = 	snop  }
0x90: {  	s2 =	sld [smem:$0x3FD0];
	(tm) =	ssettm $0x1  }
0x91: {  	s18 =	sld [smem:$0x3FFB];
	_ =	sdelay $0x3  }
0x92: {  	_ =	strace s18  }
0x93: {  	s3 =	sld [smem:$0x3FFC];
	_ =	sdelay $0x3  }
0x94: {  	_ =	strace s3  }
0x95: {  	s3 =	sld [smem:$0x3FFD];
	_ =	sdelay $0x3  }
0x96: {  	_ =	strace s3  }
0x97: {  	_ =	strace $0x8FFFFFFF  }
0x98: {  	s19 =	sld [smem:$0x3FDB];
	_ =	sdelay $0x1  }
0x99: {  	s4 =	simm.s32 $_scs_section_size  }
0x9a: {  	s5 =	simm.s32 $_size__tile_overlayer_lowered;
	s6 =	simm.s32 $_tile_overlayer_lowered  }
0x9b: {  	s22 =	simm.s32 $0x1BFF;
	s21 =	sshll.u32 s6, $0x1;
	s3 =	sadd.s32 s4, s19  }
0x9c: {  	s7 =	simm.s32 $0x0;
	s20 =	sshll.u32 s5, $0x1;
	s5 =	sadd.s32 s21, s3  }
0x9d: {  	[timem:s7], [sflag:s22] =	dma.local [hbm:s5], s20  }
0x9e: {  	_ =	swait.ge [sflag:s22], s20  }
0x9f: {  	s4 =	ssub.s32 $0x0, s20;
	[sflag:s22] =	ssyncset.done $0x0  }
0xa0: {  	[sflag:s22] =	ssyncadd.s32 s4;
	_ =	sdelay $0x1  }
0xa1: {  	s23 =	simm.s32 $0x1B8B  }
0xa2: {  	_ =	swait.ge [sflag:s23], $0x1  }
0xa3: {  	[sflag:s23] =	ssyncset.done $0x0  }
0xa4: {  	s25 =	simm.s32 $0x1B8E;
	s24 =	sld [smem:$0x3FFE];
	[sflag:s23] =	ssyncadd.s32 $0xFFFFFFFF  }
0xa5: {  	s26 =	simm.s32 $execute0_lowered;
	[smem:$0x3FD2] =	sst s25  }
0xa6: {  	s5 =	sshll.u32 s26, $0x1;
	_ =	strace $0x8000004C;
	[dreg:$0x1] =	wrdreg $0xFFFFFFFF  }
0xa7: {  	s28 =	simm.s32 $_size_execute0_lowered;
	s3 =	sadd.s32 s3, s5;
	[dreg:$0x0] =	wrdreg $0x0  }
0xa8: {  	s5 =	sshll.u32 s28, $0x1;
	[dreg:$0x2] =	wrdreg s3  }
0xa9: {  	[dreg:$0x3] =	wrdreg s5  }
0xaa: {  	[dreg:$0x4] =	wrdreg $0xC0  }
0xab: {  	_ =	task [dreg:s7], $0x5FFFF  }
0xac: {  	[dreg:$0x1] =	wrdreg $0xFFFFFFFF  }
0xad: {  	[dreg:$0x0] =	wrdreg $0x60  }
0xae: {  	[dreg:$0x2] =	wrdreg s2  }
0xaf: {  	[dreg:$0x3] =	wrdreg s24  }
0xb0: {  	[dreg:$0x4] =	wrdreg $0x0  }
0xb1: {  	[dreg:$0x5] =	wrdreg $0x9  }
0xb2: {  	_ =	task.clear_ibuf [dreg:s7], $0x6FFFF;
	_ =	strace $0x9000004C  }
0xb3: {  	s29 =	simm.s32 $0x9;
	_ =	strace $0x8000004E  }
0xb4: {  	_ =	swait.ge [sflag:s29], $0x1  }
0xb5: {  	[sflag:s29] =	ssyncadd.s32 $0xFFFFFFFF  }
0xb6: {  	_ =	strace $0x9000004E  }
0xb7: {  	_ =	sfence  }
0xb8: {  	s30 =	sld [smem:$0x0];
	_ =	sdelay $0x2  }
0xb9: {  	s31 =	sshll.u32 s1, $0xD;
	s1 =	sshrl.u32 s1, $0x2  }
0xba: {  	s3 =	sand.u32 $0x4000, s31;
	s1 =	sadd.s32 s1, s30  }
0xbb: {  	s0 =	sor.u32 s3, s0;
	s1 =	sshll.u32 s1, $0x11  }
0xbc: {  	s0 =	sor.u32 s1, s0  }
0xbd: {  	s0 =	sadd.s32 $0x8F2B, s0  }
0xbe: {  	[sflag:s0] =	ssyncadd.remote.s32 $0x1  }
0xbf: {  	_ =	sfence.sel $0xFFFF  }
0xc0: {  	[dreg:$0x0] =	wrdreg $0xFFFFFFFF;
	(pc) =	sbr.abs _section_cstart, $3  }
0xc1: {  	[dreg:$0x1] =	wrdreg $0xFFFFFFFF  }
0xc2: {  	_ =	task.clear_ibuf [dreg:s7], $0x2FFFF;
	_ =	strace $0x9FFFFFFF  }
0xc3: {  	(tm) =	ssettm $0x7FFFFFFF  }
tec
execute0_lowered:
.L_overlay_start_1:
0x0: {  	(tag) =	ssettag $0x1  }
0x1: {  	s0 =	rddreg [dreg:$0x0]  }
0x2: {  	s8 =	rddreg [dreg:$0x1]  }
0x3: {  	s1 =	srdreg.scid;
	s3 =	rddreg [dreg:$0x2]  }
0x4: {  	s22 =	stileid.u32;
	s4 =	simm.s32 $0x0;
	s18 =	simm.s32 $0x3  }
0x5: {  	s19 =	simm.s32 $0x14000;
	s20 =	simm.s32 $0x40;
	s21 =	simm.s32 $0x14200  }
0x6: {  	s28 =	simm.s32 $0x14180;
	s29 =	simm.s32 $0x0;
	s10 =	smul.u32 $0x9E00, s22  }
0x7: {  	s9 =	sand.u32 $0x1, s1;
	[smem:$0x7FF] =	sst s4;
	s11 =	smul.u32 $0x14000, s22  }
0x8: {  	s5 =	sadd.s32 $0x16A200, s8;
	s6 =	sadd.s32 $0x52200, s8;
	s26 =	smul.u32 $0x50000, s22  }
0x9: {  	s30 =	sshll.u32 s22, $0x6;
	s22 =	simm.s32 $0x14080;
	s7 =	smul.u32 $0x9E000, s9  }
0xa: {  	_ =	strace $0x8000004D;
	s12 =	smul.u32 $0x140000, s9;
	s25 =	ssub.s32 $0x2, s9  }
0xb: {  	s23 =	sshrl.u32 s11, $0x3;
	s9 =	sshrl.u32 s25, $0x1;
	s31 =	sshrl.u32 s26, $0x2  }
0xc: {  	s26 =	simm.s32 $0x2;
	s10 =	sadd.s32 s10, s7;
	s7 =	sadd.s32 $0x142200, s8  }
0xd: {  	s12 =	sadd.s32 s11, s12;
	s14 =	ssub.s32 s25, s9;
	s9 =	sor.u32 $0x1C03, s30  }
0xe: {  	s17 =	sadd.s32 s31, s3;
	s25 =	simm.s32 $0x14100;
	s10 =	sshrl.u32 s10, $0x3  }
0xf: {  	s24 =	sshrl.u32 s12, $0x3;
	s14 =	smax.u32 s14, $0x1;
	s17 =	sshrl.u32 s17, $0x3  }
0x10: {  	s16 =	sadd.s32 s10, s8;
	s10 =	sadd.s32 s23, s8;
	s13 =	sadd.s32 s24, s8  }
0x11: {  	s23 =	simm.s32 $0x16200;
	s8 =	sadd.s32 $0x7A200, s10;
	s10 =	sadd.s32 $0x22E600, s13  }
0x12: {  	s24 =	simm.s32 $0x1;
	s11 =	sadd.s32 $0x27E600, s13;
	s12 =	sadd.s32 $0x2CE600, s13  }
0x13: {  	s13 =	sadd.s32 $0x31E600, s13;
	s15 =	sadd.s32 $0x3200, s16;
	s16 =	sadd.s32 $0x2AA00, s16  }
.LBB2_1:
0x14: {  	[spmem:s17], [sflag:s9] =	dma.local [hbm:s8], $0x2800  }
0x15: {  	_ =	swait.ge [sflag:s18], $0x2800  }
0x16: {  	[sflag:s18] =	ssyncset.done $0x0  }
0x17: {  	[sflag:s18] =	ssyncadd.s32 $0xFFFFD800  }
0x18: {  	s30 =	sadd.s32 $0x0, s15;
	[bflag:$0x0] =	sbarrier.arrive $0xFFFF  }
0x19: {  	[tilespmem:s19], [sflag:$0x3] =	stream.linear.gather [hbm4b:s30+s4], $0x200, $0x38;
	[tilespmem:$0x18200] =	vst v63  }
0x1a: {  	_ =	swait.ge [sflag:s18], $0x200  }
0x1b: {  	[sflag:s18] =	ssyncset.done $0x0  }
0x1c: {  	[sflag:s18] =	ssyncadd.s32 $0xFFFFFE00  }
0x1d: {  	[tilespmem:s21], [sflag:$0x1] =	stream.indirect.gather [hbm4b:s0+s20], $0x80, s19, s20, $0xb8;
	[tilespmem:$0x18200] =	vst v63  }
0x1e: {  	_ = 	snop  }
0x1f: {  	[tilespmem:s23], [sflag:$0x2] =	stream.indirect.gather [hbm4b:s0+s20], $0x80, s22, s20, $0xb8;
	[tilespmem:$0x18200] =	vst v63  }
0x20: {  	_ =	swait.ge [sflag:s24], $0x2000  }
0x21: {  	[sflag:s24] =	ssyncset.done $0x0  }
0x22: {  	[sflag:s24] =	ssyncadd.s32 $0xFFFFE000  }
0x23: {  	[spmem:s3] =	stream.indirect.scatter.add.f32 [tilespmem:s21], [sflag:$0x3], $0x80, s25, s20, $0xb8;
	[tilespmem:$0x18200] =	vst v63  }
0x24: {  	_ =	swait.ge [sflag:s18], $0x2000  }
0x25: {  	[sflag:s18] =	ssyncset.done $0x0  }
0x26: {  	[sflag:s18] =	ssyncadd.s32 $0xFFFFE000  }
0x27: {  	_ =	swait.ge [sflag:s26], $0x2000  }
0x28: {  	[sflag:s26] =	ssyncset.done $0x0  }
0x29: {  	[sflag:s26] =	ssyncadd.s32 $0xFFFFE000  }
0x2a: {  	[spmem:s3] =	stream.indirect.scatter.add.f32 [tilespmem:s23], [sflag:$0x3], $0x80, s28, s20, $0xb8;
	[tilespmem:$0x18200] =	vst v63  }
0x2b: {  	_ =	swait.ge [sflag:s18], $0x2000  }
0x2c: {  	s31 =	simm.s32 $0x80;
	s30 =	simm.s32 $0x40;
	[sflag:s18] =	ssyncset.done $0x0  }
.LBB2_2:
0x2d: {  	s1 =	sadd.s32 s30, s15  }
0x2e: {  	[sflag:s18] =	ssyncadd.s32 $0xFFFFE000;
	s30 =	smov.u32 s31;
	s2 =	sadd.s32 $0x40, s31  }
0x2f: {  	[tilespmem:s19], [sflag:$0x3] =	stream.linear.gather [hbm4b:s1+s4], $0x200, $0x38;
	[tilespmem:$0x18200] =	vst v63  }
0x30: {  	p0 =	sne.s32 s31, $0x1380;
	_ =	swait.ge [sflag:s18], $0x200  }
0x31: {  	[sflag:s18] =	ssyncset.done $0x0  }
0x32: {  	[sflag:s18] =	ssyncadd.s32 $0xFFFFFE00  }
0x33: {  	[tilespmem:s21], [sflag:$0x1] =	stream.indirect.gather [hbm4b:s0+s20], $0x80, s19, s20, $0xb8;
	[tilespmem:$0x18200] =	vst v63  }
0x34: {  	_ = 	snop  }
0x35: {  	[tilespmem:s23], [sflag:$0x2] =	stream.indirect.gather [hbm4b:s0+s20], $0x80, s22, s20, $0xb8;
	[tilespmem:$0x18200] =	vst v63  }
0x36: {  	_ =	swait.ge [sflag:s24], $0x2000  }
0x37: {  	[sflag:s24] =	ssyncset.done $0x0  }
0x38: {  	[sflag:s24] =	ssyncadd.s32 $0xFFFFE000  }
0x39: {  	[spmem:s3] =	stream.indirect.scatter.add.f32 [tilespmem:s21], [sflag:$0x3], $0x80, s25, s20, $0xb8;
	[tilespmem:$0x18200] =	vst v63  }
0x3a: {  	_ =	swait.ge [sflag:s18], $0x2000  }
0x3b: {  	[sflag:s18] =	ssyncset.done $0x0  }
0x3c: {  	[sflag:s18] =	ssyncadd.s32 $0xFFFFE000  }
0x3d: {  	_ =	swait.ge [sflag:s26], $0x2000  }
.Ltmp0:
0x3e: {  	[sflag:s26] =	ssyncset.done $0x0;
	(pc) =	sbr.rel @p0 .LBB2_2-.Ltmp0, $4  }
0x3f: {  	[sflag:s26] =	ssyncadd.s32 $0xFFFFE000  }
0x40: {  	[spmem:s3] =	stream.indirect.scatter.add.f32 [tilespmem:s23], [sflag:$0x3], $0x80, s28, s20, $0xb8;
	[tilespmem:$0x18200] =	vst v63  }
0x41: {  	_ =	swait.ge [sflag:s18], $0x2000  }
0x42: {  	s31 =	smov.u32 s2;
	[sflag:s18] =	ssyncset.done $0x0  }
0x43: {  	s1 =	sadd.s32 s30, s15;
	[sflag:s18] =	ssyncadd.s32 $0xFFFFE000  }
0x44: {  	[tilespmem:s19], [sflag:$0x3] =	stream.linear.gather [hbm4b:s1+s4], $0x200, $0x38;
	[tilespmem:$0x18200] =	vst v63  }
0x45: {  	_ =	swait.ge [sflag:s18], $0x200  }
0x46: {  	[sflag:s18] =	ssyncset.done $0x0  }
0x47: {  	[sflag:s18] =	ssyncadd.s32 $0xFFFFFE00  }
0x48: {  	[tilespmem:s21], [sflag:$0x1] =	stream.indirect.gather [hbm4b:s0+s20], $0x80, s19, s20, $0xb8;
	[tilespmem:$0x18200] =	vst v63  }
0x49: {  	_ = 	snop  }
0x4a: {  	[tilespmem:s23], [sflag:$0x2] =	stream.indirect.gather [hbm4b:s0+s20], $0x80, s22, s20, $0xb8;
	[tilespmem:$0x18200] =	vst v63  }
0x4b: {  	_ =	swait.ge [sflag:s24], $0x2000  }
0x4c: {  	[sflag:s24] =	ssyncset.done $0x0  }
0x4d: {  	[sflag:s24] =	ssyncadd.s32 $0xFFFFE000  }
0x4e: {  	[spmem:s3] =	stream.indirect.scatter.add.f32 [tilespmem:s21], [sflag:$0x3], $0x80, s25, s20, $0xb8;
	[tilespmem:$0x18200] =	vst v63  }
0x4f: {  	_ =	swait.ge [sflag:s18], $0x2000  }
0x50: {  	[sflag:s18] =	ssyncset.done $0x0  }
0x51: {  	[sflag:s18] =	ssyncadd.s32 $0xFFFFE000  }
0x52: {  	_ =	swait.ge [sflag:s26], $0x2000  }
0x53: {  	[sflag:s26] =	ssyncset.done $0x0  }
0x54: {  	[sflag:s26] =	ssyncadd.s32 $0xFFFFE000  }
0x55: {  	[spmem:s3] =	stream.indirect.scatter.add.f32 [tilespmem:s23], [sflag:$0x3], $0x80, s28, s20, $0xb8;
	[tilespmem:$0x18200] =	vst v63  }
0x56: {  	_ =	swait.ge [sflag:s18], $0x2000  }
0x57: {  	[sflag:s18] =	ssyncset.done $0x0  }
0x58: {  	[sflag:s18] =	ssyncadd.s32 $0xFFFFE000  }
0x59: {  	[bflag:$0x0] =	sbarrier.arrive $0xFFFF  }
0x5a: {  	[hbm:s10], [sflag:s9] =	dma.local [spmem:s17], $0x2800  }
0x5b: {  	_ =	swait.ge [sflag:s18], $0x2800  }
0x5c: {  	[sflag:s18] =	ssyncset.done $0x0  }
0x5d: {  	[sflag:s18] =	ssyncadd.s32 $0xFFFFD800  }
0x5e: {  	[bflag:$0x0] =	sbarrier.arrive $0xFFFF  }
0x5f: {  	[spmem:s17], [sflag:s9] =	dma.local [hbm:s8], $0x2800  }
0x60: {  	_ =	swait.ge [sflag:s18], $0x2800  }
0x61: {  	[sflag:s18] =	ssyncset.done $0x0  }
0x62: {  	[sflag:s18] =	ssyncadd.s32 $0xFFFFD800  }
0x63: {  	s2 =	sadd.s32 $0x0, s15;
	[bflag:$0x0] =	sbarrier.arrive $0xFFFF  }
0x64: {  	[tilespmem:s19], [sflag:$0x3] =	stream.linear.gather [hbm4b:s2+s4], $0x200, $0x38;
	[tilespmem:$0x18200] =	vst v63  }
0x65: {  	_ =	swait.ge [sflag:s18], $0x200  }
0x66: {  	[sflag:s18] =	ssyncset.done $0x0  }
0x67: {  	[sflag:s18] =	ssyncadd.s32 $0xFFFFFE00  }
0x68: {  	[tilespmem:s21], [sflag:$0x1] =	stream.indirect.gather [hbm4b:s5+s20], $0x80, s19, s20, $0xb8;
	[tilespmem:$0x18200] =	vst v63  }
0x69: {  	_ = 	snop  }
0x6a: {  	[tilespmem:s23], [sflag:$0x2] =	stream.indirect.gather [hbm4b:s5+s20], $0x80, s22, s20, $0xb8;
	[tilespmem:$0x18200] =	vst v63  }
0x6b: {  	_ =	swait.ge [sflag:s24], $0x2000  }
0x6c: {  	[sflag:s24] =	ssyncset.done $0x0  }
0x6d: {  	[sflag:s24] =	ssyncadd.s32 $0xFFFFE000  }
0x6e: {  	[spmem:s3] =	stream.indirect.scatter.add.f32 [tilespmem:s21], [sflag:$0x3], $0x80, s25, s20, $0xb8;
	[tilespmem:$0x18200] =	vst v63  }
0x6f: {  	_ =	swait.ge [sflag:s18], $0x2000  }
0x70: {  	[sflag:s18] =	ssyncset.done $0x0  }
0x71: {  	[sflag:s18] =	ssyncadd.s32 $0xFFFFE000  }
0x72: {  	_ =	swait.ge [sflag:s26], $0x2000  }
0x73: {  	[sflag:s26] =	ssyncset.done $0x0  }
0x74: {  	[sflag:s26] =	ssyncadd.s32 $0xFFFFE000  }
0x75: {  	[spmem:s3] =	stream.indirect.scatter.add.f32 [tilespmem:s23], [sflag:$0x3], $0x80, s28, s20, $0xb8;
	[tilespmem:$0x18200] =	vst v63  }
0x76: {  	_ =	swait.ge [sflag:s18], $0x2000  }
0x77: {  	s30 =	simm.s32 $0x40;
	s31 =	simm.s32 $0x80;
	[sflag:s18] =	ssyncset.done $0x0  }
.LBB2_4:
0x78: {  	s1 =	sadd.s32 s30, s15  }
0x79: {  	[sflag:s18] =	ssyncadd.s32 $0xFFFFE000;
	s30 =	smov.u32 s31;
	s2 =	sadd.s32 $0x40, s31  }
0x7a: {  	[tilespmem:s19], [sflag:$0x3] =	stream.linear.gather [hbm4b:s1+s4], $0x200, $0x38;
	[tilespmem:$0x18200] =	vst v63  }
0x7b: {  	p0 =	sne.s32 s31, $0x1380;
	_ =	swait.ge [sflag:s18], $0x200  }
0x7c: {  	[sflag:s18] =	ssyncset.done $0x0  }
0x7d: {  	[sflag:s18] =	ssyncadd.s32 $0xFFFFFE00  }
0x7e: {  	[tilespmem:s21], [sflag:$0x1] =	stream.indirect.gather [hbm4b:s5+s20], $0x80, s19, s20, $0xb8;
	[tilespmem:$0x18200] =	vst v63  }
0x7f: {  	_ = 	snop  }
0x80: {  	[tilespmem:s23], [sflag:$0x2] =	stream.indirect.gather [hbm4b:s5+s20], $0x80, s22, s20, $0xb8;
	[tilespmem:$0x18200] =	vst v63  }
0x81: {  	_ =	swait.ge [sflag:s24], $0x2000  }
0x82: {  	[sflag:s24] =	ssyncset.done $0x0  }
0x83: {  	[sflag:s24] =	ssyncadd.s32 $0xFFFFE000  }
0x84: {  	[spmem:s3] =	stream.indirect.scatter.add.f32 [tilespmem:s21], [sflag:$0x3], $0x80, s25, s20, $0xb8;
	[tilespmem:$0x18200] =	vst v63  }
0x85: {  	_ =	swait.ge [sflag:s18], $0x2000  }
0x86: {  	[sflag:s18] =	ssyncset.done $0x0  }
0x87: {  	[sflag:s18] =	ssyncadd.s32 $0xFFFFE000  }
0x88: {  	_ =	swait.ge [sflag:s26], $0x2000  }
.Ltmp1:
0x89: {  	[sflag:s26] =	ssyncset.done $0x0;
	(pc) =	sbr.rel @p0 .LBB2_4-.Ltmp1, $4  }
0x8a: {  	[sflag:s26] =	ssyncadd.s32 $0xFFFFE000  }
0x8b: {  	[spmem:s3] =	stream.indirect.scatter.add.f32 [tilespmem:s23], [sflag:$0x3], $0x80, s28, s20, $0xb8;
	[tilespmem:$0x18200] =	vst v63  }
0x8c: {  	_ =	swait.ge [sflag:s18], $0x2000  }
0x8d: {  	s31 =	smov.u32 s2;
	[sflag:s18] =	ssyncset.done $0x0  }
0x8e: {  	s1 =	sadd.s32 s30, s15;
	[sflag:s18] =	ssyncadd.s32 $0xFFFFE000  }
0x8f: {  	[tilespmem:s19], [sflag:$0x3] =	stream.linear.gather [hbm4b:s1+s4], $0x200, $0x38;
	[tilespmem:$0x18200] =	vst v63  }
0x90: {  	_ =	swait.ge [sflag:s18], $0x200  }
0x91: {  	[sflag:s18] =	ssyncset.done $0x0  }
0x92: {  	[sflag:s18] =	ssyncadd.s32 $0xFFFFFE00  }
0x93: {  	[tilespmem:s21], [sflag:$0x1] =	stream.indirect.gather [hbm4b:s5+s20], $0x80, s19, s20, $0xb8;
	[tilespmem:$0x18200] =	vst v63  }
0x94: {  	_ = 	snop  }
0x95: {  	[tilespmem:s23], [sflag:$0x2] =	stream.indirect.gather [hbm4b:s5+s20], $0x80, s22, s20, $0xb8;
	[tilespmem:$0x18200] =	vst v63  }
0x96: {  	_ =	swait.ge [sflag:s24], $0x2000  }
0x97: {  	[sflag:s24] =	ssyncset.done $0x0  }
0x98: {  	[sflag:s24] =	ssyncadd.s32 $0xFFFFE000  }
0x99: {  	[spmem:s3] =	stream.indirect.scatter.add.f32 [tilespmem:s21], [sflag:$0x3], $0x80, s25, s20, $0xb8;
	[tilespmem:$0x18200] =	vst v63  }
0x9a: {  	_ =	swait.ge [sflag:s18], $0x2000  }
0x9b: {  	[sflag:s18] =	ssyncset.done $0x0  }
0x9c: {  	[sflag:s18] =	ssyncadd.s32 $0xFFFFE000  }
0x9d: {  	_ =	swait.ge [sflag:s26], $0x2000  }
0x9e: {  	[sflag:s26] =	ssyncset.done $0x0  }
0x9f: {  	[sflag:s26] =	ssyncadd.s32 $0xFFFFE000  }
0xa0: {  	[spmem:s3] =	stream.indirect.scatter.add.f32 [tilespmem:s23], [sflag:$0x3], $0x80, s28, s20, $0xb8;
	[tilespmem:$0x18200] =	vst v63  }
0xa1: {  	_ =	swait.ge [sflag:s18], $0x2000  }
0xa2: {  	[sflag:s18] =	ssyncset.done $0x0  }
0xa3: {  	[sflag:s18] =	ssyncadd.s32 $0xFFFFE000  }
0xa4: {  	[bflag:$0x0] =	sbarrier.arrive $0xFFFF  }
0xa5: {  	[hbm:s11], [sflag:s9] =	dma.local [spmem:s17], $0x2800  }
0xa6: {  	_ =	swait.ge [sflag:s18], $0x2800  }
0xa7: {  	[sflag:s18] =	ssyncset.done $0x0  }
0xa8: {  	[sflag:s18] =	ssyncadd.s32 $0xFFFFD800  }
0xa9: {  	[bflag:$0x0] =	sbarrier.arrive $0xFFFF  }
0xaa: {  	[spmem:s17], [sflag:s9] =	dma.local [hbm:s8], $0x2800  }
0xab: {  	_ =	swait.ge [sflag:s18], $0x2800  }
0xac: {  	[sflag:s18] =	ssyncset.done $0x0  }
0xad: {  	[sflag:s18] =	ssyncadd.s32 $0xFFFFD800  }
0xae: {  	s2 =	sadd.s32 $0x0, s16;
	[bflag:$0x0] =	sbarrier.arrive $0xFFFF  }
0xaf: {  	[tilespmem:s19], [sflag:$0x3] =	stream.linear.gather [hbm4b:s2+s4], $0x200, $0x38;
	[tilespmem:$0x18200] =	vst v63  }
0xb0: {  	_ =	swait.ge [sflag:s18], $0x200  }
0xb1: {  	[sflag:s18] =	ssyncset.done $0x0  }
0xb2: {  	[sflag:s18] =	ssyncadd.s32 $0xFFFFFE00  }
0xb3: {  	[tilespmem:s21], [sflag:$0x1] =	stream.indirect.gather [hbm4b:s6+s20], $0x80, s19, s20, $0xb8;
	[tilespmem:$0x18200] =	vst v63  }
0xb4: {  	_ = 	snop  }
0xb5: {  	[tilespmem:s23], [sflag:$0x2] =	stream.indirect.gather [hbm4b:s6+s20], $0x80, s22, s20, $0xb8;
	[tilespmem:$0x18200] =	vst v63  }
0xb6: {  	_ =	swait.ge [sflag:s24], $0x2000  }
0xb7: {  	[sflag:s24] =	ssyncset.done $0x0  }
0xb8: {  	[sflag:s24] =	ssyncadd.s32 $0xFFFFE000  }
0xb9: {  	[spmem:s3] =	stream.indirect.scatter.add.f32 [tilespmem:s21], [sflag:$0x3], $0x80, s25, s20, $0xb8;
	[tilespmem:$0x18200] =	vst v63  }
0xba: {  	_ =	swait.ge [sflag:s18], $0x2000  }
0xbb: {  	[sflag:s18] =	ssyncset.done $0x0  }
0xbc: {  	[sflag:s18] =	ssyncadd.s32 $0xFFFFE000  }
0xbd: {  	_ =	swait.ge [sflag:s26], $0x2000  }
0xbe: {  	[sflag:s26] =	ssyncset.done $0x0  }
0xbf: {  	[sflag:s26] =	ssyncadd.s32 $0xFFFFE000  }
0xc0: {  	[spmem:s3] =	stream.indirect.scatter.add.f32 [tilespmem:s23], [sflag:$0x3], $0x80, s28, s20, $0xb8;
	[tilespmem:$0x18200] =	vst v63  }
0xc1: {  	_ =	swait.ge [sflag:s18], $0x2000  }
0xc2: {  	s30 =	simm.s32 $0x40;
	s31 =	simm.s32 $0x80;
	[sflag:s18] =	ssyncset.done $0x0  }
.LBB2_6:
0xc3: {  	s1 =	sadd.s32 s30, s16  }
0xc4: {  	[sflag:s18] =	ssyncadd.s32 $0xFFFFE000;
	s30 =	smov.u32 s31;
	s2 =	sadd.s32 $0x40, s31  }
0xc5: {  	[tilespmem:s19], [sflag:$0x3] =	stream.linear.gather [hbm4b:s1+s4], $0x200, $0x38;
	[tilespmem:$0x18200] =	vst v63  }
0xc6: {  	p0 =	sne.s32 s31, $0x1380;
	_ =	swait.ge [sflag:s18], $0x200  }
0xc7: {  	[sflag:s18] =	ssyncset.done $0x0  }
0xc8: {  	[sflag:s18] =	ssyncadd.s32 $0xFFFFFE00  }
0xc9: {  	[tilespmem:s21], [sflag:$0x1] =	stream.indirect.gather [hbm4b:s6+s20], $0x80, s19, s20, $0xb8;
	[tilespmem:$0x18200] =	vst v63  }
0xca: {  	_ = 	snop  }
0xcb: {  	[tilespmem:s23], [sflag:$0x2] =	stream.indirect.gather [hbm4b:s6+s20], $0x80, s22, s20, $0xb8;
	[tilespmem:$0x18200] =	vst v63  }
0xcc: {  	_ =	swait.ge [sflag:s24], $0x2000  }
0xcd: {  	[sflag:s24] =	ssyncset.done $0x0  }
0xce: {  	[sflag:s24] =	ssyncadd.s32 $0xFFFFE000  }
0xcf: {  	[spmem:s3] =	stream.indirect.scatter.add.f32 [tilespmem:s21], [sflag:$0x3], $0x80, s25, s20, $0xb8;
	[tilespmem:$0x18200] =	vst v63  }
0xd0: {  	_ =	swait.ge [sflag:s18], $0x2000  }
0xd1: {  	[sflag:s18] =	ssyncset.done $0x0  }
0xd2: {  	[sflag:s18] =	ssyncadd.s32 $0xFFFFE000  }
0xd3: {  	_ =	swait.ge [sflag:s26], $0x2000  }
.Ltmp2:
0xd4: {  	[sflag:s26] =	ssyncset.done $0x0;
	(pc) =	sbr.rel @p0 .LBB2_6-.Ltmp2, $4  }
0xd5: {  	[sflag:s26] =	ssyncadd.s32 $0xFFFFE000  }
0xd6: {  	[spmem:s3] =	stream.indirect.scatter.add.f32 [tilespmem:s23], [sflag:$0x3], $0x80, s28, s20, $0xb8;
	[tilespmem:$0x18200] =	vst v63  }
0xd7: {  	_ =	swait.ge [sflag:s18], $0x2000  }
0xd8: {  	s31 =	smov.u32 s2;
	[sflag:s18] =	ssyncset.done $0x0  }
0xd9: {  	s1 =	sadd.s32 s30, s16;
	[sflag:s18] =	ssyncadd.s32 $0xFFFFE000  }
0xda: {  	[tilespmem:s19], [sflag:$0x3] =	stream.linear.gather [hbm4b:s1+s4], $0x200, $0x38;
	[tilespmem:$0x18200] =	vst v63  }
0xdb: {  	_ =	swait.ge [sflag:s18], $0x200  }
0xdc: {  	[sflag:s18] =	ssyncset.done $0x0  }
0xdd: {  	[sflag:s18] =	ssyncadd.s32 $0xFFFFFE00  }
0xde: {  	[tilespmem:s21], [sflag:$0x1] =	stream.indirect.gather [hbm4b:s6+s20], $0x80, s19, s20, $0xb8;
	[tilespmem:$0x18200] =	vst v63  }
0xdf: {  	_ = 	snop  }
0xe0: {  	[tilespmem:s23], [sflag:$0x2] =	stream.indirect.gather [hbm4b:s6+s20], $0x80, s22, s20, $0xb8;
	[tilespmem:$0x18200] =	vst v63  }
0xe1: {  	_ =	swait.ge [sflag:s24], $0x2000  }
0xe2: {  	[sflag:s24] =	ssyncset.done $0x0  }
0xe3: {  	[sflag:s24] =	ssyncadd.s32 $0xFFFFE000  }
0xe4: {  	[spmem:s3] =	stream.indirect.scatter.add.f32 [tilespmem:s21], [sflag:$0x3], $0x80, s25, s20, $0xb8;
	[tilespmem:$0x18200] =	vst v63  }
0xe5: {  	_ =	swait.ge [sflag:s18], $0x2000  }
0xe6: {  	[sflag:s18] =	ssyncset.done $0x0  }
0xe7: {  	[sflag:s18] =	ssyncadd.s32 $0xFFFFE000  }
0xe8: {  	_ =	swait.ge [sflag:s26], $0x2000  }
0xe9: {  	[sflag:s26] =	ssyncset.done $0x0  }
0xea: {  	[sflag:s26] =	ssyncadd.s32 $0xFFFFE000  }
0xeb: {  	[spmem:s3] =	stream.indirect.scatter.add.f32 [tilespmem:s23], [sflag:$0x3], $0x80, s28, s20, $0xb8;
	[tilespmem:$0x18200] =	vst v63  }
0xec: {  	_ =	swait.ge [sflag:s18], $0x2000  }
0xed: {  	[sflag:s18] =	ssyncset.done $0x0  }
0xee: {  	[sflag:s18] =	ssyncadd.s32 $0xFFFFE000  }
0xef: {  	[bflag:$0x0] =	sbarrier.arrive $0xFFFF  }
0xf0: {  	[hbm:s12], [sflag:s9] =	dma.local [spmem:s17], $0x2800  }
0xf1: {  	_ =	swait.ge [sflag:s18], $0x2800  }
0xf2: {  	[sflag:s18] =	ssyncset.done $0x0  }
0xf3: {  	[sflag:s18] =	ssyncadd.s32 $0xFFFFD800  }
0xf4: {  	[bflag:$0x0] =	sbarrier.arrive $0xFFFF  }
0xf5: {  	[spmem:s17], [sflag:s9] =	dma.local [hbm:s8], $0x2800  }
0xf6: {  	_ =	swait.ge [sflag:s18], $0x2800  }
0xf7: {  	[sflag:s18] =	ssyncset.done $0x0  }
0xf8: {  	[sflag:s18] =	ssyncadd.s32 $0xFFFFD800  }
0xf9: {  	s2 =	sadd.s32 $0x0, s16;
	[bflag:$0x0] =	sbarrier.arrive $0xFFFF  }
0xfa: {  	[tilespmem:s19], [sflag:$0x3] =	stream.linear.gather [hbm4b:s2+s4], $0x200, $0x38;
	[tilespmem:$0x18200] =	vst v63  }
0xfb: {  	_ =	swait.ge [sflag:s18], $0x200  }
0xfc: {  	[sflag:s18] =	ssyncset.done $0x0  }
0xfd: {  	[sflag:s18] =	ssyncadd.s32 $0xFFFFFE00  }
0xfe: {  	[tilespmem:s21], [sflag:$0x1] =	stream.indirect.gather [hbm4b:s7+s20], $0x80, s19, s20, $0xb8;
	[tilespmem:$0x18200] =	vst v63  }
0xff: {  	_ = 	snop  }
0x100: {  	[tilespmem:s23], [sflag:$0x2] =	stream.indirect.gather [hbm4b:s7+s20], $0x80, s22, s20, $0xb8;
	[tilespmem:$0x18200] =	vst v63  }
0x101: {  	_ =	swait.ge [sflag:s24], $0x2000  }
0x102: {  	[sflag:s24] =	ssyncset.done $0x0  }
0x103: {  	[sflag:s24] =	ssyncadd.s32 $0xFFFFE000  }
0x104: {  	[spmem:s3] =	stream.indirect.scatter.add.f32 [tilespmem:s21], [sflag:$0x3], $0x80, s25, s20, $0xb8;
	[tilespmem:$0x18200] =	vst v63  }
0x105: {  	_ =	swait.ge [sflag:s18], $0x2000  }
0x106: {  	[sflag:s18] =	ssyncset.done $0x0  }
0x107: {  	[sflag:s18] =	ssyncadd.s32 $0xFFFFE000  }
0x108: {  	_ =	swait.ge [sflag:s26], $0x2000  }
0x109: {  	[sflag:s26] =	ssyncset.done $0x0  }
0x10a: {  	[sflag:s26] =	ssyncadd.s32 $0xFFFFE000  }
0x10b: {  	[spmem:s3] =	stream.indirect.scatter.add.f32 [tilespmem:s23], [sflag:$0x3], $0x80, s28, s20, $0xb8;
	[tilespmem:$0x18200] =	vst v63  }
0x10c: {  	_ =	swait.ge [sflag:s18], $0x2000  }
0x10d: {  	s30 =	simm.s32 $0x40;
	s31 =	simm.s32 $0x80;
	[sflag:s18] =	ssyncset.done $0x0  }
.LBB2_8:
0x10e: {  	s1 =	sadd.s32 s30, s16  }
0x10f: {  	[sflag:s18] =	ssyncadd.s32 $0xFFFFE000;
	s30 =	smov.u32 s31;
	s2 =	sadd.s32 $0x40, s31  }
0x110: {  	[tilespmem:s19], [sflag:$0x3] =	stream.linear.gather [hbm4b:s1+s4], $0x200, $0x38;
	[tilespmem:$0x18200] =	vst v63  }
0x111: {  	p0 =	sne.s32 s31, $0x1380;
	_ =	swait.ge [sflag:s18], $0x200  }
0x112: {  	[sflag:s18] =	ssyncset.done $0x0  }
0x113: {  	[sflag:s18] =	ssyncadd.s32 $0xFFFFFE00  }
0x114: {  	[tilespmem:s21], [sflag:$0x1] =	stream.indirect.gather [hbm4b:s7+s20], $0x80, s19, s20, $0xb8;
	[tilespmem:$0x18200] =	vst v63  }
0x115: {  	_ = 	snop  }
0x116: {  	[tilespmem:s23], [sflag:$0x2] =	stream.indirect.gather [hbm4b:s7+s20], $0x80, s22, s20, $0xb8;
	[tilespmem:$0x18200] =	vst v63  }
0x117: {  	_ =	swait.ge [sflag:s24], $0x2000  }
0x118: {  	[sflag:s24] =	ssyncset.done $0x0  }
0x119: {  	[sflag:s24] =	ssyncadd.s32 $0xFFFFE000  }
0x11a: {  	[spmem:s3] =	stream.indirect.scatter.add.f32 [tilespmem:s21], [sflag:$0x3], $0x80, s25, s20, $0xb8;
	[tilespmem:$0x18200] =	vst v63  }
0x11b: {  	_ =	swait.ge [sflag:s18], $0x2000  }
0x11c: {  	[sflag:s18] =	ssyncset.done $0x0  }
0x11d: {  	[sflag:s18] =	ssyncadd.s32 $0xFFFFE000  }
0x11e: {  	_ =	swait.ge [sflag:s26], $0x2000  }
.Ltmp3:
0x11f: {  	[sflag:s26] =	ssyncset.done $0x0;
	(pc) =	sbr.rel @p0 .LBB2_8-.Ltmp3, $4  }
0x120: {  	[sflag:s26] =	ssyncadd.s32 $0xFFFFE000  }
0x121: {  	[spmem:s3] =	stream.indirect.scatter.add.f32 [tilespmem:s23], [sflag:$0x3], $0x80, s28, s20, $0xb8;
	[tilespmem:$0x18200] =	vst v63  }
0x122: {  	_ =	swait.ge [sflag:s18], $0x2000  }
0x123: {  	s31 =	smov.u32 s2;
	[sflag:s18] =	ssyncset.done $0x0  }
0x124: {  	s1 =	sadd.s32 s30, s16;
	[sflag:s18] =	ssyncadd.s32 $0xFFFFE000  }
0x125: {  	[tilespmem:s19], [sflag:$0x3] =	stream.linear.gather [hbm4b:s1+s4], $0x200, $0x38;
	[tilespmem:$0x18200] =	vst v63  }
0x126: {  	_ =	swait.ge [sflag:s18], $0x200  }
0x127: {  	[sflag:s18] =	ssyncset.done $0x0  }
0x128: {  	[sflag:s18] =	ssyncadd.s32 $0xFFFFFE00  }
0x129: {  	[tilespmem:s21], [sflag:$0x1] =	stream.indirect.gather [hbm4b:s7+s20], $0x80, s19, s20, $0xb8;
	[tilespmem:$0x18200] =	vst v63  }
0x12a: {  	_ = 	snop  }
0x12b: {  	[tilespmem:s23], [sflag:$0x2] =	stream.indirect.gather [hbm4b:s7+s20], $0x80, s22, s20, $0xb8;
	[tilespmem:$0x18200] =	vst v63  }
0x12c: {  	_ =	swait.ge [sflag:s24], $0x2000  }
0x12d: {  	[sflag:s24] =	ssyncset.done $0x0  }
0x12e: {  	[sflag:s24] =	ssyncadd.s32 $0xFFFFE000  }
0x12f: {  	[spmem:s3] =	stream.indirect.scatter.add.f32 [tilespmem:s21], [sflag:$0x3], $0x80, s25, s20, $0xb8;
	[tilespmem:$0x18200] =	vst v63  }
0x130: {  	_ =	swait.ge [sflag:s18], $0x2000  }
0x131: {  	[sflag:s18] =	ssyncset.done $0x0  }
0x132: {  	[sflag:s18] =	ssyncadd.s32 $0xFFFFE000  }
0x133: {  	_ =	swait.ge [sflag:s26], $0x2000  }
0x134: {  	[sflag:s26] =	ssyncset.done $0x0  }
0x135: {  	[sflag:s26] =	ssyncadd.s32 $0xFFFFE000  }
0x136: {  	[spmem:s3] =	stream.indirect.scatter.add.f32 [tilespmem:s23], [sflag:$0x3], $0x80, s28, s20, $0xb8;
	[tilespmem:$0x18200] =	vst v63  }
0x137: {  	_ =	swait.ge [sflag:s18], $0x2000  }
0x138: {  	[sflag:s18] =	ssyncset.done $0x0  }
0x139: {  	s29 =	sadd.s32 $0x1, s29;
	[sflag:s18] =	ssyncadd.s32 $0xFFFFE000  }
0x13a: {  	p0 =	sne.s32 s29, s14;
	[bflag:$0x0] =	sbarrier.arrive $0xFFFF  }
0x13b: {  	[hbm:s13], [sflag:s9] =	dma.local [spmem:s17], $0x2800  }
.Ltmp4:
0x13c: {  	_ =	swait.ge [sflag:s18], $0x2800;
	(pc) =	sbr.rel @p0 .LBB2_1-.Ltmp4, $3  }
0x13d: {  	[sflag:s18] =	ssyncset.done $0x0  }
0x13e: {  	[sflag:s18] =	ssyncadd.s32 $0xFFFFD800  }
0x13f: {  	[bflag:$0x0] =	sbarrier.arrive $0xFFFF;
	_ =	sdelay $0x1  }
0x140: {  	_ =	sfence.sel $0x180000  }
0x141: {  	[bflag:$0x0] =	sbarrier.arrive $0xFFFF  }
0x142: {  	_ =	strace $0x9000004D  }
0x143: {  	s0 =	stileid.u32;
	[bflag:$0x2] =	sbarrier.arrive $0xFFFF  }
0x144: {  	p0 =	sne.s32 s0, $0x0;
	s0 =	rddreg [dreg:$0x3]  }
0x145: {  	s0 =	sadd.s32 @!p0 $0x100000, s0  }
0x146: {  	[sflag:s0] =	ssyncadd.tile.s32 @!p0 $0x1;
	_ =	shalt  }
.Lfunc_end2:
_tile_overlayer_lowered:
.L_overlay_start_2:
0x147: {  	(tag) =	ssettag $0x2  }
0x148: {  	s0 =	rddreg [dreg:$0x0];
	s2 =	stileid.u32  }
0x149: {  	s1 =	rddreg [dreg:$0x1];
	p0 =	sne.s32 s2, $0x0  }
0x14a: {  	s3 =	rddreg [dreg:$0x2];
	[bflag:$0x3] =	sbarrier.arrive $0xFFFF;
	s2 =	simm.s32 @!p0 $0x1C03  }
0x14b: {  	[timem:s3], [sflag:s2] =	dma.local @!p0 [hbm:s0], s1  }
0x14c: {  	s0 =	simm.s32 @!p0 $0x3  }
0x14d: {  	_ =	swait.ge @!p0 [sflag:s0], s1  }
0x14e: {  	s1 =	ssub.s32 @!p0 $0x0, s1;
	[sflag:s0] =	ssyncset.done @!p0 $0x0  }
0x14f: {  	[sflag:s0] =	ssyncadd.s32 @!p0 s1  }
0x150: {  	[bflag:$0x3] =	sbarrier.arrive $0xFFFF  }
0x151: {  	_ =	shalt  }

</sc_bundles>
